<compile_context>
chip_gen: v7x
topology: tpu7x:2x2x1
jax: 0.10.2.dev20260603
libtpu: 0.0.44.dev20260713+nightly
codegen_flags: <defaults>
</compile_context>

<pallas_src>
import functools

import jax
import jax.numpy as jnp
from jax import lax
from jax.experimental import pallas as pl
from jax.experimental.pallas import tpu as pltpu
from jax.experimental.pallas import tpu_sc as plsc

N_NODES = 10000
D = 128
N_EDGES = 320000

NC = 2
NS = 16
NW = NC * NS
CH = 125
EPW = N_EDGES // NW
PARTS = 4
CHP = EPW // CH // PARTS
RPT = N_NODES // NS
WB = 624
NCNT = 10240
CPT = NCNT // NS


def _zero_rows(rows0):
    def _fz(i, _):
        def _fz2(j, _):
            rows0[i, pl.ds(j * 16, 16)] = jnp.zeros((16,), jnp.float32)
            return 0
        return lax.fori_loop(0, D // 16, _fz2, 0)
    lax.fori_loop(0, CH, _fz, 0)


def _make_sc_body(with_counts):
    def body(feat_hbm, ei_hbm, *refs):
        if with_counts:
            (p_hbm, c_hbm, src_a, dst_a, src_b, dst_b, rows0, rows1,
             ones_v, zcnt, sem0, sem1, semi0, semi1, acc_sh, cnt_sh) = refs
        else:
            (p_hbm, src_a, dst_a, src_b, dst_b, rows0, rows1,
             sem0, sem1, semi0, semi1, acc_sh) = refs
        c = lax.axis_index("c")
        s = lax.axis_index("s")
        w = c * NS + s
        base = s * RPT
        bufs = [(src_a, dst_a, semi0), (src_b, dst_b, semi1)]

        for p in range(min(2, PARTS)):
            sv, dv, sm = bufs[p % 2]
            pltpu.async_copy(ei_hbm.at[0, w, p], sv, sm)
            pltpu.async_copy(ei_hbm.at[1, w, p], dv, sm)

        _zero_rows(rows0)
        for k in range(RPT // CH):
            pltpu.sync_copy(rows0, acc_sh.at[pl.ds(base + k * CH, CH)])
        if RPT % CH:
            pltpu.sync_copy(rows0.at[pl.ds(0, RPT % CH)],
                            acc_sh.at[pl.ds(base + (RPT // CH) * CH,
                                            RPT % CH)])
        if with_counts:
            def _fo(i, _):
                ones_v[pl.ds(i * 16, 16)] = jnp.ones((16,), jnp.float32)
                return 0
            lax.fori_loop(0, 8, _fo, 0)

            def _fzc(i, _):
                zcnt[pl.ds(i * 16, 16)] = jnp.zeros((16,), jnp.float32)
                return 0
            lax.fori_loop(0, CPT // 16, _fzc, 0)
            cb = pl.multiple_of(s * CPT, 8)
            pltpu.sync_copy(zcnt, cnt_sh.at[pl.ds(cb, CPT)])
        plsc.subcore_barrier()

        def _wait_staging(p):
            sv, dv, sm = bufs[p % 2]
            pltpu.make_async_copy(ei_hbm.at[0, w, p], sv, sm).wait()
            pltpu.make_async_copy(ei_hbm.at[1, w, p], dv, sm).wait()

        _wait_staging(0)
        pltpu.async_copy(feat_hbm.at[src_a.at[0]], rows0, sem0)
        for p in range(PARTS):
            src_v, dst_v, _ = bufs[p % 2]
            nxt_s = bufs[(p + 1) % 2][0] if p + 1 < PARTS else None
            if p + 1 < PARTS:
                _wait_staging(p + 1)

            def _pair(t, _, src_v=src_v, dst_v=dst_v, nxt_s=nxt_s):
                c0 = 2 * t
                c1 = c0 + 1
                pltpu.async_copy(feat_hbm.at[src_v.at[c1]], rows1, sem1)
                pltpu.make_async_copy(feat_hbm.at[src_v.at[c0]],
                                      rows0, sem0).wait()
                pltpu.sync_copy(rows0, acc_sh.at[dst_v.at[c0]], add=True)
                if with_counts:
                    pltpu.sync_copy(ones_v.at[pl.ds(0, CH)],
                                    cnt_sh.at[dst_v.at[c0]], add=True)

                @pl.when(c0 + 2 < CHP)
                def _():
                    pltpu.async_copy(feat_hbm.at[src_v.at[c0 + 2]],
                                     rows0, sem0)
                if nxt_s is not None:
                    @pl.when(c0 + 2 >= CHP)
                    def _():
                        pltpu.async_copy(feat_hbm.at[nxt_s.at[0]],
                                         rows0, sem0)
                pltpu.make_async_copy(feat_hbm.at[src_v.at[c1]],
                                      rows1, sem1).wait()
                pltpu.sync_copy(rows1, acc_sh.at[dst_v.at[c1]], add=True)
                if with_counts:
                    pltpu.sync_copy(ones_v.at[pl.ds(0, CH)],
                                    cnt_sh.at[dst_v.at[c1]], add=True)
                return 0
            lax.fori_loop(0, CHP // 2, _pair, 0)
            if p + 2 < PARTS:
                sv, dv, sm = bufs[p % 2]
                pltpu.async_copy(ei_hbm.at[0, w, p + 2], sv, sm)
                pltpu.async_copy(ei_hbm.at[1, w, p + 2], dv, sm)
        plsc.subcore_barrier()

        wb = pl.multiple_of(s * WB, 8)
        pltpu.sync_copy(acc_sh.at[pl.ds(wb, WB)], p_hbm.at[c, pl.ds(wb, WB)])
        if with_counts:
            cb = pl.multiple_of(s * CPT, 8)
            pltpu.sync_copy(cnt_sh.at[pl.ds(cb, CPT)],
                            c_hbm.at[c, pl.ds(cb, CPT)])

        @pl.when(s == NS - 1)
        def _tail():
            t0 = WB * NS
            pltpu.sync_copy(acc_sh.at[pl.ds(t0, N_NODES - t0)],
                            p_hbm.at[c, pl.ds(t0, N_NODES - t0)])
    return body


_SC_MESH = plsc.VectorSubcoreMesh(core_axis_name="c", subcore_axis_name="s")

_sc_agg_cnt = functools.partial(
    pl.kernel,
    out_type=[
        jax.ShapeDtypeStruct((NC, N_NODES, D), jnp.float32),
        jax.ShapeDtypeStruct((NC, NCNT), jnp.float32),
    ],
    mesh=_SC_MESH,
    scratch_types=[
        pltpu.VMEM((CHP, CH), jnp.int32),
        pltpu.VMEM((CHP, CH), jnp.int32),
        pltpu.VMEM((CHP, CH), jnp.int32),
        pltpu.VMEM((CHP, CH), jnp.int32),
        pltpu.VMEM((CH, D), jnp.float32),
        pltpu.VMEM((CH, D), jnp.float32),
        pltpu.VMEM((128,), jnp.float32),
        pltpu.VMEM((CPT,), jnp.float32),
        pltpu.SemaphoreType.DMA,
        pltpu.SemaphoreType.DMA,
        pltpu.SemaphoreType.DMA,
        pltpu.SemaphoreType.DMA,
        pltpu.VMEM_SHARED((N_NODES, D), jnp.float32),
        pltpu.VMEM_SHARED((NCNT,), jnp.float32),
    ],
)(_make_sc_body(True))

_sc_agg = functools.partial(
    pl.kernel,
    out_type=jax.ShapeDtypeStruct((NC, N_NODES, D), jnp.float32),
    mesh=_SC_MESH,
    scratch_types=[
        pltpu.VMEM((CHP, CH), jnp.int32),
        pltpu.VMEM((CHP, CH), jnp.int32),
        pltpu.VMEM((CHP, CH), jnp.int32),
        pltpu.VMEM((CHP, CH), jnp.int32),
        pltpu.VMEM((CH, D), jnp.float32),
        pltpu.VMEM((CH, D), jnp.float32),
        pltpu.SemaphoreType.DMA,
        pltpu.SemaphoreType.DMA,
        pltpu.SemaphoreType.DMA,
        pltpu.SemaphoreType.DMA,
        pltpu.VMEM_SHARED((N_NODES, D), jnp.float32),
    ],
)(_make_sc_body(False))


_TC_BLK = 5000


def _mm_body(x_ref, w_ref, b_ref, o_ref):
    o_ref[...] = (jnp.dot(x_ref[...], w_ref[...],
                          preferred_element_type=jnp.float32) + b_ref[...])


def _tc_self(x, W_r, b_l):
    return pl.pallas_call(
        _mm_body,
        grid=(N_NODES // _TC_BLK,),
        in_specs=[
            pl.BlockSpec((_TC_BLK, D), lambda i: (i, 0)),
            pl.BlockSpec((D, D), lambda i: (0, 0)),
            pl.BlockSpec((1, D), lambda i: (0, 0)),
        ],
        out_specs=pl.BlockSpec((_TC_BLK, D), lambda i: (i, 0)),
        out_shape=jax.ShapeDtypeStruct((N_NODES, D), jnp.float32),
    )(x, W_r, b_l.reshape(1, D))


def _comb_body(p_ref, inv_ref, xr_ref, wl_ref, o_ref):
    agg = (p_ref[0] + p_ref[1]) * inv_ref[...]
    y = jnp.dot(agg, wl_ref[...], preferred_element_type=jnp.float32)
    y = y + xr_ref[...]
    o_ref[...] = jnp.where(y > 0, y, 0.01 * y)


def _tc_combine(P, inv, xr, W_l):
    return pl.pallas_call(
        _comb_body,
        grid=(N_NODES // _TC_BLK,),
        in_specs=[
            pl.BlockSpec((NC, _TC_BLK, D), lambda i: (0, i, 0)),
            pl.BlockSpec((_TC_BLK, 1), lambda i: (i, 0)),
            pl.BlockSpec((_TC_BLK, D), lambda i: (i, 0)),
            pl.BlockSpec((D, D), lambda i: (0, 0)),
        ],
        out_specs=pl.BlockSpec((_TC_BLK, D), lambda i: (i, 0)),
        out_shape=jax.ShapeDtypeStruct((N_NODES, D), jnp.float32),
    )(P, inv, xr, W_l)


def _comb_next_body(p_ref, inv_ref, xr_ref, wl_ref, wr2_ref, b2_ref,
                    h_ref, xr2_ref):
    agg = (p_ref[0] + p_ref[1]) * inv_ref[...]
    y = jnp.dot(agg, wl_ref[...], preferred_element_type=jnp.float32)
    y = y + xr_ref[...]
    h = jnp.where(y > 0, y, 0.01 * y)
    h_ref[...] = h
    xr2_ref[...] = (jnp.dot(h, wr2_ref[...],
                            preferred_element_type=jnp.float32) + b2_ref[...])


def _tc_combine_next(P, inv, xr, W_l, W_r2, b_l2):
    return pl.pallas_call(
        _comb_next_body,
        grid=(N_NODES // _TC_BLK,),
        in_specs=[
            pl.BlockSpec((NC, _TC_BLK, D), lambda i: (0, i, 0)),
            pl.BlockSpec((_TC_BLK, 1), lambda i: (i, 0)),
            pl.BlockSpec((_TC_BLK, D), lambda i: (i, 0)),
            pl.BlockSpec((D, D), lambda i: (0, 0)),
            pl.BlockSpec((D, D), lambda i: (0, 0)),
            pl.BlockSpec((1, D), lambda i: (0, 0)),
        ],
        out_specs=[
            pl.BlockSpec((_TC_BLK, D), lambda i: (i, 0)),
            pl.BlockSpec((_TC_BLK, D), lambda i: (i, 0)),
        ],
        out_shape=[
            jax.ShapeDtypeStruct((N_NODES, D), jnp.float32),
            jax.ShapeDtypeStruct((N_NODES, D), jnp.float32),
        ],
    )(P, inv, xr, W_l, W_r2, b_l2.reshape(1, D))


def kernel(x, W_l1, b_l1, W_r1, W_l2, b_l2, W_r2, edge_index):
    ei5 = edge_index.astype(jnp.int32).reshape(2, NW, PARTS, CHP, CH)
    xr1 = _tc_self(x, W_r1, b_l1)
    P1, C1 = _sc_agg_cnt(x, ei5)
    cnt = (C1[0] + C1[1])[:N_NODES]
    inv = (1.0 / jnp.clip(cnt, 1.0, None))[:, None]
    h, xr2 = _tc_combine_next(P1, inv, xr1, W_l1, W_r2, b_l2)
    P2 = _sc_agg(h, ei5)
    out = _tc_combine(P2, inv, xr2, W_l2)
    return out

# --- scband reference (transcript-rebuilt; emitter-appended) ---
"""Pipeline reference for scband-gnnencoder-23441931501746 (READ-ONLY COPY).

The authoritative reference and input builder live on the scoring server;
editing this copy changes nothing except your own understanding.
"""

import jax, jax.numpy as jnp
import numpy as np

N_NODES = 10000
D = 128
N_EDGES = 320000

def _sage_layer(x, src, dst, W_l, b_l, W_r, n_nodes):
    # PyG SAGEConv with mean aggregation: out = lin_l(mean_j x_j) + lin_r(x_i)
    msgs = jnp.take(x, src, axis=0)
    agg = jax.ops.segment_sum(msgs, dst, num_segments=n_nodes)
    cnt = jax.ops.segment_sum(jnp.ones((msgs.shape[0], 1), dtype=x.dtype), dst, num_segments=n_nodes)
    agg = agg / jnp.clip(cnt, 1.0, None)
    return agg @ W_l + b_l + x @ W_r

def setup_inputs(seed: int = 0) -> dict:
    key = jax.random.key(seed)
    ks = [jax.random.fold_in(key, i) for i in range(10)]
    x = jax.random.normal(ks[0], (N_NODES, D), dtype=jnp.float32)
    edge_index = jax.random.randint(ks[1], (2, N_EDGES), 0, N_NODES, dtype=jnp.int64)
    s = 1.0 / np.sqrt(D)
    W_l1 = jax.random.uniform(ks[2], (D, D), jnp.float32, -s, s)
    b_l1 = jax.random.uniform(ks[3], (D,), jnp.float32, -s, s)
    W_r1 = jax.random.uniform(ks[4], (D, D), jnp.float32, -s, s)
    W_l2 = jax.random.uniform(ks[5], (D, D), jnp.float32, -s, s)
    b_l2 = jax.random.uniform(ks[6], (D,), jnp.float32, -s, s)
    W_r2 = jax.random.uniform(ks[7], (D, D), jnp.float32, -s, s)
    return {"x": x, "W_l1": W_l1, "b_l1": b_l1, "W_r1": W_r1, "W_l2": W_l2, "b_l2": b_l2, "W_r2": W_r2, "edge_index": edge_index}

def reference(x, W_l1, b_l1, W_r1, W_l2, b_l2, W_r2, edge_index):
    # x_dict = {"node": x}; edge_index_dict = {("node","to","node"): edge_index}
    src = edge_index[0]
    dst = edge_index[1]
    h = _sage_layer(x, src, dst, W_l1, b_l1, W_r1, N_NODES)
    h = jax.nn.leaky_relu(h, negative_slope=0.01)
    h = _sage_layer(h, src, dst, W_l2, b_l2, W_r2, N_NODES)
    h = jax.nn.leaky_relu(h, negative_slope=0.01)
    return h

if __name__ == "__main__":
    import jax
    _d = setup_inputs()
    print(jax.jit(kernel)(*tuple(_d.values())))

</pallas_src>

<mosaic_0001>
#map = affine_map<(d0, d1) -> (0, 0)>
#map1 = affine_map<(d0, d1) -> (0, 0, 0, 0, 0)>
#map2 = affine_map<(d0, d1) -> (0, 0, 0)>
module attributes {stable_mosaic.version = 14 : i64} {
  func.func @body(%arg0: i32, %arg1: i32, %arg2: memref<10000x128xf32, #tpu.memory_space<hbm>>, %arg3: memref<2x32x4x20x125xi32, #tpu.memory_space<hbm>>, %arg4: memref<2x10000x128xf32, #tpu.memory_space<hbm>>, %arg5: memref<2x10240xf32, #tpu.memory_space<hbm>>, %arg6: memref<20x125xi32, #tpu.memory_space<vmem>>, %arg7: memref<20x125xi32, #tpu.memory_space<vmem>>, %arg8: memref<20x125xi32, #tpu.memory_space<vmem>>, %arg9: memref<20x125xi32, #tpu.memory_space<vmem>>, %arg10: memref<125x128xf32, #tpu.memory_space<vmem>>, %arg11: memref<125x128xf32, #tpu.memory_space<vmem>>, %arg12: memref<128xf32, #tpu.memory_space<vmem>>, %arg13: memref<640xf32, #tpu.memory_space<vmem>>, %arg14: memref<!tpu.dma_semaphore, #tpu.memory_space<semaphore_mem>>, %arg15: memref<!tpu.dma_semaphore, #tpu.memory_space<semaphore_mem>>, %arg16: memref<!tpu.dma_semaphore, #tpu.memory_space<semaphore_mem>>, %arg17: memref<!tpu.dma_semaphore, #tpu.memory_space<semaphore_mem>>, %arg18: memref<10000x128xf32, #tpu.memory_space<vmem_shared>>, %arg19: memref<10240xf32, #tpu.memory_space<vmem_shared>>) attributes {dimension_semantics = [#tpu.dimension_semantics<core_parallel>, #tpu.dimension_semantics<subcore_parallel>], iteration_bounds = array<i64: 2, 16>, scalar_prefetch = 0 : i64, scratch_operands = 14 : i64, tpu.core_type = #tpu.core_type<sc_vector_subcore>, window_params = [{transform_indices = #map}, {transform_indices = #map1}, {transform_indices = #map2}, {transform_indices = #map}]} {
    %mul3A = arith.constant 16 : i32
    %mul3A_0 = arith.muli %arg0, %mul3A : i32
    %add3A = arith.addi %mul3A_0, %arg1 : i32
    %mul3A_1 = arith.constant 625 : i32
    %mul3A_2 = arith.muli %arg1, %mul3A_1 : i32
    %dma_start3A = arith.constant 0 : i32
    %dma_start3A_3 = arith.constant 0 : i32
    %dma_start3A_4 = arith.constant 0 : i32
    %dma_start3A_5 = arith.constant 0 : i32
    %dma_start3A_6 = tpu.memref_slice %arg3[%dma_start3A, %add3A, %dma_start3A_3, %dma_start3A_4, %dma_start3A_5] : memref<2x32x4x20x125xi32, #tpu.memory_space<hbm>> -> memref<1x1x1x20x125xi32, #tpu.memory_space<hbm>>
    %dma_start3A_7 = tpu.memref_squeeze %dma_start3A_6 : memref<1x1x1x20x125xi32, #tpu.memory_space<hbm>> -> memref<20x125xi32, #tpu.memory_space<hbm>>
    %dma_start3A_8 = arith.constant 0 : i32
    %dma_start3A_9 = arith.constant 0 : i32
    %dma_start3A_10 = tpu.memref_slice %arg3[%dma_start3A, %add3A, %dma_start3A_3, %dma_start3A_8, %dma_start3A_9] : memref<2x32x4x20x125xi32, #tpu.memory_space<hbm>> -> memref<1x1x1x20x125xi32, #tpu.memory_space<hbm>>
    %dma_start3A_11 = tpu.memref_squeeze %dma_start3A_10 : memref<1x1x1x20x125xi32, #tpu.memory_space<hbm>> -> memref<20x125xi32, #tpu.memory_space<hbm>>
    tpu.enqueue_dma source(%dma_start3A_11 : memref<20x125xi32, #tpu.memory_space<hbm>>) target(%arg6 : memref<20x125xi32, #tpu.memory_space<vmem>>) target_semaphore(%arg16 : memref<!tpu.dma_semaphore, #tpu.memory_space<semaphore_mem>>)
    %dma_start3A_12 = arith.constant 1 : i32
    %dma_start3A_13 = arith.constant 0 : i32
    %dma_start3A_14 = arith.constant 0 : i32
    %dma_start3A_15 = arith.constant 0 : i32
    %dma_start3A_16 = tpu.memref_slice %arg3[%dma_start3A_12, %add3A, %dma_start3A_13, %dma_start3A_14, %dma_start3A_15] : memref<2x32x4x20x125xi32, #tpu.memory_space<hbm>> -> memref<1x1x1x20x125xi32, #tpu.memory_space<hbm>>
    %dma_start3A_17 = tpu.memref_squeeze %dma_start3A_16 : memref<1x1x1x20x125xi32, #tpu.memory_space<hbm>> -> memref<20x125xi32, #tpu.memory_space<hbm>>
    %dma_start3A_18 = arith.constant 0 : i32
    %dma_start3A_19 = arith.constant 0 : i32
    %dma_start3A_20 = tpu.memref_slice %arg3[%dma_start3A_12, %add3A, %dma_start3A_13, %dma_start3A_18, %dma_start3A_19] : memref<2x32x4x20x125xi32, #tpu.memory_space<hbm>> -> memref<1x1x1x20x125xi32, #tpu.memory_space<hbm>>
    %dma_start3A_21 = tpu.memref_squeeze %dma_start3A_20 : memref<1x1x1x20x125xi32, #tpu.memory_space<hbm>> -> memref<20x125xi32, #tpu.memory_space<hbm>>
    tpu.enqueue_dma source(%dma_start3A_21 : memref<20x125xi32, #tpu.memory_space<hbm>>) target(%arg7 : memref<20x125xi32, #tpu.memory_space<vmem>>) target_semaphore(%arg16 : memref<!tpu.dma_semaphore, #tpu.memory_space<semaphore_mem>>)
    %dma_start3A_22 = arith.constant 0 : i32
    %dma_start3A_23 = arith.constant 1 : i32
    %dma_start3A_24 = arith.constant 0 : i32
    %dma_start3A_25 = arith.constant 0 : i32
    %dma_start3A_26 = tpu.memref_slice %arg3[%dma_start3A_22, %add3A, %dma_start3A_23, %dma_start3A_24, %dma_start3A_25] : memref<2x32x4x20x125xi32, #tpu.memory_space<hbm>> -> memref<1x1x1x20x125xi32, #tpu.memory_space<hbm>>
    %dma_start3A_27 = tpu.memref_squeeze %dma_start3A_26 : memref<1x1x1x20x125xi32, #tpu.memory_space<hbm>> -> memref<20x125xi32, #tpu.memory_space<hbm>>
    %dma_start3A_28 = arith.constant 0 : i32
    %dma_start3A_29 = arith.constant 0 : i32
    %dma_start3A_30 = tpu.memref_slice %arg3[%dma_start3A_22, %add3A, %dma_start3A_23, %dma_start3A_28, %dma_start3A_29] : memref<2x32x4x20x125xi32, #tpu.memory_space<hbm>> -> memref<1x1x1x20x125xi32, #tpu.memory_space<hbm>>
    %dma_start3A_31 = tpu.memref_squeeze %dma_start3A_30 : memref<1x1x1x20x125xi32, #tpu.memory_space<hbm>> -> memref<20x125xi32, #tpu.memory_space<hbm>>
    tpu.enqueue_dma source(%dma_start3A_31 : memref<20x125xi32, #tpu.memory_space<hbm>>) target(%arg8 : memref<20x125xi32, #tpu.memory_space<vmem>>) target_semaphore(%arg17 : memref<!tpu.dma_semaphore, #tpu.memory_space<semaphore_mem>>)
    %dma_start3A_32 = arith.constant 1 : i32
    %dma_start3A_33 = arith.constant 1 : i32
    %dma_start3A_34 = arith.constant 0 : i32
    %dma_start3A_35 = arith.constant 0 : i32
    %dma_start3A_36 = tpu.memref_slice %arg3[%dma_start3A_32, %add3A, %dma_start3A_33, %dma_start3A_34, %dma_start3A_35] : memref<2x32x4x20x125xi32, #tpu.memory_space<hbm>> -> memref<1x1x1x20x125xi32, #tpu.memory_space<hbm>>
    %dma_start3A_37 = tpu.memref_squeeze %dma_start3A_36 : memref<1x1x1x20x125xi32, #tpu.memory_space<hbm>> -> memref<20x125xi32, #tpu.memory_space<hbm>>
    %dma_start3A_38 = arith.constant 0 : i32
    %dma_start3A_39 = arith.constant 0 : i32
    %dma_start3A_40 = tpu.memref_slice %arg3[%dma_start3A_32, %add3A, %dma_start3A_33, %dma_start3A_38, %dma_start3A_39] : memref<2x32x4x20x125xi32, #tpu.memory_space<hbm>> -> memref<1x1x1x20x125xi32, #tpu.memory_space<hbm>>
    %dma_start3A_41 = tpu.memref_squeeze %dma_start3A_40 : memref<1x1x1x20x125xi32, #tpu.memory_space<hbm>> -> memref<20x125xi32, #tpu.memory_space<hbm>>
    tpu.enqueue_dma source(%dma_start3A_41 : memref<20x125xi32, #tpu.memory_space<hbm>>) target(%arg9 : memref<20x125xi32, #tpu.memory_space<vmem>>) target_semaphore(%arg17 : memref<!tpu.dma_semaphore, #tpu.memory_space<semaphore_mem>>)
    %scan3A = arith.constant 0 : i32
    %scan3A_42 = arith.constant 0 : i32
    %scan3A_43 = arith.constant 125 : i32
    %scan3A_44 = arith.addi %scan3A_42, %scan3A_43 : i32
    %scan3A_45 = arith.constant 1 : i32
    %scan3A_46 = scf.for %scan3A_237 = %scan3A_42 to %scan3A_44 step %scan3A_45 iter_args(%scan3A_238 = %scan3A) -> (i32)  : i32 {
      %scan3A_239 = arith.constant 0 : i32
      %scan3A_240 = arith.constant 0 : i32
      %scan3A_241 = arith.constant 8 : i32
      %scan3A_242 = arith.addi %scan3A_240, %scan3A_241 : i32
      %scan3A_243 = arith.constant 1 : i32
      %scan3A_244 = scf.for %scan3A_246 = %scan3A_240 to %scan3A_242 step %scan3A_243 iter_args(%scan3A_247 = %scan3A_239) -> (i32)  : i32 {
        %broadcast_in_dim3A = arith.constant 0.000000e+00 : f32
        %broadcast_in_dim3A_248 = vector.broadcast %broadcast_in_dim3A : f32 to vector<16xf32>
        %mul3A_249 = arith.constant 16 : i32
        %mul3A_250 = arith.muli %scan3A_246, %mul3A_249 : i32
        %swap3A = arith.index_cast %scan3A_237 : i32 to index
        %swap3A_251 = arith.index_cast %mul3A_250 : i32 to index
        %swap3A_252 = tpu.vector_load %arg10[%swap3A, %swap3A_251] {strides = array<i32>} : memref<125x128xf32, #tpu.memory_space<vmem>>, vector<1x16xf32>,
        %swap3A_253 = vector.shape_cast %swap3A_252 : vector<1x16xf32> to vector<16xf32>
        %swap3A_254 = vector.shape_cast %broadcast_in_dim3A_248 : vector<16xf32> to vector<1x16xf32>
        tpu.vector_store %arg10[%swap3A, %swap3A_251], %swap3A_254 {strides = array<i32>} : memref<125x128xf32, #tpu.memory_space<vmem>>, vector<1x16xf32>,
        %scan3A_255 = arith.constant 0 : i32
        scf.yield %scan3A_255 : i32
      }
      %scan3A_245 = arith.constant 8 : i32
      scf.yield %scan3A_244 : i32
    }
    %scan3A_47 = arith.constant 125 : i32
    %add3A_48 = arith.constant 0 : i32
    %add3A_49 = arith.addi %mul3A_2, %add3A_48 : i32
    "tpu.region"() ({
      %run_scoped3A = tpu.sem_alloc : memref<!tpu.dma_semaphore, #tpu.memory_space<semaphore_mem>>
      %dma_start3A_237 = arith.constant 0 : i32
      %dma_start3A_238 = tpu.memref_slice %arg18[%add3A_49, %dma_start3A_237] : memref<10000x128xf32, #tpu.memory_space<vmem_shared>> -> memref<125x128xf32, #tpu.memory_space<vmem_shared>>
      %dma_start3A_239 = arith.constant 0 : i32
      %dma_start3A_240 = tpu.memref_slice %arg18[%add3A_49, %dma_start3A_239] : memref<10000x128xf32, #tpu.memory_space<vmem_shared>> -> memref<125x128xf32, #tpu.memory_space<vmem_shared>>
      tpu.enqueue_dma source(%arg10 : memref<125x128xf32, #tpu.memory_space<vmem>>) target(%dma_start3A_240 : memref<125x128xf32, #tpu.memory_space<vmem_shared>>) target_semaphore(%run_scoped3A : memref<!tpu.dma_semaphore, #tpu.memory_space<semaphore_mem>>)
      %dma_wait3A_241 = arith.constant 0 : i32
      %dma_wait3A_242 = tpu.memref_slice %arg18[%add3A_49, %dma_wait3A_241] : memref<10000x128xf32, #tpu.memory_space<vmem_shared>> -> memref<125x128xf32, #tpu.memory_space<vmem_shared>>
      %dma_wait3A_243 = arith.constant 0 : i32
      %dma_wait3A_244 = tpu.memref_slice %arg18[%add3A_49, %dma_wait3A_243] : memref<10000x128xf32, #tpu.memory_space<vmem_shared>> -> memref<125x128xf32, #tpu.memory_space<vmem_shared>>
      tpu.wait_dma2 semaphore(%run_scoped3A : memref<!tpu.dma_semaphore, #tpu.memory_space<semaphore_mem>>) src(%arg10 : memref<125x128xf32, #tpu.memory_space<vmem>>) dst(%dma_wait3A_244 : memref<125x128xf32, #tpu.memory_space<vmem_shared>>)
      tpu.yield
    }) : () -> ()
    %add3A_50 = arith.constant 125 : i32
    %add3A_51 = arith.addi %mul3A_2, %add3A_50 : i32
    "tpu.region"() ({
      %run_scoped3A = tpu.sem_alloc : memref<!tpu.dma_semaphore, #tpu.memory_space<semaphore_mem>>
      %dma_start3A_237 = arith.constant 0 : i32
      %dma_start3A_238 = tpu.memref_slice %arg18[%add3A_51, %dma_start3A_237] : memref<10000x128xf32, #tpu.memory_space<vmem_shared>> -> memref<125x128xf32, #tpu.memory_space<vmem_shared>>
      %dma_start3A_239 = arith.constant 0 : i32
      %dma_start3A_240 = tpu.memref_slice %arg18[%add3A_51, %dma_start3A_239] : memref<10000x128xf32, #tpu.memory_space<vmem_shared>> -> memref<125x128xf32, #tpu.memory_space<vmem_shared>>
      tpu.enqueue_dma source(%arg10 : memref<125x128xf32, #tpu.memory_space<vmem>>) target(%dma_start3A_240 : memref<125x128xf32, #tpu.memory_space<vmem_shared>>) target_semaphore(%run_scoped3A : memref<!tpu.dma_semaphore, #tpu.memory_space<semaphore_mem>>)
      %dma_wait3A_241 = arith.constant 0 : i32
      %dma_wait3A_242 = tpu.memref_slice %arg18[%add3A_51, %dma_wait3A_241] : memref<10000x128xf32, #tpu.memory_space<vmem_shared>> -> memref<125x128xf32, #tpu.memory_space<vmem_shared>>
      %dma_wait3A_243 = arith.constant 0 : i32
      %dma_wait3A_244 = tpu.memref_slice %arg18[%add3A_51, %dma_wait3A_243] : memref<10000x128xf32, #tpu.memory_space<vmem_shared>> -> memref<125x128xf32, #tpu.memory_space<vmem_shared>>
      tpu.wait_dma2 semaphore(%run_scoped3A : memref<!tpu.dma_semaphore, #tpu.memory_space<semaphore_mem>>) src(%arg10 : memref<125x128xf32, #tpu.memory_space<vmem>>) dst(%dma_wait3A_244 : memref<125x128xf32, #tpu.memory_space<vmem_shared>>)
      tpu.yield
    }) : () -> ()
    %add3A_52 = arith.constant 250 : i32
    %add3A_53 = arith.addi %mul3A_2, %add3A_52 : i32
    "tpu.region"() ({
      %run_scoped3A = tpu.sem_alloc : memref<!tpu.dma_semaphore, #tpu.memory_space<semaphore_mem>>
      %dma_start3A_237 = arith.constant 0 : i32
      %dma_start3A_238 = tpu.memref_slice %arg18[%add3A_53, %dma_start3A_237] : memref<10000x128xf32, #tpu.memory_space<vmem_shared>> -> memref<125x128xf32, #tpu.memory_space<vmem_shared>>
      %dma_start3A_239 = arith.constant 0 : i32
      %dma_start3A_240 = tpu.memref_slice %arg18[%add3A_53, %dma_start3A_239] : memref<10000x128xf32, #tpu.memory_space<vmem_shared>> -> memref<125x128xf32, #tpu.memory_space<vmem_shared>>
      tpu.enqueue_dma source(%arg10 : memref<125x128xf32, #tpu.memory_space<vmem>>) target(%dma_start3A_240 : memref<125x128xf32, #tpu.memory_space<vmem_shared>>) target_semaphore(%run_scoped3A : memref<!tpu.dma_semaphore, #tpu.memory_space<semaphore_mem>>)
      %dma_wait3A_241 = arith.constant 0 : i32
      %dma_wait3A_242 = tpu.memref_slice %arg18[%add3A_53, %dma_wait3A_241] : memref<10000x128xf32, #tpu.memory_space<vmem_shared>> -> memref<125x128xf32, #tpu.memory_space<vmem_shared>>
      %dma_wait3A_243 = arith.constant 0 : i32
      %dma_wait3A_244 = tpu.memref_slice %arg18[%add3A_53, %dma_wait3A_243] : memref<10000x128xf32, #tpu.memory_space<vmem_shared>> -> memref<125x128xf32, #tpu.memory_space<vmem_shared>>
      tpu.wait_dma2 semaphore(%run_scoped3A : memref<!tpu.dma_semaphore, #tpu.memory_space<semaphore_mem>>) src(%arg10 : memref<125x128xf32, #tpu.memory_space<vmem>>) dst(%dma_wait3A_244 : memref<125x128xf32, #tpu.memory_space<vmem_shared>>)
      tpu.yield
    }) : () -> ()
    %add3A_54 = arith.constant 375 : i32
    %add3A_55 = arith.addi %mul3A_2, %add3A_54 : i32
    "tpu.region"() ({
      %run_scoped3A = tpu.sem_alloc : memref<!tpu.dma_semaphore, #tpu.memory_space<semaphore_mem>>
      %dma_start3A_237 = arith.constant 0 : i32
      %dma_start3A_238 = tpu.memref_slice %arg18[%add3A_55, %dma_start3A_237] : memref<10000x128xf32, #tpu.memory_space<vmem_shared>> -> memref<125x128xf32, #tpu.memory_space<vmem_shared>>
      %dma_start3A_239 = arith.constant 0 : i32
      %dma_start3A_240 = tpu.memref_slice %arg18[%add3A_55, %dma_start3A_239] : memref<10000x128xf32, #tpu.memory_space<vmem_shared>> -> memref<125x128xf32, #tpu.memory_space<vmem_shared>>
      tpu.enqueue_dma source(%arg10 : memref<125x128xf32, #tpu.memory_space<vmem>>) target(%dma_start3A_240 : memref<125x128xf32, #tpu.memory_space<vmem_shared>>) target_semaphore(%run_scoped3A : memref<!tpu.dma_semaphore, #tpu.memory_space<semaphore_mem>>)
      %dma_wait3A_241 = arith.constant 0 : i32
      %dma_wait3A_242 = tpu.memref_slice %arg18[%add3A_55, %dma_wait3A_241] : memref<10000x128xf32, #tpu.memory_space<vmem_shared>> -> memref<125x128xf32, #tpu.memory_space<vmem_shared>>
      %dma_wait3A_243 = arith.constant 0 : i32
      %dma_wait3A_244 = tpu.memref_slice %arg18[%add3A_55, %dma_wait3A_243] : memref<10000x128xf32, #tpu.memory_space<vmem_shared>> -> memref<125x128xf32, #tpu.memory_space<vmem_shared>>
      tpu.wait_dma2 semaphore(%run_scoped3A : memref<!tpu.dma_semaphore, #tpu.memory_space<semaphore_mem>>) src(%arg10 : memref<125x128xf32, #tpu.memory_space<vmem>>) dst(%dma_wait3A_244 : memref<125x128xf32, #tpu.memory_space<vmem_shared>>)
      tpu.yield
    }) : () -> ()
    %add3A_56 = arith.constant 500 : i32
    %add3A_57 = arith.addi %mul3A_2, %add3A_56 : i32
    "tpu.region"() ({
      %run_scoped3A = tpu.sem_alloc : memref<!tpu.dma_semaphore, #tpu.memory_space<semaphore_mem>>
      %dma_start3A_237 = arith.constant 0 : i32
      %dma_start3A_238 = tpu.memref_slice %arg18[%add3A_57, %dma_start3A_237] : memref<10000x128xf32, #tpu.memory_space<vmem_shared>> -> memref<125x128xf32, #tpu.memory_space<vmem_shared>>
      %dma_start3A_239 = arith.constant 0 : i32
      %dma_start3A_240 = tpu.memref_slice %arg18[%add3A_57, %dma_start3A_239] : memref<10000x128xf32, #tpu.memory_space<vmem_shared>> -> memref<125x128xf32, #tpu.memory_space<vmem_shared>>
      tpu.enqueue_dma source(%arg10 : memref<125x128xf32, #tpu.memory_space<vmem>>) target(%dma_start3A_240 : memref<125x128xf32, #tpu.memory_space<vmem_shared>>) target_semaphore(%run_scoped3A : memref<!tpu.dma_semaphore, #tpu.memory_space<semaphore_mem>>)
      %dma_wait3A_241 = arith.constant 0 : i32
      %dma_wait3A_242 = tpu.memref_slice %arg18[%add3A_57, %dma_wait3A_241] : memref<10000x128xf32, #tpu.memory_space<vmem_shared>> -> memref<125x128xf32, #tpu.memory_space<vmem_shared>>
      %dma_wait3A_243 = arith.constant 0 : i32
      %dma_wait3A_244 = tpu.memref_slice %arg18[%add3A_57, %dma_wait3A_243] : memref<10000x128xf32, #tpu.memory_space<vmem_shared>> -> memref<125x128xf32, #tpu.memory_space<vmem_shared>>
      tpu.wait_dma2 semaphore(%run_scoped3A : memref<!tpu.dma_semaphore, #tpu.memory_space<semaphore_mem>>) src(%arg10 : memref<125x128xf32, #tpu.memory_space<vmem>>) dst(%dma_wait3A_244 : memref<125x128xf32, #tpu.memory_space<vmem_shared>>)
      tpu.yield
    }) : () -> ()
    %scan3A_58 = arith.constant 0 : i32
    %scan3A_59 = arith.constant 0 : i32
    %scan3A_60 = arith.constant 8 : i32
    %scan3A_61 = arith.addi %scan3A_59, %scan3A_60 : i32
    %scan3A_62 = arith.constant 1 : i32
    %scan3A_63 = scf.for %scan3A_237 = %scan3A_59 to %scan3A_61 step %scan3A_62 iter_args(%scan3A_238 = %scan3A_58) -> (i32)  : i32 {
      %broadcast_in_dim3A = arith.constant 1.000000e+00 : f32
      %broadcast_in_dim3A_239 = vector.broadcast %broadcast_in_dim3A : f32 to vector<16xf32>
      %mul3A_240 = arith.constant 16 : i32
      %mul3A_241 = arith.muli %scan3A_237, %mul3A_240 : i32
      %swap3A = arith.index_cast %mul3A_241 : i32 to index
      %swap3A_242 = tpu.vector_load %arg12[%swap3A] {strides = array<i32>} : memref<128xf32, #tpu.memory_space<vmem>>, vector<16xf32>,
      %swap3A_243 = vector.shape_cast %swap3A_242 : vector<16xf32> to vector<16xf32>
      %swap3A_244 = vector.shape_cast %broadcast_in_dim3A_239 : vector<16xf32> to vector<16xf32>
      tpu.vector_store %arg12[%swap3A], %swap3A_244 {strides = array<i32>} : memref<128xf32, #tpu.memory_space<vmem>>, vector<16xf32>,
      %scan3A_245 = arith.constant 0 : i32
      scf.yield %scan3A_245 : i32
    }
    %scan3A_64 = arith.constant 8 : i32
    %scan3A_65 = arith.constant 0 : i32
    %scan3A_66 = arith.constant 0 : i32
    %scan3A_67 = arith.constant 40 : i32
    %scan3A_68 = arith.addi %scan3A_66, %scan3A_67 : i32
    %scan3A_69 = arith.constant 1 : i32
    %scan3A_70 = scf.for %scan3A_237 = %scan3A_66 to %scan3A_68 step %scan3A_69 iter_args(%scan3A_238 = %scan3A_65) -> (i32)  : i32 {
      %broadcast_in_dim3A = arith.constant 0.000000e+00 : f32
      %broadcast_in_dim3A_239 = vector.broadcast %broadcast_in_dim3A : f32 to vector<16xf32>
      %mul3A_240 = arith.constant 16 : i32
      %mul3A_241 = arith.muli %scan3A_237, %mul3A_240 : i32
      %swap3A = arith.index_cast %mul3A_241 : i32 to index
      %swap3A_242 = tpu.vector_load %arg13[%swap3A] {strides = array<i32>} : memref<640xf32, #tpu.memory_space<vmem>>, vector<16xf32>,
      %swap3A_243 = vector.shape_cast %swap3A_242 : vector<16xf32> to vector<16xf32>
      %swap3A_244 = vector.shape_cast %broadcast_in_dim3A_239 : vector<16xf32> to vector<16xf32>
      tpu.vector_store %arg13[%swap3A], %swap3A_244 {strides = array<i32>} : memref<640xf32, #tpu.memory_space<vmem>>, vector<16xf32>,
      %scan3A_245 = arith.constant 0 : i32
      scf.yield %scan3A_245 : i32
    }
    %scan3A_71 = arith.constant 40 : i32
    %mul3A_72 = arith.constant 640 : i32
    %mul3A_73 = arith.muli %arg1, %mul3A_72 : i32
    %multiple_of3A = tpu.assume_multiple %mul3A_73, 8 : i32
    "tpu.region"() ({
      %run_scoped3A = tpu.sem_alloc : memref<!tpu.dma_semaphore, #tpu.memory_space<semaphore_mem>>
      %dma_start3A_237 = tpu.memref_slice %arg19[%multiple_of3A] : memref<10240xf32, #tpu.memory_space<vmem_shared>> -> memref<640xf32, #tpu.memory_space<vmem_shared>>
      %dma_start3A_238 = tpu.memref_slice %arg19[%multiple_of3A] : memref<10240xf32, #tpu.memory_space<vmem_shared>> -> memref<640xf32, #tpu.memory_space<vmem_shared>>
      tpu.enqueue_dma source(%arg13 : memref<640xf32, #tpu.memory_space<vmem>>) target(%dma_start3A_238 : memref<640xf32, #tpu.memory_space<vmem_shared>>) target_semaphore(%run_scoped3A : memref<!tpu.dma_semaphore, #tpu.memory_space<semaphore_mem>>)
      %dma_wait3A_239 = tpu.memref_slice %arg19[%multiple_of3A] : memref<10240xf32, #tpu.memory_space<vmem_shared>> -> memref<640xf32, #tpu.memory_space<vmem_shared>>
      %dma_wait3A_240 = tpu.memref_slice %arg19[%multiple_of3A] : memref<10240xf32, #tpu.memory_space<vmem_shared>> -> memref<640xf32, #tpu.memory_space<vmem_shared>>
      tpu.wait_dma2 semaphore(%run_scoped3A : memref<!tpu.dma_semaphore, #tpu.memory_space<semaphore_mem>>) src(%arg13 : memref<640xf32, #tpu.memory_space<vmem>>) dst(%dma_wait3A_240 : memref<640xf32, #tpu.memory_space<vmem_shared>>)
      tpu.yield
    }) : () -> ()
    %barrier3A = arith.constant 0 : index
    tpu.barrier barrier_id(%barrier3A)
    %dma_wait3A = arith.constant 0 : i32
    %dma_wait3A_74 = arith.constant 0 : i32
    %dma_wait3A_75 = arith.constant 0 : i32
    %dma_wait3A_76 = arith.constant 0 : i32
    %dma_wait3A_77 = tpu.memref_slice %arg3[%dma_wait3A, %add3A, %dma_wait3A_74, %dma_wait3A_75, %dma_wait3A_76] : memref<2x32x4x20x125xi32, #tpu.memory_space<hbm>> -> memref<1x1x1x20x125xi32, #tpu.memory_space<hbm>>
    %dma_wait3A_78 = tpu.memref_squeeze %dma_wait3A_77 : memref<1x1x1x20x125xi32, #tpu.memory_space<hbm>> -> memref<20x125xi32, #tpu.memory_space<hbm>>
    %dma_wait3A_79 = arith.constant 0 : i32
    %dma_wait3A_80 = arith.constant 0 : i32
    %dma_wait3A_81 = tpu.memref_slice %arg3[%dma_wait3A, %add3A, %dma_wait3A_74, %dma_wait3A_79, %dma_wait3A_80] : memref<2x32x4x20x125xi32, #tpu.memory_space<hbm>> -> memref<1x1x1x20x125xi32, #tpu.memory_space<hbm>>
    %dma_wait3A_82 = tpu.memref_squeeze %dma_wait3A_81 : memref<1x1x1x20x125xi32, #tpu.memory_space<hbm>> -> memref<20x125xi32, #tpu.memory_space<hbm>>
    tpu.wait_dma2 semaphore(%arg16 : memref<!tpu.dma_semaphore, #tpu.memory_space<semaphore_mem>>) src(%dma_wait3A_82 : memref<20x125xi32, #tpu.memory_space<hbm>>) dst(%arg6 : memref<20x125xi32, #tpu.memory_space<vmem>>)
    %dma_wait3A_83 = arith.constant 1 : i32
    %dma_wait3A_84 = arith.constant 0 : i32
    %dma_wait3A_85 = arith.constant 0 : i32
    %dma_wait3A_86 = arith.constant 0 : i32
    %dma_wait3A_87 = tpu.memref_slice %arg3[%dma_wait3A_83, %add3A, %dma_wait3A_84, %dma_wait3A_85, %dma_wait3A_86] : memref<2x32x4x20x125xi32, #tpu.memory_space<hbm>> -> memref<1x1x1x20x125xi32, #tpu.memory_space<hbm>>
    %dma_wait3A_88 = tpu.memref_squeeze %dma_wait3A_87 : memref<1x1x1x20x125xi32, #tpu.memory_space<hbm>> -> memref<20x125xi32, #tpu.memory_space<hbm>>
    %dma_wait3A_89 = arith.constant 0 : i32
    %dma_wait3A_90 = arith.constant 0 : i32
    %dma_wait3A_91 = tpu.memref_slice %arg3[%dma_wait3A_83, %add3A, %dma_wait3A_84, %dma_wait3A_89, %dma_wait3A_90] : memref<2x32x4x20x125xi32, #tpu.memory_space<hbm>> -> memref<1x1x1x20x125xi32, #tpu.memory_space<hbm>>
    %dma_wait3A_92 = tpu.memref_squeeze %dma_wait3A_91 : memref<1x1x1x20x125xi32, #tpu.memory_space<hbm>> -> memref<20x125xi32, #tpu.memory_space<hbm>>
    tpu.wait_dma2 semaphore(%arg16 : memref<!tpu.dma_semaphore, #tpu.memory_space<semaphore_mem>>) src(%dma_wait3A_92 : memref<20x125xi32, #tpu.memory_space<hbm>>) dst(%arg7 : memref<20x125xi32, #tpu.memory_space<vmem>>)
    %dma_start3A_93 = arith.constant 0 : i32
    %dma_start3A_94 = arith.constant 0 : i32
    %dma_start3A_95 = tpu.memref_slice %arg6[%dma_start3A_93, %dma_start3A_94] : memref<20x125xi32, #tpu.memory_space<vmem>> -> memref<1x125xi32, #tpu.memory_space<vmem>>
    %dma_start3A_96 = tpu.memref_squeeze %dma_start3A_95 : memref<1x125xi32, #tpu.memory_space<vmem>> -> memref<125xi32, #tpu.memory_space<vmem>>
    %dma_start3A_97 = arith.constant 0 : i32
    %dma_start3A_98 = arith.constant 0 : i32
    %dma_start3A_99 = tpu.memref_slice %arg2[%dma_start3A_97, %dma_start3A_98] : memref<10000x128xf32, #tpu.memory_space<hbm>> -> memref<10000x128xf32, #tpu.memory_space<hbm>>
    tpu.enqueue_indirect_dma source(%dma_start3A_99 : memref<10000x128xf32, #tpu.memory_space<hbm>>) target(%arg10 : memref<125x128xf32, #tpu.memory_space<vmem>>) offsets(%dma_start3A_96 : memref<125xi32, #tpu.memory_space<vmem>>) semaphore(%arg14 : memref<!tpu.dma_semaphore, #tpu.memory_space<semaphore_mem>>)
    %dma_wait3A_100 = arith.constant 0 : i32
    %dma_wait3A_101 = arith.constant 1 : i32
    %dma_wait3A_102 = arith.constant 0 : i32
    %dma_wait3A_103 = arith.constant 0 : i32
    %dma_wait3A_104 = tpu.memref_slice %arg3[%dma_wait3A_100, %add3A, %dma_wait3A_101, %dma_wait3A_102, %dma_wait3A_103] : memref<2x32x4x20x125xi32, #tpu.memory_space<hbm>> -> memref<1x1x1x20x125xi32, #tpu.memory_space<hbm>>
    %dma_wait3A_105 = tpu.memref_squeeze %dma_wait3A_104 : memref<1x1x1x20x125xi32, #tpu.memory_space<hbm>> -> memref<20x125xi32, #tpu.memory_space<hbm>>
    %dma_wait3A_106 = arith.constant 0 : i32
    %dma_wait3A_107 = arith.constant 0 : i32
    %dma_wait3A_108 = tpu.memref_slice %arg3[%dma_wait3A_100, %add3A, %dma_wait3A_101, %dma_wait3A_106, %dma_wait3A_107] : memref<2x32x4x20x125xi32, #tpu.memory_space<hbm>> -> memref<1x1x1x20x125xi32, #tpu.memory_space<hbm>>
    %dma_wait3A_109 = tpu.memref_squeeze %dma_wait3A_108 : memref<1x1x1x20x125xi32, #tpu.memory_space<hbm>> -> memref<20x125xi32, #tpu.memory_space<hbm>>
    tpu.wait_dma2 semaphore(%arg17 : memref<!tpu.dma_semaphore, #tpu.memory_space<semaphore_mem>>) src(%dma_wait3A_109 : memref<20x125xi32, #tpu.memory_space<hbm>>) dst(%arg8 : memref<20x125xi32, #tpu.memory_space<vmem>>)
    %dma_wait3A_110 = arith.constant 1 : i32
    %dma_wait3A_111 = arith.constant 1 : i32
    %dma_wait3A_112 = arith.constant 0 : i32
    %dma_wait3A_113 = arith.constant 0 : i32
    %dma_wait3A_114 = tpu.memref_slice %arg3[%dma_wait3A_110, %add3A, %dma_wait3A_111, %dma_wait3A_112, %dma_wait3A_113] : memref<2x32x4x20x125xi32, #tpu.memory_space<hbm>> -> memref<1x1x1x20x125xi32, #tpu.memory_space<hbm>>
    %dma_wait3A_115 = tpu.memref_squeeze %dma_wait3A_114 : memref<1x1x1x20x125xi32, #tpu.memory_space<hbm>> -> memref<20x125xi32, #tpu.memory_space<hbm>>
    %dma_wait3A_116 = arith.constant 0 : i32
    %dma_wait3A_117 = arith.constant 0 : i32
    %dma_wait3A_118 = tpu.memref_slice %arg3[%dma_wait3A_110, %add3A, %dma_wait3A_111, %dma_wait3A_116, %dma_wait3A_117] : memref<2x32x4x20x125xi32, #tpu.memory_space<hbm>> -> memref<1x1x1x20x125xi32, #tpu.memory_space<hbm>>
    %dma_wait3A_119 = tpu.memref_squeeze %dma_wait3A_118 : memref<1x1x1x20x125xi32, #tpu.memory_space<hbm>> -> memref<20x125xi32, #tpu.memory_space<hbm>>
    tpu.wait_dma2 semaphore(%arg17 : memref<!tpu.dma_semaphore, #tpu.memory_space<semaphore_mem>>) src(%dma_wait3A_119 : memref<20x125xi32, #tpu.memory_space<hbm>>) dst(%arg9 : memref<20x125xi32, #tpu.memory_space<vmem>>)
    %scan3A_120 = arith.constant 0 : i32
    %scan3A_121 = arith.constant 0 : i32
    %scan3A_122 = arith.constant 10 : i32
    %scan3A_123 = arith.addi %scan3A_121, %scan3A_122 : i32
    %scan3A_124 = arith.constant 1 : i32
    %scan3A_125 = scf.for %scan3A_237 = %scan3A_121 to %scan3A_123 step %scan3A_124 iter_args(%scan3A_238 = %scan3A_120) -> (i32)  : i32 {
      %mul3A_239 = arith.constant 2 : i32
      %mul3A_240 = arith.muli %mul3A_239, %scan3A_237 : i32
      %add3A_241 = arith.constant 1 : i32
      %add3A_242 = arith.addi %mul3A_240, %add3A_241 : i32
      %dma_start3A_243 = arith.constant 0 : i32
      %dma_start3A_244 = tpu.memref_slice %arg6[%add3A_242, %dma_start3A_243] : memref<20x125xi32, #tpu.memory_space<vmem>> -> memref<1x125xi32, #tpu.memory_space<vmem>>
      %dma_start3A_245 = tpu.memref_squeeze %dma_start3A_244 : memref<1x125xi32, #tpu.memory_space<vmem>> -> memref<125xi32, #tpu.memory_space<vmem>>
      %dma_start3A_246 = arith.constant 0 : i32
      %dma_start3A_247 = arith.constant 0 : i32
      %dma_start3A_248 = tpu.memref_slice %arg2[%dma_start3A_246, %dma_start3A_247] : memref<10000x128xf32, #tpu.memory_space<hbm>> -> memref<10000x128xf32, #tpu.memory_space<hbm>>
      tpu.enqueue_indirect_dma source(%dma_start3A_248 : memref<10000x128xf32, #tpu.memory_space<hbm>>) target(%arg11 : memref<125x128xf32, #tpu.memory_space<vmem>>) offsets(%dma_start3A_245 : memref<125xi32, #tpu.memory_space<vmem>>) semaphore(%arg15 : memref<!tpu.dma_semaphore, #tpu.memory_space<semaphore_mem>>)
      %dma_wait3A_249 = arith.constant 0 : i32
      %dma_wait3A_250 = tpu.memref_slice %arg6[%mul3A_240, %dma_wait3A_249] : memref<20x125xi32, #tpu.memory_space<vmem>> -> memref<1x125xi32, #tpu.memory_space<vmem>>
      %dma_wait3A_251 = tpu.memref_squeeze %dma_wait3A_250 : memref<1x125xi32, #tpu.memory_space<vmem>> -> memref<125xi32, #tpu.memory_space<vmem>>
      %dma_wait3A_252 = arith.constant 0 : i32
      %dma_wait3A_253 = arith.constant 0 : i32
      %dma_wait3A_254 = tpu.memref_slice %arg2[%dma_wait3A_252, %dma_wait3A_253] : memref<10000x128xf32, #tpu.memory_space<hbm>> -> memref<10000x128xf32, #tpu.memory_space<hbm>>
      tpu.wait_indirect_dma semaphore(%arg14 : memref<!tpu.dma_semaphore, #tpu.memory_space<semaphore_mem>>) src(%dma_wait3A_254 : memref<10000x128xf32, #tpu.memory_space<hbm>>) dst(%arg10 : memref<125x128xf32, #tpu.memory_space<vmem>>)
      "tpu.region"() ({
        %run_scoped3A = tpu.sem_alloc : memref<!tpu.dma_semaphore, #tpu.memory_space<semaphore_mem>>
        %dma_start3A_274 = arith.constant 0 : i32
        %dma_start3A_275 = tpu.memref_slice %arg7[%mul3A_240, %dma_start3A_274] : memref<20x125xi32, #tpu.memory_space<vmem>> -> memref<1x125xi32, #tpu.memory_space<vmem>>
        %dma_start3A_276 = tpu.memref_squeeze %dma_start3A_275 : memref<1x125xi32, #tpu.memory_space<vmem>> -> memref<125xi32, #tpu.memory_space<vmem>>
        %dma_start3A_277 = arith.constant 0 : i32
        %dma_start3A_278 = arith.constant 0 : i32
        %dma_start3A_279 = tpu.memref_slice %arg18[%dma_start3A_277, %dma_start3A_278] : memref<10000x128xf32, #tpu.memory_space<vmem_shared>> -> memref<10000x128xf32, #tpu.memory_space<vmem_shared>>
        tpu.enqueue_indirect_dma source(%arg10 : memref<125x128xf32, #tpu.memory_space<vmem>>) target(%dma_start3A_279 : memref<10000x128xf32, #tpu.memory_space<vmem_shared>>) offsets(%dma_start3A_276 : memref<125xi32, #tpu.memory_space<vmem>>) semaphore(%run_scoped3A : memref<!tpu.dma_semaphore, #tpu.memory_space<semaphore_mem>>) {add = true}
        %dma_wait3A_280 = arith.constant 0 : i32
        %dma_wait3A_281 = tpu.memref_slice %arg7[%mul3A_240, %dma_wait3A_280] : memref<20x125xi32, #tpu.memory_space<vmem>> -> memref<1x125xi32, #tpu.memory_space<vmem>>
        %dma_wait3A_282 = tpu.memref_squeeze %dma_wait3A_281 : memref<1x125xi32, #tpu.memory_space<vmem>> -> memref<125xi32, #tpu.memory_space<vmem>>
        %dma_wait3A_283 = arith.constant 0 : i32
        %dma_wait3A_284 = arith.constant 0 : i32
        %dma_wait3A_285 = tpu.memref_slice %arg18[%dma_wait3A_283, %dma_wait3A_284] : memref<10000x128xf32, #tpu.memory_space<vmem_shared>> -> memref<10000x128xf32, #tpu.memory_space<vmem_shared>>
        tpu.wait_indirect_dma semaphore(%run_scoped3A : memref<!tpu.dma_semaphore, #tpu.memory_space<semaphore_mem>>) src(%arg10 : memref<125x128xf32, #tpu.memory_space<vmem>>) dst(%dma_wait3A_285 : memref<10000x128xf32, #tpu.memory_space<vmem_shared>>)
        tpu.yield
      }) : () -> ()
      "tpu.region"() ({
        %run_scoped3A = tpu.sem_alloc : memref<!tpu.dma_semaphore, #tpu.memory_space<semaphore_mem>>
        %dma_start3A_274 = arith.constant 0 : i32
        %dma_start3A_275 = tpu.memref_slice %arg12[%dma_start3A_274] : memref<128xf32, #tpu.memory_space<vmem>> -> memref<125xf32, #tpu.memory_space<vmem>>
        %dma_start3A_276 = arith.constant 0 : i32
        %dma_start3A_277 = tpu.memref_slice %arg7[%mul3A_240, %dma_start3A_276] : memref<20x125xi32, #tpu.memory_space<vmem>> -> memref<1x125xi32, #tpu.memory_space<vmem>>
        %dma_start3A_278 = tpu.memref_squeeze %dma_start3A_277 : memref<1x125xi32, #tpu.memory_space<vmem>> -> memref<125xi32, #tpu.memory_space<vmem>>
        %dma_start3A_279 = arith.constant 0 : i32
        %dma_start3A_280 = tpu.memref_slice %arg19[%dma_start3A_279] : memref<10240xf32, #tpu.memory_space<vmem_shared>> -> memref<10240xf32, #tpu.memory_space<vmem_shared>>
        tpu.enqueue_indirect_dma source(%dma_start3A_275 : memref<125xf32, #tpu.memory_space<vmem>>) target(%dma_start3A_280 : memref<10240xf32, #tpu.memory_space<vmem_shared>>) offsets(%dma_start3A_278 : memref<125xi32, #tpu.memory_space<vmem>>) semaphore(%run_scoped3A : memref<!tpu.dma_semaphore, #tpu.memory_space<semaphore_mem>>) {add = true}
        %dma_wait3A_281 = arith.constant 0 : i32
        %dma_wait3A_282 = tpu.memref_slice %arg12[%dma_wait3A_281] : memref<128xf32, #tpu.memory_space<vmem>> -> memref<125xf32, #tpu.memory_space<vmem>>
        %dma_wait3A_283 = arith.constant 0 : i32
        %dma_wait3A_284 = tpu.memref_slice %arg7[%mul3A_240, %dma_wait3A_283] : memref<20x125xi32, #tpu.memory_space<vmem>> -> memref<1x125xi32, #tpu.memory_space<vmem>>
        %dma_wait3A_285 = tpu.memref_squeeze %dma_wait3A_284 : memref<1x125xi32, #tpu.memory_space<vmem>> -> memref<125xi32, #tpu.memory_space<vmem>>
        %dma_wait3A_286 = arith.constant 0 : i32
        %dma_wait3A_287 = tpu.memref_slice %arg19[%dma_wait3A_286] : memref<10240xf32, #tpu.memory_space<vmem_shared>> -> memref<10240xf32, #tpu.memory_space<vmem_shared>>
        tpu.wait_indirect_dma semaphore(%run_scoped3A : memref<!tpu.dma_semaphore, #tpu.memory_space<semaphore_mem>>) src(%dma_wait3A_282 : memref<125xf32, #tpu.memory_space<vmem>>) dst(%dma_wait3A_287 : memref<10240xf32, #tpu.memory_space<vmem_shared>>)
        tpu.yield
      }) : () -> ()
      %add3A_255 = arith.constant 2 : i32
      %add3A_256 = arith.addi %mul3A_240, %add3A_255 : i32
      %lt3A = arith.constant 20 : i32
      %lt3A_257 = arith.cmpi slt, %add3A_256, %lt3A : i32
      %convert_element_type3A_258 = arith.extui %lt3A_257 : i1 to i32
      %cond3A_259 = arith.constant 0 : i32
      %cond3A_260 = arith.cmpi ne, %convert_element_type3A_258, %cond3A_259 : i32
      scf.if %cond3A_260 {
        %add3A_274 = arith.constant 2 : i32
        %add3A_275 = arith.addi %mul3A_240, %add3A_274 : i32
        %dma_start3A_276 = arith.constant 0 : i32
        %dma_start3A_277 = tpu.memref_slice %arg6[%add3A_275, %dma_start3A_276] : memref<20x125xi32, #tpu.memory_space<vmem>> -> memref<1x125xi32, #tpu.memory_space<vmem>>
        %dma_start3A_278 = tpu.memref_squeeze %dma_start3A_277 : memref<1x125xi32, #tpu.memory_space<vmem>> -> memref<125xi32, #tpu.memory_space<vmem>>
        %dma_start3A_279 = arith.constant 0 : i32
        %dma_start3A_280 = arith.constant 0 : i32
        %dma_start3A_281 = tpu.memref_slice %arg2[%dma_start3A_279, %dma_start3A_280] : memref<10000x128xf32, #tpu.memory_space<hbm>> -> memref<10000x128xf32, #tpu.memory_space<hbm>>
        tpu.enqueue_indirect_dma source(%dma_start3A_281 : memref<10000x128xf32, #tpu.memory_space<hbm>>) target(%arg10 : memref<125x128xf32, #tpu.memory_space<vmem>>) offsets(%dma_start3A_278 : memref<125xi32, #tpu.memory_space<vmem>>) semaphore(%arg14 : memref<!tpu.dma_semaphore, #tpu.memory_space<semaphore_mem>>)
      } else {
      }
      %add3A_261 = arith.constant 2 : i32
      %add3A_262 = arith.addi %mul3A_240, %add3A_261 : i32
      %ge3A = arith.constant 20 : i32
      %ge3A_263 = arith.cmpi sge, %add3A_262, %ge3A : i32
      %convert_element_type3A_264 = arith.extui %ge3A_263 : i1 to i32
      %cond3A_265 = arith.constant 0 : i32
      %cond3A_266 = arith.cmpi ne, %convert_element_type3A_264, %cond3A_265 : i32
      scf.if %cond3A_266 {
        %dma_start3A_274 = arith.constant 0 : i32
        %dma_start3A_275 = arith.constant 0 : i32
        %dma_start3A_276 = tpu.memref_slice %arg8[%dma_start3A_274, %dma_start3A_275] : memref<20x125xi32, #tpu.memory_space<vmem>> -> memref<1x125xi32, #tpu.memory_space<vmem>>
        %dma_start3A_277 = tpu.memref_squeeze %dma_start3A_276 : memref<1x125xi32, #tpu.memory_space<vmem>> -> memref<125xi32, #tpu.memory_space<vmem>>
        %dma_start3A_278 = arith.constant 0 : i32
        %dma_start3A_279 = arith.constant 0 : i32
        %dma_start3A_280 = tpu.memref_slice %arg2[%dma_start3A_278, %dma_start3A_279] : memref<10000x128xf32, #tpu.memory_space<hbm>> -> memref<10000x128xf32, #tpu.memory_space<hbm>>
        tpu.enqueue_indirect_dma source(%dma_start3A_280 : memref<10000x128xf32, #tpu.memory_space<hbm>>) target(%arg10 : memref<125x128xf32, #tpu.memory_space<vmem>>) offsets(%dma_start3A_277 : memref<125xi32, #tpu.memory_space<vmem>>) semaphore(%arg14 : memref<!tpu.dma_semaphore, #tpu.memory_space<semaphore_mem>>)
      } else {
      }
      %dma_wait3A_267 = arith.constant 0 : i32
      %dma_wait3A_268 = tpu.memref_slice %arg6[%add3A_242, %dma_wait3A_267] : memref<20x125xi32, #tpu.memory_space<vmem>> -> memref<1x125xi32, #tpu.memory_space<vmem>>
      %dma_wait3A_269 = tpu.memref_squeeze %dma_wait3A_268 : memref<1x125xi32, #tpu.memory_space<vmem>> -> memref<125xi32, #tpu.memory_space<vmem>>
      %dma_wait3A_270 = arith.constant 0 : i32
      %dma_wait3A_271 = arith.constant 0 : i32
      %dma_wait3A_272 = tpu.memref_slice %arg2[%dma_wait3A_270, %dma_wait3A_271] : memref<10000x128xf32, #tpu.memory_space<hbm>> -> memref<10000x128xf32, #tpu.memory_space<hbm>>
      tpu.wait_indirect_dma semaphore(%arg15 : memref<!tpu.dma_semaphore, #tpu.memory_space<semaphore_mem>>) src(%dma_wait3A_272 : memref<10000x128xf32, #tpu.memory_space<hbm>>) dst(%arg11 : memref<125x128xf32, #tpu.memory_space<vmem>>)
      "tpu.region"() ({
        %run_scoped3A = tpu.sem_alloc : memref<!tpu.dma_semaphore, #tpu.memory_space<semaphore_mem>>
        %dma_start3A_274 = arith.constant 0 : i32
        %dma_start3A_275 = tpu.memref_slice %arg7[%add3A_242, %dma_start3A_274] : memref<20x125xi32, #tpu.memory_space<vmem>> -> memref<1x125xi32, #tpu.memory_space<vmem>>
        %dma_start3A_276 = tpu.memref_squeeze %dma_start3A_275 : memref<1x125xi32, #tpu.memory_space<vmem>> -> memref<125xi32, #tpu.memory_space<vmem>>
        %dma_start3A_277 = arith.constant 0 : i32
        %dma_start3A_278 = arith.constant 0 : i32
        %dma_start3A_279 = tpu.memref_slice %arg18[%dma_start3A_277, %dma_start3A_278] : memref<10000x128xf32, #tpu.memory_space<vmem_shared>> -> memref<10000x128xf32, #tpu.memory_space<vmem_shared>>
        tpu.enqueue_indirect_dma source(%arg11 : memref<125x128xf32, #tpu.memory_space<vmem>>) target(%dma_start3A_279 : memref<10000x128xf32, #tpu.memory_space<vmem_shared>>) offsets(%dma_start3A_276 : memref<125xi32, #tpu.memory_space<vmem>>) semaphore(%run_scoped3A : memref<!tpu.dma_semaphore, #tpu.memory_space<semaphore_mem>>) {add = true}
        %dma_wait3A_280 = arith.constant 0 : i32
        %dma_wait3A_281 = tpu.memref_slice %arg7[%add3A_242, %dma_wait3A_280] : memref<20x125xi32, #tpu.memory_space<vmem>> -> memref<1x125xi32, #tpu.memory_space<vmem>>
        %dma_wait3A_282 = tpu.memref_squeeze %dma_wait3A_281 : memref<1x125xi32, #tpu.memory_space<vmem>> -> memref<125xi32, #tpu.memory_space<vmem>>
        %dma_wait3A_283 = arith.constant 0 : i32
        %dma_wait3A_284 = arith.constant 0 : i32
        %dma_wait3A_285 = tpu.memref_slice %arg18[%dma_wait3A_283, %dma_wait3A_284] : memref<10000x128xf32, #tpu.memory_space<vmem_shared>> -> memref<10000x128xf32, #tpu.memory_space<vmem_shared>>
        tpu.wait_indirect_dma semaphore(%run_scoped3A : memref<!tpu.dma_semaphore, #tpu.memory_space<semaphore_mem>>) src(%arg11 : memref<125x128xf32, #tpu.memory_space<vmem>>) dst(%dma_wait3A_285 : memref<10000x128xf32, #tpu.memory_space<vmem_shared>>)
        tpu.yield
      }) : () -> ()
      "tpu.region"() ({
        %run_scoped3A = tpu.sem_alloc : memref<!tpu.dma_semaphore, #tpu.memory_space<semaphore_mem>>
        %dma_start3A_274 = arith.constant 0 : i32
        %dma_start3A_275 = tpu.memref_slice %arg12[%dma_start3A_274] : memref<128xf32, #tpu.memory_space<vmem>> -> memref<125xf32, #tpu.memory_space<vmem>>
        %dma_start3A_276 = arith.constant 0 : i32
        %dma_start3A_277 = tpu.memref_slice %arg7[%add3A_242, %dma_start3A_276] : memref<20x125xi32, #tpu.memory_space<vmem>> -> memref<1x125xi32, #tpu.memory_space<vmem>>
        %dma_start3A_278 = tpu.memref_squeeze %dma_start3A_277 : memref<1x125xi32, #tpu.memory_space<vmem>> -> memref<125xi32, #tpu.memory_space<vmem>>
        %dma_start3A_279 = arith.constant 0 : i32
        %dma_start3A_280 = tpu.memref_slice %arg19[%dma_start3A_279] : memref<10240xf32, #tpu.memory_space<vmem_shared>> -> memref<10240xf32, #tpu.memory_space<vmem_shared>>
        tpu.enqueue_indirect_dma source(%dma_start3A_275 : memref<125xf32, #tpu.memory_space<vmem>>) target(%dma_start3A_280 : memref<10240xf32, #tpu.memory_space<vmem_shared>>) offsets(%dma_start3A_278 : memref<125xi32, #tpu.memory_space<vmem>>) semaphore(%run_scoped3A : memref<!tpu.dma_semaphore, #tpu.memory_space<semaphore_mem>>) {add = true}
        %dma_wait3A_281 = arith.constant 0 : i32
        %dma_wait3A_282 = tpu.memref_slice %arg12[%dma_wait3A_281] : memref<128xf32, #tpu.memory_space<vmem>> -> memref<125xf32, #tpu.memory_space<vmem>>
        %dma_wait3A_283 = arith.constant 0 : i32
        %dma_wait3A_284 = tpu.memref_slice %arg7[%add3A_242, %dma_wait3A_283] : memref<20x125xi32, #tpu.memory_space<vmem>> -> memref<1x125xi32, #tpu.memory_space<vmem>>
        %dma_wait3A_285 = tpu.memref_squeeze %dma_wait3A_284 : memref<1x125xi32, #tpu.memory_space<vmem>> -> memref<125xi32, #tpu.memory_space<vmem>>
        %dma_wait3A_286 = arith.constant 0 : i32
        %dma_wait3A_287 = tpu.memref_slice %arg19[%dma_wait3A_286] : memref<10240xf32, #tpu.memory_space<vmem_shared>> -> memref<10240xf32, #tpu.memory_space<vmem_shared>>
        tpu.wait_indirect_dma semaphore(%run_scoped3A : memref<!tpu.dma_semaphore, #tpu.memory_space<semaphore_mem>>) src(%dma_wait3A_282 : memref<125xf32, #tpu.memory_space<vmem>>) dst(%dma_wait3A_287 : memref<10240xf32, #tpu.memory_space<vmem_shared>>)
        tpu.yield
      }) : () -> ()
      %scan3A_273 = arith.constant 0 : i32
      scf.yield %scan3A_273 : i32
    }
    %scan3A_126 = arith.constant 10 : i32
    %dma_start3A_127 = arith.constant 0 : i32
    %dma_start3A_128 = arith.constant 2 : i32
    %dma_start3A_129 = arith.constant 0 : i32
    %dma_start3A_130 = arith.constant 0 : i32
    %dma_start3A_131 = tpu.memref_slice %arg3[%dma_start3A_127, %add3A, %dma_start3A_128, %dma_start3A_129, %dma_start3A_130] : memref<2x32x4x20x125xi32, #tpu.memory_space<hbm>> -> memref<1x1x1x20x125xi32, #tpu.memory_space<hbm>>
    %dma_start3A_132 = tpu.memref_squeeze %dma_start3A_131 : memref<1x1x1x20x125xi32, #tpu.memory_space<hbm>> -> memref<20x125xi32, #tpu.memory_space<hbm>>
    %dma_start3A_133 = arith.constant 0 : i32
    %dma_start3A_134 = arith.constant 0 : i32
    %dma_start3A_135 = tpu.memref_slice %arg3[%dma_start3A_127, %add3A, %dma_start3A_128, %dma_start3A_133, %dma_start3A_134] : memref<2x32x4x20x125xi32, #tpu.memory_space<hbm>> -> memref<1x1x1x20x125xi32, #tpu.memory_space<hbm>>
    %dma_start3A_136 = tpu.memref_squeeze %dma_start3A_135 : memref<1x1x1x20x125xi32, #tpu.memory_space<hbm>> -> memref<20x125xi32, #tpu.memory_space<hbm>>
    tpu.enqueue_dma source(%dma_start3A_136 : memref<20x125xi32, #tpu.memory_space<hbm>>) target(%arg6 : memref<20x125xi32, #tpu.memory_space<vmem>>) target_semaphore(%arg16 : memref<!tpu.dma_semaphore, #tpu.memory_space<semaphore_mem>>)
    %dma_start3A_137 = arith.constant 1 : i32
    %dma_start3A_138 = arith.constant 2 : i32
    %dma_start3A_139 = arith.constant 0 : i32
    %dma_start3A_140 = arith.constant 0 : i32
    %dma_start3A_141 = tpu.memref_slice %arg3[%dma_start3A_137, %add3A, %dma_start3A_138, %dma_start3A_139, %dma_start3A_140] : memref<2x32x4x20x125xi32, #tpu.memory_space<hbm>> -> memref<1x1x1x20x125xi32, #tpu.memory_space<hbm>>
    %dma_start3A_142 = tpu.memref_squeeze %dma_start3A_141 : memref<1x1x1x20x125xi32, #tpu.memory_space<hbm>> -> memref<20x125xi32, #tpu.memory_space<hbm>>
    %dma_start3A_143 = arith.constant 0 : i32
    %dma_start3A_144 = arith.constant 0 : i32
    %dma_start3A_145 = tpu.memref_slice %arg3[%dma_start3A_137, %add3A, %dma_start3A_138, %dma_start3A_143, %dma_start3A_144] : memref<2x32x4x20x125xi32, #tpu.memory_space<hbm>> -> memref<1x1x1x20x125xi32, #tpu.memory_space<hbm>>
    %dma_start3A_146 = tpu.memref_squeeze %dma_start3A_145 : memref<1x1x1x20x125xi32, #tpu.memory_space<hbm>> -> memref<20x125xi32, #tpu.memory_space<hbm>>
    tpu.enqueue_dma source(%dma_start3A_146 : memref<20x125xi32, #tpu.memory_space<hbm>>) target(%arg7 : memref<20x125xi32, #tpu.memory_space<vmem>>) target_semaphore(%arg16 : memref<!tpu.dma_semaphore, #tpu.memory_space<semaphore_mem>>)
    %dma_wait3A_147 = arith.constant 0 : i32
    %dma_wait3A_148 = arith.constant 2 : i32
    %dma_wait3A_149 = arith.constant 0 : i32
    %dma_wait3A_150 = arith.constant 0 : i32
    %dma_wait3A_151 = tpu.memref_slice %arg3[%dma_wait3A_147, %add3A, %dma_wait3A_148, %dma_wait3A_149, %dma_wait3A_150] : memref<2x32x4x20x125xi32, #tpu.memory_space<hbm>> -> memref<1x1x1x20x125xi32, #tpu.memory_space<hbm>>
    %dma_wait3A_152 = tpu.memref_squeeze %dma_wait3A_151 : memref<1x1x1x20x125xi32, #tpu.memory_space<hbm>> -> memref<20x125xi32, #tpu.memory_space<hbm>>
    %dma_wait3A_153 = arith.constant 0 : i32
    %dma_wait3A_154 = arith.constant 0 : i32
    %dma_wait3A_155 = tpu.memref_slice %arg3[%dma_wait3A_147, %add3A, %dma_wait3A_148, %dma_wait3A_153, %dma_wait3A_154] : memref<2x32x4x20x125xi32, #tpu.memory_space<hbm>> -> memref<1x1x1x20x125xi32, #tpu.memory_space<hbm>>
    %dma_wait3A_156 = tpu.memref_squeeze %dma_wait3A_155 : memref<1x1x1x20x125xi32, #tpu.memory_space<hbm>> -> memref<20x125xi32, #tpu.memory_space<hbm>>
    tpu.wait_dma2 semaphore(%arg16 : memref<!tpu.dma_semaphore, #tpu.memory_space<semaphore_mem>>) src(%dma_wait3A_156 : memref<20x125xi32, #tpu.memory_space<hbm>>) dst(%arg6 : memref<20x125xi32, #tpu.memory_space<vmem>>)
    %dma_wait3A_157 = arith.constant 1 : i32
    %dma_wait3A_158 = arith.constant 2 : i32
    %dma_wait3A_159 = arith.constant 0 : i32
    %dma_wait3A_160 = arith.constant 0 : i32
    %dma_wait3A_161 = tpu.memref_slice %arg3[%dma_wait3A_157, %add3A, %dma_wait3A_158, %dma_wait3A_159, %dma_wait3A_160] : memref<2x32x4x20x125xi32, #tpu.memory_space<hbm>> -> memref<1x1x1x20x125xi32, #tpu.memory_space<hbm>>
    %dma_wait3A_162 = tpu.memref_squeeze %dma_wait3A_161 : memref<1x1x1x20x125xi32, #tpu.memory_space<hbm>> -> memref<20x125xi32, #tpu.memory_space<hbm>>
    %dma_wait3A_163 = arith.constant 0 : i32
    %dma_wait3A_164 = arith.constant 0 : i32
    %dma_wait3A_165 = tpu.memref_slice %arg3[%dma_wait3A_157, %add3A, %dma_wait3A_158, %dma_wait3A_163, %dma_wait3A_164] : memref<2x32x4x20x125xi32, #tpu.memory_space<hbm>> -> memref<1x1x1x20x125xi32, #tpu.memory_space<hbm>>
    %dma_wait3A_166 = tpu.memref_squeeze %dma_wait3A_165 : memref<1x1x1x20x125xi32, #tpu.memory_space<hbm>> -> memref<20x125xi32, #tpu.memory_space<hbm>>
    tpu.wait_dma2 semaphore(%arg16 : memref<!tpu.dma_semaphore, #tpu.memory_space<semaphore_mem>>) src(%dma_wait3A_166 : memref<20x125xi32, #tpu.memory_space<hbm>>) dst(%arg7 : memref<20x125xi32, #tpu.memory_space<vmem>>)
    %scan3A_167 = arith.constant 0 : i32
    %scan3A_168 = arith.constant 0 : i32
    %scan3A_169 = arith.constant 10 : i32
    %scan3A_170 = arith.addi %scan3A_168, %scan3A_169 : i32
    %scan3A_171 = arith.constant 1 : i32
    %scan3A_172 = scf.for %scan3A_237 = %scan3A_168 to %scan3A_170 step %scan3A_171 iter_args(%scan3A_238 = %scan3A_167) -> (i32)  : i32 {
      %mul3A_239 = arith.constant 2 : i32
      %mul3A_240 = arith.muli %mul3A_239, %scan3A_237 : i32
      %add3A_241 = arith.constant 1 : i32
      %add3A_242 = arith.addi %mul3A_240, %add3A_241 : i32
      %dma_start3A_243 = arith.constant 0 : i32
      %dma_start3A_244 = tpu.memref_slice %arg8[%add3A_242, %dma_start3A_243] : memref<20x125xi32, #tpu.memory_space<vmem>> -> memref<1x125xi32, #tpu.memory_space<vmem>>
      %dma_start3A_245 = tpu.memref_squeeze %dma_start3A_244 : memref<1x125xi32, #tpu.memory_space<vmem>> -> memref<125xi32, #tpu.memory_space<vmem>>
      %dma_start3A_246 = arith.constant 0 : i32
      %dma_start3A_247 = arith.constant 0 : i32
      %dma_start3A_248 = tpu.memref_slice %arg2[%dma_start3A_246, %dma_start3A_247] : memref<10000x128xf32, #tpu.memory_space<hbm>> -> memref<10000x128xf32, #tpu.memory_space<hbm>>
      tpu.enqueue_indirect_dma source(%dma_start3A_248 : memref<10000x128xf32, #tpu.memory_space<hbm>>) target(%arg11 : memref<125x128xf32, #tpu.memory_space<vmem>>) offsets(%dma_start3A_245 : memref<125xi32, #tpu.memory_space<vmem>>) semaphore(%arg15 : memref<!tpu.dma_semaphore, #tpu.memory_space<semaphore_mem>>)
      %dma_wait3A_249 = arith.constant 0 : i32
      %dma_wait3A_250 = tpu.memref_slice %arg8[%mul3A_240, %dma_wait3A_249] : memref<20x125xi32, #tpu.memory_space<vmem>> -> memref<1x125xi32, #tpu.memory_space<vmem>>
      %dma_wait3A_251 = tpu.memref_squeeze %dma_wait3A_250 : memref<1x125xi32, #tpu.memory_space<vmem>> -> memref<125xi32, #tpu.memory_space<vmem>>
      %dma_wait3A_252 = arith.constant 0 : i32
      %dma_wait3A_253 = arith.constant 0 : i32
      %dma_wait3A_254 = tpu.memref_slice %arg2[%dma_wait3A_252, %dma_wait3A_253] : memref<10000x128xf32, #tpu.memory_space<hbm>> -> memref<10000x128xf32, #tpu.memory_space<hbm>>
      tpu.wait_indirect_dma semaphore(%arg14 : memref<!tpu.dma_semaphore, #tpu.memory_space<semaphore_mem>>) src(%dma_wait3A_254 : memref<10000x128xf32, #tpu.memory_space<hbm>>) dst(%arg10 : memref<125x128xf32, #tpu.memory_space<vmem>>)
      "tpu.region"() ({
        %run_scoped3A = tpu.sem_alloc : memref<!tpu.dma_semaphore, #tpu.memory_space<semaphore_mem>>
        %dma_start3A_274 = arith.constant 0 : i32
        %dma_start3A_275 = tpu.memref_slice %arg9[%mul3A_240, %dma_start3A_274] : memref<20x125xi32, #tpu.memory_space<vmem>> -> memref<1x125xi32, #tpu.memory_space<vmem>>
        %dma_start3A_276 = tpu.memref_squeeze %dma_start3A_275 : memref<1x125xi32, #tpu.memory_space<vmem>> -> memref<125xi32, #tpu.memory_space<vmem>>
        %dma_start3A_277 = arith.constant 0 : i32
        %dma_start3A_278 = arith.constant 0 : i32
        %dma_start3A_279 = tpu.memref_slice %arg18[%dma_start3A_277, %dma_start3A_278] : memref<10000x128xf32, #tpu.memory_space<vmem_shared>> -> memref<10000x128xf32, #tpu.memory_space<vmem_shared>>
        tpu.enqueue_indirect_dma source(%arg10 : memref<125x128xf32, #tpu.memory_space<vmem>>) target(%dma_start3A_279 : memref<10000x128xf32, #tpu.memory_space<vmem_shared>>) offsets(%dma_start3A_276 : memref<125xi32, #tpu.memory_space<vmem>>) semaphore(%run_scoped3A : memref<!tpu.dma_semaphore, #tpu.memory_space<semaphore_mem>>) {add = true}
        %dma_wait3A_280 = arith.constant 0 : i32
        %dma_wait3A_281 = tpu.memref_slice %arg9[%mul3A_240, %dma_wait3A_280] : memref<20x125xi32, #tpu.memory_space<vmem>> -> memref<1x125xi32, #tpu.memory_space<vmem>>
        %dma_wait3A_282 = tpu.memref_squeeze %dma_wait3A_281 : memref<1x125xi32, #tpu.memory_space<vmem>> -> memref<125xi32, #tpu.memory_space<vmem>>
        %dma_wait3A_283 = arith.constant 0 : i32
        %dma_wait3A_284 = arith.constant 0 : i32
        %dma_wait3A_285 = tpu.memref_slice %arg18[%dma_wait3A_283, %dma_wait3A_284] : memref<10000x128xf32, #tpu.memory_space<vmem_shared>> -> memref<10000x128xf32, #tpu.memory_space<vmem_shared>>
        tpu.wait_indirect_dma semaphore(%run_scoped3A : memref<!tpu.dma_semaphore, #tpu.memory_space<semaphore_mem>>) src(%arg10 : memref<125x128xf32, #tpu.memory_space<vmem>>) dst(%dma_wait3A_285 : memref<10000x128xf32, #tpu.memory_space<vmem_shared>>)
        tpu.yield
      }) : () -> ()
      "tpu.region"() ({
        %run_scoped3A = tpu.sem_alloc : memref<!tpu.dma_semaphore, #tpu.memory_space<semaphore_mem>>
        %dma_start3A_274 = arith.constant 0 : i32
        %dma_start3A_275 = tpu.memref_slice %arg12[%dma_start3A_274] : memref<128xf32, #tpu.memory_space<vmem>> -> memref<125xf32, #tpu.memory_space<vmem>>
        %dma_start3A_276 = arith.constant 0 : i32
        %dma_start3A_277 = tpu.memref_slice %arg9[%mul3A_240, %dma_start3A_276] : memref<20x125xi32, #tpu.memory_space<vmem>> -> memref<1x125xi32, #tpu.memory_space<vmem>>
        %dma_start3A_278 = tpu.memref_squeeze %dma_start3A_277 : memref<1x125xi32, #tpu.memory_space<vmem>> -> memref<125xi32, #tpu.memory_space<vmem>>
        %dma_start3A_279 = arith.constant 0 : i32
        %dma_start3A_280 = tpu.memref_slice %arg19[%dma_start3A_279] : memref<10240xf32, #tpu.memory_space<vmem_shared>> -> memref<10240xf32, #tpu.memory_space<vmem_shared>>
        tpu.enqueue_indirect_dma source(%dma_start3A_275 : memref<125xf32, #tpu.memory_space<vmem>>) target(%dma_start3A_280 : memref<10240xf32, #tpu.memory_space<vmem_shared>>) offsets(%dma_start3A_278 : memref<125xi32, #tpu.memory_space<vmem>>) semaphore(%run_scoped3A : memref<!tpu.dma_semaphore, #tpu.memory_space<semaphore_mem>>) {add = true}
        %dma_wait3A_281 = arith.constant 0 : i32
        %dma_wait3A_282 = tpu.memref_slice %arg12[%dma_wait3A_281] : memref<128xf32, #tpu.memory_space<vmem>> -> memref<125xf32, #tpu.memory_space<vmem>>
        %dma_wait3A_283 = arith.constant 0 : i32
        %dma_wait3A_284 = tpu.memref_slice %arg9[%mul3A_240, %dma_wait3A_283] : memref<20x125xi32, #tpu.memory_space<vmem>> -> memref<1x125xi32, #tpu.memory_space<vmem>>
        %dma_wait3A_285 = tpu.memref_squeeze %dma_wait3A_284 : memref<1x125xi32, #tpu.memory_space<vmem>> -> memref<125xi32, #tpu.memory_space<vmem>>
        %dma_wait3A_286 = arith.constant 0 : i32
        %dma_wait3A_287 = tpu.memref_slice %arg19[%dma_wait3A_286] : memref<10240xf32, #tpu.memory_space<vmem_shared>> -> memref<10240xf32, #tpu.memory_space<vmem_shared>>
        tpu.wait_indirect_dma semaphore(%run_scoped3A : memref<!tpu.dma_semaphore, #tpu.memory_space<semaphore_mem>>) src(%dma_wait3A_282 : memref<125xf32, #tpu.memory_space<vmem>>) dst(%dma_wait3A_287 : memref<10240xf32, #tpu.memory_space<vmem_shared>>)
        tpu.yield
      }) : () -> ()
      %add3A_255 = arith.constant 2 : i32
      %add3A_256 = arith.addi %mul3A_240, %add3A_255 : i32
      %lt3A = arith.constant 20 : i32
      %lt3A_257 = arith.cmpi slt, %add3A_256, %lt3A : i32
      %convert_element_type3A_258 = arith.extui %lt3A_257 : i1 to i32
      %cond3A_259 = arith.constant 0 : i32
      %cond3A_260 = arith.cmpi ne, %convert_element_type3A_258, %cond3A_259 : i32
      scf.if %cond3A_260 {
        %add3A_274 = arith.constant 2 : i32
        %add3A_275 = arith.addi %mul3A_240, %add3A_274 : i32
        %dma_start3A_276 = arith.constant 0 : i32
        %dma_start3A_277 = tpu.memref_slice %arg8[%add3A_275, %dma_start3A_276] : memref<20x125xi32, #tpu.memory_space<vmem>> -> memref<1x125xi32, #tpu.memory_space<vmem>>
        %dma_start3A_278 = tpu.memref_squeeze %dma_start3A_277 : memref<1x125xi32, #tpu.memory_space<vmem>> -> memref<125xi32, #tpu.memory_space<vmem>>
        %dma_start3A_279 = arith.constant 0 : i32
        %dma_start3A_280 = arith.constant 0 : i32
        %dma_start3A_281 = tpu.memref_slice %arg2[%dma_start3A_279, %dma_start3A_280] : memref<10000x128xf32, #tpu.memory_space<hbm>> -> memref<10000x128xf32, #tpu.memory_space<hbm>>
        tpu.enqueue_indirect_dma source(%dma_start3A_281 : memref<10000x128xf32, #tpu.memory_space<hbm>>) target(%arg10 : memref<125x128xf32, #tpu.memory_space<vmem>>) offsets(%dma_start3A_278 : memref<125xi32, #tpu.memory_space<vmem>>) semaphore(%arg14 : memref<!tpu.dma_semaphore, #tpu.memory_space<semaphore_mem>>)
      } else {
      }
      %add3A_261 = arith.constant 2 : i32
      %add3A_262 = arith.addi %mul3A_240, %add3A_261 : i32
      %ge3A = arith.constant 20 : i32
      %ge3A_263 = arith.cmpi sge, %add3A_262, %ge3A : i32
      %convert_element_type3A_264 = arith.extui %ge3A_263 : i1 to i32
      %cond3A_265 = arith.constant 0 : i32
      %cond3A_266 = arith.cmpi ne, %convert_element_type3A_264, %cond3A_265 : i32
      scf.if %cond3A_266 {
        %dma_start3A_274 = arith.constant 0 : i32
        %dma_start3A_275 = arith.constant 0 : i32
        %dma_start3A_276 = tpu.memref_slice %arg6[%dma_start3A_274, %dma_start3A_275] : memref<20x125xi32, #tpu.memory_space<vmem>> -> memref<1x125xi32, #tpu.memory_space<vmem>>
        %dma_start3A_277 = tpu.memref_squeeze %dma_start3A_276 : memref<1x125xi32, #tpu.memory_space<vmem>> -> memref<125xi32, #tpu.memory_space<vmem>>
        %dma_start3A_278 = arith.constant 0 : i32
        %dma_start3A_279 = arith.constant 0 : i32
        %dma_start3A_280 = tpu.memref_slice %arg2[%dma_start3A_278, %dma_start3A_279] : memref<10000x128xf32, #tpu.memory_space<hbm>> -> memref<10000x128xf32, #tpu.memory_space<hbm>>
        tpu.enqueue_indirect_dma source(%dma_start3A_280 : memref<10000x128xf32, #tpu.memory_space<hbm>>) target(%arg10 : memref<125x128xf32, #tpu.memory_space<vmem>>) offsets(%dma_start3A_277 : memref<125xi32, #tpu.memory_space<vmem>>) semaphore(%arg14 : memref<!tpu.dma_semaphore, #tpu.memory_space<semaphore_mem>>)
      } else {
      }
      %dma_wait3A_267 = arith.constant 0 : i32
      %dma_wait3A_268 = tpu.memref_slice %arg8[%add3A_242, %dma_wait3A_267] : memref<20x125xi32, #tpu.memory_space<vmem>> -> memref<1x125xi32, #tpu.memory_space<vmem>>
      %dma_wait3A_269 = tpu.memref_squeeze %dma_wait3A_268 : memref<1x125xi32, #tpu.memory_space<vmem>> -> memref<125xi32, #tpu.memory_space<vmem>>
      %dma_wait3A_270 = arith.constant 0 : i32
      %dma_wait3A_271 = arith.constant 0 : i32
      %dma_wait3A_272 = tpu.memref_slice %arg2[%dma_wait3A_270, %dma_wait3A_271] : memref<10000x128xf32, #tpu.memory_space<hbm>> -> memref<10000x128xf32, #tpu.memory_space<hbm>>
      tpu.wait_indirect_dma semaphore(%arg15 : memref<!tpu.dma_semaphore, #tpu.memory_space<semaphore_mem>>) src(%dma_wait3A_272 : memref<10000x128xf32, #tpu.memory_space<hbm>>) dst(%arg11 : memref<125x128xf32, #tpu.memory_space<vmem>>)
      "tpu.region"() ({
        %run_scoped3A = tpu.sem_alloc : memref<!tpu.dma_semaphore, #tpu.memory_space<semaphore_mem>>
        %dma_start3A_274 = arith.constant 0 : i32
        %dma_start3A_275 = tpu.memref_slice %arg9[%add3A_242, %dma_start3A_274] : memref<20x125xi32, #tpu.memory_space<vmem>> -> memref<1x125xi32, #tpu.memory_space<vmem>>
        %dma_start3A_276 = tpu.memref_squeeze %dma_start3A_275 : memref<1x125xi32, #tpu.memory_space<vmem>> -> memref<125xi32, #tpu.memory_space<vmem>>
        %dma_start3A_277 = arith.constant 0 : i32
        %dma_start3A_278 = arith.constant 0 : i32
        %dma_start3A_279 = tpu.memref_slice %arg18[%dma_start3A_277, %dma_start3A_278] : memref<10000x128xf32, #tpu.memory_space<vmem_shared>> -> memref<10000x128xf32, #tpu.memory_space<vmem_shared>>
        tpu.enqueue_indirect_dma source(%arg11 : memref<125x128xf32, #tpu.memory_space<vmem>>) target(%dma_start3A_279 : memref<10000x128xf32, #tpu.memory_space<vmem_shared>>) offsets(%dma_start3A_276 : memref<125xi32, #tpu.memory_space<vmem>>) semaphore(%run_scoped3A : memref<!tpu.dma_semaphore, #tpu.memory_space<semaphore_mem>>) {add = true}
        %dma_wait3A_280 = arith.constant 0 : i32
        %dma_wait3A_281 = tpu.memref_slice %arg9[%add3A_242, %dma_wait3A_280] : memref<20x125xi32, #tpu.memory_space<vmem>> -> memref<1x125xi32, #tpu.memory_space<vmem>>
        %dma_wait3A_282 = tpu.memref_squeeze %dma_wait3A_281 : memref<1x125xi32, #tpu.memory_space<vmem>> -> memref<125xi32, #tpu.memory_space<vmem>>
        %dma_wait3A_283 = arith.constant 0 : i32
        %dma_wait3A_284 = arith.constant 0 : i32
        %dma_wait3A_285 = tpu.memref_slice %arg18[%dma_wait3A_283, %dma_wait3A_284] : memref<10000x128xf32, #tpu.memory_space<vmem_shared>> -> memref<10000x128xf32, #tpu.memory_space<vmem_shared>>
        tpu.wait_indirect_dma semaphore(%run_scoped3A : memref<!tpu.dma_semaphore, #tpu.memory_space<semaphore_mem>>) src(%arg11 : memref<125x128xf32, #tpu.memory_space<vmem>>) dst(%dma_wait3A_285 : memref<10000x128xf32, #tpu.memory_space<vmem_shared>>)
        tpu.yield
      }) : () -> ()
      "tpu.region"() ({
        %run_scoped3A = tpu.sem_alloc : memref<!tpu.dma_semaphore, #tpu.memory_space<semaphore_mem>>
        %dma_start3A_274 = arith.constant 0 : i32
        %dma_start3A_275 = tpu.memref_slice %arg12[%dma_start3A_274] : memref<128xf32, #tpu.memory_space<vmem>> -> memref<125xf32, #tpu.memory_space<vmem>>
        %dma_start3A_276 = arith.constant 0 : i32
        %dma_start3A_277 = tpu.memref_slice %arg9[%add3A_242, %dma_start3A_276] : memref<20x125xi32, #tpu.memory_space<vmem>> -> memref<1x125xi32, #tpu.memory_space<vmem>>
        %dma_start3A_278 = tpu.memref_squeeze %dma_start3A_277 : memref<1x125xi32, #tpu.memory_space<vmem>> -> memref<125xi32, #tpu.memory_space<vmem>>
        %dma_start3A_279 = arith.constant 0 : i32
        %dma_start3A_280 = tpu.memref_slice %arg19[%dma_start3A_279] : memref<10240xf32, #tpu.memory_space<vmem_shared>> -> memref<10240xf32, #tpu.memory_space<vmem_shared>>
        tpu.enqueue_indirect_dma source(%dma_start3A_275 : memref<125xf32, #tpu.memory_space<vmem>>) target(%dma_start3A_280 : memref<10240xf32, #tpu.memory_space<vmem_shared>>) offsets(%dma_start3A_278 : memref<125xi32, #tpu.memory_space<vmem>>) semaphore(%run_scoped3A : memref<!tpu.dma_semaphore, #tpu.memory_space<semaphore_mem>>) {add = true}
        %dma_wait3A_281 = arith.constant 0 : i32
        %dma_wait3A_282 = tpu.memref_slice %arg12[%dma_wait3A_281] : memref<128xf32, #tpu.memory_space<vmem>> -> memref<125xf32, #tpu.memory_space<vmem>>
        %dma_wait3A_283 = arith.constant 0 : i32
        %dma_wait3A_284 = tpu.memref_slice %arg9[%add3A_242, %dma_wait3A_283] : memref<20x125xi32, #tpu.memory_space<vmem>> -> memref<1x125xi32, #tpu.memory_space<vmem>>
        %dma_wait3A_285 = tpu.memref_squeeze %dma_wait3A_284 : memref<1x125xi32, #tpu.memory_space<vmem>> -> memref<125xi32, #tpu.memory_space<vmem>>
        %dma_wait3A_286 = arith.constant 0 : i32
        %dma_wait3A_287 = tpu.memref_slice %arg19[%dma_wait3A_286] : memref<10240xf32, #tpu.memory_space<vmem_shared>> -> memref<10240xf32, #tpu.memory_space<vmem_shared>>
        tpu.wait_indirect_dma semaphore(%run_scoped3A : memref<!tpu.dma_semaphore, #tpu.memory_space<semaphore_mem>>) src(%dma_wait3A_282 : memref<125xf32, #tpu.memory_space<vmem>>) dst(%dma_wait3A_287 : memref<10240xf32, #tpu.memory_space<vmem_shared>>)
        tpu.yield
      }) : () -> ()
      %scan3A_273 = arith.constant 0 : i32
      scf.yield %scan3A_273 : i32
    }
    %scan3A_173 = arith.constant 10 : i32
    %dma_start3A_174 = arith.constant 0 : i32
    %dma_start3A_175 = arith.constant 3 : i32
    %dma_start3A_176 = arith.constant 0 : i32
    %dma_start3A_177 = arith.constant 0 : i32
    %dma_start3A_178 = tpu.memref_slice %arg3[%dma_start3A_174, %add3A, %dma_start3A_175, %dma_start3A_176, %dma_start3A_177] : memref<2x32x4x20x125xi32, #tpu.memory_space<hbm>> -> memref<1x1x1x20x125xi32, #tpu.memory_space<hbm>>
    %dma_start3A_179 = tpu.memref_squeeze %dma_start3A_178 : memref<1x1x1x20x125xi32, #tpu.memory_space<hbm>> -> memref<20x125xi32, #tpu.memory_space<hbm>>
    %dma_start3A_180 = arith.constant 0 : i32
    %dma_start3A_181 = arith.constant 0 : i32
    %dma_start3A_182 = tpu.memref_slice %arg3[%dma_start3A_174, %add3A, %dma_start3A_175, %dma_start3A_180, %dma_start3A_181] : memref<2x32x4x20x125xi32, #tpu.memory_space<hbm>> -> memref<1x1x1x20x125xi32, #tpu.memory_space<hbm>>
    %dma_start3A_183 = tpu.memref_squeeze %dma_start3A_182 : memref<1x1x1x20x125xi32, #tpu.memory_space<hbm>> -> memref<20x125xi32, #tpu.memory_space<hbm>>
    tpu.enqueue_dma source(%dma_start3A_183 : memref<20x125xi32, #tpu.memory_space<hbm>>) target(%arg8 : memref<20x125xi32, #tpu.memory_space<vmem>>) target_semaphore(%arg17 : memref<!tpu.dma_semaphore, #tpu.memory_space<semaphore_mem>>)
    %dma_start3A_184 = arith.constant 1 : i32
    %dma_start3A_185 = arith.constant 3 : i32
    %dma_start3A_186 = arith.constant 0 : i32
    %dma_start3A_187 = arith.constant 0 : i32
    %dma_start3A_188 = tpu.memref_slice %arg3[%dma_start3A_184, %add3A, %dma_start3A_185, %dma_start3A_186, %dma_start3A_187] : memref<2x32x4x20x125xi32, #tpu.memory_space<hbm>> -> memref<1x1x1x20x125xi32, #tpu.memory_space<hbm>>
    %dma_start3A_189 = tpu.memref_squeeze %dma_start3A_188 : memref<1x1x1x20x125xi32, #tpu.memory_space<hbm>> -> memref<20x125xi32, #tpu.memory_space<hbm>>
    %dma_start3A_190 = arith.constant 0 : i32
    %dma_start3A_191 = arith.constant 0 : i32
    %dma_start3A_192 = tpu.memref_slice %arg3[%dma_start3A_184, %add3A, %dma_start3A_185, %dma_start3A_190, %dma_start3A_191] : memref<2x32x4x20x125xi32, #tpu.memory_space<hbm>> -> memref<1x1x1x20x125xi32, #tpu.memory_space<hbm>>
    %dma_start3A_193 = tpu.memref_squeeze %dma_start3A_192 : memref<1x1x1x20x125xi32, #tpu.memory_space<hbm>> -> memref<20x125xi32, #tpu.memory_space<hbm>>
    tpu.enqueue_dma source(%dma_start3A_193 : memref<20x125xi32, #tpu.memory_space<hbm>>) target(%arg9 : memref<20x125xi32, #tpu.memory_space<vmem>>) target_semaphore(%arg17 : memref<!tpu.dma_semaphore, #tpu.memory_space<semaphore_mem>>)
    %dma_wait3A_194 = arith.constant 0 : i32
    %dma_wait3A_195 = arith.constant 3 : i32
    %dma_wait3A_196 = arith.constant 0 : i32
    %dma_wait3A_197 = arith.constant 0 : i32
    %dma_wait3A_198 = tpu.memref_slice %arg3[%dma_wait3A_194, %add3A, %dma_wait3A_195, %dma_wait3A_196, %dma_wait3A_197] : memref<2x32x4x20x125xi32, #tpu.memory_space<hbm>> -> memref<1x1x1x20x125xi32, #tpu.memory_space<hbm>>
    %dma_wait3A_199 = tpu.memref_squeeze %dma_wait3A_198 : memref<1x1x1x20x125xi32, #tpu.memory_space<hbm>> -> memref<20x125xi32, #tpu.memory_space<hbm>>
    %dma_wait3A_200 = arith.constant 0 : i32
    %dma_wait3A_201 = arith.constant 0 : i32
    %dma_wait3A_202 = tpu.memref_slice %arg3[%dma_wait3A_194, %add3A, %dma_wait3A_195, %dma_wait3A_200, %dma_wait3A_201] : memref<2x32x4x20x125xi32, #tpu.memory_space<hbm>> -> memref<1x1x1x20x125xi32, #tpu.memory_space<hbm>>
    %dma_wait3A_203 = tpu.memref_squeeze %dma_wait3A_202 : memref<1x1x1x20x125xi32, #tpu.memory_space<hbm>> -> memref<20x125xi32, #tpu.memory_space<hbm>>
    tpu.wait_dma2 semaphore(%arg17 : memref<!tpu.dma_semaphore, #tpu.memory_space<semaphore_mem>>) src(%dma_wait3A_203 : memref<20x125xi32, #tpu.memory_space<hbm>>) dst(%arg8 : memref<20x125xi32, #tpu.memory_space<vmem>>)
    %dma_wait3A_204 = arith.constant 1 : i32
    %dma_wait3A_205 = arith.constant 3 : i32
    %dma_wait3A_206 = arith.constant 0 : i32
    %dma_wait3A_207 = arith.constant 0 : i32
    %dma_wait3A_208 = tpu.memref_slice %arg3[%dma_wait3A_204, %add3A, %dma_wait3A_205, %dma_wait3A_206, %dma_wait3A_207] : memref<2x32x4x20x125xi32, #tpu.memory_space<hbm>> -> memref<1x1x1x20x125xi32, #tpu.memory_space<hbm>>
    %dma_wait3A_209 = tpu.memref_squeeze %dma_wait3A_208 : memref<1x1x1x20x125xi32, #tpu.memory_space<hbm>> -> memref<20x125xi32, #tpu.memory_space<hbm>>
    %dma_wait3A_210 = arith.constant 0 : i32
    %dma_wait3A_211 = arith.constant 0 : i32
    %dma_wait3A_212 = tpu.memref_slice %arg3[%dma_wait3A_204, %add3A, %dma_wait3A_205, %dma_wait3A_210, %dma_wait3A_211] : memref<2x32x4x20x125xi32, #tpu.memory_space<hbm>> -> memref<1x1x1x20x125xi32, #tpu.memory_space<hbm>>
    %dma_wait3A_213 = tpu.memref_squeeze %dma_wait3A_212 : memref<1x1x1x20x125xi32, #tpu.memory_space<hbm>> -> memref<20x125xi32, #tpu.memory_space<hbm>>
    tpu.wait_dma2 semaphore(%arg17 : memref<!tpu.dma_semaphore, #tpu.memory_space<semaphore_mem>>) src(%dma_wait3A_213 : memref<20x125xi32, #tpu.memory_space<hbm>>) dst(%arg9 : memref<20x125xi32, #tpu.memory_space<vmem>>)
    %scan3A_214 = arith.constant 0 : i32
    %scan3A_215 = arith.constant 0 : i32
    %scan3A_216 = arith.constant 10 : i32
    %scan3A_217 = arith.addi %scan3A_215, %scan3A_216 : i32
    %scan3A_218 = arith.constant 1 : i32
    %scan3A_219 = scf.for %scan3A_237 = %scan3A_215 to %scan3A_217 step %scan3A_218 iter_args(%scan3A_238 = %scan3A_214) -> (i32)  : i32 {
      %mul3A_239 = arith.constant 2 : i32
      %mul3A_240 = arith.muli %mul3A_239, %scan3A_237 : i32
      %add3A_241 = arith.constant 1 : i32
      %add3A_242 = arith.addi %mul3A_240, %add3A_241 : i32
      %dma_start3A_243 = arith.constant 0 : i32
      %dma_start3A_244 = tpu.memref_slice %arg6[%add3A_242, %dma_start3A_243] : memref<20x125xi32, #tpu.memory_space<vmem>> -> memref<1x125xi32, #tpu.memory_space<vmem>>
      %dma_start3A_245 = tpu.memref_squeeze %dma_start3A_244 : memref<1x125xi32, #tpu.memory_space<vmem>> -> memref<125xi32, #tpu.memory_space<vmem>>
      %dma_start3A_246 = arith.constant 0 : i32
      %dma_start3A_247 = arith.constant 0 : i32
      %dma_start3A_248 = tpu.memref_slice %arg2[%dma_start3A_246, %dma_start3A_247] : memref<10000x128xf32, #tpu.memory_space<hbm>> -> memref<10000x128xf32, #tpu.memory_space<hbm>>
      tpu.enqueue_indirect_dma source(%dma_start3A_248 : memref<10000x128xf32, #tpu.memory_space<hbm>>) target(%arg11 : memref<125x128xf32, #tpu.memory_space<vmem>>) offsets(%dma_start3A_245 : memref<125xi32, #tpu.memory_space<vmem>>) semaphore(%arg15 : memref<!tpu.dma_semaphore, #tpu.memory_space<semaphore_mem>>)
      %dma_wait3A_249 = arith.constant 0 : i32
      %dma_wait3A_250 = tpu.memref_slice %arg6[%mul3A_240, %dma_wait3A_249] : memref<20x125xi32, #tpu.memory_space<vmem>> -> memref<1x125xi32, #tpu.memory_space<vmem>>
      %dma_wait3A_251 = tpu.memref_squeeze %dma_wait3A_250 : memref<1x125xi32, #tpu.memory_space<vmem>> -> memref<125xi32, #tpu.memory_space<vmem>>
      %dma_wait3A_252 = arith.constant 0 : i32
      %dma_wait3A_253 = arith.constant 0 : i32
      %dma_wait3A_254 = tpu.memref_slice %arg2[%dma_wait3A_252, %dma_wait3A_253] : memref<10000x128xf32, #tpu.memory_space<hbm>> -> memref<10000x128xf32, #tpu.memory_space<hbm>>
      tpu.wait_indirect_dma semaphore(%arg14 : memref<!tpu.dma_semaphore, #tpu.memory_space<semaphore_mem>>) src(%dma_wait3A_254 : memref<10000x128xf32, #tpu.memory_space<hbm>>) dst(%arg10 : memref<125x128xf32, #tpu.memory_space<vmem>>)
      "tpu.region"() ({
        %run_scoped3A = tpu.sem_alloc : memref<!tpu.dma_semaphore, #tpu.memory_space<semaphore_mem>>
        %dma_start3A_274 = arith.constant 0 : i32
        %dma_start3A_275 = tpu.memref_slice %arg7[%mul3A_240, %dma_start3A_274] : memref<20x125xi32, #tpu.memory_space<vmem>> -> memref<1x125xi32, #tpu.memory_space<vmem>>
        %dma_start3A_276 = tpu.memref_squeeze %dma_start3A_275 : memref<1x125xi32, #tpu.memory_space<vmem>> -> memref<125xi32, #tpu.memory_space<vmem>>
        %dma_start3A_277 = arith.constant 0 : i32
        %dma_start3A_278 = arith.constant 0 : i32
        %dma_start3A_279 = tpu.memref_slice %arg18[%dma_start3A_277, %dma_start3A_278] : memref<10000x128xf32, #tpu.memory_space<vmem_shared>> -> memref<10000x128xf32, #tpu.memory_space<vmem_shared>>
        tpu.enqueue_indirect_dma source(%arg10 : memref<125x128xf32, #tpu.memory_space<vmem>>) target(%dma_start3A_279 : memref<10000x128xf32, #tpu.memory_space<vmem_shared>>) offsets(%dma_start3A_276 : memref<125xi32, #tpu.memory_space<vmem>>) semaphore(%run_scoped3A : memref<!tpu.dma_semaphore, #tpu.memory_space<semaphore_mem>>) {add = true}
        %dma_wait3A_280 = arith.constant 0 : i32
        %dma_wait3A_281 = tpu.memref_slice %arg7[%mul3A_240, %dma_wait3A_280] : memref<20x125xi32, #tpu.memory_space<vmem>> -> memref<1x125xi32, #tpu.memory_space<vmem>>
        %dma_wait3A_282 = tpu.memref_squeeze %dma_wait3A_281 : memref<1x125xi32, #tpu.memory_space<vmem>> -> memref<125xi32, #tpu.memory_space<vmem>>
        %dma_wait3A_283 = arith.constant 0 : i32
        %dma_wait3A_284 = arith.constant 0 : i32
        %dma_wait3A_285 = tpu.memref_slice %arg18[%dma_wait3A_283, %dma_wait3A_284] : memref<10000x128xf32, #tpu.memory_space<vmem_shared>> -> memref<10000x128xf32, #tpu.memory_space<vmem_shared>>
        tpu.wait_indirect_dma semaphore(%run_scoped3A : memref<!tpu.dma_semaphore, #tpu.memory_space<semaphore_mem>>) src(%arg10 : memref<125x128xf32, #tpu.memory_space<vmem>>) dst(%dma_wait3A_285 : memref<10000x128xf32, #tpu.memory_space<vmem_shared>>)
        tpu.yield
      }) : () -> ()
      "tpu.region"() ({
        %run_scoped3A = tpu.sem_alloc : memref<!tpu.dma_semaphore, #tpu.memory_space<semaphore_mem>>
        %dma_start3A_274 = arith.constant 0 : i32
        %dma_start3A_275 = tpu.memref_slice %arg12[%dma_start3A_274] : memref<128xf32, #tpu.memory_space<vmem>> -> memref<125xf32, #tpu.memory_space<vmem>>
        %dma_start3A_276 = arith.constant 0 : i32
        %dma_start3A_277 = tpu.memref_slice %arg7[%mul3A_240, %dma_start3A_276] : memref<20x125xi32, #tpu.memory_space<vmem>> -> memref<1x125xi32, #tpu.memory_space<vmem>>
        %dma_start3A_278 = tpu.memref_squeeze %dma_start3A_277 : memref<1x125xi32, #tpu.memory_space<vmem>> -> memref<125xi32, #tpu.memory_space<vmem>>
        %dma_start3A_279 = arith.constant 0 : i32
        %dma_start3A_280 = tpu.memref_slice %arg19[%dma_start3A_279] : memref<10240xf32, #tpu.memory_space<vmem_shared>> -> memref<10240xf32, #tpu.memory_space<vmem_shared>>
        tpu.enqueue_indirect_dma source(%dma_start3A_275 : memref<125xf32, #tpu.memory_space<vmem>>) target(%dma_start3A_280 : memref<10240xf32, #tpu.memory_space<vmem_shared>>) offsets(%dma_start3A_278 : memref<125xi32, #tpu.memory_space<vmem>>) semaphore(%run_scoped3A : memref<!tpu.dma_semaphore, #tpu.memory_space<semaphore_mem>>) {add = true}
        %dma_wait3A_281 = arith.constant 0 : i32
        %dma_wait3A_282 = tpu.memref_slice %arg12[%dma_wait3A_281] : memref<128xf32, #tpu.memory_space<vmem>> -> memref<125xf32, #tpu.memory_space<vmem>>
        %dma_wait3A_283 = arith.constant 0 : i32
        %dma_wait3A_284 = tpu.memref_slice %arg7[%mul3A_240, %dma_wait3A_283] : memref<20x125xi32, #tpu.memory_space<vmem>> -> memref<1x125xi32, #tpu.memory_space<vmem>>
        %dma_wait3A_285 = tpu.memref_squeeze %dma_wait3A_284 : memref<1x125xi32, #tpu.memory_space<vmem>> -> memref<125xi32, #tpu.memory_space<vmem>>
        %dma_wait3A_286 = arith.constant 0 : i32
        %dma_wait3A_287 = tpu.memref_slice %arg19[%dma_wait3A_286] : memref<10240xf32, #tpu.memory_space<vmem_shared>> -> memref<10240xf32, #tpu.memory_space<vmem_shared>>
        tpu.wait_indirect_dma semaphore(%run_scoped3A : memref<!tpu.dma_semaphore, #tpu.memory_space<semaphore_mem>>) src(%dma_wait3A_282 : memref<125xf32, #tpu.memory_space<vmem>>) dst(%dma_wait3A_287 : memref<10240xf32, #tpu.memory_space<vmem_shared>>)
        tpu.yield
      }) : () -> ()
      %add3A_255 = arith.constant 2 : i32
      %add3A_256 = arith.addi %mul3A_240, %add3A_255 : i32
      %lt3A = arith.constant 20 : i32
      %lt3A_257 = arith.cmpi slt, %add3A_256, %lt3A : i32
      %convert_element_type3A_258 = arith.extui %lt3A_257 : i1 to i32
      %cond3A_259 = arith.constant 0 : i32
      %cond3A_260 = arith.cmpi ne, %convert_element_type3A_258, %cond3A_259 : i32
      scf.if %cond3A_260 {
        %add3A_274 = arith.constant 2 : i32
        %add3A_275 = arith.addi %mul3A_240, %add3A_274 : i32
        %dma_start3A_276 = arith.constant 0 : i32
        %dma_start3A_277 = tpu.memref_slice %arg6[%add3A_275, %dma_start3A_276] : memref<20x125xi32, #tpu.memory_space<vmem>> -> memref<1x125xi32, #tpu.memory_space<vmem>>
        %dma_start3A_278 = tpu.memref_squeeze %dma_start3A_277 : memref<1x125xi32, #tpu.memory_space<vmem>> -> memref<125xi32, #tpu.memory_space<vmem>>
        %dma_start3A_279 = arith.constant 0 : i32
        %dma_start3A_280 = arith.constant 0 : i32
        %dma_start3A_281 = tpu.memref_slice %arg2[%dma_start3A_279, %dma_start3A_280] : memref<10000x128xf32, #tpu.memory_space<hbm>> -> memref<10000x128xf32, #tpu.memory_space<hbm>>
        tpu.enqueue_indirect_dma source(%dma_start3A_281 : memref<10000x128xf32, #tpu.memory_space<hbm>>) target(%arg10 : memref<125x128xf32, #tpu.memory_space<vmem>>) offsets(%dma_start3A_278 : memref<125xi32, #tpu.memory_space<vmem>>) semaphore(%arg14 : memref<!tpu.dma_semaphore, #tpu.memory_space<semaphore_mem>>)
      } else {
      }
      %add3A_261 = arith.constant 2 : i32
      %add3A_262 = arith.addi %mul3A_240, %add3A_261 : i32
      %ge3A = arith.constant 20 : i32
      %ge3A_263 = arith.cmpi sge, %add3A_262, %ge3A : i32
      %convert_element_type3A_264 = arith.extui %ge3A_263 : i1 to i32
      %cond3A_265 = arith.constant 0 : i32
      %cond3A_266 = arith.cmpi ne, %convert_element_type3A_264, %cond3A_265 : i32
      scf.if %cond3A_266 {
        %dma_start3A_274 = arith.constant 0 : i32
        %dma_start3A_275 = arith.constant 0 : i32
        %dma_start3A_276 = tpu.memref_slice %arg8[%dma_start3A_274, %dma_start3A_275] : memref<20x125xi32, #tpu.memory_space<vmem>> -> memref<1x125xi32, #tpu.memory_space<vmem>>
        %dma_start3A_277 = tpu.memref_squeeze %dma_start3A_276 : memref<1x125xi32, #tpu.memory_space<vmem>> -> memref<125xi32, #tpu.memory_space<vmem>>
        %dma_start3A_278 = arith.constant 0 : i32
        %dma_start3A_279 = arith.constant 0 : i32
        %dma_start3A_280 = tpu.memref_slice %arg2[%dma_start3A_278, %dma_start3A_279] : memref<10000x128xf32, #tpu.memory_space<hbm>> -> memref<10000x128xf32, #tpu.memory_space<hbm>>
        tpu.enqueue_indirect_dma source(%dma_start3A_280 : memref<10000x128xf32, #tpu.memory_space<hbm>>) target(%arg10 : memref<125x128xf32, #tpu.memory_space<vmem>>) offsets(%dma_start3A_277 : memref<125xi32, #tpu.memory_space<vmem>>) semaphore(%arg14 : memref<!tpu.dma_semaphore, #tpu.memory_space<semaphore_mem>>)
      } else {
      }
      %dma_wait3A_267 = arith.constant 0 : i32
      %dma_wait3A_268 = tpu.memref_slice %arg6[%add3A_242, %dma_wait3A_267] : memref<20x125xi32, #tpu.memory_space<vmem>> -> memref<1x125xi32, #tpu.memory_space<vmem>>
      %dma_wait3A_269 = tpu.memref_squeeze %dma_wait3A_268 : memref<1x125xi32, #tpu.memory_space<vmem>> -> memref<125xi32, #tpu.memory_space<vmem>>
      %dma_wait3A_270 = arith.constant 0 : i32
      %dma_wait3A_271 = arith.constant 0 : i32
      %dma_wait3A_272 = tpu.memref_slice %arg2[%dma_wait3A_270, %dma_wait3A_271] : memref<10000x128xf32, #tpu.memory_space<hbm>> -> memref<10000x128xf32, #tpu.memory_space<hbm>>
      tpu.wait_indirect_dma semaphore(%arg15 : memref<!tpu.dma_semaphore, #tpu.memory_space<semaphore_mem>>) src(%dma_wait3A_272 : memref<10000x128xf32, #tpu.memory_space<hbm>>) dst(%arg11 : memref<125x128xf32, #tpu.memory_space<vmem>>)
      "tpu.region"() ({
        %run_scoped3A = tpu.sem_alloc : memref<!tpu.dma_semaphore, #tpu.memory_space<semaphore_mem>>
        %dma_start3A_274 = arith.constant 0 : i32
        %dma_start3A_275 = tpu.memref_slice %arg7[%add3A_242, %dma_start3A_274] : memref<20x125xi32, #tpu.memory_space<vmem>> -> memref<1x125xi32, #tpu.memory_space<vmem>>
        %dma_start3A_276 = tpu.memref_squeeze %dma_start3A_275 : memref<1x125xi32, #tpu.memory_space<vmem>> -> memref<125xi32, #tpu.memory_space<vmem>>
        %dma_start3A_277 = arith.constant 0 : i32
        %dma_start3A_278 = arith.constant 0 : i32
        %dma_start3A_279 = tpu.memref_slice %arg18[%dma_start3A_277, %dma_start3A_278] : memref<10000x128xf32, #tpu.memory_space<vmem_shared>> -> memref<10000x128xf32, #tpu.memory_space<vmem_shared>>
        tpu.enqueue_indirect_dma source(%arg11 : memref<125x128xf32, #tpu.memory_space<vmem>>) target(%dma_start3A_279 : memref<10000x128xf32, #tpu.memory_space<vmem_shared>>) offsets(%dma_start3A_276 : memref<125xi32, #tpu.memory_space<vmem>>) semaphore(%run_scoped3A : memref<!tpu.dma_semaphore, #tpu.memory_space<semaphore_mem>>) {add = true}
        %dma_wait3A_280 = arith.constant 0 : i32
        %dma_wait3A_281 = tpu.memref_slice %arg7[%add3A_242, %dma_wait3A_280] : memref<20x125xi32, #tpu.memory_space<vmem>> -> memref<1x125xi32, #tpu.memory_space<vmem>>
        %dma_wait3A_282 = tpu.memref_squeeze %dma_wait3A_281 : memref<1x125xi32, #tpu.memory_space<vmem>> -> memref<125xi32, #tpu.memory_space<vmem>>
        %dma_wait3A_283 = arith.constant 0 : i32
        %dma_wait3A_284 = arith.constant 0 : i32
        %dma_wait3A_285 = tpu.memref_slice %arg18[%dma_wait3A_283, %dma_wait3A_284] : memref<10000x128xf32, #tpu.memory_space<vmem_shared>> -> memref<10000x128xf32, #tpu.memory_space<vmem_shared>>
        tpu.wait_indirect_dma semaphore(%run_scoped3A : memref<!tpu.dma_semaphore, #tpu.memory_space<semaphore_mem>>) src(%arg11 : memref<125x128xf32, #tpu.memory_space<vmem>>) dst(%dma_wait3A_285 : memref<10000x128xf32, #tpu.memory_space<vmem_shared>>)
        tpu.yield
      }) : () -> ()
      "tpu.region"() ({
        %run_scoped3A = tpu.sem_alloc : memref<!tpu.dma_semaphore, #tpu.memory_space<semaphore_mem>>
        %dma_start3A_274 = arith.constant 0 : i32
        %dma_start3A_275 = tpu.memref_slice %arg12[%dma_start3A_274] : memref<128xf32, #tpu.memory_space<vmem>> -> memref<125xf32, #tpu.memory_space<vmem>>
        %dma_start3A_276 = arith.constant 0 : i32
        %dma_start3A_277 = tpu.memref_slice %arg7[%add3A_242, %dma_start3A_276] : memref<20x125xi32, #tpu.memory_space<vmem>> -> memref<1x125xi32, #tpu.memory_space<vmem>>
        %dma_start3A_278 = tpu.memref_squeeze %dma_start3A_277 : memref<1x125xi32, #tpu.memory_space<vmem>> -> memref<125xi32, #tpu.memory_space<vmem>>
        %dma_start3A_279 = arith.constant 0 : i32
        %dma_start3A_280 = tpu.memref_slice %arg19[%dma_start3A_279] : memref<10240xf32, #tpu.memory_space<vmem_shared>> -> memref<10240xf32, #tpu.memory_space<vmem_shared>>
        tpu.enqueue_indirect_dma source(%dma_start3A_275 : memref<125xf32, #tpu.memory_space<vmem>>) target(%dma_start3A_280 : memref<10240xf32, #tpu.memory_space<vmem_shared>>) offsets(%dma_start3A_278 : memref<125xi32, #tpu.memory_space<vmem>>) semaphore(%run_scoped3A : memref<!tpu.dma_semaphore, #tpu.memory_space<semaphore_mem>>) {add = true}
        %dma_wait3A_281 = arith.constant 0 : i32
        %dma_wait3A_282 = tpu.memref_slice %arg12[%dma_wait3A_281] : memref<128xf32, #tpu.memory_space<vmem>> -> memref<125xf32, #tpu.memory_space<vmem>>
        %dma_wait3A_283 = arith.constant 0 : i32
        %dma_wait3A_284 = tpu.memref_slice %arg7[%add3A_242, %dma_wait3A_283] : memref<20x125xi32, #tpu.memory_space<vmem>> -> memref<1x125xi32, #tpu.memory_space<vmem>>
        %dma_wait3A_285 = tpu.memref_squeeze %dma_wait3A_284 : memref<1x125xi32, #tpu.memory_space<vmem>> -> memref<125xi32, #tpu.memory_space<vmem>>
        %dma_wait3A_286 = arith.constant 0 : i32
        %dma_wait3A_287 = tpu.memref_slice %arg19[%dma_wait3A_286] : memref<10240xf32, #tpu.memory_space<vmem_shared>> -> memref<10240xf32, #tpu.memory_space<vmem_shared>>
        tpu.wait_indirect_dma semaphore(%run_scoped3A : memref<!tpu.dma_semaphore, #tpu.memory_space<semaphore_mem>>) src(%dma_wait3A_282 : memref<125xf32, #tpu.memory_space<vmem>>) dst(%dma_wait3A_287 : memref<10240xf32, #tpu.memory_space<vmem_shared>>)
        tpu.yield
      }) : () -> ()
      %scan3A_273 = arith.constant 0 : i32
      scf.yield %scan3A_273 : i32
    }
    %scan3A_220 = arith.constant 10 : i32
    %scan3A_221 = arith.constant 0 : i32
    %scan3A_222 = arith.constant 0 : i32
    %scan3A_223 = arith.constant 10 : i32
    %scan3A_224 = arith.addi %scan3A_222, %scan3A_223 : i32
    %scan3A_225 = arith.constant 1 : i32
    %scan3A_226 = scf.for %scan3A_237 = %scan3A_222 to %scan3A_224 step %scan3A_225 iter_args(%scan3A_238 = %scan3A_221) -> (i32)  : i32 {
      %mul3A_239 = arith.constant 2 : i32
      %mul3A_240 = arith.muli %mul3A_239, %scan3A_237 : i32
      %add3A_241 = arith.constant 1 : i32
      %add3A_242 = arith.addi %mul3A_240, %add3A_241 : i32
      %dma_start3A_243 = arith.constant 0 : i32
      %dma_start3A_244 = tpu.memref_slice %arg8[%add3A_242, %dma_start3A_243] : memref<20x125xi32, #tpu.memory_space<vmem>> -> memref<1x125xi32, #tpu.memory_space<vmem>>
      %dma_start3A_245 = tpu.memref_squeeze %dma_start3A_244 : memref<1x125xi32, #tpu.memory_space<vmem>> -> memref<125xi32, #tpu.memory_space<vmem>>
      %dma_start3A_246 = arith.constant 0 : i32
      %dma_start3A_247 = arith.constant 0 : i32
      %dma_start3A_248 = tpu.memref_slice %arg2[%dma_start3A_246, %dma_start3A_247] : memref<10000x128xf32, #tpu.memory_space<hbm>> -> memref<10000x128xf32, #tpu.memory_space<hbm>>
      tpu.enqueue_indirect_dma source(%dma_start3A_248 : memref<10000x128xf32, #tpu.memory_space<hbm>>) target(%arg11 : memref<125x128xf32, #tpu.memory_space<vmem>>) offsets(%dma_start3A_245 : memref<125xi32, #tpu.memory_space<vmem>>) semaphore(%arg15 : memref<!tpu.dma_semaphore, #tpu.memory_space<semaphore_mem>>)
      %dma_wait3A_249 = arith.constant 0 : i32
      %dma_wait3A_250 = tpu.memref_slice %arg8[%mul3A_240, %dma_wait3A_249] : memref<20x125xi32, #tpu.memory_space<vmem>> -> memref<1x125xi32, #tpu.memory_space<vmem>>
      %dma_wait3A_251 = tpu.memref_squeeze %dma_wait3A_250 : memref<1x125xi32, #tpu.memory_space<vmem>> -> memref<125xi32, #tpu.memory_space<vmem>>
      %dma_wait3A_252 = arith.constant 0 : i32
      %dma_wait3A_253 = arith.constant 0 : i32
      %dma_wait3A_254 = tpu.memref_slice %arg2[%dma_wait3A_252, %dma_wait3A_253] : memref<10000x128xf32, #tpu.memory_space<hbm>> -> memref<10000x128xf32, #tpu.memory_space<hbm>>
      tpu.wait_indirect_dma semaphore(%arg14 : memref<!tpu.dma_semaphore, #tpu.memory_space<semaphore_mem>>) src(%dma_wait3A_254 : memref<10000x128xf32, #tpu.memory_space<hbm>>) dst(%arg10 : memref<125x128xf32, #tpu.memory_space<vmem>>)
      "tpu.region"() ({
        %run_scoped3A = tpu.sem_alloc : memref<!tpu.dma_semaphore, #tpu.memory_space<semaphore_mem>>
        %dma_start3A_268 = arith.constant 0 : i32
        %dma_start3A_269 = tpu.memref_slice %arg9[%mul3A_240, %dma_start3A_268] : memref<20x125xi32, #tpu.memory_space<vmem>> -> memref<1x125xi32, #tpu.memory_space<vmem>>
        %dma_start3A_270 = tpu.memref_squeeze %dma_start3A_269 : memref<1x125xi32, #tpu.memory_space<vmem>> -> memref<125xi32, #tpu.memory_space<vmem>>
        %dma_start3A_271 = arith.constant 0 : i32
        %dma_start3A_272 = arith.constant 0 : i32
        %dma_start3A_273 = tpu.memref_slice %arg18[%dma_start3A_271, %dma_start3A_272] : memref<10000x128xf32, #tpu.memory_space<vmem_shared>> -> memref<10000x128xf32, #tpu.memory_space<vmem_shared>>
        tpu.enqueue_indirect_dma source(%arg10 : memref<125x128xf32, #tpu.memory_space<vmem>>) target(%dma_start3A_273 : memref<10000x128xf32, #tpu.memory_space<vmem_shared>>) offsets(%dma_start3A_270 : memref<125xi32, #tpu.memory_space<vmem>>) semaphore(%run_scoped3A : memref<!tpu.dma_semaphore, #tpu.memory_space<semaphore_mem>>) {add = true}
        %dma_wait3A_274 = arith.constant 0 : i32
        %dma_wait3A_275 = tpu.memref_slice %arg9[%mul3A_240, %dma_wait3A_274] : memref<20x125xi32, #tpu.memory_space<vmem>> -> memref<1x125xi32, #tpu.memory_space<vmem>>
        %dma_wait3A_276 = tpu.memref_squeeze %dma_wait3A_275 : memref<1x125xi32, #tpu.memory_space<vmem>> -> memref<125xi32, #tpu.memory_space<vmem>>
        %dma_wait3A_277 = arith.constant 0 : i32
        %dma_wait3A_278 = arith.constant 0 : i32
        %dma_wait3A_279 = tpu.memref_slice %arg18[%dma_wait3A_277, %dma_wait3A_278] : memref<10000x128xf32, #tpu.memory_space<vmem_shared>> -> memref<10000x128xf32, #tpu.memory_space<vmem_shared>>
        tpu.wait_indirect_dma semaphore(%run_scoped3A : memref<!tpu.dma_semaphore, #tpu.memory_space<semaphore_mem>>) src(%arg10 : memref<125x128xf32, #tpu.memory_space<vmem>>) dst(%dma_wait3A_279 : memref<10000x128xf32, #tpu.memory_space<vmem_shared>>)
        tpu.yield
      }) : () -> ()
      "tpu.region"() ({
        %run_scoped3A = tpu.sem_alloc : memref<!tpu.dma_semaphore, #tpu.memory_space<semaphore_mem>>
        %dma_start3A_268 = arith.constant 0 : i32
        %dma_start3A_269 = tpu.memref_slice %arg12[%dma_start3A_268] : memref<128xf32, #tpu.memory_space<vmem>> -> memref<125xf32, #tpu.memory_space<vmem>>
        %dma_start3A_270 = arith.constant 0 : i32
        %dma_start3A_271 = tpu.memref_slice %arg9[%mul3A_240, %dma_start3A_270] : memref<20x125xi32, #tpu.memory_space<vmem>> -> memref<1x125xi32, #tpu.memory_space<vmem>>
        %dma_start3A_272 = tpu.memref_squeeze %dma_start3A_271 : memref<1x125xi32, #tpu.memory_space<vmem>> -> memref<125xi32, #tpu.memory_space<vmem>>
        %dma_start3A_273 = arith.constant 0 : i32
        %dma_start3A_274 = tpu.memref_slice %arg19[%dma_start3A_273] : memref<10240xf32, #tpu.memory_space<vmem_shared>> -> memref<10240xf32, #tpu.memory_space<vmem_shared>>
        tpu.enqueue_indirect_dma source(%dma_start3A_269 : memref<125xf32, #tpu.memory_space<vmem>>) target(%dma_start3A_274 : memref<10240xf32, #tpu.memory_space<vmem_shared>>) offsets(%dma_start3A_272 : memref<125xi32, #tpu.memory_space<vmem>>) semaphore(%run_scoped3A : memref<!tpu.dma_semaphore, #tpu.memory_space<semaphore_mem>>) {add = true}
        %dma_wait3A_275 = arith.constant 0 : i32
        %dma_wait3A_276 = tpu.memref_slice %arg12[%dma_wait3A_275] : memref<128xf32, #tpu.memory_space<vmem>> -> memref<125xf32, #tpu.memory_space<vmem>>
        %dma_wait3A_277 = arith.constant 0 : i32
        %dma_wait3A_278 = tpu.memref_slice %arg9[%mul3A_240, %dma_wait3A_277] : memref<20x125xi32, #tpu.memory_space<vmem>> -> memref<1x125xi32, #tpu.memory_space<vmem>>
        %dma_wait3A_279 = tpu.memref_squeeze %dma_wait3A_278 : memref<1x125xi32, #tpu.memory_space<vmem>> -> memref<125xi32, #tpu.memory_space<vmem>>
        %dma_wait3A_280 = arith.constant 0 : i32
        %dma_wait3A_281 = tpu.memref_slice %arg19[%dma_wait3A_280] : memref<10240xf32, #tpu.memory_space<vmem_shared>> -> memref<10240xf32, #tpu.memory_space<vmem_shared>>
        tpu.wait_indirect_dma semaphore(%run_scoped3A : memref<!tpu.dma_semaphore, #tpu.memory_space<semaphore_mem>>) src(%dma_wait3A_276 : memref<125xf32, #tpu.memory_space<vmem>>) dst(%dma_wait3A_281 : memref<10240xf32, #tpu.memory_space<vmem_shared>>)
        tpu.yield
      }) : () -> ()
      %add3A_255 = arith.constant 2 : i32
      %add3A_256 = arith.addi %mul3A_240, %add3A_255 : i32
      %lt3A = arith.constant 20 : i32
      %lt3A_257 = arith.cmpi slt, %add3A_256, %lt3A : i32
      %convert_element_type3A_258 = arith.extui %lt3A_257 : i1 to i32
      %cond3A_259 = arith.constant 0 : i32
      %cond3A_260 = arith.cmpi ne, %convert_element_type3A_258, %cond3A_259 : i32
      scf.if %cond3A_260 {
        %add3A_268 = arith.constant 2 : i32
        %add3A_269 = arith.addi %mul3A_240, %add3A_268 : i32
        %dma_start3A_270 = arith.constant 0 : i32
        %dma_start3A_271 = tpu.memref_slice %arg8[%add3A_269, %dma_start3A_270] : memref<20x125xi32, #tpu.memory_space<vmem>> -> memref<1x125xi32, #tpu.memory_space<vmem>>
        %dma_start3A_272 = tpu.memref_squeeze %dma_start3A_271 : memref<1x125xi32, #tpu.memory_space<vmem>> -> memref<125xi32, #tpu.memory_space<vmem>>
        %dma_start3A_273 = arith.constant 0 : i32
        %dma_start3A_274 = arith.constant 0 : i32
        %dma_start3A_275 = tpu.memref_slice %arg2[%dma_start3A_273, %dma_start3A_274] : memref<10000x128xf32, #tpu.memory_space<hbm>> -> memref<10000x128xf32, #tpu.memory_space<hbm>>
        tpu.enqueue_indirect_dma source(%dma_start3A_275 : memref<10000x128xf32, #tpu.memory_space<hbm>>) target(%arg10 : memref<125x128xf32, #tpu.memory_space<vmem>>) offsets(%dma_start3A_272 : memref<125xi32, #tpu.memory_space<vmem>>) semaphore(%arg14 : memref<!tpu.dma_semaphore, #tpu.memory_space<semaphore_mem>>)
      } else {
      }
      %dma_wait3A_261 = arith.constant 0 : i32
      %dma_wait3A_262 = tpu.memref_slice %arg8[%add3A_242, %dma_wait3A_261] : memref<20x125xi32, #tpu.memory_space<vmem>> -> memref<1x125xi32, #tpu.memory_space<vmem>>
      %dma_wait3A_263 = tpu.memref_squeeze %dma_wait3A_262 : memref<1x125xi32, #tpu.memory_space<vmem>> -> memref<125xi32, #tpu.memory_space<vmem>>
      %dma_wait3A_264 = arith.constant 0 : i32
      %dma_wait3A_265 = arith.constant 0 : i32
      %dma_wait3A_266 = tpu.memref_slice %arg2[%dma_wait3A_264, %dma_wait3A_265] : memref<10000x128xf32, #tpu.memory_space<hbm>> -> memref<10000x128xf32, #tpu.memory_space<hbm>>
      tpu.wait_indirect_dma semaphore(%arg15 : memref<!tpu.dma_semaphore, #tpu.memory_space<semaphore_mem>>) src(%dma_wait3A_266 : memref<10000x128xf32, #tpu.memory_space<hbm>>) dst(%arg11 : memref<125x128xf32, #tpu.memory_space<vmem>>)
      "tpu.region"() ({
        %run_scoped3A = tpu.sem_alloc : memref<!tpu.dma_semaphore, #tpu.memory_space<semaphore_mem>>
        %dma_start3A_268 = arith.constant 0 : i32
        %dma_start3A_269 = tpu.memref_slice %arg9[%add3A_242, %dma_start3A_268] : memref<20x125xi32, #tpu.memory_space<vmem>> -> memref<1x125xi32, #tpu.memory_space<vmem>>
        %dma_start3A_270 = tpu.memref_squeeze %dma_start3A_269 : memref<1x125xi32, #tpu.memory_space<vmem>> -> memref<125xi32, #tpu.memory_space<vmem>>
        %dma_start3A_271 = arith.constant 0 : i32
        %dma_start3A_272 = arith.constant 0 : i32
        %dma_start3A_273 = tpu.memref_slice %arg18[%dma_start3A_271, %dma_start3A_272] : memref<10000x128xf32, #tpu.memory_space<vmem_shared>> -> memref<10000x128xf32, #tpu.memory_space<vmem_shared>>
        tpu.enqueue_indirect_dma source(%arg11 : memref<125x128xf32, #tpu.memory_space<vmem>>) target(%dma_start3A_273 : memref<10000x128xf32, #tpu.memory_space<vmem_shared>>) offsets(%dma_start3A_270 : memref<125xi32, #tpu.memory_space<vmem>>) semaphore(%run_scoped3A : memref<!tpu.dma_semaphore, #tpu.memory_space<semaphore_mem>>) {add = true}
        %dma_wait3A_274 = arith.constant 0 : i32
        %dma_wait3A_275 = tpu.memref_slice %arg9[%add3A_242, %dma_wait3A_274] : memref<20x125xi32, #tpu.memory_space<vmem>> -> memref<1x125xi32, #tpu.memory_space<vmem>>
        %dma_wait3A_276 = tpu.memref_squeeze %dma_wait3A_275 : memref<1x125xi32, #tpu.memory_space<vmem>> -> memref<125xi32, #tpu.memory_space<vmem>>
        %dma_wait3A_277 = arith.constant 0 : i32
        %dma_wait3A_278 = arith.constant 0 : i32
        %dma_wait3A_279 = tpu.memref_slice %arg18[%dma_wait3A_277, %dma_wait3A_278] : memref<10000x128xf32, #tpu.memory_space<vmem_shared>> -> memref<10000x128xf32, #tpu.memory_space<vmem_shared>>
        tpu.wait_indirect_dma semaphore(%run_scoped3A : memref<!tpu.dma_semaphore, #tpu.memory_space<semaphore_mem>>) src(%arg11 : memref<125x128xf32, #tpu.memory_space<vmem>>) dst(%dma_wait3A_279 : memref<10000x128xf32, #tpu.memory_space<vmem_shared>>)
        tpu.yield
      }) : () -> ()
      "tpu.region"() ({
        %run_scoped3A = tpu.sem_alloc : memref<!tpu.dma_semaphore, #tpu.memory_space<semaphore_mem>>
        %dma_start3A_268 = arith.constant 0 : i32
        %dma_start3A_269 = tpu.memref_slice %arg12[%dma_start3A_268] : memref<128xf32, #tpu.memory_space<vmem>> -> memref<125xf32, #tpu.memory_space<vmem>>
        %dma_start3A_270 = arith.constant 0 : i32
        %dma_start3A_271 = tpu.memref_slice %arg9[%add3A_242, %dma_start3A_270] : memref<20x125xi32, #tpu.memory_space<vmem>> -> memref<1x125xi32, #tpu.memory_space<vmem>>
        %dma_start3A_272 = tpu.memref_squeeze %dma_start3A_271 : memref<1x125xi32, #tpu.memory_space<vmem>> -> memref<125xi32, #tpu.memory_space<vmem>>
        %dma_start3A_273 = arith.constant 0 : i32
        %dma_start3A_274 = tpu.memref_slice %arg19[%dma_start3A_273] : memref<10240xf32, #tpu.memory_space<vmem_shared>> -> memref<10240xf32, #tpu.memory_space<vmem_shared>>
        tpu.enqueue_indirect_dma source(%dma_start3A_269 : memref<125xf32, #tpu.memory_space<vmem>>) target(%dma_start3A_274 : memref<10240xf32, #tpu.memory_space<vmem_shared>>) offsets(%dma_start3A_272 : memref<125xi32, #tpu.memory_space<vmem>>) semaphore(%run_scoped3A : memref<!tpu.dma_semaphore, #tpu.memory_space<semaphore_mem>>) {add = true}
        %dma_wait3A_275 = arith.constant 0 : i32
        %dma_wait3A_276 = tpu.memref_slice %arg12[%dma_wait3A_275] : memref<128xf32, #tpu.memory_space<vmem>> -> memref<125xf32, #tpu.memory_space<vmem>>
        %dma_wait3A_277 = arith.constant 0 : i32
        %dma_wait3A_278 = tpu.memref_slice %arg9[%add3A_242, %dma_wait3A_277] : memref<20x125xi32, #tpu.memory_space<vmem>> -> memref<1x125xi32, #tpu.memory_space<vmem>>
        %dma_wait3A_279 = tpu.memref_squeeze %dma_wait3A_278 : memref<1x125xi32, #tpu.memory_space<vmem>> -> memref<125xi32, #tpu.memory_space<vmem>>
        %dma_wait3A_280 = arith.constant 0 : i32
        %dma_wait3A_281 = tpu.memref_slice %arg19[%dma_wait3A_280] : memref<10240xf32, #tpu.memory_space<vmem_shared>> -> memref<10240xf32, #tpu.memory_space<vmem_shared>>
        tpu.wait_indirect_dma semaphore(%run_scoped3A : memref<!tpu.dma_semaphore, #tpu.memory_space<semaphore_mem>>) src(%dma_wait3A_276 : memref<125xf32, #tpu.memory_space<vmem>>) dst(%dma_wait3A_281 : memref<10240xf32, #tpu.memory_space<vmem_shared>>)
        tpu.yield
      }) : () -> ()
      %scan3A_267 = arith.constant 0 : i32
      scf.yield %scan3A_267 : i32
    }
    %scan3A_227 = arith.constant 10 : i32
    %barrier3A_228 = arith.constant 0 : index
    tpu.barrier barrier_id(%barrier3A_228)
    %mul3A_229 = arith.constant 624 : i32
    %mul3A_230 = arith.muli %arg1, %mul3A_229 : i32
    %multiple_of3A_231 = tpu.assume_multiple %mul3A_230, 8 : i32
    "tpu.region"() ({
      %run_scoped3A = tpu.sem_alloc : memref<!tpu.dma_semaphore, #tpu.memory_space<semaphore_mem>>
      %dma_start3A_237 = arith.constant 0 : i32
      %dma_start3A_238 = tpu.memref_slice %arg4[%arg0, %multiple_of3A_231, %dma_start3A_237] : memref<2x10000x128xf32, #tpu.memory_space<hbm>> -> memref<1x624x128xf32, #tpu.memory_space<hbm>>
      %dma_start3A_239 = tpu.memref_squeeze %dma_start3A_238 : memref<1x624x128xf32, #tpu.memory_space<hbm>> -> memref<624x128xf32, #tpu.memory_space<hbm>>
      %dma_start3A_240 = arith.constant 0 : i32
      %dma_start3A_241 = tpu.memref_slice %arg18[%multiple_of3A_231, %dma_start3A_240] : memref<10000x128xf32, #tpu.memory_space<vmem_shared>> -> memref<624x128xf32, #tpu.memory_space<vmem_shared>>
      tpu.enqueue_dma source(%dma_start3A_241 : memref<624x128xf32, #tpu.memory_space<vmem_shared>>) target(%dma_start3A_239 : memref<624x128xf32, #tpu.memory_space<hbm>>) target_semaphore(%run_scoped3A : memref<!tpu.dma_semaphore, #tpu.memory_space<semaphore_mem>>)
      %dma_wait3A_242 = arith.constant 0 : i32
      %dma_wait3A_243 = tpu.memref_slice %arg4[%arg0, %multiple_of3A_231, %dma_wait3A_242] : memref<2x10000x128xf32, #tpu.memory_space<hbm>> -> memref<1x624x128xf32, #tpu.memory_space<hbm>>
      %dma_wait3A_244 = tpu.memref_squeeze %dma_wait3A_243 : memref<1x624x128xf32, #tpu.memory_space<hbm>> -> memref<624x128xf32, #tpu.memory_space<hbm>>
      %dma_wait3A_245 = arith.constant 0 : i32
      %dma_wait3A_246 = tpu.memref_slice %arg18[%multiple_of3A_231, %dma_wait3A_245] : memref<10000x128xf32, #tpu.memory_space<vmem_shared>> -> memref<624x128xf32, #tpu.memory_space<vmem_shared>>
      tpu.wait_dma2 semaphore(%run_scoped3A : memref<!tpu.dma_semaphore, #tpu.memory_space<semaphore_mem>>) src(%dma_wait3A_246 : memref<624x128xf32, #tpu.memory_space<vmem_shared>>) dst(%dma_wait3A_244 : memref<624x128xf32, #tpu.memory_space<hbm>>)
      tpu.yield
    }) : () -> ()
    %mul3A_232 = arith.constant 640 : i32
    %mul3A_233 = arith.muli %arg1, %mul3A_232 : i32
    %multiple_of3A_234 = tpu.assume_multiple %mul3A_233, 8 : i32
    "tpu.region"() ({
      %run_scoped3A = tpu.sem_alloc : memref<!tpu.dma_semaphore, #tpu.memory_space<semaphore_mem>>
      %dma_start3A_237 = tpu.memref_slice %arg5[%arg0, %multiple_of3A_234] : memref<2x10240xf32, #tpu.memory_space<hbm>> -> memref<1x640xf32, #tpu.memory_space<hbm>>
      %dma_start3A_238 = tpu.memref_squeeze %dma_start3A_237 : memref<1x640xf32, #tpu.memory_space<hbm>> -> memref<640xf32, #tpu.memory_space<hbm>>
      %dma_start3A_239 = tpu.memref_slice %arg19[%multiple_of3A_234] : memref<10240xf32, #tpu.memory_space<vmem_shared>> -> memref<640xf32, #tpu.memory_space<vmem_shared>>
      tpu.enqueue_dma source(%dma_start3A_239 : memref<640xf32, #tpu.memory_space<vmem_shared>>) target(%dma_start3A_238 : memref<640xf32, #tpu.memory_space<hbm>>) target_semaphore(%run_scoped3A : memref<!tpu.dma_semaphore, #tpu.memory_space<semaphore_mem>>)
      %dma_wait3A_240 = tpu.memref_slice %arg5[%arg0, %multiple_of3A_234] : memref<2x10240xf32, #tpu.memory_space<hbm>> -> memref<1x640xf32, #tpu.memory_space<hbm>>
      %dma_wait3A_241 = tpu.memref_squeeze %dma_wait3A_240 : memref<1x640xf32, #tpu.memory_space<hbm>> -> memref<640xf32, #tpu.memory_space<hbm>>
      %dma_wait3A_242 = tpu.memref_slice %arg19[%multiple_of3A_234] : memref<10240xf32, #tpu.memory_space<vmem_shared>> -> memref<640xf32, #tpu.memory_space<vmem_shared>>
      tpu.wait_dma2 semaphore(%run_scoped3A : memref<!tpu.dma_semaphore, #tpu.memory_space<semaphore_mem>>) src(%dma_wait3A_242 : memref<640xf32, #tpu.memory_space<vmem_shared>>) dst(%dma_wait3A_241 : memref<640xf32, #tpu.memory_space<hbm>>)
      tpu.yield
    }) : () -> ()
    %eq3A = arith.constant 15 : i32
    %eq3A_235 = arith.cmpi eq, %arg1, %eq3A : i32
    %convert_element_type3A = arith.extui %eq3A_235 : i1 to i32
    %cond3A = arith.constant 0 : i32
    %cond3A_236 = arith.cmpi ne, %convert_element_type3A, %cond3A : i32
    scf.if %cond3A_236 {
      "tpu.region"() ({
        %run_scoped3A = tpu.sem_alloc : memref<!tpu.dma_semaphore, #tpu.memory_space<semaphore_mem>>
        %dma_start3A_237 = arith.constant 9984 : i32
        %dma_start3A_238 = arith.constant 0 : i32
        %dma_start3A_239 = tpu.memref_slice %arg4[%arg0, %dma_start3A_237, %dma_start3A_238] : memref<2x10000x128xf32, #tpu.memory_space<hbm>> -> memref<1x16x128xf32, #tpu.memory_space<hbm>>
        %dma_start3A_240 = tpu.memref_squeeze %dma_start3A_239 : memref<1x16x128xf32, #tpu.memory_space<hbm>> -> memref<16x128xf32, #tpu.memory_space<hbm>>
        %dma_start3A_241 = arith.constant 9984 : i32
        %dma_start3A_242 = arith.constant 0 : i32
        %dma_start3A_243 = tpu.memref_slice %arg18[%dma_start3A_241, %dma_start3A_242] : memref<10000x128xf32, #tpu.memory_space<vmem_shared>> -> memref<16x128xf32, #tpu.memory_space<vmem_shared>>
        tpu.enqueue_dma source(%dma_start3A_243 : memref<16x128xf32, #tpu.memory_space<vmem_shared>>) target(%dma_start3A_240 : memref<16x128xf32, #tpu.memory_space<hbm>>) target_semaphore(%run_scoped3A : memref<!tpu.dma_semaphore, #tpu.memory_space<semaphore_mem>>)
        %dma_wait3A_244 = arith.constant 9984 : i32
        %dma_wait3A_245 = arith.constant 0 : i32
        %dma_wait3A_246 = tpu.memref_slice %arg4[%arg0, %dma_wait3A_244, %dma_wait3A_245] : memref<2x10000x128xf32, #tpu.memory_space<hbm>> -> memref<1x16x128xf32, #tpu.memory_space<hbm>>
        %dma_wait3A_247 = tpu.memref_squeeze %dma_wait3A_246 : memref<1x16x128xf32, #tpu.memory_space<hbm>> -> memref<16x128xf32, #tpu.memory_space<hbm>>
        %dma_wait3A_248 = arith.constant 9984 : i32
        %dma_wait3A_249 = arith.constant 0 : i32
        %dma_wait3A_250 = tpu.memref_slice %arg18[%dma_wait3A_248, %dma_wait3A_249] : memref<10000x128xf32, #tpu.memory_space<vmem_shared>> -> memref<16x128xf32, #tpu.memory_space<vmem_shared>>
        tpu.wait_dma2 semaphore(%run_scoped3A : memref<!tpu.dma_semaphore, #tpu.memory_space<semaphore_mem>>) src(%dma_wait3A_250 : memref<16x128xf32, #tpu.memory_space<vmem_shared>>) dst(%dma_wait3A_247 : memref<16x128xf32, #tpu.memory_space<hbm>>)
        tpu.yield
      }) : () -> ()
    } else {
    }
    return
  }
}

#map = affine_map<(d0, d1) -> (0, 0)>
#map1 = affine_map<(d0, d1) -> (0, 0, 0, 0, 0)>
#map2 = affine_map<(d0, d1) -> (0, 0, 0)>
module attributes {stable_mosaic.version = 14 : i64} {
  func.func @body(%arg0: i32, %arg1: i32, %arg2: memref<10000x128xf32, #tpu.memory_space<hbm>>, %arg3: memref<2x32x4x20x125xi32, #tpu.memory_space<hbm>>, %arg4: memref<2x10000x128xf32, #tpu.memory_space<hbm>>, %arg5: memref<20x125xi32, #tpu.memory_space<vmem>>, %arg6: memref<20x125xi32, #tpu.memory_space<vmem>>, %arg7: memref<20x125xi32, #tpu.memory_space<vmem>>, %arg8: memref<20x125xi32, #tpu.memory_space<vmem>>, %arg9: memref<125x128xf32, #tpu.memory_space<vmem>>, %arg10: memref<125x128xf32, #tpu.memory_space<vmem>>, %arg11: memref<!tpu.dma_semaphore, #tpu.memory_space<semaphore_mem>>, %arg12: memref<!tpu.dma_semaphore, #tpu.memory_space<semaphore_mem>>, %arg13: memref<!tpu.dma_semaphore, #tpu.memory_space<semaphore_mem>>, %arg14: memref<!tpu.dma_semaphore, #tpu.memory_space<semaphore_mem>>, %arg15: memref<10000x128xf32, #tpu.memory_space<vmem_shared>>) attributes {dimension_semantics = [#tpu.dimension_semantics<core_parallel>, #tpu.dimension_semantics<subcore_parallel>], iteration_bounds = array<i64: 2, 16>, scalar_prefetch = 0 : i64, scratch_operands = 11 : i64, tpu.core_type = #tpu.core_type<sc_vector_subcore>, window_params = [{transform_indices = #map}, {transform_indices = #map1}, {transform_indices = #map2}]} {
    %mul3A = arith.constant 16 : i32
    %mul3A_0 = arith.muli %arg0, %mul3A : i32
    %add3A = arith.addi %mul3A_0, %arg1 : i32
    %mul3A_1 = arith.constant 625 : i32
    %mul3A_2 = arith.muli %arg1, %mul3A_1 : i32
    %dma_start3A = arith.constant 0 : i32
    %dma_start3A_3 = arith.constant 0 : i32
    %dma_start3A_4 = arith.constant 0 : i32
    %dma_start3A_5 = arith.constant 0 : i32
    %dma_start3A_6 = tpu.memref_slice %arg3[%dma_start3A, %add3A, %dma_start3A_3, %dma_start3A_4, %dma_start3A_5] : memref<2x32x4x20x125xi32, #tpu.memory_space<hbm>> -> memref<1x1x1x20x125xi32, #tpu.memory_space<hbm>>
    %dma_start3A_7 = tpu.memref_squeeze %dma_start3A_6 : memref<1x1x1x20x125xi32, #tpu.memory_space<hbm>> -> memref<20x125xi32, #tpu.memory_space<hbm>>
    %dma_start3A_8 = arith.constant 0 : i32
    %dma_start3A_9 = arith.constant 0 : i32
    %dma_start3A_10 = tpu.memref_slice %arg3[%dma_start3A, %add3A, %dma_start3A_3, %dma_start3A_8, %dma_start3A_9] : memref<2x32x4x20x125xi32, #tpu.memory_space<hbm>> -> memref<1x1x1x20x125xi32, #tpu.memory_space<hbm>>
    %dma_start3A_11 = tpu.memref_squeeze %dma_start3A_10 : memref<1x1x1x20x125xi32, #tpu.memory_space<hbm>> -> memref<20x125xi32, #tpu.memory_space<hbm>>
    tpu.enqueue_dma source(%dma_start3A_11 : memref<20x125xi32, #tpu.memory_space<hbm>>) target(%arg5 : memref<20x125xi32, #tpu.memory_space<vmem>>) target_semaphore(%arg13 : memref<!tpu.dma_semaphore, #tpu.memory_space<semaphore_mem>>)
    %dma_start3A_12 = arith.constant 1 : i32
    %dma_start3A_13 = arith.constant 0 : i32
    %dma_start3A_14 = arith.constant 0 : i32
    %dma_start3A_15 = arith.constant 0 : i32
    %dma_start3A_16 = tpu.memref_slice %arg3[%dma_start3A_12, %add3A, %dma_start3A_13, %dma_start3A_14, %dma_start3A_15] : memref<2x32x4x20x125xi32, #tpu.memory_space<hbm>> -> memref<1x1x1x20x125xi32, #tpu.memory_space<hbm>>
    %dma_start3A_17 = tpu.memref_squeeze %dma_start3A_16 : memref<1x1x1x20x125xi32, #tpu.memory_space<hbm>> -> memref<20x125xi32, #tpu.memory_space<hbm>>
    %dma_start3A_18 = arith.constant 0 : i32
    %dma_start3A_19 = arith.constant 0 : i32
    %dma_start3A_20 = tpu.memref_slice %arg3[%dma_start3A_12, %add3A, %dma_start3A_13, %dma_start3A_18, %dma_start3A_19] : memref<2x32x4x20x125xi32, #tpu.memory_space<hbm>> -> memref<1x1x1x20x125xi32, #tpu.memory_space<hbm>>
    %dma_start3A_21 = tpu.memref_squeeze %dma_start3A_20 : memref<1x1x1x20x125xi32, #tpu.memory_space<hbm>> -> memref<20x125xi32, #tpu.memory_space<hbm>>
    tpu.enqueue_dma source(%dma_start3A_21 : memref<20x125xi32, #tpu.memory_space<hbm>>) target(%arg6 : memref<20x125xi32, #tpu.memory_space<vmem>>) target_semaphore(%arg13 : memref<!tpu.dma_semaphore, #tpu.memory_space<semaphore_mem>>)
    %dma_start3A_22 = arith.constant 0 : i32
    %dma_start3A_23 = arith.constant 1 : i32
    %dma_start3A_24 = arith.constant 0 : i32
    %dma_start3A_25 = arith.constant 0 : i32
    %dma_start3A_26 = tpu.memref_slice %arg3[%dma_start3A_22, %add3A, %dma_start3A_23, %dma_start3A_24, %dma_start3A_25] : memref<2x32x4x20x125xi32, #tpu.memory_space<hbm>> -> memref<1x1x1x20x125xi32, #tpu.memory_space<hbm>>
    %dma_start3A_27 = tpu.memref_squeeze %dma_start3A_26 : memref<1x1x1x20x125xi32, #tpu.memory_space<hbm>> -> memref<20x125xi32, #tpu.memory_space<hbm>>
    %dma_start3A_28 = arith.constant 0 : i32
    %dma_start3A_29 = arith.constant 0 : i32
    %dma_start3A_30 = tpu.memref_slice %arg3[%dma_start3A_22, %add3A, %dma_start3A_23, %dma_start3A_28, %dma_start3A_29] : memref<2x32x4x20x125xi32, #tpu.memory_space<hbm>> -> memref<1x1x1x20x125xi32, #tpu.memory_space<hbm>>
    %dma_start3A_31 = tpu.memref_squeeze %dma_start3A_30 : memref<1x1x1x20x125xi32, #tpu.memory_space<hbm>> -> memref<20x125xi32, #tpu.memory_space<hbm>>
    tpu.enqueue_dma source(%dma_start3A_31 : memref<20x125xi32, #tpu.memory_space<hbm>>) target(%arg7 : memref<20x125xi32, #tpu.memory_space<vmem>>) target_semaphore(%arg14 : memref<!tpu.dma_semaphore, #tpu.memory_space<semaphore_mem>>)
    %dma_start3A_32 = arith.constant 1 : i32
    %dma_start3A_33 = arith.constant 1 : i32
    %dma_start3A_34 = arith.constant 0 : i32
    %dma_start3A_35 = arith.constant 0 : i32
    %dma_start3A_36 = tpu.memref_slice %arg3[%dma_start3A_32, %add3A, %dma_start3A_33, %dma_start3A_34, %dma_start3A_35] : memref<2x32x4x20x125xi32, #tpu.memory_space<hbm>> -> memref<1x1x1x20x125xi32, #tpu.memory_space<hbm>>
    %dma_start3A_37 = tpu.memref_squeeze %dma_start3A_36 : memref<1x1x1x20x125xi32, #tpu.memory_space<hbm>> -> memref<20x125xi32, #tpu.memory_space<hbm>>
    %dma_start3A_38 = arith.constant 0 : i32
    %dma_start3A_39 = arith.constant 0 : i32
    %dma_start3A_40 = tpu.memref_slice %arg3[%dma_start3A_32, %add3A, %dma_start3A_33, %dma_start3A_38, %dma_start3A_39] : memref<2x32x4x20x125xi32, #tpu.memory_space<hbm>> -> memref<1x1x1x20x125xi32, #tpu.memory_space<hbm>>
    %dma_start3A_41 = tpu.memref_squeeze %dma_start3A_40 : memref<1x1x1x20x125xi32, #tpu.memory_space<hbm>> -> memref<20x125xi32, #tpu.memory_space<hbm>>
    tpu.enqueue_dma source(%dma_start3A_41 : memref<20x125xi32, #tpu.memory_space<hbm>>) target(%arg8 : memref<20x125xi32, #tpu.memory_space<vmem>>) target_semaphore(%arg14 : memref<!tpu.dma_semaphore, #tpu.memory_space<semaphore_mem>>)
    %scan3A = arith.constant 0 : i32
    %scan3A_42 = arith.constant 0 : i32
    %scan3A_43 = arith.constant 125 : i32
    %scan3A_44 = arith.addi %scan3A_42, %scan3A_43 : i32
    %scan3A_45 = arith.constant 1 : i32
    %scan3A_46 = scf.for %scan3A_217 = %scan3A_42 to %scan3A_44 step %scan3A_45 iter_args(%scan3A_218 = %scan3A) -> (i32)  : i32 {
      %scan3A_219 = arith.constant 0 : i32
      %scan3A_220 = arith.constant 0 : i32
      %scan3A_221 = arith.constant 8 : i32
      %scan3A_222 = arith.addi %scan3A_220, %scan3A_221 : i32
      %scan3A_223 = arith.constant 1 : i32
      %scan3A_224 = scf.for %scan3A_226 = %scan3A_220 to %scan3A_222 step %scan3A_223 iter_args(%scan3A_227 = %scan3A_219) -> (i32)  : i32 {
        %broadcast_in_dim3A = arith.constant 0.000000e+00 : f32
        %broadcast_in_dim3A_228 = vector.broadcast %broadcast_in_dim3A : f32 to vector<16xf32>
        %mul3A_229 = arith.constant 16 : i32
        %mul3A_230 = arith.muli %scan3A_226, %mul3A_229 : i32
        %swap3A = arith.index_cast %scan3A_217 : i32 to index
        %swap3A_231 = arith.index_cast %mul3A_230 : i32 to index
        %swap3A_232 = tpu.vector_load %arg9[%swap3A, %swap3A_231] {strides = array<i32>} : memref<125x128xf32, #tpu.memory_space<vmem>>, vector<1x16xf32>,
        %swap3A_233 = vector.shape_cast %swap3A_232 : vector<1x16xf32> to vector<16xf32>
        %swap3A_234 = vector.shape_cast %broadcast_in_dim3A_228 : vector<16xf32> to vector<1x16xf32>
        tpu.vector_store %arg9[%swap3A, %swap3A_231], %swap3A_234 {strides = array<i32>} : memref<125x128xf32, #tpu.memory_space<vmem>>, vector<1x16xf32>,
        %scan3A_235 = arith.constant 0 : i32
        scf.yield %scan3A_235 : i32
      }
      %scan3A_225 = arith.constant 8 : i32
      scf.yield %scan3A_224 : i32
    }
    %scan3A_47 = arith.constant 125 : i32
    %add3A_48 = arith.constant 0 : i32
    %add3A_49 = arith.addi %mul3A_2, %add3A_48 : i32
    "tpu.region"() ({
      %run_scoped3A = tpu.sem_alloc : memref<!tpu.dma_semaphore, #tpu.memory_space<semaphore_mem>>
      %dma_start3A_217 = arith.constant 0 : i32
      %dma_start3A_218 = tpu.memref_slice %arg15[%add3A_49, %dma_start3A_217] : memref<10000x128xf32, #tpu.memory_space<vmem_shared>> -> memref<125x128xf32, #tpu.memory_space<vmem_shared>>
      %dma_start3A_219 = arith.constant 0 : i32
      %dma_start3A_220 = tpu.memref_slice %arg15[%add3A_49, %dma_start3A_219] : memref<10000x128xf32, #tpu.memory_space<vmem_shared>> -> memref<125x128xf32, #tpu.memory_space<vmem_shared>>
      tpu.enqueue_dma source(%arg9 : memref<125x128xf32, #tpu.memory_space<vmem>>) target(%dma_start3A_220 : memref<125x128xf32, #tpu.memory_space<vmem_shared>>) target_semaphore(%run_scoped3A : memref<!tpu.dma_semaphore, #tpu.memory_space<semaphore_mem>>)
      %dma_wait3A_221 = arith.constant 0 : i32
      %dma_wait3A_222 = tpu.memref_slice %arg15[%add3A_49, %dma_wait3A_221] : memref<10000x128xf32, #tpu.memory_space<vmem_shared>> -> memref<125x128xf32, #tpu.memory_space<vmem_shared>>
      %dma_wait3A_223 = arith.constant 0 : i32
      %dma_wait3A_224 = tpu.memref_slice %arg15[%add3A_49, %dma_wait3A_223] : memref<10000x128xf32, #tpu.memory_space<vmem_shared>> -> memref<125x128xf32, #tpu.memory_space<vmem_shared>>
      tpu.wait_dma2 semaphore(%run_scoped3A : memref<!tpu.dma_semaphore, #tpu.memory_space<semaphore_mem>>) src(%arg9 : memref<125x128xf32, #tpu.memory_space<vmem>>) dst(%dma_wait3A_224 : memref<125x128xf32, #tpu.memory_space<vmem_shared>>)
      tpu.yield
    }) : () -> ()
    %add3A_50 = arith.constant 125 : i32
    %add3A_51 = arith.addi %mul3A_2, %add3A_50 : i32
    "tpu.region"() ({
      %run_scoped3A = tpu.sem_alloc : memref<!tpu.dma_semaphore, #tpu.memory_space<semaphore_mem>>
      %dma_start3A_217 = arith.constant 0 : i32
      %dma_start3A_218 = tpu.memref_slice %arg15[%add3A_51, %dma_start3A_217] : memref<10000x128xf32, #tpu.memory_space<vmem_shared>> -> memref<125x128xf32, #tpu.memory_space<vmem_shared>>
      %dma_start3A_219 = arith.constant 0 : i32
      %dma_start3A_220 = tpu.memref_slice %arg15[%add3A_51, %dma_start3A_219] : memref<10000x128xf32, #tpu.memory_space<vmem_shared>> -> memref<125x128xf32, #tpu.memory_space<vmem_shared>>
      tpu.enqueue_dma source(%arg9 : memref<125x128xf32, #tpu.memory_space<vmem>>) target(%dma_start3A_220 : memref<125x128xf32, #tpu.memory_space<vmem_shared>>) target_semaphore(%run_scoped3A : memref<!tpu.dma_semaphore, #tpu.memory_space<semaphore_mem>>)
      %dma_wait3A_221 = arith.constant 0 : i32
      %dma_wait3A_222 = tpu.memref_slice %arg15[%add3A_51, %dma_wait3A_221] : memref<10000x128xf32, #tpu.memory_space<vmem_shared>> -> memref<125x128xf32, #tpu.memory_space<vmem_shared>>
      %dma_wait3A_223 = arith.constant 0 : i32
      %dma_wait3A_224 = tpu.memref_slice %arg15[%add3A_51, %dma_wait3A_223] : memref<10000x128xf32, #tpu.memory_space<vmem_shared>> -> memref<125x128xf32, #tpu.memory_space<vmem_shared>>
      tpu.wait_dma2 semaphore(%run_scoped3A : memref<!tpu.dma_semaphore, #tpu.memory_space<semaphore_mem>>) src(%arg9 : memref<125x128xf32, #tpu.memory_space<vmem>>) dst(%dma_wait3A_224 : memref<125x128xf32, #tpu.memory_space<vmem_shared>>)
      tpu.yield
    }) : () -> ()
    %add3A_52 = arith.constant 250 : i32
    %add3A_53 = arith.addi %mul3A_2, %add3A_52 : i32
    "tpu.region"() ({
      %run_scoped3A = tpu.sem_alloc : memref<!tpu.dma_semaphore, #tpu.memory_space<semaphore_mem>>
      %dma_start3A_217 = arith.constant 0 : i32
      %dma_start3A_218 = tpu.memref_slice %arg15[%add3A_53, %dma_start3A_217] : memref<10000x128xf32, #tpu.memory_space<vmem_shared>> -> memref<125x128xf32, #tpu.memory_space<vmem_shared>>
      %dma_start3A_219 = arith.constant 0 : i32
      %dma_start3A_220 = tpu.memref_slice %arg15[%add3A_53, %dma_start3A_219] : memref<10000x128xf32, #tpu.memory_space<vmem_shared>> -> memref<125x128xf32, #tpu.memory_space<vmem_shared>>
      tpu.enqueue_dma source(%arg9 : memref<125x128xf32, #tpu.memory_space<vmem>>) target(%dma_start3A_220 : memref<125x128xf32, #tpu.memory_space<vmem_shared>>) target_semaphore(%run_scoped3A : memref<!tpu.dma_semaphore, #tpu.memory_space<semaphore_mem>>)
      %dma_wait3A_221 = arith.constant 0 : i32
      %dma_wait3A_222 = tpu.memref_slice %arg15[%add3A_53, %dma_wait3A_221] : memref<10000x128xf32, #tpu.memory_space<vmem_shared>> -> memref<125x128xf32, #tpu.memory_space<vmem_shared>>
      %dma_wait3A_223 = arith.constant 0 : i32
      %dma_wait3A_224 = tpu.memref_slice %arg15[%add3A_53, %dma_wait3A_223] : memref<10000x128xf32, #tpu.memory_space<vmem_shared>> -> memref<125x128xf32, #tpu.memory_space<vmem_shared>>
      tpu.wait_dma2 semaphore(%run_scoped3A : memref<!tpu.dma_semaphore, #tpu.memory_space<semaphore_mem>>) src(%arg9 : memref<125x128xf32, #tpu.memory_space<vmem>>) dst(%dma_wait3A_224 : memref<125x128xf32, #tpu.memory_space<vmem_shared>>)
      tpu.yield
    }) : () -> ()
    %add3A_54 = arith.constant 375 : i32
    %add3A_55 = arith.addi %mul3A_2, %add3A_54 : i32
    "tpu.region"() ({
      %run_scoped3A = tpu.sem_alloc : memref<!tpu.dma_semaphore, #tpu.memory_space<semaphore_mem>>
      %dma_start3A_217 = arith.constant 0 : i32
      %dma_start3A_218 = tpu.memref_slice %arg15[%add3A_55, %dma_start3A_217] : memref<10000x128xf32, #tpu.memory_space<vmem_shared>> -> memref<125x128xf32, #tpu.memory_space<vmem_shared>>
      %dma_start3A_219 = arith.constant 0 : i32
      %dma_start3A_220 = tpu.memref_slice %arg15[%add3A_55, %dma_start3A_219] : memref<10000x128xf32, #tpu.memory_space<vmem_shared>> -> memref<125x128xf32, #tpu.memory_space<vmem_shared>>
      tpu.enqueue_dma source(%arg9 : memref<125x128xf32, #tpu.memory_space<vmem>>) target(%dma_start3A_220 : memref<125x128xf32, #tpu.memory_space<vmem_shared>>) target_semaphore(%run_scoped3A : memref<!tpu.dma_semaphore, #tpu.memory_space<semaphore_mem>>)
      %dma_wait3A_221 = arith.constant 0 : i32
      %dma_wait3A_222 = tpu.memref_slice %arg15[%add3A_55, %dma_wait3A_221] : memref<10000x128xf32, #tpu.memory_space<vmem_shared>> -> memref<125x128xf32, #tpu.memory_space<vmem_shared>>
      %dma_wait3A_223 = arith.constant 0 : i32
      %dma_wait3A_224 = tpu.memref_slice %arg15[%add3A_55, %dma_wait3A_223] : memref<10000x128xf32, #tpu.memory_space<vmem_shared>> -> memref<125x128xf32, #tpu.memory_space<vmem_shared>>
      tpu.wait_dma2 semaphore(%run_scoped3A : memref<!tpu.dma_semaphore, #tpu.memory_space<semaphore_mem>>) src(%arg9 : memref<125x128xf32, #tpu.memory_space<vmem>>) dst(%dma_wait3A_224 : memref<125x128xf32, #tpu.memory_space<vmem_shared>>)
      tpu.yield
    }) : () -> ()
    %add3A_56 = arith.constant 500 : i32
    %add3A_57 = arith.addi %mul3A_2, %add3A_56 : i32
    "tpu.region"() ({
      %run_scoped3A = tpu.sem_alloc : memref<!tpu.dma_semaphore, #tpu.memory_space<semaphore_mem>>
      %dma_start3A_217 = arith.constant 0 : i32
      %dma_start3A_218 = tpu.memref_slice %arg15[%add3A_57, %dma_start3A_217] : memref<10000x128xf32, #tpu.memory_space<vmem_shared>> -> memref<125x128xf32, #tpu.memory_space<vmem_shared>>
      %dma_start3A_219 = arith.constant 0 : i32
      %dma_start3A_220 = tpu.memref_slice %arg15[%add3A_57, %dma_start3A_219] : memref<10000x128xf32, #tpu.memory_space<vmem_shared>> -> memref<125x128xf32, #tpu.memory_space<vmem_shared>>
      tpu.enqueue_dma source(%arg9 : memref<125x128xf32, #tpu.memory_space<vmem>>) target(%dma_start3A_220 : memref<125x128xf32, #tpu.memory_space<vmem_shared>>) target_semaphore(%run_scoped3A : memref<!tpu.dma_semaphore, #tpu.memory_space<semaphore_mem>>)
      %dma_wait3A_221 = arith.constant 0 : i32
      %dma_wait3A_222 = tpu.memref_slice %arg15[%add3A_57, %dma_wait3A_221] : memref<10000x128xf32, #tpu.memory_space<vmem_shared>> -> memref<125x128xf32, #tpu.memory_space<vmem_shared>>
      %dma_wait3A_223 = arith.constant 0 : i32
      %dma_wait3A_224 = tpu.memref_slice %arg15[%add3A_57, %dma_wait3A_223] : memref<10000x128xf32, #tpu.memory_space<vmem_shared>> -> memref<125x128xf32, #tpu.memory_space<vmem_shared>>
      tpu.wait_dma2 semaphore(%run_scoped3A : memref<!tpu.dma_semaphore, #tpu.memory_space<semaphore_mem>>) src(%arg9 : memref<125x128xf32, #tpu.memory_space<vmem>>) dst(%dma_wait3A_224 : memref<125x128xf32, #tpu.memory_space<vmem_shared>>)
      tpu.yield
    }) : () -> ()
    %barrier3A = arith.constant 0 : index
    tpu.barrier barrier_id(%barrier3A)
    %dma_wait3A = arith.constant 0 : i32
    %dma_wait3A_58 = arith.constant 0 : i32
    %dma_wait3A_59 = arith.constant 0 : i32
    %dma_wait3A_60 = arith.constant 0 : i32
    %dma_wait3A_61 = tpu.memref_slice %arg3[%dma_wait3A, %add3A, %dma_wait3A_58, %dma_wait3A_59, %dma_wait3A_60] : memref<2x32x4x20x125xi32, #tpu.memory_space<hbm>> -> memref<1x1x1x20x125xi32, #tpu.memory_space<hbm>>
    %dma_wait3A_62 = tpu.memref_squeeze %dma_wait3A_61 : memref<1x1x1x20x125xi32, #tpu.memory_space<hbm>> -> memref<20x125xi32, #tpu.memory_space<hbm>>
    %dma_wait3A_63 = arith.constant 0 : i32
    %dma_wait3A_64 = arith.constant 0 : i32
    %dma_wait3A_65 = tpu.memref_slice %arg3[%dma_wait3A, %add3A, %dma_wait3A_58, %dma_wait3A_63, %dma_wait3A_64] : memref<2x32x4x20x125xi32, #tpu.memory_space<hbm>> -> memref<1x1x1x20x125xi32, #tpu.memory_space<hbm>>
    %dma_wait3A_66 = tpu.memref_squeeze %dma_wait3A_65 : memref<1x1x1x20x125xi32, #tpu.memory_space<hbm>> -> memref<20x125xi32, #tpu.memory_space<hbm>>
    tpu.wait_dma2 semaphore(%arg13 : memref<!tpu.dma_semaphore, #tpu.memory_space<semaphore_mem>>) src(%dma_wait3A_66 : memref<20x125xi32, #tpu.memory_space<hbm>>) dst(%arg5 : memref<20x125xi32, #tpu.memory_space<vmem>>)
    %dma_wait3A_67 = arith.constant 1 : i32
    %dma_wait3A_68 = arith.constant 0 : i32
    %dma_wait3A_69 = arith.constant 0 : i32
    %dma_wait3A_70 = arith.constant 0 : i32
    %dma_wait3A_71 = tpu.memref_slice %arg3[%dma_wait3A_67, %add3A, %dma_wait3A_68, %dma_wait3A_69, %dma_wait3A_70] : memref<2x32x4x20x125xi32, #tpu.memory_space<hbm>> -> memref<1x1x1x20x125xi32, #tpu.memory_space<hbm>>
    %dma_wait3A_72 = tpu.memref_squeeze %dma_wait3A_71 : memref<1x1x1x20x125xi32, #tpu.memory_space<hbm>> -> memref<20x125xi32, #tpu.memory_space<hbm>>
    %dma_wait3A_73 = arith.constant 0 : i32
    %dma_wait3A_74 = arith.constant 0 : i32
    %dma_wait3A_75 = tpu.memref_slice %arg3[%dma_wait3A_67, %add3A, %dma_wait3A_68, %dma_wait3A_73, %dma_wait3A_74] : memref<2x32x4x20x125xi32, #tpu.memory_space<hbm>> -> memref<1x1x1x20x125xi32, #tpu.memory_space<hbm>>
    %dma_wait3A_76 = tpu.memref_squeeze %dma_wait3A_75 : memref<1x1x1x20x125xi32, #tpu.memory_space<hbm>> -> memref<20x125xi32, #tpu.memory_space<hbm>>
    tpu.wait_dma2 semaphore(%arg13 : memref<!tpu.dma_semaphore, #tpu.memory_space<semaphore_mem>>) src(%dma_wait3A_76 : memref<20x125xi32, #tpu.memory_space<hbm>>) dst(%arg6 : memref<20x125xi32, #tpu.memory_space<vmem>>)
    %dma_start3A_77 = arith.constant 0 : i32
    %dma_start3A_78 = arith.constant 0 : i32
    %dma_start3A_79 = tpu.memref_slice %arg5[%dma_start3A_77, %dma_start3A_78] : memref<20x125xi32, #tpu.memory_space<vmem>> -> memref<1x125xi32, #tpu.memory_space<vmem>>
    %dma_start3A_80 = tpu.memref_squeeze %dma_start3A_79 : memref<1x125xi32, #tpu.memory_space<vmem>> -> memref<125xi32, #tpu.memory_space<vmem>>
    %dma_start3A_81 = arith.constant 0 : i32
    %dma_start3A_82 = arith.constant 0 : i32
    %dma_start3A_83 = tpu.memref_slice %arg2[%dma_start3A_81, %dma_start3A_82] : memref<10000x128xf32, #tpu.memory_space<hbm>> -> memref<10000x128xf32, #tpu.memory_space<hbm>>
    tpu.enqueue_indirect_dma source(%dma_start3A_83 : memref<10000x128xf32, #tpu.memory_space<hbm>>) target(%arg9 : memref<125x128xf32, #tpu.memory_space<vmem>>) offsets(%dma_start3A_80 : memref<125xi32, #tpu.memory_space<vmem>>) semaphore(%arg11 : memref<!tpu.dma_semaphore, #tpu.memory_space<semaphore_mem>>)
    %dma_wait3A_84 = arith.constant 0 : i32
    %dma_wait3A_85 = arith.constant 1 : i32
    %dma_wait3A_86 = arith.constant 0 : i32
    %dma_wait3A_87 = arith.constant 0 : i32
    %dma_wait3A_88 = tpu.memref_slice %arg3[%dma_wait3A_84, %add3A, %dma_wait3A_85, %dma_wait3A_86, %dma_wait3A_87] : memref<2x32x4x20x125xi32, #tpu.memory_space<hbm>> -> memref<1x1x1x20x125xi32, #tpu.memory_space<hbm>>
    %dma_wait3A_89 = tpu.memref_squeeze %dma_wait3A_88 : memref<1x1x1x20x125xi32, #tpu.memory_space<hbm>> -> memref<20x125xi32, #tpu.memory_space<hbm>>
    %dma_wait3A_90 = arith.constant 0 : i32
    %dma_wait3A_91 = arith.constant 0 : i32
    %dma_wait3A_92 = tpu.memref_slice %arg3[%dma_wait3A_84, %add3A, %dma_wait3A_85, %dma_wait3A_90, %dma_wait3A_91] : memref<2x32x4x20x125xi32, #tpu.memory_space<hbm>> -> memref<1x1x1x20x125xi32, #tpu.memory_space<hbm>>
    %dma_wait3A_93 = tpu.memref_squeeze %dma_wait3A_92 : memref<1x1x1x20x125xi32, #tpu.memory_space<hbm>> -> memref<20x125xi32, #tpu.memory_space<hbm>>
    tpu.wait_dma2 semaphore(%arg14 : memref<!tpu.dma_semaphore, #tpu.memory_space<semaphore_mem>>) src(%dma_wait3A_93 : memref<20x125xi32, #tpu.memory_space<hbm>>) dst(%arg7 : memref<20x125xi32, #tpu.memory_space<vmem>>)
    %dma_wait3A_94 = arith.constant 1 : i32
    %dma_wait3A_95 = arith.constant 1 : i32
    %dma_wait3A_96 = arith.constant 0 : i32
    %dma_wait3A_97 = arith.constant 0 : i32
    %dma_wait3A_98 = tpu.memref_slice %arg3[%dma_wait3A_94, %add3A, %dma_wait3A_95, %dma_wait3A_96, %dma_wait3A_97] : memref<2x32x4x20x125xi32, #tpu.memory_space<hbm>> -> memref<1x1x1x20x125xi32, #tpu.memory_space<hbm>>
    %dma_wait3A_99 = tpu.memref_squeeze %dma_wait3A_98 : memref<1x1x1x20x125xi32, #tpu.memory_space<hbm>> -> memref<20x125xi32, #tpu.memory_space<hbm>>
    %dma_wait3A_100 = arith.constant 0 : i32
    %dma_wait3A_101 = arith.constant 0 : i32
    %dma_wait3A_102 = tpu.memref_slice %arg3[%dma_wait3A_94, %add3A, %dma_wait3A_95, %dma_wait3A_100, %dma_wait3A_101] : memref<2x32x4x20x125xi32, #tpu.memory_space<hbm>> -> memref<1x1x1x20x125xi32, #tpu.memory_space<hbm>>
    %dma_wait3A_103 = tpu.memref_squeeze %dma_wait3A_102 : memref<1x1x1x20x125xi32, #tpu.memory_space<hbm>> -> memref<20x125xi32, #tpu.memory_space<hbm>>
    tpu.wait_dma2 semaphore(%arg14 : memref<!tpu.dma_semaphore, #tpu.memory_space<semaphore_mem>>) src(%dma_wait3A_103 : memref<20x125xi32, #tpu.memory_space<hbm>>) dst(%arg8 : memref<20x125xi32, #tpu.memory_space<vmem>>)
    %scan3A_104 = arith.constant 0 : i32
    %scan3A_105 = arith.constant 0 : i32
    %scan3A_106 = arith.constant 10 : i32
    %scan3A_107 = arith.addi %scan3A_105, %scan3A_106 : i32
    %scan3A_108 = arith.constant 1 : i32
    %scan3A_109 = scf.for %scan3A_217 = %scan3A_105 to %scan3A_107 step %scan3A_108 iter_args(%scan3A_218 = %scan3A_104) -> (i32)  : i32 {
      %mul3A_219 = arith.constant 2 : i32
      %mul3A_220 = arith.muli %mul3A_219, %scan3A_217 : i32
      %add3A_221 = arith.constant 1 : i32
      %add3A_222 = arith.addi %mul3A_220, %add3A_221 : i32
      %dma_start3A_223 = arith.constant 0 : i32
      %dma_start3A_224 = tpu.memref_slice %arg5[%add3A_222, %dma_start3A_223] : memref<20x125xi32, #tpu.memory_space<vmem>> -> memref<1x125xi32, #tpu.memory_space<vmem>>
      %dma_start3A_225 = tpu.memref_squeeze %dma_start3A_224 : memref<1x125xi32, #tpu.memory_space<vmem>> -> memref<125xi32, #tpu.memory_space<vmem>>
      %dma_start3A_226 = arith.constant 0 : i32
      %dma_start3A_227 = arith.constant 0 : i32
      %dma_start3A_228 = tpu.memref_slice %arg2[%dma_start3A_226, %dma_start3A_227] : memref<10000x128xf32, #tpu.memory_space<hbm>> -> memref<10000x128xf32, #tpu.memory_space<hbm>>
      tpu.enqueue_indirect_dma source(%dma_start3A_228 : memref<10000x128xf32, #tpu.memory_space<hbm>>) target(%arg10 : memref<125x128xf32, #tpu.memory_space<vmem>>) offsets(%dma_start3A_225 : memref<125xi32, #tpu.memory_space<vmem>>) semaphore(%arg12 : memref<!tpu.dma_semaphore, #tpu.memory_space<semaphore_mem>>)
      %dma_wait3A_229 = arith.constant 0 : i32
      %dma_wait3A_230 = tpu.memref_slice %arg5[%mul3A_220, %dma_wait3A_229] : memref<20x125xi32, #tpu.memory_space<vmem>> -> memref<1x125xi32, #tpu.memory_space<vmem>>
      %dma_wait3A_231 = tpu.memref_squeeze %dma_wait3A_230 : memref<1x125xi32, #tpu.memory_space<vmem>> -> memref<125xi32, #tpu.memory_space<vmem>>
      %dma_wait3A_232 = arith.constant 0 : i32
      %dma_wait3A_233 = arith.constant 0 : i32
      %dma_wait3A_234 = tpu.memref_slice %arg2[%dma_wait3A_232, %dma_wait3A_233] : memref<10000x128xf32, #tpu.memory_space<hbm>> -> memref<10000x128xf32, #tpu.memory_space<hbm>>
      tpu.wait_indirect_dma semaphore(%arg11 : memref<!tpu.dma_semaphore, #tpu.memory_space<semaphore_mem>>) src(%dma_wait3A_234 : memref<10000x128xf32, #tpu.memory_space<hbm>>) dst(%arg9 : memref<125x128xf32, #tpu.memory_space<vmem>>)
      "tpu.region"() ({
        %run_scoped3A = tpu.sem_alloc : memref<!tpu.dma_semaphore, #tpu.memory_space<semaphore_mem>>
        %dma_start3A_254 = arith.constant 0 : i32
        %dma_start3A_255 = tpu.memref_slice %arg6[%mul3A_220, %dma_start3A_254] : memref<20x125xi32, #tpu.memory_space<vmem>> -> memref<1x125xi32, #tpu.memory_space<vmem>>
        %dma_start3A_256 = tpu.memref_squeeze %dma_start3A_255 : memref<1x125xi32, #tpu.memory_space<vmem>> -> memref<125xi32, #tpu.memory_space<vmem>>
        %dma_start3A_257 = arith.constant 0 : i32
        %dma_start3A_258 = arith.constant 0 : i32
        %dma_start3A_259 = tpu.memref_slice %arg15[%dma_start3A_257, %dma_start3A_258] : memref<10000x128xf32, #tpu.memory_space<vmem_shared>> -> memref<10000x128xf32, #tpu.memory_space<vmem_shared>>
        tpu.enqueue_indirect_dma source(%arg9 : memref<125x128xf32, #tpu.memory_space<vmem>>) target(%dma_start3A_259 : memref<10000x128xf32, #tpu.memory_space<vmem_shared>>) offsets(%dma_start3A_256 : memref<125xi32, #tpu.memory_space<vmem>>) semaphore(%run_scoped3A : memref<!tpu.dma_semaphore, #tpu.memory_space<semaphore_mem>>) {add = true}
        %dma_wait3A_260 = arith.constant 0 : i32
        %dma_wait3A_261 = tpu.memref_slice %arg6[%mul3A_220, %dma_wait3A_260] : memref<20x125xi32, #tpu.memory_space<vmem>> -> memref<1x125xi32, #tpu.memory_space<vmem>>
        %dma_wait3A_262 = tpu.memref_squeeze %dma_wait3A_261 : memref<1x125xi32, #tpu.memory_space<vmem>> -> memref<125xi32, #tpu.memory_space<vmem>>
        %dma_wait3A_263 = arith.constant 0 : i32
        %dma_wait3A_264 = arith.constant 0 : i32
        %dma_wait3A_265 = tpu.memref_slice %arg15[%dma_wait3A_263, %dma_wait3A_264] : memref<10000x128xf32, #tpu.memory_space<vmem_shared>> -> memref<10000x128xf32, #tpu.memory_space<vmem_shared>>
        tpu.wait_indirect_dma semaphore(%run_scoped3A : memref<!tpu.dma_semaphore, #tpu.memory_space<semaphore_mem>>) src(%arg9 : memref<125x128xf32, #tpu.memory_space<vmem>>) dst(%dma_wait3A_265 : memref<10000x128xf32, #tpu.memory_space<vmem_shared>>)
        tpu.yield
      }) : () -> ()
      %add3A_235 = arith.constant 2 : i32
      %add3A_236 = arith.addi %mul3A_220, %add3A_235 : i32
      %lt3A = arith.constant 20 : i32
      %lt3A_237 = arith.cmpi slt, %add3A_236, %lt3A : i32
      %convert_element_type3A_238 = arith.extui %lt3A_237 : i1 to i32
      %cond3A_239 = arith.constant 0 : i32
      %cond3A_240 = arith.cmpi ne, %convert_element_type3A_238, %cond3A_239 : i32
      scf.if %cond3A_240 {
        %add3A_254 = arith.constant 2 : i32
        %add3A_255 = arith.addi %mul3A_220, %add3A_254 : i32
        %dma_start3A_256 = arith.constant 0 : i32
        %dma_start3A_257 = tpu.memref_slice %arg5[%add3A_255, %dma_start3A_256] : memref<20x125xi32, #tpu.memory_space<vmem>> -> memref<1x125xi32, #tpu.memory_space<vmem>>
        %dma_start3A_258 = tpu.memref_squeeze %dma_start3A_257 : memref<1x125xi32, #tpu.memory_space<vmem>> -> memref<125xi32, #tpu.memory_space<vmem>>
        %dma_start3A_259 = arith.constant 0 : i32
        %dma_start3A_260 = arith.constant 0 : i32
        %dma_start3A_261 = tpu.memref_slice %arg2[%dma_start3A_259, %dma_start3A_260] : memref<10000x128xf32, #tpu.memory_space<hbm>> -> memref<10000x128xf32, #tpu.memory_space<hbm>>
        tpu.enqueue_indirect_dma source(%dma_start3A_261 : memref<10000x128xf32, #tpu.memory_space<hbm>>) target(%arg9 : memref<125x128xf32, #tpu.memory_space<vmem>>) offsets(%dma_start3A_258 : memref<125xi32, #tpu.memory_space<vmem>>) semaphore(%arg11 : memref<!tpu.dma_semaphore, #tpu.memory_space<semaphore_mem>>)
      } else {
      }
      %add3A_241 = arith.constant 2 : i32
      %add3A_242 = arith.addi %mul3A_220, %add3A_241 : i32
      %ge3A = arith.constant 20 : i32
      %ge3A_243 = arith.cmpi sge, %add3A_242, %ge3A : i32
      %convert_element_type3A_244 = arith.extui %ge3A_243 : i1 to i32
      %cond3A_245 = arith.constant 0 : i32
      %cond3A_246 = arith.cmpi ne, %convert_element_type3A_244, %cond3A_245 : i32
      scf.if %cond3A_246 {
        %dma_start3A_254 = arith.constant 0 : i32
        %dma_start3A_255 = arith.constant 0 : i32
        %dma_start3A_256 = tpu.memref_slice %arg7[%dma_start3A_254, %dma_start3A_255] : memref<20x125xi32, #tpu.memory_space<vmem>> -> memref<1x125xi32, #tpu.memory_space<vmem>>
        %dma_start3A_257 = tpu.memref_squeeze %dma_start3A_256 : memref<1x125xi32, #tpu.memory_space<vmem>> -> memref<125xi32, #tpu.memory_space<vmem>>
        %dma_start3A_258 = arith.constant 0 : i32
        %dma_start3A_259 = arith.constant 0 : i32
        %dma_start3A_260 = tpu.memref_slice %arg2[%dma_start3A_258, %dma_start3A_259] : memref<10000x128xf32, #tpu.memory_space<hbm>> -> memref<10000x128xf32, #tpu.memory_space<hbm>>
        tpu.enqueue_indirect_dma source(%dma_start3A_260 : memref<10000x128xf32, #tpu.memory_space<hbm>>) target(%arg9 : memref<125x128xf32, #tpu.memory_space<vmem>>) offsets(%dma_start3A_257 : memref<125xi32, #tpu.memory_space<vmem>>) semaphore(%arg11 : memref<!tpu.dma_semaphore, #tpu.memory_space<semaphore_mem>>)
      } else {
      }
      %dma_wait3A_247 = arith.constant 0 : i32
      %dma_wait3A_248 = tpu.memref_slice %arg5[%add3A_222, %dma_wait3A_247] : memref<20x125xi32, #tpu.memory_space<vmem>> -> memref<1x125xi32, #tpu.memory_space<vmem>>
      %dma_wait3A_249 = tpu.memref_squeeze %dma_wait3A_248 : memref<1x125xi32, #tpu.memory_space<vmem>> -> memref<125xi32, #tpu.memory_space<vmem>>
      %dma_wait3A_250 = arith.constant 0 : i32
      %dma_wait3A_251 = arith.constant 0 : i32
      %dma_wait3A_252 = tpu.memref_slice %arg2[%dma_wait3A_250, %dma_wait3A_251] : memref<10000x128xf32, #tpu.memory_space<hbm>> -> memref<10000x128xf32, #tpu.memory_space<hbm>>
      tpu.wait_indirect_dma semaphore(%arg12 : memref<!tpu.dma_semaphore, #tpu.memory_space<semaphore_mem>>) src(%dma_wait3A_252 : memref<10000x128xf32, #tpu.memory_space<hbm>>) dst(%arg10 : memref<125x128xf32, #tpu.memory_space<vmem>>)
      "tpu.region"() ({
        %run_scoped3A = tpu.sem_alloc : memref<!tpu.dma_semaphore, #tpu.memory_space<semaphore_mem>>
        %dma_start3A_254 = arith.constant 0 : i32
        %dma_start3A_255 = tpu.memref_slice %arg6[%add3A_222, %dma_start3A_254] : memref<20x125xi32, #tpu.memory_space<vmem>> -> memref<1x125xi32, #tpu.memory_space<vmem>>
        %dma_start3A_256 = tpu.memref_squeeze %dma_start3A_255 : memref<1x125xi32, #tpu.memory_space<vmem>> -> memref<125xi32, #tpu.memory_space<vmem>>
        %dma_start3A_257 = arith.constant 0 : i32
        %dma_start3A_258 = arith.constant 0 : i32
        %dma_start3A_259 = tpu.memref_slice %arg15[%dma_start3A_257, %dma_start3A_258] : memref<10000x128xf32, #tpu.memory_space<vmem_shared>> -> memref<10000x128xf32, #tpu.memory_space<vmem_shared>>
        tpu.enqueue_indirect_dma source(%arg10 : memref<125x128xf32, #tpu.memory_space<vmem>>) target(%dma_start3A_259 : memref<10000x128xf32, #tpu.memory_space<vmem_shared>>) offsets(%dma_start3A_256 : memref<125xi32, #tpu.memory_space<vmem>>) semaphore(%run_scoped3A : memref<!tpu.dma_semaphore, #tpu.memory_space<semaphore_mem>>) {add = true}
        %dma_wait3A_260 = arith.constant 0 : i32
        %dma_wait3A_261 = tpu.memref_slice %arg6[%add3A_222, %dma_wait3A_260] : memref<20x125xi32, #tpu.memory_space<vmem>> -> memref<1x125xi32, #tpu.memory_space<vmem>>
        %dma_wait3A_262 = tpu.memref_squeeze %dma_wait3A_261 : memref<1x125xi32, #tpu.memory_space<vmem>> -> memref<125xi32, #tpu.memory_space<vmem>>
        %dma_wait3A_263 = arith.constant 0 : i32
        %dma_wait3A_264 = arith.constant 0 : i32
        %dma_wait3A_265 = tpu.memref_slice %arg15[%dma_wait3A_263, %dma_wait3A_264] : memref<10000x128xf32, #tpu.memory_space<vmem_shared>> -> memref<10000x128xf32, #tpu.memory_space<vmem_shared>>
        tpu.wait_indirect_dma semaphore(%run_scoped3A : memref<!tpu.dma_semaphore, #tpu.memory_space<semaphore_mem>>) src(%arg10 : memref<125x128xf32, #tpu.memory_space<vmem>>) dst(%dma_wait3A_265 : memref<10000x128xf32, #tpu.memory_space<vmem_shared>>)
        tpu.yield
      }) : () -> ()
      %scan3A_253 = arith.constant 0 : i32
      scf.yield %scan3A_253 : i32
    }
    %scan3A_110 = arith.constant 10 : i32
    %dma_start3A_111 = arith.constant 0 : i32
    %dma_start3A_112 = arith.constant 2 : i32
    %dma_start3A_113 = arith.constant 0 : i32
    %dma_start3A_114 = arith.constant 0 : i32
    %dma_start3A_115 = tpu.memref_slice %arg3[%dma_start3A_111, %add3A, %dma_start3A_112, %dma_start3A_113, %dma_start3A_114] : memref<2x32x4x20x125xi32, #tpu.memory_space<hbm>> -> memref<1x1x1x20x125xi32, #tpu.memory_space<hbm>>
    %dma_start3A_116 = tpu.memref_squeeze %dma_start3A_115 : memref<1x1x1x20x125xi32, #tpu.memory_space<hbm>> -> memref<20x125xi32, #tpu.memory_space<hbm>>
    %dma_start3A_117 = arith.constant 0 : i32
    %dma_start3A_118 = arith.constant 0 : i32
    %dma_start3A_119 = tpu.memref_slice %arg3[%dma_start3A_111, %add3A, %dma_start3A_112, %dma_start3A_117, %dma_start3A_118] : memref<2x32x4x20x125xi32, #tpu.memory_space<hbm>> -> memref<1x1x1x20x125xi32, #tpu.memory_space<hbm>>
    %dma_start3A_120 = tpu.memref_squeeze %dma_start3A_119 : memref<1x1x1x20x125xi32, #tpu.memory_space<hbm>> -> memref<20x125xi32, #tpu.memory_space<hbm>>
    tpu.enqueue_dma source(%dma_start3A_120 : memref<20x125xi32, #tpu.memory_space<hbm>>) target(%arg5 : memref<20x125xi32, #tpu.memory_space<vmem>>) target_semaphore(%arg13 : memref<!tpu.dma_semaphore, #tpu.memory_space<semaphore_mem>>)
    %dma_start3A_121 = arith.constant 1 : i32
    %dma_start3A_122 = arith.constant 2 : i32
    %dma_start3A_123 = arith.constant 0 : i32
    %dma_start3A_124 = arith.constant 0 : i32
    %dma_start3A_125 = tpu.memref_slice %arg3[%dma_start3A_121, %add3A, %dma_start3A_122, %dma_start3A_123, %dma_start3A_124] : memref<2x32x4x20x125xi32, #tpu.memory_space<hbm>> -> memref<1x1x1x20x125xi32, #tpu.memory_space<hbm>>
    %dma_start3A_126 = tpu.memref_squeeze %dma_start3A_125 : memref<1x1x1x20x125xi32, #tpu.memory_space<hbm>> -> memref<20x125xi32, #tpu.memory_space<hbm>>
    %dma_start3A_127 = arith.constant 0 : i32
    %dma_start3A_128 = arith.constant 0 : i32
    %dma_start3A_129 = tpu.memref_slice %arg3[%dma_start3A_121, %add3A, %dma_start3A_122, %dma_start3A_127, %dma_start3A_128] : memref<2x32x4x20x125xi32, #tpu.memory_space<hbm>> -> memref<1x1x1x20x125xi32, #tpu.memory_space<hbm>>
    %dma_start3A_130 = tpu.memref_squeeze %dma_start3A_129 : memref<1x1x1x20x125xi32, #tpu.memory_space<hbm>> -> memref<20x125xi32, #tpu.memory_space<hbm>>
    tpu.enqueue_dma source(%dma_start3A_130 : memref<20x125xi32, #tpu.memory_space<hbm>>) target(%arg6 : memref<20x125xi32, #tpu.memory_space<vmem>>) target_semaphore(%arg13 : memref<!tpu.dma_semaphore, #tpu.memory_space<semaphore_mem>>)
    %dma_wait3A_131 = arith.constant 0 : i32
    %dma_wait3A_132 = arith.constant 2 : i32
    %dma_wait3A_133 = arith.constant 0 : i32
    %dma_wait3A_134 = arith.constant 0 : i32
    %dma_wait3A_135 = tpu.memref_slice %arg3[%dma_wait3A_131, %add3A, %dma_wait3A_132, %dma_wait3A_133, %dma_wait3A_134] : memref<2x32x4x20x125xi32, #tpu.memory_space<hbm>> -> memref<1x1x1x20x125xi32, #tpu.memory_space<hbm>>
    %dma_wait3A_136 = tpu.memref_squeeze %dma_wait3A_135 : memref<1x1x1x20x125xi32, #tpu.memory_space<hbm>> -> memref<20x125xi32, #tpu.memory_space<hbm>>
    %dma_wait3A_137 = arith.constant 0 : i32
    %dma_wait3A_138 = arith.constant 0 : i32
    %dma_wait3A_139 = tpu.memref_slice %arg3[%dma_wait3A_131, %add3A, %dma_wait3A_132, %dma_wait3A_137, %dma_wait3A_138] : memref<2x32x4x20x125xi32, #tpu.memory_space<hbm>> -> memref<1x1x1x20x125xi32, #tpu.memory_space<hbm>>
    %dma_wait3A_140 = tpu.memref_squeeze %dma_wait3A_139 : memref<1x1x1x20x125xi32, #tpu.memory_space<hbm>> -> memref<20x125xi32, #tpu.memory_space<hbm>>
    tpu.wait_dma2 semaphore(%arg13 : memref<!tpu.dma_semaphore, #tpu.memory_space<semaphore_mem>>) src(%dma_wait3A_140 : memref<20x125xi32, #tpu.memory_space<hbm>>) dst(%arg5 : memref<20x125xi32, #tpu.memory_space<vmem>>)
    %dma_wait3A_141 = arith.constant 1 : i32
    %dma_wait3A_142 = arith.constant 2 : i32
    %dma_wait3A_143 = arith.constant 0 : i32
    %dma_wait3A_144 = arith.constant 0 : i32
    %dma_wait3A_145 = tpu.memref_slice %arg3[%dma_wait3A_141, %add3A, %dma_wait3A_142, %dma_wait3A_143, %dma_wait3A_144] : memref<2x32x4x20x125xi32, #tpu.memory_space<hbm>> -> memref<1x1x1x20x125xi32, #tpu.memory_space<hbm>>
    %dma_wait3A_146 = tpu.memref_squeeze %dma_wait3A_145 : memref<1x1x1x20x125xi32, #tpu.memory_space<hbm>> -> memref<20x125xi32, #tpu.memory_space<hbm>>
    %dma_wait3A_147 = arith.constant 0 : i32
    %dma_wait3A_148 = arith.constant 0 : i32
    %dma_wait3A_149 = tpu.memref_slice %arg3[%dma_wait3A_141, %add3A, %dma_wait3A_142, %dma_wait3A_147, %dma_wait3A_148] : memref<2x32x4x20x125xi32, #tpu.memory_space<hbm>> -> memref<1x1x1x20x125xi32, #tpu.memory_space<hbm>>
    %dma_wait3A_150 = tpu.memref_squeeze %dma_wait3A_149 : memref<1x1x1x20x125xi32, #tpu.memory_space<hbm>> -> memref<20x125xi32, #tpu.memory_space<hbm>>
    tpu.wait_dma2 semaphore(%arg13 : memref<!tpu.dma_semaphore, #tpu.memory_space<semaphore_mem>>) src(%dma_wait3A_150 : memref<20x125xi32, #tpu.memory_space<hbm>>) dst(%arg6 : memref<20x125xi32, #tpu.memory_space<vmem>>)
    %scan3A_151 = arith.constant 0 : i32
    %scan3A_152 = arith.constant 0 : i32
    %scan3A_153 = arith.constant 10 : i32
    %scan3A_154 = arith.addi %scan3A_152, %scan3A_153 : i32
    %scan3A_155 = arith.constant 1 : i32
    %scan3A_156 = scf.for %scan3A_217 = %scan3A_152 to %scan3A_154 step %scan3A_155 iter_args(%scan3A_218 = %scan3A_151) -> (i32)  : i32 {
      %mul3A_219 = arith.constant 2 : i32
      %mul3A_220 = arith.muli %mul3A_219, %scan3A_217 : i32
      %add3A_221 = arith.constant 1 : i32
      %add3A_222 = arith.addi %mul3A_220, %add3A_221 : i32
      %dma_start3A_223 = arith.constant 0 : i32
      %dma_start3A_224 = tpu.memref_slice %arg7[%add3A_222, %dma_start3A_223] : memref<20x125xi32, #tpu.memory_space<vmem>> -> memref<1x125xi32, #tpu.memory_space<vmem>>
      %dma_start3A_225 = tpu.memref_squeeze %dma_start3A_224 : memref<1x125xi32, #tpu.memory_space<vmem>> -> memref<125xi32, #tpu.memory_space<vmem>>
      %dma_start3A_226 = arith.constant 0 : i32
      %dma_start3A_227 = arith.constant 0 : i32
      %dma_start3A_228 = tpu.memref_slice %arg2[%dma_start3A_226, %dma_start3A_227] : memref<10000x128xf32, #tpu.memory_space<hbm>> -> memref<10000x128xf32, #tpu.memory_space<hbm>>
      tpu.enqueue_indirect_dma source(%dma_start3A_228 : memref<10000x128xf32, #tpu.memory_space<hbm>>) target(%arg10 : memref<125x128xf32, #tpu.memory_space<vmem>>) offsets(%dma_start3A_225 : memref<125xi32, #tpu.memory_space<vmem>>) semaphore(%arg12 : memref<!tpu.dma_semaphore, #tpu.memory_space<semaphore_mem>>)
      %dma_wait3A_229 = arith.constant 0 : i32
      %dma_wait3A_230 = tpu.memref_slice %arg7[%mul3A_220, %dma_wait3A_229] : memref<20x125xi32, #tpu.memory_space<vmem>> -> memref<1x125xi32, #tpu.memory_space<vmem>>
      %dma_wait3A_231 = tpu.memref_squeeze %dma_wait3A_230 : memref<1x125xi32, #tpu.memory_space<vmem>> -> memref<125xi32, #tpu.memory_space<vmem>>
      %dma_wait3A_232 = arith.constant 0 : i32
      %dma_wait3A_233 = arith.constant 0 : i32
      %dma_wait3A_234 = tpu.memref_slice %arg2[%dma_wait3A_232, %dma_wait3A_233] : memref<10000x128xf32, #tpu.memory_space<hbm>> -> memref<10000x128xf32, #tpu.memory_space<hbm>>
      tpu.wait_indirect_dma semaphore(%arg11 : memref<!tpu.dma_semaphore, #tpu.memory_space<semaphore_mem>>) src(%dma_wait3A_234 : memref<10000x128xf32, #tpu.memory_space<hbm>>) dst(%arg9 : memref<125x128xf32, #tpu.memory_space<vmem>>)
      "tpu.region"() ({
        %run_scoped3A = tpu.sem_alloc : memref<!tpu.dma_semaphore, #tpu.memory_space<semaphore_mem>>
        %dma_start3A_254 = arith.constant 0 : i32
        %dma_start3A_255 = tpu.memref_slice %arg8[%mul3A_220, %dma_start3A_254] : memref<20x125xi32, #tpu.memory_space<vmem>> -> memref<1x125xi32, #tpu.memory_space<vmem>>
        %dma_start3A_256 = tpu.memref_squeeze %dma_start3A_255 : memref<1x125xi32, #tpu.memory_space<vmem>> -> memref<125xi32, #tpu.memory_space<vmem>>
        %dma_start3A_257 = arith.constant 0 : i32
        %dma_start3A_258 = arith.constant 0 : i32
        %dma_start3A_259 = tpu.memref_slice %arg15[%dma_start3A_257, %dma_start3A_258] : memref<10000x128xf32, #tpu.memory_space<vmem_shared>> -> memref<10000x128xf32, #tpu.memory_space<vmem_shared>>
        tpu.enqueue_indirect_dma source(%arg9 : memref<125x128xf32, #tpu.memory_space<vmem>>) target(%dma_start3A_259 : memref<10000x128xf32, #tpu.memory_space<vmem_shared>>) offsets(%dma_start3A_256 : memref<125xi32, #tpu.memory_space<vmem>>) semaphore(%run_scoped3A : memref<!tpu.dma_semaphore, #tpu.memory_space<semaphore_mem>>) {add = true}
        %dma_wait3A_260 = arith.constant 0 : i32
        %dma_wait3A_261 = tpu.memref_slice %arg8[%mul3A_220, %dma_wait3A_260] : memref<20x125xi32, #tpu.memory_space<vmem>> -> memref<1x125xi32, #tpu.memory_space<vmem>>
        %dma_wait3A_262 = tpu.memref_squeeze %dma_wait3A_261 : memref<1x125xi32, #tpu.memory_space<vmem>> -> memref<125xi32, #tpu.memory_space<vmem>>
        %dma_wait3A_263 = arith.constant 0 : i32
        %dma_wait3A_264 = arith.constant 0 : i32
        %dma_wait3A_265 = tpu.memref_slice %arg15[%dma_wait3A_263, %dma_wait3A_264] : memref<10000x128xf32, #tpu.memory_space<vmem_shared>> -> memref<10000x128xf32, #tpu.memory_space<vmem_shared>>
        tpu.wait_indirect_dma semaphore(%run_scoped3A : memref<!tpu.dma_semaphore, #tpu.memory_space<semaphore_mem>>) src(%arg9 : memref<125x128xf32, #tpu.memory_space<vmem>>) dst(%dma_wait3A_265 : memref<10000x128xf32, #tpu.memory_space<vmem_shared>>)
        tpu.yield
      }) : () -> ()
      %add3A_235 = arith.constant 2 : i32
      %add3A_236 = arith.addi %mul3A_220, %add3A_235 : i32
      %lt3A = arith.constant 20 : i32
      %lt3A_237 = arith.cmpi slt, %add3A_236, %lt3A : i32
      %convert_element_type3A_238 = arith.extui %lt3A_237 : i1 to i32
      %cond3A_239 = arith.constant 0 : i32
      %cond3A_240 = arith.cmpi ne, %convert_element_type3A_238, %cond3A_239 : i32
      scf.if %cond3A_240 {
        %add3A_254 = arith.constant 2 : i32
        %add3A_255 = arith.addi %mul3A_220, %add3A_254 : i32
        %dma_start3A_256 = arith.constant 0 : i32
        %dma_start3A_257 = tpu.memref_slice %arg7[%add3A_255, %dma_start3A_256] : memref<20x125xi32, #tpu.memory_space<vmem>> -> memref<1x125xi32, #tpu.memory_space<vmem>>
        %dma_start3A_258 = tpu.memref_squeeze %dma_start3A_257 : memref<1x125xi32, #tpu.memory_space<vmem>> -> memref<125xi32, #tpu.memory_space<vmem>>
        %dma_start3A_259 = arith.constant 0 : i32
        %dma_start3A_260 = arith.constant 0 : i32
        %dma_start3A_261 = tpu.memref_slice %arg2[%dma_start3A_259, %dma_start3A_260] : memref<10000x128xf32, #tpu.memory_space<hbm>> -> memref<10000x128xf32, #tpu.memory_space<hbm>>
        tpu.enqueue_indirect_dma source(%dma_start3A_261 : memref<10000x128xf32, #tpu.memory_space<hbm>>) target(%arg9 : memref<125x128xf32, #tpu.memory_space<vmem>>) offsets(%dma_start3A_258 : memref<125xi32, #tpu.memory_space<vmem>>) semaphore(%arg11 : memref<!tpu.dma_semaphore, #tpu.memory_space<semaphore_mem>>)
      } else {
      }
      %add3A_241 = arith.constant 2 : i32
      %add3A_242 = arith.addi %mul3A_220, %add3A_241 : i32
      %ge3A = arith.constant 20 : i32
      %ge3A_243 = arith.cmpi sge, %add3A_242, %ge3A : i32
      %convert_element_type3A_244 = arith.extui %ge3A_243 : i1 to i32
      %cond3A_245 = arith.constant 0 : i32
      %cond3A_246 = arith.cmpi ne, %convert_element_type3A_244, %cond3A_245 : i32
      scf.if %cond3A_246 {
        %dma_start3A_254 = arith.constant 0 : i32
        %dma_start3A_255 = arith.constant 0 : i32
        %dma_start3A_256 = tpu.memref_slice %arg5[%dma_start3A_254, %dma_start3A_255] : memref<20x125xi32, #tpu.memory_space<vmem>> -> memref<1x125xi32, #tpu.memory_space<vmem>>
        %dma_start3A_257 = tpu.memref_squeeze %dma_start3A_256 : memref<1x125xi32, #tpu.memory_space<vmem>> -> memref<125xi32, #tpu.memory_space<vmem>>
        %dma_start3A_258 = arith.constant 0 : i32
        %dma_start3A_259 = arith.constant 0 : i32
        %dma_start3A_260 = tpu.memref_slice %arg2[%dma_start3A_258, %dma_start3A_259] : memref<10000x128xf32, #tpu.memory_space<hbm>> -> memref<10000x128xf32, #tpu.memory_space<hbm>>
        tpu.enqueue_indirect_dma source(%dma_start3A_260 : memref<10000x128xf32, #tpu.memory_space<hbm>>) target(%arg9 : memref<125x128xf32, #tpu.memory_space<vmem>>) offsets(%dma_start3A_257 : memref<125xi32, #tpu.memory_space<vmem>>) semaphore(%arg11 : memref<!tpu.dma_semaphore, #tpu.memory_space<semaphore_mem>>)
      } else {
      }
      %dma_wait3A_247 = arith.constant 0 : i32
      %dma_wait3A_248 = tpu.memref_slice %arg7[%add3A_222, %dma_wait3A_247] : memref<20x125xi32, #tpu.memory_space<vmem>> -> memref<1x125xi32, #tpu.memory_space<vmem>>
      %dma_wait3A_249 = tpu.memref_squeeze %dma_wait3A_248 : memref<1x125xi32, #tpu.memory_space<vmem>> -> memref<125xi32, #tpu.memory_space<vmem>>
      %dma_wait3A_250 = arith.constant 0 : i32
      %dma_wait3A_251 = arith.constant 0 : i32
      %dma_wait3A_252 = tpu.memref_slice %arg2[%dma_wait3A_250, %dma_wait3A_251] : memref<10000x128xf32, #tpu.memory_space<hbm>> -> memref<10000x128xf32, #tpu.memory_space<hbm>>
      tpu.wait_indirect_dma semaphore(%arg12 : memref<!tpu.dma_semaphore, #tpu.memory_space<semaphore_mem>>) src(%dma_wait3A_252 : memref<10000x128xf32, #tpu.memory_space<hbm>>) dst(%arg10 : memref<125x128xf32, #tpu.memory_space<vmem>>)
      "tpu.region"() ({
        %run_scoped3A = tpu.sem_alloc : memref<!tpu.dma_semaphore, #tpu.memory_space<semaphore_mem>>
        %dma_start3A_254 = arith.constant 0 : i32
        %dma_start3A_255 = tpu.memref_slice %arg8[%add3A_222, %dma_start3A_254] : memref<20x125xi32, #tpu.memory_space<vmem>> -> memref<1x125xi32, #tpu.memory_space<vmem>>
        %dma_start3A_256 = tpu.memref_squeeze %dma_start3A_255 : memref<1x125xi32, #tpu.memory_space<vmem>> -> memref<125xi32, #tpu.memory_space<vmem>>
        %dma_start3A_257 = arith.constant 0 : i32
        %dma_start3A_258 = arith.constant 0 : i32
        %dma_start3A_259 = tpu.memref_slice %arg15[%dma_start3A_257, %dma_start3A_258] : memref<10000x128xf32, #tpu.memory_space<vmem_shared>> -> memref<10000x128xf32, #tpu.memory_space<vmem_shared>>
        tpu.enqueue_indirect_dma source(%arg10 : memref<125x128xf32, #tpu.memory_space<vmem>>) target(%dma_start3A_259 : memref<10000x128xf32, #tpu.memory_space<vmem_shared>>) offsets(%dma_start3A_256 : memref<125xi32, #tpu.memory_space<vmem>>) semaphore(%run_scoped3A : memref<!tpu.dma_semaphore, #tpu.memory_space<semaphore_mem>>) {add = true}
        %dma_wait3A_260 = arith.constant 0 : i32
        %dma_wait3A_261 = tpu.memref_slice %arg8[%add3A_222, %dma_wait3A_260] : memref<20x125xi32, #tpu.memory_space<vmem>> -> memref<1x125xi32, #tpu.memory_space<vmem>>
        %dma_wait3A_262 = tpu.memref_squeeze %dma_wait3A_261 : memref<1x125xi32, #tpu.memory_space<vmem>> -> memref<125xi32, #tpu.memory_space<vmem>>
        %dma_wait3A_263 = arith.constant 0 : i32
        %dma_wait3A_264 = arith.constant 0 : i32
        %dma_wait3A_265 = tpu.memref_slice %arg15[%dma_wait3A_263, %dma_wait3A_264] : memref<10000x128xf32, #tpu.memory_space<vmem_shared>> -> memref<10000x128xf32, #tpu.memory_space<vmem_shared>>
        tpu.wait_indirect_dma semaphore(%run_scoped3A : memref<!tpu.dma_semaphore, #tpu.memory_space<semaphore_mem>>) src(%arg10 : memref<125x128xf32, #tpu.memory_space<vmem>>) dst(%dma_wait3A_265 : memref<10000x128xf32, #tpu.memory_space<vmem_shared>>)
        tpu.yield
      }) : () -> ()
      %scan3A_253 = arith.constant 0 : i32
      scf.yield %scan3A_253 : i32
    }
    %scan3A_157 = arith.constant 10 : i32
    %dma_start3A_158 = arith.constant 0 : i32
    %dma_start3A_159 = arith.constant 3 : i32
    %dma_start3A_160 = arith.constant 0 : i32
    %dma_start3A_161 = arith.constant 0 : i32
    %dma_start3A_162 = tpu.memref_slice %arg3[%dma_start3A_158, %add3A, %dma_start3A_159, %dma_start3A_160, %dma_start3A_161] : memref<2x32x4x20x125xi32, #tpu.memory_space<hbm>> -> memref<1x1x1x20x125xi32, #tpu.memory_space<hbm>>
    %dma_start3A_163 = tpu.memref_squeeze %dma_start3A_162 : memref<1x1x1x20x125xi32, #tpu.memory_space<hbm>> -> memref<20x125xi32, #tpu.memory_space<hbm>>
    %dma_start3A_164 = arith.constant 0 : i32
    %dma_start3A_165 = arith.constant 0 : i32
    %dma_start3A_166 = tpu.memref_slice %arg3[%dma_start3A_158, %add3A, %dma_start3A_159, %dma_start3A_164, %dma_start3A_165] : memref<2x32x4x20x125xi32, #tpu.memory_space<hbm>> -> memref<1x1x1x20x125xi32, #tpu.memory_space<hbm>>
    %dma_start3A_167 = tpu.memref_squeeze %dma_start3A_166 : memref<1x1x1x20x125xi32, #tpu.memory_space<hbm>> -> memref<20x125xi32, #tpu.memory_space<hbm>>
    tpu.enqueue_dma source(%dma_start3A_167 : memref<20x125xi32, #tpu.memory_space<hbm>>) target(%arg7 : memref<20x125xi32, #tpu.memory_space<vmem>>) target_semaphore(%arg14 : memref<!tpu.dma_semaphore, #tpu.memory_space<semaphore_mem>>)
    %dma_start3A_168 = arith.constant 1 : i32
    %dma_start3A_169 = arith.constant 3 : i32
    %dma_start3A_170 = arith.constant 0 : i32
    %dma_start3A_171 = arith.constant 0 : i32
    %dma_start3A_172 = tpu.memref_slice %arg3[%dma_start3A_168, %add3A, %dma_start3A_169, %dma_start3A_170, %dma_start3A_171] : memref<2x32x4x20x125xi32, #tpu.memory_space<hbm>> -> memref<1x1x1x20x125xi32, #tpu.memory_space<hbm>>
    %dma_start3A_173 = tpu.memref_squeeze %dma_start3A_172 : memref<1x1x1x20x125xi32, #tpu.memory_space<hbm>> -> memref<20x125xi32, #tpu.memory_space<hbm>>
    %dma_start3A_174 = arith.constant 0 : i32
    %dma_start3A_175 = arith.constant 0 : i32
    %dma_start3A_176 = tpu.memref_slice %arg3[%dma_start3A_168, %add3A, %dma_start3A_169, %dma_start3A_174, %dma_start3A_175] : memref<2x32x4x20x125xi32, #tpu.memory_space<hbm>> -> memref<1x1x1x20x125xi32, #tpu.memory_space<hbm>>
    %dma_start3A_177 = tpu.memref_squeeze %dma_start3A_176 : memref<1x1x1x20x125xi32, #tpu.memory_space<hbm>> -> memref<20x125xi32, #tpu.memory_space<hbm>>
    tpu.enqueue_dma source(%dma_start3A_177 : memref<20x125xi32, #tpu.memory_space<hbm>>) target(%arg8 : memref<20x125xi32, #tpu.memory_space<vmem>>) target_semaphore(%arg14 : memref<!tpu.dma_semaphore, #tpu.memory_space<semaphore_mem>>)
    %dma_wait3A_178 = arith.constant 0 : i32
    %dma_wait3A_179 = arith.constant 3 : i32
    %dma_wait3A_180 = arith.constant 0 : i32
    %dma_wait3A_181 = arith.constant 0 : i32
    %dma_wait3A_182 = tpu.memref_slice %arg3[%dma_wait3A_178, %add3A, %dma_wait3A_179, %dma_wait3A_180, %dma_wait3A_181] : memref<2x32x4x20x125xi32, #tpu.memory_space<hbm>> -> memref<1x1x1x20x125xi32, #tpu.memory_space<hbm>>
    %dma_wait3A_183 = tpu.memref_squeeze %dma_wait3A_182 : memref<1x1x1x20x125xi32, #tpu.memory_space<hbm>> -> memref<20x125xi32, #tpu.memory_space<hbm>>
    %dma_wait3A_184 = arith.constant 0 : i32
    %dma_wait3A_185 = arith.constant 0 : i32
    %dma_wait3A_186 = tpu.memref_slice %arg3[%dma_wait3A_178, %add3A, %dma_wait3A_179, %dma_wait3A_184, %dma_wait3A_185] : memref<2x32x4x20x125xi32, #tpu.memory_space<hbm>> -> memref<1x1x1x20x125xi32, #tpu.memory_space<hbm>>
    %dma_wait3A_187 = tpu.memref_squeeze %dma_wait3A_186 : memref<1x1x1x20x125xi32, #tpu.memory_space<hbm>> -> memref<20x125xi32, #tpu.memory_space<hbm>>
    tpu.wait_dma2 semaphore(%arg14 : memref<!tpu.dma_semaphore, #tpu.memory_space<semaphore_mem>>) src(%dma_wait3A_187 : memref<20x125xi32, #tpu.memory_space<hbm>>) dst(%arg7 : memref<20x125xi32, #tpu.memory_space<vmem>>)
    %dma_wait3A_188 = arith.constant 1 : i32
    %dma_wait3A_189 = arith.constant 3 : i32
    %dma_wait3A_190 = arith.constant 0 : i32
    %dma_wait3A_191 = arith.constant 0 : i32
    %dma_wait3A_192 = tpu.memref_slice %arg3[%dma_wait3A_188, %add3A, %dma_wait3A_189, %dma_wait3A_190, %dma_wait3A_191] : memref<2x32x4x20x125xi32, #tpu.memory_space<hbm>> -> memref<1x1x1x20x125xi32, #tpu.memory_space<hbm>>
    %dma_wait3A_193 = tpu.memref_squeeze %dma_wait3A_192 : memref<1x1x1x20x125xi32, #tpu.memory_space<hbm>> -> memref<20x125xi32, #tpu.memory_space<hbm>>
    %dma_wait3A_194 = arith.constant 0 : i32
    %dma_wait3A_195 = arith.constant 0 : i32
    %dma_wait3A_196 = tpu.memref_slice %arg3[%dma_wait3A_188, %add3A, %dma_wait3A_189, %dma_wait3A_194, %dma_wait3A_195] : memref<2x32x4x20x125xi32, #tpu.memory_space<hbm>> -> memref<1x1x1x20x125xi32, #tpu.memory_space<hbm>>
    %dma_wait3A_197 = tpu.memref_squeeze %dma_wait3A_196 : memref<1x1x1x20x125xi32, #tpu.memory_space<hbm>> -> memref<20x125xi32, #tpu.memory_space<hbm>>
    tpu.wait_dma2 semaphore(%arg14 : memref<!tpu.dma_semaphore, #tpu.memory_space<semaphore_mem>>) src(%dma_wait3A_197 : memref<20x125xi32, #tpu.memory_space<hbm>>) dst(%arg8 : memref<20x125xi32, #tpu.memory_space<vmem>>)
    %scan3A_198 = arith.constant 0 : i32
    %scan3A_199 = arith.constant 0 : i32
    %scan3A_200 = arith.constant 10 : i32
    %scan3A_201 = arith.addi %scan3A_199, %scan3A_200 : i32
    %scan3A_202 = arith.constant 1 : i32
    %scan3A_203 = scf.for %scan3A_217 = %scan3A_199 to %scan3A_201 step %scan3A_202 iter_args(%scan3A_218 = %scan3A_198) -> (i32)  : i32 {
      %mul3A_219 = arith.constant 2 : i32
      %mul3A_220 = arith.muli %mul3A_219, %scan3A_217 : i32
      %add3A_221 = arith.constant 1 : i32
      %add3A_222 = arith.addi %mul3A_220, %add3A_221 : i32
      %dma_start3A_223 = arith.constant 0 : i32
      %dma_start3A_224 = tpu.memref_slice %arg5[%add3A_222, %dma_start3A_223] : memref<20x125xi32, #tpu.memory_space<vmem>> -> memref<1x125xi32, #tpu.memory_space<vmem>>
      %dma_start3A_225 = tpu.memref_squeeze %dma_start3A_224 : memref<1x125xi32, #tpu.memory_space<vmem>> -> memref<125xi32, #tpu.memory_space<vmem>>
      %dma_start3A_226 = arith.constant 0 : i32
      %dma_start3A_227 = arith.constant 0 : i32
      %dma_start3A_228 = tpu.memref_slice %arg2[%dma_start3A_226, %dma_start3A_227] : memref<10000x128xf32, #tpu.memory_space<hbm>> -> memref<10000x128xf32, #tpu.memory_space<hbm>>
      tpu.enqueue_indirect_dma source(%dma_start3A_228 : memref<10000x128xf32, #tpu.memory_space<hbm>>) target(%arg10 : memref<125x128xf32, #tpu.memory_space<vmem>>) offsets(%dma_start3A_225 : memref<125xi32, #tpu.memory_space<vmem>>) semaphore(%arg12 : memref<!tpu.dma_semaphore, #tpu.memory_space<semaphore_mem>>)
      %dma_wait3A_229 = arith.constant 0 : i32
      %dma_wait3A_230 = tpu.memref_slice %arg5[%mul3A_220, %dma_wait3A_229] : memref<20x125xi32, #tpu.memory_space<vmem>> -> memref<1x125xi32, #tpu.memory_space<vmem>>
      %dma_wait3A_231 = tpu.memref_squeeze %dma_wait3A_230 : memref<1x125xi32, #tpu.memory_space<vmem>> -> memref<125xi32, #tpu.memory_space<vmem>>
      %dma_wait3A_232 = arith.constant 0 : i32
      %dma_wait3A_233 = arith.constant 0 : i32
      %dma_wait3A_234 = tpu.memref_slice %arg2[%dma_wait3A_232, %dma_wait3A_233] : memref<10000x128xf32, #tpu.memory_space<hbm>> -> memref<10000x128xf32, #tpu.memory_space<hbm>>
      tpu.wait_indirect_dma semaphore(%arg11 : memref<!tpu.dma_semaphore, #tpu.memory_space<semaphore_mem>>) src(%dma_wait3A_234 : memref<10000x128xf32, #tpu.memory_space<hbm>>) dst(%arg9 : memref<125x128xf32, #tpu.memory_space<vmem>>)
      "tpu.region"() ({
        %run_scoped3A = tpu.sem_alloc : memref<!tpu.dma_semaphore, #tpu.memory_space<semaphore_mem>>
        %dma_start3A_254 = arith.constant 0 : i32
        %dma_start3A_255 = tpu.memref_slice %arg6[%mul3A_220, %dma_start3A_254] : memref<20x125xi32, #tpu.memory_space<vmem>> -> memref<1x125xi32, #tpu.memory_space<vmem>>
        %dma_start3A_256 = tpu.memref_squeeze %dma_start3A_255 : memref<1x125xi32, #tpu.memory_space<vmem>> -> memref<125xi32, #tpu.memory_space<vmem>>
        %dma_start3A_257 = arith.constant 0 : i32
        %dma_start3A_258 = arith.constant 0 : i32
        %dma_start3A_259 = tpu.memref_slice %arg15[%dma_start3A_257, %dma_start3A_258] : memref<10000x128xf32, #tpu.memory_space<vmem_shared>> -> memref<10000x128xf32, #tpu.memory_space<vmem_shared>>
        tpu.enqueue_indirect_dma source(%arg9 : memref<125x128xf32, #tpu.memory_space<vmem>>) target(%dma_start3A_259 : memref<10000x128xf32, #tpu.memory_space<vmem_shared>>) offsets(%dma_start3A_256 : memref<125xi32, #tpu.memory_space<vmem>>) semaphore(%run_scoped3A : memref<!tpu.dma_semaphore, #tpu.memory_space<semaphore_mem>>) {add = true}
        %dma_wait3A_260 = arith.constant 0 : i32
        %dma_wait3A_261 = tpu.memref_slice %arg6[%mul3A_220, %dma_wait3A_260] : memref<20x125xi32, #tpu.memory_space<vmem>> -> memref<1x125xi32, #tpu.memory_space<vmem>>
        %dma_wait3A_262 = tpu.memref_squeeze %dma_wait3A_261 : memref<1x125xi32, #tpu.memory_space<vmem>> -> memref<125xi32, #tpu.memory_space<vmem>>
        %dma_wait3A_263 = arith.constant 0 : i32
        %dma_wait3A_264 = arith.constant 0 : i32
        %dma_wait3A_265 = tpu.memref_slice %arg15[%dma_wait3A_263, %dma_wait3A_264] : memref<10000x128xf32, #tpu.memory_space<vmem_shared>> -> memref<10000x128xf32, #tpu.memory_space<vmem_shared>>
        tpu.wait_indirect_dma semaphore(%run_scoped3A : memref<!tpu.dma_semaphore, #tpu.memory_space<semaphore_mem>>) src(%arg9 : memref<125x128xf32, #tpu.memory_space<vmem>>) dst(%dma_wait3A_265 : memref<10000x128xf32, #tpu.memory_space<vmem_shared>>)
        tpu.yield
      }) : () -> ()
      %add3A_235 = arith.constant 2 : i32
      %add3A_236 = arith.addi %mul3A_220, %add3A_235 : i32
      %lt3A = arith.constant 20 : i32
      %lt3A_237 = arith.cmpi slt, %add3A_236, %lt3A : i32
      %convert_element_type3A_238 = arith.extui %lt3A_237 : i1 to i32
      %cond3A_239 = arith.constant 0 : i32
      %cond3A_240 = arith.cmpi ne, %convert_element_type3A_238, %cond3A_239 : i32
      scf.if %cond3A_240 {
        %add3A_254 = arith.constant 2 : i32
        %add3A_255 = arith.addi %mul3A_220, %add3A_254 : i32
        %dma_start3A_256 = arith.constant 0 : i32
        %dma_start3A_257 = tpu.memref_slice %arg5[%add3A_255, %dma_start3A_256] : memref<20x125xi32, #tpu.memory_space<vmem>> -> memref<1x125xi32, #tpu.memory_space<vmem>>
        %dma_start3A_258 = tpu.memref_squeeze %dma_start3A_257 : memref<1x125xi32, #tpu.memory_space<vmem>> -> memref<125xi32, #tpu.memory_space<vmem>>
        %dma_start3A_259 = arith.constant 0 : i32
        %dma_start3A_260 = arith.constant 0 : i32
        %dma_start3A_261 = tpu.memref_slice %arg2[%dma_start3A_259, %dma_start3A_260] : memref<10000x128xf32, #tpu.memory_space<hbm>> -> memref<10000x128xf32, #tpu.memory_space<hbm>>
        tpu.enqueue_indirect_dma source(%dma_start3A_261 : memref<10000x128xf32, #tpu.memory_space<hbm>>) target(%arg9 : memref<125x128xf32, #tpu.memory_space<vmem>>) offsets(%dma_start3A_258 : memref<125xi32, #tpu.memory_space<vmem>>) semaphore(%arg11 : memref<!tpu.dma_semaphore, #tpu.memory_space<semaphore_mem>>)
      } else {
      }
      %add3A_241 = arith.constant 2 : i32
      %add3A_242 = arith.addi %mul3A_220, %add3A_241 : i32
      %ge3A = arith.constant 20 : i32
      %ge3A_243 = arith.cmpi sge, %add3A_242, %ge3A : i32
      %convert_element_type3A_244 = arith.extui %ge3A_243 : i1 to i32
      %cond3A_245 = arith.constant 0 : i32
      %cond3A_246 = arith.cmpi ne, %convert_element_type3A_244, %cond3A_245 : i32
      scf.if %cond3A_246 {
        %dma_start3A_254 = arith.constant 0 : i32
        %dma_start3A_255 = arith.constant 0 : i32
        %dma_start3A_256 = tpu.memref_slice %arg7[%dma_start3A_254, %dma_start3A_255] : memref<20x125xi32, #tpu.memory_space<vmem>> -> memref<1x125xi32, #tpu.memory_space<vmem>>
        %dma_start3A_257 = tpu.memref_squeeze %dma_start3A_256 : memref<1x125xi32, #tpu.memory_space<vmem>> -> memref<125xi32, #tpu.memory_space<vmem>>
        %dma_start3A_258 = arith.constant 0 : i32
        %dma_start3A_259 = arith.constant 0 : i32
        %dma_start3A_260 = tpu.memref_slice %arg2[%dma_start3A_258, %dma_start3A_259] : memref<10000x128xf32, #tpu.memory_space<hbm>> -> memref<10000x128xf32, #tpu.memory_space<hbm>>
        tpu.enqueue_indirect_dma source(%dma_start3A_260 : memref<10000x128xf32, #tpu.memory_space<hbm>>) target(%arg9 : memref<125x128xf32, #tpu.memory_space<vmem>>) offsets(%dma_start3A_257 : memref<125xi32, #tpu.memory_space<vmem>>) semaphore(%arg11 : memref<!tpu.dma_semaphore, #tpu.memory_space<semaphore_mem>>)
      } else {
      }
      %dma_wait3A_247 = arith.constant 0 : i32
      %dma_wait3A_248 = tpu.memref_slice %arg5[%add3A_222, %dma_wait3A_247] : memref<20x125xi32, #tpu.memory_space<vmem>> -> memref<1x125xi32, #tpu.memory_space<vmem>>
      %dma_wait3A_249 = tpu.memref_squeeze %dma_wait3A_248 : memref<1x125xi32, #tpu.memory_space<vmem>> -> memref<125xi32, #tpu.memory_space<vmem>>
      %dma_wait3A_250 = arith.constant 0 : i32
      %dma_wait3A_251 = arith.constant 0 : i32
      %dma_wait3A_252 = tpu.memref_slice %arg2[%dma_wait3A_250, %dma_wait3A_251] : memref<10000x128xf32, #tpu.memory_space<hbm>> -> memref<10000x128xf32, #tpu.memory_space<hbm>>
      tpu.wait_indirect_dma semaphore(%arg12 : memref<!tpu.dma_semaphore, #tpu.memory_space<semaphore_mem>>) src(%dma_wait3A_252 : memref<10000x128xf32, #tpu.memory_space<hbm>>) dst(%arg10 : memref<125x128xf32, #tpu.memory_space<vmem>>)
      "tpu.region"() ({
        %run_scoped3A = tpu.sem_alloc : memref<!tpu.dma_semaphore, #tpu.memory_space<semaphore_mem>>
        %dma_start3A_254 = arith.constant 0 : i32
        %dma_start3A_255 = tpu.memref_slice %arg6[%add3A_222, %dma_start3A_254] : memref<20x125xi32, #tpu.memory_space<vmem>> -> memref<1x125xi32, #tpu.memory_space<vmem>>
        %dma_start3A_256 = tpu.memref_squeeze %dma_start3A_255 : memref<1x125xi32, #tpu.memory_space<vmem>> -> memref<125xi32, #tpu.memory_space<vmem>>
        %dma_start3A_257 = arith.constant 0 : i32
        %dma_start3A_258 = arith.constant 0 : i32
        %dma_start3A_259 = tpu.memref_slice %arg15[%dma_start3A_257, %dma_start3A_258] : memref<10000x128xf32, #tpu.memory_space<vmem_shared>> -> memref<10000x128xf32, #tpu.memory_space<vmem_shared>>
        tpu.enqueue_indirect_dma source(%arg10 : memref<125x128xf32, #tpu.memory_space<vmem>>) target(%dma_start3A_259 : memref<10000x128xf32, #tpu.memory_space<vmem_shared>>) offsets(%dma_start3A_256 : memref<125xi32, #tpu.memory_space<vmem>>) semaphore(%run_scoped3A : memref<!tpu.dma_semaphore, #tpu.memory_space<semaphore_mem>>) {add = true}
        %dma_wait3A_260 = arith.constant 0 : i32
        %dma_wait3A_261 = tpu.memref_slice %arg6[%add3A_222, %dma_wait3A_260] : memref<20x125xi32, #tpu.memory_space<vmem>> -> memref<1x125xi32, #tpu.memory_space<vmem>>
        %dma_wait3A_262 = tpu.memref_squeeze %dma_wait3A_261 : memref<1x125xi32, #tpu.memory_space<vmem>> -> memref<125xi32, #tpu.memory_space<vmem>>
        %dma_wait3A_263 = arith.constant 0 : i32
        %dma_wait3A_264 = arith.constant 0 : i32
        %dma_wait3A_265 = tpu.memref_slice %arg15[%dma_wait3A_263, %dma_wait3A_264] : memref<10000x128xf32, #tpu.memory_space<vmem_shared>> -> memref<10000x128xf32, #tpu.memory_space<vmem_shared>>
        tpu.wait_indirect_dma semaphore(%run_scoped3A : memref<!tpu.dma_semaphore, #tpu.memory_space<semaphore_mem>>) src(%arg10 : memref<125x128xf32, #tpu.memory_space<vmem>>) dst(%dma_wait3A_265 : memref<10000x128xf32, #tpu.memory_space<vmem_shared>>)
        tpu.yield
      }) : () -> ()
      %scan3A_253 = arith.constant 0 : i32
      scf.yield %scan3A_253 : i32
    }
    %scan3A_204 = arith.constant 10 : i32
    %scan3A_205 = arith.constant 0 : i32
    %scan3A_206 = arith.constant 0 : i32
    %scan3A_207 = arith.constant 10 : i32
    %scan3A_208 = arith.addi %scan3A_206, %scan3A_207 : i32
    %scan3A_209 = arith.constant 1 : i32
    %scan3A_210 = scf.for %scan3A_217 = %scan3A_206 to %scan3A_208 step %scan3A_209 iter_args(%scan3A_218 = %scan3A_205) -> (i32)  : i32 {
      %mul3A_219 = arith.constant 2 : i32
      %mul3A_220 = arith.muli %mul3A_219, %scan3A_217 : i32
      %add3A_221 = arith.constant 1 : i32
      %add3A_222 = arith.addi %mul3A_220, %add3A_221 : i32
      %dma_start3A_223 = arith.constant 0 : i32
      %dma_start3A_224 = tpu.memref_slice %arg7[%add3A_222, %dma_start3A_223] : memref<20x125xi32, #tpu.memory_space<vmem>> -> memref<1x125xi32, #tpu.memory_space<vmem>>
      %dma_start3A_225 = tpu.memref_squeeze %dma_start3A_224 : memref<1x125xi32, #tpu.memory_space<vmem>> -> memref<125xi32, #tpu.memory_space<vmem>>
      %dma_start3A_226 = arith.constant 0 : i32
      %dma_start3A_227 = arith.constant 0 : i32
      %dma_start3A_228 = tpu.memref_slice %arg2[%dma_start3A_226, %dma_start3A_227] : memref<10000x128xf32, #tpu.memory_space<hbm>> -> memref<10000x128xf32, #tpu.memory_space<hbm>>
      tpu.enqueue_indirect_dma source(%dma_start3A_228 : memref<10000x128xf32, #tpu.memory_space<hbm>>) target(%arg10 : memref<125x128xf32, #tpu.memory_space<vmem>>) offsets(%dma_start3A_225 : memref<125xi32, #tpu.memory_space<vmem>>) semaphore(%arg12 : memref<!tpu.dma_semaphore, #tpu.memory_space<semaphore_mem>>)
      %dma_wait3A_229 = arith.constant 0 : i32
      %dma_wait3A_230 = tpu.memref_slice %arg7[%mul3A_220, %dma_wait3A_229] : memref<20x125xi32, #tpu.memory_space<vmem>> -> memref<1x125xi32, #tpu.memory_space<vmem>>
      %dma_wait3A_231 = tpu.memref_squeeze %dma_wait3A_230 : memref<1x125xi32, #tpu.memory_space<vmem>> -> memref<125xi32, #tpu.memory_space<vmem>>
      %dma_wait3A_232 = arith.constant 0 : i32
      %dma_wait3A_233 = arith.constant 0 : i32
      %dma_wait3A_234 = tpu.memref_slice %arg2[%dma_wait3A_232, %dma_wait3A_233] : memref<10000x128xf32, #tpu.memory_space<hbm>> -> memref<10000x128xf32, #tpu.memory_space<hbm>>
      tpu.wait_indirect_dma semaphore(%arg11 : memref<!tpu.dma_semaphore, #tpu.memory_space<semaphore_mem>>) src(%dma_wait3A_234 : memref<10000x128xf32, #tpu.memory_space<hbm>>) dst(%arg9 : memref<125x128xf32, #tpu.memory_space<vmem>>)
      "tpu.region"() ({
        %run_scoped3A = tpu.sem_alloc : memref<!tpu.dma_semaphore, #tpu.memory_space<semaphore_mem>>
        %dma_start3A_248 = arith.constant 0 : i32
        %dma_start3A_249 = tpu.memref_slice %arg8[%mul3A_220, %dma_start3A_248] : memref<20x125xi32, #tpu.memory_space<vmem>> -> memref<1x125xi32, #tpu.memory_space<vmem>>
        %dma_start3A_250 = tpu.memref_squeeze %dma_start3A_249 : memref<1x125xi32, #tpu.memory_space<vmem>> -> memref<125xi32, #tpu.memory_space<vmem>>
        %dma_start3A_251 = arith.constant 0 : i32
        %dma_start3A_252 = arith.constant 0 : i32
        %dma_start3A_253 = tpu.memref_slice %arg15[%dma_start3A_251, %dma_start3A_252] : memref<10000x128xf32, #tpu.memory_space<vmem_shared>> -> memref<10000x128xf32, #tpu.memory_space<vmem_shared>>
        tpu.enqueue_indirect_dma source(%arg9 : memref<125x128xf32, #tpu.memory_space<vmem>>) target(%dma_start3A_253 : memref<10000x128xf32, #tpu.memory_space<vmem_shared>>) offsets(%dma_start3A_250 : memref<125xi32, #tpu.memory_space<vmem>>) semaphore(%run_scoped3A : memref<!tpu.dma_semaphore, #tpu.memory_space<semaphore_mem>>) {add = true}
        %dma_wait3A_254 = arith.constant 0 : i32
        %dma_wait3A_255 = tpu.memref_slice %arg8[%mul3A_220, %dma_wait3A_254] : memref<20x125xi32, #tpu.memory_space<vmem>> -> memref<1x125xi32, #tpu.memory_space<vmem>>
        %dma_wait3A_256 = tpu.memref_squeeze %dma_wait3A_255 : memref<1x125xi32, #tpu.memory_space<vmem>> -> memref<125xi32, #tpu.memory_space<vmem>>
        %dma_wait3A_257 = arith.constant 0 : i32
        %dma_wait3A_258 = arith.constant 0 : i32
        %dma_wait3A_259 = tpu.memref_slice %arg15[%dma_wait3A_257, %dma_wait3A_258] : memref<10000x128xf32, #tpu.memory_space<vmem_shared>> -> memref<10000x128xf32, #tpu.memory_space<vmem_shared>>
        tpu.wait_indirect_dma semaphore(%run_scoped3A : memref<!tpu.dma_semaphore, #tpu.memory_space<semaphore_mem>>) src(%arg9 : memref<125x128xf32, #tpu.memory_space<vmem>>) dst(%dma_wait3A_259 : memref<10000x128xf32, #tpu.memory_space<vmem_shared>>)
        tpu.yield
      }) : () -> ()
      %add3A_235 = arith.constant 2 : i32
      %add3A_236 = arith.addi %mul3A_220, %add3A_235 : i32
      %lt3A = arith.constant 20 : i32
      %lt3A_237 = arith.cmpi slt, %add3A_236, %lt3A : i32
      %convert_element_type3A_238 = arith.extui %lt3A_237 : i1 to i32
      %cond3A_239 = arith.constant 0 : i32
      %cond3A_240 = arith.cmpi ne, %convert_element_type3A_238, %cond3A_239 : i32
      scf.if %cond3A_240 {
        %add3A_248 = arith.constant 2 : i32
        %add3A_249 = arith.addi %mul3A_220, %add3A_248 : i32
        %dma_start3A_250 = arith.constant 0 : i32
        %dma_start3A_251 = tpu.memref_slice %arg7[%add3A_249, %dma_start3A_250] : memref<20x125xi32, #tpu.memory_space<vmem>> -> memref<1x125xi32, #tpu.memory_space<vmem>>
        %dma_start3A_252 = tpu.memref_squeeze %dma_start3A_251 : memref<1x125xi32, #tpu.memory_space<vmem>> -> memref<125xi32, #tpu.memory_space<vmem>>
        %dma_start3A_253 = arith.constant 0 : i32
        %dma_start3A_254 = arith.constant 0 : i32
        %dma_start3A_255 = tpu.memref_slice %arg2[%dma_start3A_253, %dma_start3A_254] : memref<10000x128xf32, #tpu.memory_space<hbm>> -> memref<10000x128xf32, #tpu.memory_space<hbm>>
        tpu.enqueue_indirect_dma source(%dma_start3A_255 : memref<10000x128xf32, #tpu.memory_space<hbm>>) target(%arg9 : memref<125x128xf32, #tpu.memory_space<vmem>>) offsets(%dma_start3A_252 : memref<125xi32, #tpu.memory_space<vmem>>) semaphore(%arg11 : memref<!tpu.dma_semaphore, #tpu.memory_space<semaphore_mem>>)
      } else {
      }
      %dma_wait3A_241 = arith.constant 0 : i32
      %dma_wait3A_242 = tpu.memref_slice %arg7[%add3A_222, %dma_wait3A_241] : memref<20x125xi32, #tpu.memory_space<vmem>> -> memref<1x125xi32, #tpu.memory_space<vmem>>
      %dma_wait3A_243 = tpu.memref_squeeze %dma_wait3A_242 : memref<1x125xi32, #tpu.memory_space<vmem>> -> memref<125xi32, #tpu.memory_space<vmem>>
      %dma_wait3A_244 = arith.constant 0 : i32
      %dma_wait3A_245 = arith.constant 0 : i32
      %dma_wait3A_246 = tpu.memref_slice %arg2[%dma_wait3A_244, %dma_wait3A_245] : memref<10000x128xf32, #tpu.memory_space<hbm>> -> memref<10000x128xf32, #tpu.memory_space<hbm>>
      tpu.wait_indirect_dma semaphore(%arg12 : memref<!tpu.dma_semaphore, #tpu.memory_space<semaphore_mem>>) src(%dma_wait3A_246 : memref<10000x128xf32, #tpu.memory_space<hbm>>) dst(%arg10 : memref<125x128xf32, #tpu.memory_space<vmem>>)
      "tpu.region"() ({
        %run_scoped3A = tpu.sem_alloc : memref<!tpu.dma_semaphore, #tpu.memory_space<semaphore_mem>>
        %dma_start3A_248 = arith.constant 0 : i32
        %dma_start3A_249 = tpu.memref_slice %arg8[%add3A_222, %dma_start3A_248] : memref<20x125xi32, #tpu.memory_space<vmem>> -> memref<1x125xi32, #tpu.memory_space<vmem>>
        %dma_start3A_250 = tpu.memref_squeeze %dma_start3A_249 : memref<1x125xi32, #tpu.memory_space<vmem>> -> memref<125xi32, #tpu.memory_space<vmem>>
        %dma_start3A_251 = arith.constant 0 : i32
        %dma_start3A_252 = arith.constant 0 : i32
        %dma_start3A_253 = tpu.memref_slice %arg15[%dma_start3A_251, %dma_start3A_252] : memref<10000x128xf32, #tpu.memory_space<vmem_shared>> -> memref<10000x128xf32, #tpu.memory_space<vmem_shared>>
        tpu.enqueue_indirect_dma source(%arg10 : memref<125x128xf32, #tpu.memory_space<vmem>>) target(%dma_start3A_253 : memref<10000x128xf32, #tpu.memory_space<vmem_shared>>) offsets(%dma_start3A_250 : memref<125xi32, #tpu.memory_space<vmem>>) semaphore(%run_scoped3A : memref<!tpu.dma_semaphore, #tpu.memory_space<semaphore_mem>>) {add = true}
        %dma_wait3A_254 = arith.constant 0 : i32
        %dma_wait3A_255 = tpu.memref_slice %arg8[%add3A_222, %dma_wait3A_254] : memref<20x125xi32, #tpu.memory_space<vmem>> -> memref<1x125xi32, #tpu.memory_space<vmem>>
        %dma_wait3A_256 = tpu.memref_squeeze %dma_wait3A_255 : memref<1x125xi32, #tpu.memory_space<vmem>> -> memref<125xi32, #tpu.memory_space<vmem>>
        %dma_wait3A_257 = arith.constant 0 : i32
        %dma_wait3A_258 = arith.constant 0 : i32
        %dma_wait3A_259 = tpu.memref_slice %arg15[%dma_wait3A_257, %dma_wait3A_258] : memref<10000x128xf32, #tpu.memory_space<vmem_shared>> -> memref<10000x128xf32, #tpu.memory_space<vmem_shared>>
        tpu.wait_indirect_dma semaphore(%run_scoped3A : memref<!tpu.dma_semaphore, #tpu.memory_space<semaphore_mem>>) src(%arg10 : memref<125x128xf32, #tpu.memory_space<vmem>>) dst(%dma_wait3A_259 : memref<10000x128xf32, #tpu.memory_space<vmem_shared>>)
        tpu.yield
      }) : () -> ()
      %scan3A_247 = arith.constant 0 : i32
      scf.yield %scan3A_247 : i32
    }
    %scan3A_211 = arith.constant 10 : i32
    %barrier3A_212 = arith.constant 0 : index
    tpu.barrier barrier_id(%barrier3A_212)
    %mul3A_213 = arith.constant 624 : i32
    %mul3A_214 = arith.muli %arg1, %mul3A_213 : i32
    %multiple_of3A = tpu.assume_multiple %mul3A_214, 8 : i32
    "tpu.region"() ({
      %run_scoped3A = tpu.sem_alloc : memref<!tpu.dma_semaphore, #tpu.memory_space<semaphore_mem>>
      %dma_start3A_217 = arith.constant 0 : i32
      %dma_start3A_218 = tpu.memref_slice %arg4[%arg0, %multiple_of3A, %dma_start3A_217] : memref<2x10000x128xf32, #tpu.memory_space<hbm>> -> memref<1x624x128xf32, #tpu.memory_space<hbm>>
      %dma_start3A_219 = tpu.memref_squeeze %dma_start3A_218 : memref<1x624x128xf32, #tpu.memory_space<hbm>> -> memref<624x128xf32, #tpu.memory_space<hbm>>
      %dma_start3A_220 = arith.constant 0 : i32
      %dma_start3A_221 = tpu.memref_slice %arg15[%multiple_of3A, %dma_start3A_220] : memref<10000x128xf32, #tpu.memory_space<vmem_shared>> -> memref<624x128xf32, #tpu.memory_space<vmem_shared>>
      tpu.enqueue_dma source(%dma_start3A_221 : memref<624x128xf32, #tpu.memory_space<vmem_shared>>) target(%dma_start3A_219 : memref<624x128xf32, #tpu.memory_space<hbm>>) target_semaphore(%run_scoped3A : memref<!tpu.dma_semaphore, #tpu.memory_space<semaphore_mem>>)
      %dma_wait3A_222 = arith.constant 0 : i32
      %dma_wait3A_223 = tpu.memref_slice %arg4[%arg0, %multiple_of3A, %dma_wait3A_222] : memref<2x10000x128xf32, #tpu.memory_space<hbm>> -> memref<1x624x128xf32, #tpu.memory_space<hbm>>
      %dma_wait3A_224 = tpu.memref_squeeze %dma_wait3A_223 : memref<1x624x128xf32, #tpu.memory_space<hbm>> -> memref<624x128xf32, #tpu.memory_space<hbm>>
      %dma_wait3A_225 = arith.constant 0 : i32
      %dma_wait3A_226 = tpu.memref_slice %arg15[%multiple_of3A, %dma_wait3A_225] : memref<10000x128xf32, #tpu.memory_space<vmem_shared>> -> memref<624x128xf32, #tpu.memory_space<vmem_shared>>
      tpu.wait_dma2 semaphore(%run_scoped3A : memref<!tpu.dma_semaphore, #tpu.memory_space<semaphore_mem>>) src(%dma_wait3A_226 : memref<624x128xf32, #tpu.memory_space<vmem_shared>>) dst(%dma_wait3A_224 : memref<624x128xf32, #tpu.memory_space<hbm>>)
      tpu.yield
    }) : () -> ()
    %eq3A = arith.constant 15 : i32
    %eq3A_215 = arith.cmpi eq, %arg1, %eq3A : i32
    %convert_element_type3A = arith.extui %eq3A_215 : i1 to i32
    %cond3A = arith.constant 0 : i32
    %cond3A_216 = arith.cmpi ne, %convert_element_type3A, %cond3A : i32
    scf.if %cond3A_216 {
      "tpu.region"() ({
        %run_scoped3A = tpu.sem_alloc : memref<!tpu.dma_semaphore, #tpu.memory_space<semaphore_mem>>
        %dma_start3A_217 = arith.constant 9984 : i32
        %dma_start3A_218 = arith.constant 0 : i32
        %dma_start3A_219 = tpu.memref_slice %arg4[%arg0, %dma_start3A_217, %dma_start3A_218] : memref<2x10000x128xf32, #tpu.memory_space<hbm>> -> memref<1x16x128xf32, #tpu.memory_space<hbm>>
        %dma_start3A_220 = tpu.memref_squeeze %dma_start3A_219 : memref<1x16x128xf32, #tpu.memory_space<hbm>> -> memref<16x128xf32, #tpu.memory_space<hbm>>
        %dma_start3A_221 = arith.constant 9984 : i32
        %dma_start3A_222 = arith.constant 0 : i32
        %dma_start3A_223 = tpu.memref_slice %arg15[%dma_start3A_221, %dma_start3A_222] : memref<10000x128xf32, #tpu.memory_space<vmem_shared>> -> memref<16x128xf32, #tpu.memory_space<vmem_shared>>
        tpu.enqueue_dma source(%dma_start3A_223 : memref<16x128xf32, #tpu.memory_space<vmem_shared>>) target(%dma_start3A_220 : memref<16x128xf32, #tpu.memory_space<hbm>>) target_semaphore(%run_scoped3A : memref<!tpu.dma_semaphore, #tpu.memory_space<semaphore_mem>>)
        %dma_wait3A_224 = arith.constant 9984 : i32
        %dma_wait3A_225 = arith.constant 0 : i32
        %dma_wait3A_226 = tpu.memref_slice %arg4[%arg0, %dma_wait3A_224, %dma_wait3A_225] : memref<2x10000x128xf32, #tpu.memory_space<hbm>> -> memref<1x16x128xf32, #tpu.memory_space<hbm>>
        %dma_wait3A_227 = tpu.memref_squeeze %dma_wait3A_226 : memref<1x16x128xf32, #tpu.memory_space<hbm>> -> memref<16x128xf32, #tpu.memory_space<hbm>>
        %dma_wait3A_228 = arith.constant 9984 : i32
        %dma_wait3A_229 = arith.constant 0 : i32
        %dma_wait3A_230 = tpu.memref_slice %arg15[%dma_wait3A_228, %dma_wait3A_229] : memref<10000x128xf32, #tpu.memory_space<vmem_shared>> -> memref<16x128xf32, #tpu.memory_space<vmem_shared>>
        tpu.wait_dma2 semaphore(%run_scoped3A : memref<!tpu.dma_semaphore, #tpu.memory_space<semaphore_mem>>) src(%dma_wait3A_230 : memref<16x128xf32, #tpu.memory_space<vmem_shared>>) dst(%dma_wait3A_227 : memref<16x128xf32, #tpu.memory_space<hbm>>)
        tpu.yield
      }) : () -> ()
    } else {
    }
    return
  }
}

module attributes {stable_mosaic.version = 14 : i64} {
  func.func @_mm_body(%arg0: i32, %arg1: memref<5000x128xf32, #tpu.memory_space<vmem>>, %arg2: memref<128x128xf32, #tpu.memory_space<vmem>>, %arg3: memref<1x128xf32, #tpu.memory_space<vmem>>, %arg4: memref<5000x128xf32, #tpu.memory_space<vmem>>) attributes {dimension_semantics = [#tpu.dimension_semantics<arbitrary>], iteration_bounds = array<i64: 2>, scalar_prefetch = 0 : i64, scratch_operands = 0 : i64, tpu.core_type = #tpu.core_type<tc>, window_params = [{transform_indices = @transform_0, window_bounds = array<i64: 5000, 128>}, {pipeline_mode = #tpu.pipeline_mode<synchronous>, transform_indices = @transform_1, window_bounds = array<i64: 128, 128>}, {pipeline_mode = #tpu.pipeline_mode<synchronous>, transform_indices = @transform_2, window_bounds = array<i64: 1, 128>}, {transform_indices = @transform_3, window_bounds = array<i64: 5000, 128>}]} {
    %get3A = arith.constant 0 : index
    %get3A_0 = arith.constant 0 : index
    %get3A_1 = vector.load %arg1[%get3A, %get3A_0] : memref<5000x128xf32, #tpu.memory_space<vmem>>, vector<5000x128xf32>
    %get3A_2 = arith.constant 0 : index
    %get3A_3 = arith.constant 0 : index
    %get3A_4 = vector.load %arg2[%get3A_2, %get3A_3] : memref<128x128xf32, #tpu.memory_space<vmem>>, vector<128x128xf32>
    %dot_general3A = arith.constant dense<0.000000e+00> : vector<5000x128xf32>
    %dot_general3A_5 = tpu.matmul %get3A_1, %get3A_4, %dot_general3A {dimension_numbers = #tpu.dot_dimension_numbers<[1], [0], [0], [1], [0, 0, 1, 1], [], []>, transpose_lhs_hint = false} : vector<5000x128xf32>, vector<128x128xf32>, vector<5000x128xf32> -> vector<5000x128xf32>
    %get3A_6 = arith.constant 0 : index
    %get3A_7 = arith.constant 0 : index
    %get3A_8 = vector.load %arg3[%get3A_6, %get3A_7] : memref<1x128xf32, #tpu.memory_space<vmem>>, vector<1x128xf32>
    %add3A = vector.broadcast %get3A_8 : vector<1x128xf32> to vector<5000x128xf32>
    %add3A_9 = arith.addf %dot_general3A_5, %add3A : vector<5000x128xf32>
    %swap3A = arith.constant 0 : index
    %swap3A_10 = arith.constant 0 : index
    %swap3A_11 = vector.load %arg4[%swap3A, %swap3A_10] : memref<5000x128xf32, #tpu.memory_space<vmem>>, vector<5000x128xf32>
    tpu.vector_store %arg4[%swap3A, %swap3A_10], %add3A_9 {strides = array<i32>} : memref<5000x128xf32, #tpu.memory_space<vmem>>, vector<5000x128xf32>,
    return
  }
  func.func @transform_0(%arg0: i32) -> (i32, i32) {
    %c0_i32 = arith.constant 0 : i32
    %c0_i32_0 = arith.constant 0 : i32
    return %arg0, %c0_i32 : i32, i32
  }
  func.func @transform_1(%arg0: i32) -> (i32, i32) {
    %c0_i32 = arith.constant 0 : i32
    %c0_i32_0 = arith.constant 0 : i32
    %c0_i32_1 = arith.constant 0 : i32
    return %c0_i32, %c0_i32_0 : i32, i32
  }
  func.func @transform_2(%arg0: i32) -> (i32, i32) {
    %c0_i32 = arith.constant 0 : i32
    %c0_i32_0 = arith.constant 0 : i32
    %c0_i32_1 = arith.constant 0 : i32
    return %c0_i32, %c0_i32_0 : i32, i32
  }
  func.func @transform_3(%arg0: i32) -> (i32, i32) {
    %c0_i32 = arith.constant 0 : i32
    %c0_i32_0 = arith.constant 0 : i32
    return %arg0, %c0_i32 : i32, i32
  }
}

module attributes {stable_mosaic.version = 14 : i64} {
  func.func @_comb_next_body(%arg0: i32, %arg1: memref<2x5000x128xf32, #tpu.memory_space<vmem>>, %arg2: memref<5000x1xf32, #tpu.memory_space<vmem>>, %arg3: memref<5000x128xf32, #tpu.memory_space<vmem>>, %arg4: memref<128x128xf32, #tpu.memory_space<vmem>>, %arg5: memref<128x128xf32, #tpu.memory_space<vmem>>, %arg6: memref<1x128xf32, #tpu.memory_space<vmem>>, %arg7: memref<5000x128xf32, #tpu.memory_space<vmem>>, %arg8: memref<5000x128xf32, #tpu.memory_space<vmem>>) attributes {dimension_semantics = [#tpu.dimension_semantics<arbitrary>], iteration_bounds = array<i64: 2>, scalar_prefetch = 0 : i64, scratch_operands = 0 : i64, tpu.core_type = #tpu.core_type<tc>, window_params = [{transform_indices = @transform_0, window_bounds = array<i64: 2, 5000, 128>}, {transform_indices = @transform_1, window_bounds = array<i64: 5000, 1>}, {transform_indices = @transform_2, window_bounds = array<i64: 5000, 128>}, {pipeline_mode = #tpu.pipeline_mode<synchronous>, transform_indices = @transform_3, window_bounds = array<i64: 128, 128>}, {pipeline_mode = #tpu.pipeline_mode<synchronous>, transform_indices = @transform_4, window_bounds = array<i64: 128, 128>}, {pipeline_mode = #tpu.pipeline_mode<synchronous>, transform_indices = @transform_5, window_bounds = array<i64: 1, 128>}, {transform_indices = @transform_6, window_bounds = array<i64: 5000, 128>}, {transform_indices = @transform_7, window_bounds = array<i64: 5000, 128>}]} {
    %get3A = arith.constant 0 : index
    %get3A_0 = arith.constant 0 : index
    %get3A_1 = arith.constant 0 : index
    %get3A_2 = vector.load %arg1[%get3A, %get3A_0, %get3A_1] : memref<2x5000x128xf32, #tpu.memory_space<vmem>>, vector<1x5000x128xf32>
    %get3A_3 = vector.shape_cast %get3A_2 : vector<1x5000x128xf32> to vector<5000x128xf32>
    %get3A_4 = arith.constant 1 : index
    %get3A_5 = arith.constant 0 : index
    %get3A_6 = arith.constant 0 : index
    %get3A_7 = vector.load %arg1[%get3A_4, %get3A_5, %get3A_6] : memref<2x5000x128xf32, #tpu.memory_space<vmem>>, vector<1x5000x128xf32>
    %get3A_8 = vector.shape_cast %get3A_7 : vector<1x5000x128xf32> to vector<5000x128xf32>
    %add3A = arith.addf %get3A_3, %get3A_8 : vector<5000x128xf32>
    %get3A_9 = arith.constant 0 : index
    %get3A_10 = arith.constant 0 : index
    %get3A_11 = vector.load %arg2[%get3A_9, %get3A_10] : memref<5000x1xf32, #tpu.memory_space<vmem>>, vector<5000x1xf32>
    %mul3A = vector.broadcast %get3A_11 : vector<5000x1xf32> to vector<5000x128xf32>
    %mul3A_12 = arith.mulf %add3A, %mul3A : vector<5000x128xf32>
    %get3A_13 = arith.constant 0 : index
    %get3A_14 = arith.constant 0 : index
    %get3A_15 = vector.load %arg4[%get3A_13, %get3A_14] : memref<128x128xf32, #tpu.memory_space<vmem>>, vector<128x128xf32>
    %dot_general3A = arith.constant dense<0.000000e+00> : vector<5000x128xf32>
    %dot_general3A_16 = tpu.matmul %mul3A_12, %get3A_15, %dot_general3A {dimension_numbers = #tpu.dot_dimension_numbers<[1], [0], [0], [1], [0, 0, 1, 1], [], []>, transpose_lhs_hint = false} : vector<5000x128xf32>, vector<128x128xf32>, vector<5000x128xf32> -> vector<5000x128xf32>
    %get3A_17 = arith.constant 0 : index
    %get3A_18 = arith.constant 0 : index
    %get3A_19 = vector.load %arg3[%get3A_17, %get3A_18] : memref<5000x128xf32, #tpu.memory_space<vmem>>, vector<5000x128xf32>
    %add3A_20 = arith.addf %dot_general3A_16, %get3A_19 : vector<5000x128xf32>
    %gt3A = arith.constant 0.000000e+00 : f32
    %gt3A_21 = vector.broadcast %gt3A : f32 to vector<5000x128xf32>
    %gt3A_22 = arith.cmpf ogt, %add3A_20, %gt3A_21 : vector<5000x128xf32>
    %mul3A_23 = arith.constant 0.00999999977 : f32
    %mul3A_24 = vector.broadcast %mul3A_23 : f32 to vector<5000x128xf32>
    %mul3A_25 = arith.mulf %mul3A_24, %add3A_20 : vector<5000x128xf32>
    %select_n3A = arith.select %gt3A_22, %add3A_20, %mul3A_25 : vector<5000x128xi1>, vector<5000x128xf32>
    %swap3A = arith.constant 0 : index
    %swap3A_26 = arith.constant 0 : index
    %swap3A_27 = vector.load %arg7[%swap3A, %swap3A_26] : memref<5000x128xf32, #tpu.memory_space<vmem>>, vector<5000x128xf32>
    tpu.vector_store %arg7[%swap3A, %swap3A_26], %select_n3A {strides = array<i32>} : memref<5000x128xf32, #tpu.memory_space<vmem>>, vector<5000x128xf32>,
    %get3A_28 = arith.constant 0 : index
    %get3A_29 = arith.constant 0 : index
    %get3A_30 = vector.load %arg5[%get3A_28, %get3A_29] : memref<128x128xf32, #tpu.memory_space<vmem>>, vector<128x128xf32>
    %dot_general3A_31 = arith.constant dense<0.000000e+00> : vector<5000x128xf32>
    %dot_general3A_32 = tpu.matmul %select_n3A, %get3A_30, %dot_general3A_31 {dimension_numbers = #tpu.dot_dimension_numbers<[1], [0], [0], [1], [0, 0, 1, 1], [], []>, transpose_lhs_hint = false} : vector<5000x128xf32>, vector<128x128xf32>, vector<5000x128xf32> -> vector<5000x128xf32>
    %get3A_33 = arith.constant 0 : index
    %get3A_34 = arith.constant 0 : index
    %get3A_35 = vector.load %arg6[%get3A_33, %get3A_34] : memref<1x128xf32, #tpu.memory_space<vmem>>, vector<1x128xf32>
    %add3A_36 = vector.broadcast %get3A_35 : vector<1x128xf32> to vector<5000x128xf32>
    %add3A_37 = arith.addf %dot_general3A_32, %add3A_36 : vector<5000x128xf32>
    %swap3A_38 = arith.constant 0 : index
    %swap3A_39 = arith.constant 0 : index
    %swap3A_40 = vector.load %arg8[%swap3A_38, %swap3A_39] : memref<5000x128xf32, #tpu.memory_space<vmem>>, vector<5000x128xf32>
    tpu.vector_store %arg8[%swap3A_38, %swap3A_39], %add3A_37 {strides = array<i32>} : memref<5000x128xf32, #tpu.memory_space<vmem>>, vector<5000x128xf32>,
    return
  }
  func.func @transform_0(%arg0: i32) -> (i32, i32, i32) {
    %c0_i32 = arith.constant 0 : i32
    %c0_i32_0 = arith.constant 0 : i32
    %c0_i32_1 = arith.constant 0 : i32
    return %c0_i32, %arg0, %c0_i32_0 : i32, i32, i32
  }
  func.func @transform_1(%arg0: i32) -> (i32, i32) {
    %c0_i32 = arith.constant 0 : i32
    %c0_i32_0 = arith.constant 0 : i32
    return %arg0, %c0_i32 : i32, i32
  }
  func.func @transform_2(%arg0: i32) -> (i32, i32) {
    %c0_i32 = arith.constant 0 : i32
    %c0_i32_0 = arith.constant 0 : i32
    return %arg0, %c0_i32 : i32, i32
  }
  func.func @transform_3(%arg0: i32) -> (i32, i32) {
    %c0_i32 = arith.constant 0 : i32
    %c0_i32_0 = arith.constant 0 : i32
    %c0_i32_1 = arith.constant 0 : i32
    return %c0_i32, %c0_i32_0 : i32, i32
  }
  func.func @transform_4(%arg0: i32) -> (i32, i32) {
    %c0_i32 = arith.constant 0 : i32
    %c0_i32_0 = arith.constant 0 : i32
    %c0_i32_1 = arith.constant 0 : i32
    return %c0_i32, %c0_i32_0 : i32, i32
  }
  func.func @transform_5(%arg0: i32) -> (i32, i32) {
    %c0_i32 = arith.constant 0 : i32
    %c0_i32_0 = arith.constant 0 : i32
    %c0_i32_1 = arith.constant 0 : i32
    return %c0_i32, %c0_i32_0 : i32, i32
  }
  func.func @transform_6(%arg0: i32) -> (i32, i32) {
    %c0_i32 = arith.constant 0 : i32
    %c0_i32_0 = arith.constant 0 : i32
    return %arg0, %c0_i32 : i32, i32
  }
  func.func @transform_7(%arg0: i32) -> (i32, i32) {
    %c0_i32 = arith.constant 0 : i32
    %c0_i32_0 = arith.constant 0 : i32
    return %arg0, %c0_i32 : i32, i32
  }
}

module attributes {stable_mosaic.version = 14 : i64} {
  func.func @_comb_body(%arg0: i32, %arg1: memref<2x5000x128xf32, #tpu.memory_space<vmem>>, %arg2: memref<5000x1xf32, #tpu.memory_space<vmem>>, %arg3: memref<5000x128xf32, #tpu.memory_space<vmem>>, %arg4: memref<128x128xf32, #tpu.memory_space<vmem>>, %arg5: memref<5000x128xf32, #tpu.memory_space<vmem>>) attributes {dimension_semantics = [#tpu.dimension_semantics<arbitrary>], iteration_bounds = array<i64: 2>, scalar_prefetch = 0 : i64, scratch_operands = 0 : i64, tpu.core_type = #tpu.core_type<tc>, window_params = [{transform_indices = @transform_0, window_bounds = array<i64: 2, 5000, 128>}, {transform_indices = @transform_1, window_bounds = array<i64: 5000, 1>}, {transform_indices = @transform_2, window_bounds = array<i64: 5000, 128>}, {pipeline_mode = #tpu.pipeline_mode<synchronous>, transform_indices = @transform_3, window_bounds = array<i64: 128, 128>}, {transform_indices = @transform_4, window_bounds = array<i64: 5000, 128>}]} {
    %get3A = arith.constant 0 : index
    %get3A_0 = arith.constant 0 : index
    %get3A_1 = arith.constant 0 : index
    %get3A_2 = vector.load %arg1[%get3A, %get3A_0, %get3A_1] : memref<2x5000x128xf32, #tpu.memory_space<vmem>>, vector<1x5000x128xf32>
    %get3A_3 = vector.shape_cast %get3A_2 : vector<1x5000x128xf32> to vector<5000x128xf32>
    %get3A_4 = arith.constant 1 : index
    %get3A_5 = arith.constant 0 : index
    %get3A_6 = arith.constant 0 : index
    %get3A_7 = vector.load %arg1[%get3A_4, %get3A_5, %get3A_6] : memref<2x5000x128xf32, #tpu.memory_space<vmem>>, vector<1x5000x128xf32>
    %get3A_8 = vector.shape_cast %get3A_7 : vector<1x5000x128xf32> to vector<5000x128xf32>
    %add3A = arith.addf %get3A_3, %get3A_8 : vector<5000x128xf32>
    %get3A_9 = arith.constant 0 : index
    %get3A_10 = arith.constant 0 : index
    %get3A_11 = vector.load %arg2[%get3A_9, %get3A_10] : memref<5000x1xf32, #tpu.memory_space<vmem>>, vector<5000x1xf32>
    %mul3A = vector.broadcast %get3A_11 : vector<5000x1xf32> to vector<5000x128xf32>
    %mul3A_12 = arith.mulf %add3A, %mul3A : vector<5000x128xf32>
    %get3A_13 = arith.constant 0 : index
    %get3A_14 = arith.constant 0 : index
    %get3A_15 = vector.load %arg4[%get3A_13, %get3A_14] : memref<128x128xf32, #tpu.memory_space<vmem>>, vector<128x128xf32>
    %dot_general3A = arith.constant dense<0.000000e+00> : vector<5000x128xf32>
    %dot_general3A_16 = tpu.matmul %mul3A_12, %get3A_15, %dot_general3A {dimension_numbers = #tpu.dot_dimension_numbers<[1], [0], [0], [1], [0, 0, 1, 1], [], []>, transpose_lhs_hint = false} : vector<5000x128xf32>, vector<128x128xf32>, vector<5000x128xf32> -> vector<5000x128xf32>
    %get3A_17 = arith.constant 0 : index
    %get3A_18 = arith.constant 0 : index
    %get3A_19 = vector.load %arg3[%get3A_17, %get3A_18] : memref<5000x128xf32, #tpu.memory_space<vmem>>, vector<5000x128xf32>
    %add3A_20 = arith.addf %dot_general3A_16, %get3A_19 : vector<5000x128xf32>
    %gt3A = arith.constant 0.000000e+00 : f32
    %gt3A_21 = vector.broadcast %gt3A : f32 to vector<5000x128xf32>
    %gt3A_22 = arith.cmpf ogt, %add3A_20, %gt3A_21 : vector<5000x128xf32>
    %mul3A_23 = arith.constant 0.00999999977 : f32
    %mul3A_24 = vector.broadcast %mul3A_23 : f32 to vector<5000x128xf32>
    %mul3A_25 = arith.mulf %mul3A_24, %add3A_20 : vector<5000x128xf32>
    %select_n3A = arith.select %gt3A_22, %add3A_20, %mul3A_25 : vector<5000x128xi1>, vector<5000x128xf32>
    %swap3A = arith.constant 0 : index
    %swap3A_26 = arith.constant 0 : index
    %swap3A_27 = vector.load %arg5[%swap3A, %swap3A_26] : memref<5000x128xf32, #tpu.memory_space<vmem>>, vector<5000x128xf32>
    tpu.vector_store %arg5[%swap3A, %swap3A_26], %select_n3A {strides = array<i32>} : memref<5000x128xf32, #tpu.memory_space<vmem>>, vector<5000x128xf32>,
    return
  }
  func.func @transform_0(%arg0: i32) -> (i32, i32, i32) {
    %c0_i32 = arith.constant 0 : i32
    %c0_i32_0 = arith.constant 0 : i32
    %c0_i32_1 = arith.constant 0 : i32
    return %c0_i32, %arg0, %c0_i32_0 : i32, i32, i32
  }
  func.func @transform_1(%arg0: i32) -> (i32, i32) {
    %c0_i32 = arith.constant 0 : i32
    %c0_i32_0 = arith.constant 0 : i32
    return %arg0, %c0_i32 : i32, i32
  }
  func.func @transform_2(%arg0: i32) -> (i32, i32) {
    %c0_i32 = arith.constant 0 : i32
    %c0_i32_0 = arith.constant 0 : i32
    return %arg0, %c0_i32 : i32, i32
  }
  func.func @transform_3(%arg0: i32) -> (i32, i32) {
    %c0_i32 = arith.constant 0 : i32
    %c0_i32_0 = arith.constant 0 : i32
    %c0_i32_1 = arith.constant 0 : i32
    return %c0_i32, %c0_i32_0 : i32, i32
  }
  func.func @transform_4(%arg0: i32) -> (i32, i32) {
    %c0_i32 = arith.constant 0 : i32
    %c0_i32_0 = arith.constant 0 : i32
    return %arg0, %c0_i32 : i32, i32
  }
}

</mosaic_0001>

<sc_bundles>
// kernel: kernel.10.cloned.1.call-start
scs
__scs_entry_jumppad:
0x0: {  	(pc) =	sbr.rel $0x88, $3  }
0x1: {  	(tag) =	ssettag $0x0;
	lr =	simm.s32 $0x1  }
0x2: {  	[smem:$0x3F99] =	sst lr;
	_ =	strace $0xD0000000  }
0x3: {  	_ = 	snop  }
0x4: {  	_ = 	snop  }
0x5: {  	_ = 	snop  }
0x6: {  	_ = 	snop  }
0x7: {  	_ = 	snop  }
__scs_overlays_trampoline_lowered:
0x8: {  	[smem:$0x3FA8] =	sst s0  }
0x9: {  	[smem:$0x3FA9] =	sst s1  }
0xa: {  	[smem:$0x3FAA] =	sst s2  }
0xb: {  	[smem:$0x3FAB] =	sst s3  }
0xc: {  	[smem:$0x3FAC] =	sst s4  }
0xd: {  	[smem:$0x3FAD] =	sst s5  }
0xe: {  	[smem:$0x3FAE] =	sst s6  }
0xf: {  	[smem:$0x3FAF] =	sst s7  }
0x10: {  	[smem:$0x3FB0] =	sst s8  }
0x11: {  	[smem:$0x3FB1] =	sst s9;
	s0 =	simm.s32 @!p0 $0x0  }
0x12: {  	s1 =	sld [smem:$0x3F97];
	s0 =	simm.s32 @p0 $0x1  }
0x13: {  	[smem:$0x3FB2] =	sst s0;
	s0 =	simm.s32 @!p1 $0x0  }
0x14: {  	s2 =	sld [smem:$0x3F96];
	s0 =	simm.s32 @p1 $0x1  }
0x15: {  	[smem:$0x3FB3] =	sst s0;
	s0 =	simm.s32 @!p2 $0x0  }
0x16: {  	s3 =	sld [smem:$0x3FDB];
	s0 =	simm.s32 @p2 $0x1  }
0x17: {  	s4 =	simm.s32 $0x1BF5;
	[smem:$0x3FB5] =	sst s0  }
0x18: {  	s0 =	sld [smem:$0x3F98];
	_ =	swait.ge [sflag:s4], $0x0  }
0x19: {  	s7 =	sld [smem:$0x3F99]  }
0x1a: {  	s8 =	sadd.s32 $0xFFFFE003, lr  }
0x1b: {  	s9 =	sadd.s32 $0xFFFFFEF7, lr;
	s5 =	simm.s32 $0xFFFFFFFF;
	p2 =	slt.u32 s8, $0xFFFFF086  }
0x1c: {  	p1 =	slt.u32 s9, $0xF7A;
	s5 =	simm.s32 @!p2 $0x0  }
0x1d: {  	s5 =	simm.s32 @p1 $0x1;
	p0 =	seq.s32 s7, s2  }
0x1e: {  	s7 =	smul.u32 @!p0 $0xF7A, s2;
	p2 =	seq.s32 @!p0 s5, $0x0  }
0x1f: {  	s9 =	smul.u32 $0xF7A, s1;
	s8 =	simm.s32 @!p0 $0x1BF5;
	p2 =	por !p2, p0  }
0x20: {  	[sflag:s8] =	ssyncset.s32 @!p0 $0xFFFFF086;
	s6 =	sadd.s32 @!p0 s3, s7;
	s7 =	simm.s32 @!p0 $0x108  }
0x21: {  	s3 =	sadd.s32 s3, s9;
	s6 =	sadd.s32 @!p0 $0x88, s6;
	s7 =	simm.s32 @p2 $0x1082  }
0x22: {  	[simem:s7], [sflag:s8] =	dma.local @!p0 [hbm:s6], $0xF7A  }
0x23: {  	s9 =	sor.u32 $0xD0000000, s2;
	s6 =	simm.s32 $0x108;
	_ =	swait.ge @!p0 [sflag:s8], $0x0  }
0x24: {  	s3 =	sadd.s32 $0x88, s3;
	s6 =	simm.s32 @!p1 $0x1082;
	[sflag:s4] =	ssyncset.s32 $0xFFFFF086  }
0x25: {  	[simem:s6], [sflag:s4] =	dma.local [hbm:s3], $0xF7A  }
0x26: {  	[smem:$0x3F99] =	sst s1;
	(tag) =	ssettag s2;
	_ =	strace s9  }
0x27: {  	s1 =	sld [smem:$0x3FA9]  }
0x28: {  	s2 =	sld [smem:$0x3FAA]  }
0x29: {  	s4 =	sld [smem:$0x3FAC]  }
0x2a: {  	p0 =	seq.s32 s5, $0x0;
	s5 =	sld [smem:$0x3FAD]  }
0x2b: {  	s6 =	sld [smem:$0x3FAE]  }
0x2c: {  	s7 =	sld [smem:$0x3FAF]  }
0x2d: {  	s3 =	simm.s32 $0x108;
	s8 =	sld [smem:$0x3FB0]  }
0x2e: {  	s3 =	simm.s32 @!p0 $0x1082;
	s9 =	sld [smem:$0x3FB1]  }
0x2f: {  	lr =	sadd.s32 s0, s3;
	s0 =	sld [smem:$0x3FA8]  }
0x30: {  	s3 =	sld [smem:$0x3FAB]  }
0x31: {  	[smem:$0x3FB4] =	sst s10  }
0x32: {  	s10 =	sld [smem:$0x3FB2];
	_ =	sdelay $0x3  }
0x33: {  	p0 =	seq.s32 s10, $0x1;
	s10 =	sld [smem:$0x3FB4];
	_ =	sdelay $0x3  }
0x34: {  	[smem:$0x3FB4] =	sst s10  }
0x35: {  	s10 =	sld [smem:$0x3FB3];
	_ =	sdelay $0x3  }
0x36: {  	p1 =	seq.s32 s10, $0x1;
	s10 =	sld [smem:$0x3FB4];
	_ =	sdelay $0x3  }
0x37: {  	[smem:$0x3FB4] =	sst s10  }
0x38: {  	s10 =	sld [smem:$0x3FB5]  }
0x39: {  	_ = 	snop;
	(pc) =	sbr.ind lr, $3  }
0x3a: {  	_ = 	snop  }
0x3b: {  	_ = 	snop  }
0x3c: {  	p2 =	seq.s32 s10, $0x1;
	s10 =	sld [smem:$0x3FB4]  }
0x3d: {  	_ =	shalt  }
0x3e: {  	_ =	shalt  }
0x3f: {  	_ =	shalt  }
0x40: {  	_ =	shalt  }
0x41: {  	_ =	shalt  }
0x42: {  	_ =	shalt  }
0x43: {  	_ =	shalt  }
0x44: {  	_ =	shalt  }
0x45: {  	_ =	shalt  }
0x46: {  	_ =	shalt  }
0x47: {  	_ =	shalt  }
0x48: {  	_ =	shalt  }
0x49: {  	_ =	shalt  }
0x4a: {  	_ =	shalt  }
0x4b: {  	_ =	shalt  }
0x4c: {  	_ =	shalt  }
0x4d: {  	_ =	shalt  }
0x4e: {  	_ =	shalt  }
0x4f: {  	_ =	shalt  }
0x50: {  	_ =	shalt  }
0x51: {  	_ =	shalt  }
0x52: {  	_ =	shalt  }
0x53: {  	_ =	shalt  }
0x54: {  	_ =	shalt  }
0x55: {  	_ =	shalt  }
0x56: {  	_ =	shalt  }
0x57: {  	_ =	shalt  }
0x58: {  	_ =	shalt  }
0x59: {  	_ =	shalt  }
0x5a: {  	_ =	shalt  }
0x5b: {  	_ =	shalt  }
0x5c: {  	_ =	shalt  }
0x5d: {  	_ =	shalt  }
0x5e: {  	_ =	shalt  }
0x5f: {  	_ =	shalt  }
0x60: {  	_ =	shalt  }
0x61: {  	_ =	shalt  }
0x62: {  	_ =	shalt  }
0x63: {  	_ =	shalt  }
0x64: {  	_ =	shalt  }
0x65: {  	_ =	shalt  }
0x66: {  	_ =	shalt  }
0x67: {  	_ =	shalt  }
0x68: {  	_ =	shalt  }
0x69: {  	_ =	shalt  }
0x6a: {  	_ =	shalt  }
0x6b: {  	_ =	shalt  }
0x6c: {  	_ =	shalt  }
0x6d: {  	_ =	shalt  }
0x6e: {  	_ =	shalt  }
0x6f: {  	_ =	shalt  }
0x70: {  	_ =	shalt  }
0x71: {  	_ =	shalt  }
0x72: {  	_ =	shalt  }
0x73: {  	_ =	shalt  }
0x74: {  	_ =	shalt  }
0x75: {  	_ =	shalt  }
0x76: {  	_ =	shalt  }
0x77: {  	_ =	shalt  }
0x78: {  	_ =	shalt  }
0x79: {  	_ =	shalt  }
0x7a: {  	_ =	shalt  }
0x7b: {  	_ =	shalt  }
0x7c: {  	_ =	shalt  }
0x7d: {  	_ =	shalt  }
0x7e: {  	_ =	shalt  }
0x7f: {  	_ =	shalt  }
0x80: {  	_ =	shalt  }
0x81: {  	_ =	shalt  }
0x82: {  	_ =	shalt  }
0x83: {  	_ =	shalt  }
0x84: {  	_ =	shalt  }
0x85: {  	_ =	shalt  }
0x86: {  	_ =	shalt  }
0x87: {  	_ =	shalt  }
.Lfunc_end0:
.L_simem_size_0:
called_computation.1_lowered:
.L_overlay_start_0:
0x88: {  	s2 =	sld [smem:$0x3FD9]  }
0x89: {  	s3 =	sld [smem:$0x3FFE];
	_ =	sdelay $0x1  }
0x8a: {  	s1 =	srdreg.scid  }
0x8b: {  	s0 =	sand.u32 $0x1, s1  }
0x8c: {  	s17 =	sshll.u32 s0, $0xA;
	s2 =	sadd.s32 s3, s2  }
0x8d: {  	s2 =	sadd.s32 s2, s17  }
0x8e: {  	[smem:$0x3FC0] =	sst s2  }
0x8f: {  	_ = 	snop  }
0x90: {  	s2 =	sld [smem:$0x3FD0];
	(tm) =	ssettm $0x1  }
0x91: {  	s18 =	sld [smem:$0x3FFB];
	_ =	sdelay $0x3  }
0x92: {  	_ =	strace s18  }
0x93: {  	s3 =	sld [smem:$0x3FFC];
	_ =	sdelay $0x3  }
0x94: {  	_ =	strace s3  }
0x95: {  	s3 =	sld [smem:$0x3FFD];
	_ =	sdelay $0x3  }
0x96: {  	_ =	strace s3  }
0x97: {  	_ =	strace $0x8FFFFFFF  }
0x98: {  	s19 =	sld [smem:$0x3FDB];
	_ =	sdelay $0x1  }
0x99: {  	s4 =	simm.s32 $_scs_section_size  }
0x9a: {  	s5 =	simm.s32 $_size__tile_overlayer_lowered;
	s6 =	simm.s32 $_tile_overlayer_lowered  }
0x9b: {  	s22 =	simm.s32 $0x1BFF;
	s21 =	sshll.u32 s6, $0x1;
	s3 =	sadd.s32 s4, s19  }
0x9c: {  	s7 =	simm.s32 $0x0;
	s20 =	sshll.u32 s5, $0x1;
	s5 =	sadd.s32 s21, s3  }
0x9d: {  	[timem:s7], [sflag:s22] =	dma.local [hbm:s5], s20  }
0x9e: {  	_ =	swait.ge [sflag:s22], s20  }
0x9f: {  	s4 =	ssub.s32 $0x0, s20;
	[sflag:s22] =	ssyncset.done $0x0  }
0xa0: {  	[sflag:s22] =	ssyncadd.s32 s4;
	_ =	sdelay $0x1  }
0xa1: {  	s23 =	simm.s32 $0x1B8B  }
0xa2: {  	_ =	swait.ge [sflag:s23], $0x1  }
0xa3: {  	[sflag:s23] =	ssyncset.done $0x0  }
0xa4: {  	s25 =	simm.s32 $0x1B8E;
	s24 =	sld [smem:$0x3FFE];
	[sflag:s23] =	ssyncadd.s32 $0xFFFFFFFF  }
0xa5: {  	s26 =	simm.s32 $execute0_lowered;
	[smem:$0x3FD2] =	sst s25  }
0xa6: {  	s5 =	sshll.u32 s26, $0x1;
	_ =	strace $0x80000049;
	[dreg:$0x1] =	wrdreg $0xFFFFFFFF  }
0xa7: {  	s28 =	simm.s32 $_size_execute0_lowered;
	s3 =	sadd.s32 s3, s5;
	[dreg:$0x0] =	wrdreg $0x0  }
0xa8: {  	s5 =	sshll.u32 s28, $0x1;
	[dreg:$0x2] =	wrdreg s3  }
0xa9: {  	[dreg:$0x3] =	wrdreg s5  }
0xaa: {  	[dreg:$0x4] =	wrdreg $0xC0  }
0xab: {  	_ =	task [dreg:s7], $0x5FFFF  }
0xac: {  	[dreg:$0x1] =	wrdreg $0xFFFFFFFF  }
0xad: {  	[dreg:$0x0] =	wrdreg $0x60  }
0xae: {  	[dreg:$0x2] =	wrdreg s2  }
0xaf: {  	[dreg:$0x3] =	wrdreg s24  }
0xb0: {  	[dreg:$0x4] =	wrdreg $0xB0000  }
0xb1: {  	[dreg:$0x5] =	wrdreg $0x9  }
0xb2: {  	_ =	task.clear_ibuf [dreg:s7], $0x6FFFF;
	_ =	strace $0x90000049  }
0xb3: {  	s29 =	simm.s32 $0x9;
	_ =	strace $0x8000004B  }
0xb4: {  	_ =	swait.ge [sflag:s29], $0x1  }
0xb5: {  	[sflag:s29] =	ssyncadd.s32 $0xFFFFFFFF  }
0xb6: {  	_ =	strace $0x9000004B  }
0xb7: {  	_ =	sfence  }
0xb8: {  	s30 =	sld [smem:$0x0];
	_ =	sdelay $0x2  }
0xb9: {  	s31 =	sshll.u32 s1, $0xD;
	s1 =	sshrl.u32 s1, $0x2  }
0xba: {  	s3 =	sand.u32 $0x4000, s31;
	s1 =	sadd.s32 s1, s30  }
0xbb: {  	s0 =	sor.u32 s3, s0;
	s1 =	sshll.u32 s1, $0x11  }
0xbc: {  	s0 =	sor.u32 s1, s0  }
0xbd: {  	s0 =	sadd.s32 $0x8F2B, s0  }
0xbe: {  	[sflag:s0] =	ssyncadd.remote.s32 $0x1  }
0xbf: {  	_ =	sfence.sel $0xFFFF  }
0xc0: {  	[dreg:$0x0] =	wrdreg $0xFFFFFFFF;
	(pc) =	sbr.abs _section_cstart, $3  }
0xc1: {  	[dreg:$0x1] =	wrdreg $0xFFFFFFFF  }
0xc2: {  	_ =	task.clear_ibuf [dreg:s7], $0x2FFFF;
	_ =	strace $0x9FFFFFFF  }
0xc3: {  	(tm) =	ssettm $0x7FFFFFFF  }
tec
execute0_lowered:
.L_overlay_start_1:
0x0: {  	(tag) =	ssettag $0x1  }
0x1: {  	s1 =	rddreg [dreg:$0x0]  }
0x2: {  	s0 =	srdreg.scid;
	s2 =	rddreg [dreg:$0x1]  }
0x3: {  	s12 =	stileid.u32;
	s3 =	rddreg [dreg:$0x2]  }
0x4: {  	s10 =	simm.s32 $0x0;
	s28 =	simm.s32 $0x5;
	s29 =	simm.s32 $0x3  }
0x5: {  	s30 =	simm.s32 $0x7D;
	s31 =	simm.s32 $0x4;
	s7 =	smul.u32 $0x4E200, s12  }
0x6: {  	s0 =	sand.u32 $0x1, s0;
	[smem:$0x7FF] =	sst s10;
	s20 =	smul.u32 $0x13800, s12  }
0x7: {  	s22 =	smul.u32 $0x4E000, s12;
	p0 =	sne.s32 s12, $0xF;
	s4 =	sshll.u32 s0, $0x4  }
0x8: {  	s6 =	ssub.s32 $0x2, s0;
	_ =	strace $0x8000004A;
	s0 =	smul.u32 $0x138800, s0  }
0x9: {  	s5 =	sor.u32 s12, s4;
	s8 =	sshrl.u32 s6, $0x1;
	s7 =	sshrl.u32 s7, $0x2  }
0xa: {  	s24 =	sshrl.u32 s22, $0x2;
	s22 =	simm.s32 $0xC00;
	s4 =	simm.s32 $0x2400  }
0xb: {  	s12 =	simm.s32 $0x1900;
	s5 =	smul.u32 $0x3000, s5;
	s6 =	ssub.s32 s6, s8  }
0xc: {  	s7 =	sadd.s32 s7, s3;
	s23 =	sadd.s32 s20, s0;
	s0 =	sshrl.u32 s0, $0x3  }
0xd: {  	s25 =	sadd.s32 s24, s3;
	s15 =	sadd.s32 $0x3E80, s7;
	[dreg:$0x15] =	wrdreg s7  }
0xe: {  	s8 =	simm.s32 $0x2;
	s16 =	sadd.s32 $0x7D00, s7;
	[dreg:$0x8] =	wrdreg s15  }
0xf: {  	s24 =	simm.s32 $0x2680;
	s17 =	sadd.s32 $0xBB80, s7;
	[dreg:$0x9] =	wrdreg s16  }
0x10: {  	s18 =	sadd.s32 $0xFA00, s7;
	s26 =	smax.u32 s6, $0x1;
	[dreg:$0xa] =	wrdreg s17  }
0x11: {  	s7 =	simm.s32 $0xC00;
	s5 =	sshrl.u32 s5, $0x3;
	[dreg:$0xb] =	wrdreg s18  }
0x12: {  	[dreg:$0x12] =	wrdreg s26;
	s26 =	simm.s32 $0x3000;
	s5 =	sadd.s32 s5, s2  }
0x13: {  	s15 =	simm.s32 $0x2500;
	s16 =	simm.s32 $0x1A00;
	s9 =	sadd.s32 $0x2800, s5  }
0x14: {  	s17 =	simm.s32 $0x2580;
	s11 =	sadd.s32 $0xE800, s5;
	[dreg:$0x4] =	wrdreg s9  }
0x15: {  	s18 =	simm.s32 $0x1A80;
	s13 =	sadd.s32 $0x2980, s5;
	[dreg:$0x5] =	wrdreg s11  }
0x16: {  	s2 =	sadd.s32 $0x1A800, s2;
	s14 =	sadd.s32 $0xE980, s5;
	[dreg:$0x6] =	wrdreg s13  }
0x17: {  	s19 =	sadd.s32 $0x2B00, s5;
	s21 =	sadd.s32 $0x2C80, s5;
	[dreg:$0x7] =	wrdreg s14  }
0x18: {  	s0 =	sadd.s32 s2, s0;
	[dreg:$0xc] =	wrdreg s19;
	s9 =	sadd.s32 $0xEB00, s5  }
0x19: {  	[dreg:$0xe] =	wrdreg s21;
	s5 =	sadd.s32 $0xEC80, s5;
	s0 =	sadd.s32 $0x27000, s0  }
0x1a: {  	s11 =	simm.s32 $0x2400;
	s19 =	simm.s32 $0x0;
	[dreg:$0xd] =	wrdreg s9  }
0x1b: {  	s13 =	simm.s32 $0x2480;
	s14 =	simm.s32 $0x1980;
	[dreg:$0xf] =	wrdreg s5  }
0x1c: {  	s21 =	simm.s32 $0x1B00;
	s5 =	sshrl.u32 s23, $0x3;
	[dreg:$0x11] =	wrdreg s0  }
0x1d: {  	s0 =	sadd.s32 $0x138000, s3;
	s9 =	simm.s32 $0x1800;
	s2 =	sadd.s32 s2, s5  }
0x1e: {  	s23 =	simm.s32 $0x1800;
	s0 =	sshrl.u32 @!p0 s0, $0x3;
	[dreg:$0x10] =	wrdreg s2  }
0x1f: {  	s5 =	simm.s32 $0x1;
	s2 =	sshrl.u32 s25, $0x3;
	[dreg:$0x14] =	wrdreg s0  }
0x20: {  	v0 =	vimm.f32 $0.0e+00;
	s0 =	simm.s32 $0x7000;
	s25 =	simm.s32 $0x1B80;
	[dreg:$0x13] =	wrdreg s2  }
.LBB2_1:
0x21: {  	s2 =	rddreg [dreg:$0x4]  }
0x22: {  	[tilespmem:s10], [sflag:$0x3] =	stream.linear.gather [hbm4b:s2+s10], $0xA00, $0x38;
	[tilespmem:$0x1E880] =	vst v63  }
0x23: {  	s20 =	rddreg [dreg:$0x5]  }
0x24: {  	[tilespmem:s7], [sflag:$0x3] =	stream.linear.gather [hbm4b:s20+s10], $0xA00, $0x38;
	[tilespmem:$0x1E880] =	vst v63  }
0x25: {  	s6 =	rddreg [dreg:$0x6]  }
0x26: {  	[tilespmem:s9], [sflag:$0x4] =	stream.linear.gather [hbm4b:s6+s10], $0xA00, $0x38;
	[tilespmem:$0x1E880] =	vst v63  }
0x27: {  	s20 =	rddreg [dreg:$0x7]  }
0x28: {  	[tilespmem:s11], [sflag:$0x4] =	stream.linear.gather [hbm4b:s20+s10], $0xA00, $0x38;
	[tilespmem:$0x1E880] =	vst v63  }
0x29: {  	s2 =	simm.s32 $0x70;
	s20 =	simm.s32 $0x3C0  }
.LBB2_2:
0x2a: {  	p1 =	sne.s32 s20, $0xF9C0;
	[tilespmem:s2+$0x3000] =	vst v0  }
0x2b: {  	[tilespmem:s2+$0x2F90] =	vst v0  }
0x2c: {  	[tilespmem:s2+$0x2FA0] =	vst v0  }
.Ltmp0:
0x2d: {  	[tilespmem:s2+$0x2FB0] =	vst v0;
	(pc) =	sbr.rel @p1 .LBB2_2-.Ltmp0, $4  }
0x2e: {  	[tilespmem:s2+$0x2FC0] =	vst v0  }
0x2f: {  	[tilespmem:s2+$0x2FD0] =	vst v0  }
0x30: {  	[tilespmem:s2+$0x2FE0] =	vst v0  }
0x31: {  	[tilespmem:s2+$0x2FF0] =	vst v0;
	s2 =	sshra.s32 s20, $0x2;
	s20 =	sadd.s32 $0x200, s20  }
0x32: {  	[tilespmem:s2+$0x3000] =	vst v0  }
0x33: {  	[tilespmem:s2+$0x2F90] =	vst v0  }
0x34: {  	[tilespmem:s2+$0x2FA0] =	vst v0  }
0x35: {  	[tilespmem:s2+$0x2FB0] =	vst v0  }
0x36: {  	[tilespmem:s2+$0x2FC0] =	vst v0  }
0x37: {  	[tilespmem:s2+$0x2FD0] =	vst v0  }
0x38: {  	[tilespmem:s2+$0x2FE0] =	vst v0  }
0x39: {  	[tilespmem:s2+$0x2FF0] =	vst v0;
	s9 =	rddreg [dreg:$0x15]  }
0x3a: {  	[spmem:s9] =	stream.linear.scatter [tilespmem:s26], [sflag:$0x5], $0x3E80, $0x38;
	[tilespmem:$0x1E880] =	vst v63  }
0x3b: {  	_ =	swait.ge [sflag:s28], $0x3E80  }
0x3c: {  	[sflag:s28] =	ssyncset.done $0x0  }
0x3d: {  	s11 =	rddreg [dreg:$0x8];
	[sflag:s28] =	ssyncadd.s32 $0xFFFFC180  }
0x3e: {  	[spmem:s11] =	stream.linear.scatter [tilespmem:s26], [sflag:$0x5], $0x3E80, $0x38;
	[tilespmem:$0x1E880] =	vst v63  }
0x3f: {  	_ =	swait.ge [sflag:s28], $0x3E80  }
0x40: {  	[sflag:s28] =	ssyncset.done $0x0  }
0x41: {  	s20 =	rddreg [dreg:$0x9];
	[sflag:s28] =	ssyncadd.s32 $0xFFFFC180  }
0x42: {  	[spmem:s20] =	stream.linear.scatter [tilespmem:s26], [sflag:$0x5], $0x3E80, $0x38;
	[tilespmem:$0x1E880] =	vst v63  }
0x43: {  	_ =	swait.ge [sflag:s28], $0x3E80  }
0x44: {  	[sflag:s28] =	ssyncset.done $0x0  }
0x45: {  	s6 =	rddreg [dreg:$0xa];
	[sflag:s28] =	ssyncadd.s32 $0xFFFFC180  }
0x46: {  	[spmem:s6] =	stream.linear.scatter [tilespmem:s26], [sflag:$0x5], $0x3E80, $0x38;
	[tilespmem:$0x1E880] =	vst v63  }
0x47: {  	_ =	swait.ge [sflag:s28], $0x3E80  }
0x48: {  	[sflag:s28] =	ssyncset.done $0x0  }
0x49: {  	s9 =	rddreg [dreg:$0xb];
	[sflag:s28] =	ssyncadd.s32 $0xFFFFC180  }
0x4a: {  	[spmem:s9] =	stream.linear.scatter [tilespmem:s26], [sflag:$0x5], $0x3E80, $0x38;
	[tilespmem:$0x1E880] =	vst v63  }
0x4b: {  	_ =	swait.ge [sflag:s28], $0x3E80  }
0x4c: {  	[sflag:s28] =	ssyncset.done $0x0  }
0x4d: {  	[sflag:s28] =	ssyncadd.s32 $0xFFFFC180  }
0x4e: {  	[bflag:$0x0] =	sbarrier.arrive $0xFFFF  }
0x4f: {  	_ =	swait.ge [sflag:s29], $0xA00  }
0x50: {  	[sflag:s29] =	ssyncset.done $0x0  }
0x51: {  	[sflag:s29] =	ssyncadd.s32 $0xFFFFF600  }
0x52: {  	_ =	swait.ge [sflag:s29], $0xA00  }
0x53: {  	[sflag:s29] =	ssyncset.done $0x0  }
0x54: {  	[sflag:s29] =	ssyncadd.s32 $0xFFFFF600  }
0x55: {  	[tilespmem:s26], [sflag:$0x1] =	stream.indirect.gather [hbm4b:s1+s30], $0x80, s10, s30, $0xb8;
	[tilespmem:$0x1E880] =	vst v63  }
0x56: {  	_ =	swait.ge [sflag:s31], $0xA00  }
0x57: {  	[sflag:s31] =	ssyncset.done $0x0  }
0x58: {  	[sflag:s31] =	ssyncadd.s32 $0xFFFFF600  }
0x59: {  	_ =	swait.ge [sflag:s31], $0xA00  }
0x5a: {  	[sflag:s31] =	ssyncset.done $0x0  }
0x5b: {  	s11 =	simm.s32 $0x80;
	[sflag:s31] =	ssyncadd.s32 $0xFFFFF600  }
0x5c: {  	[tilespmem:s0], [sflag:$0x2] =	stream.indirect.gather [hbm4b:s1+s30], $0x80, s11, s30, $0xb8;
	[tilespmem:$0x1E880] =	vst v63  }
0x5d: {  	_ =	swait.ge [sflag:s5], $0x3E80  }
0x5e: {  	[sflag:s5] =	ssyncset.done $0x0  }
0x5f: {  	[sflag:s5] =	ssyncadd.s32 $0xFFFFC180  }
0x60: {  	[spmem:s3] =	stream.indirect.scatter.add.f32 [tilespmem:s26], [sflag:$0x5], $0x80, s7, s30, $0xb8;
	[tilespmem:$0x1E880] =	vst v63  }
0x61: {  	_ =	swait.ge [sflag:s28], $0x3E80  }
0x62: {  	[sflag:s28] =	ssyncset.done $0x0  }
0x63: {  	s20 =	simm.s32 $0x100;
	[sflag:s28] =	ssyncadd.s32 $0xFFFFC180  }
0x64: {  	[tilespmem:s26], [sflag:$0x1] =	stream.indirect.gather [hbm4b:s1+s30], $0x80, s20, s30, $0xb8;
	[tilespmem:$0x1E880] =	vst v63  }
0x65: {  	_ =	swait.ge [sflag:s8], $0x3E80  }
0x66: {  	[sflag:s8] =	ssyncset.done $0x0  }
0x67: {  	s9 =	simm.s32 $0xC80;
	[sflag:s8] =	ssyncadd.s32 $0xFFFFC180  }
0x68: {  	[spmem:s3] =	stream.indirect.scatter.add.f32 [tilespmem:s0], [sflag:$0x5], $0x80, s9, s30, $0xb8;
	[tilespmem:$0x1E880] =	vst v63  }
0x69: {  	_ =	swait.ge [sflag:s28], $0x3E80  }
0x6a: {  	[sflag:s28] =	ssyncset.done $0x0  }
0x6b: {  	s6 =	simm.s32 $0x180;
	[sflag:s28] =	ssyncadd.s32 $0xFFFFC180  }
0x6c: {  	[tilespmem:s0], [sflag:$0x2] =	stream.indirect.gather [hbm4b:s1+s30], $0x80, s6, s30, $0xb8;
	[tilespmem:$0x1E880] =	vst v63  }
0x6d: {  	_ =	swait.ge [sflag:s5], $0x3E80  }
0x6e: {  	[sflag:s5] =	ssyncset.done $0x0  }
0x6f: {  	s7 =	simm.s32 $0xD00;
	[sflag:s5] =	ssyncadd.s32 $0xFFFFC180  }
0x70: {  	[spmem:s3] =	stream.indirect.scatter.add.f32 [tilespmem:s26], [sflag:$0x5], $0x80, s7, s30, $0xb8;
	[tilespmem:$0x1E880] =	vst v63  }
0x71: {  	_ =	swait.ge [sflag:s28], $0x3E80  }
0x72: {  	[sflag:s28] =	ssyncset.done $0x0  }
0x73: {  	s11 =	simm.s32 $0x200;
	[sflag:s28] =	ssyncadd.s32 $0xFFFFC180  }
0x74: {  	[tilespmem:s26], [sflag:$0x1] =	stream.indirect.gather [hbm4b:s1+s30], $0x80, s11, s30, $0xb8;
	[tilespmem:$0x1E880] =	vst v63  }
0x75: {  	_ =	swait.ge [sflag:s8], $0x3E80  }
0x76: {  	[sflag:s8] =	ssyncset.done $0x0  }
0x77: {  	s11 =	simm.s32 $0xD80;
	[sflag:s8] =	ssyncadd.s32 $0xFFFFC180  }
0x78: {  	[spmem:s3] =	stream.indirect.scatter.add.f32 [tilespmem:s0], [sflag:$0x5], $0x80, s11, s30, $0xb8;
	[tilespmem:$0x1E880] =	vst v63  }
0x79: {  	_ =	swait.ge [sflag:s28], $0x3E80  }
0x7a: {  	[sflag:s28] =	ssyncset.done $0x0  }
0x7b: {  	s20 =	simm.s32 $0x280;
	[sflag:s28] =	ssyncadd.s32 $0xFFFFC180  }
0x7c: {  	[tilespmem:s0], [sflag:$0x2] =	stream.indirect.gather [hbm4b:s1+s30], $0x80, s20, s30, $0xb8;
	[tilespmem:$0x1E880] =	vst v63  }
0x7d: {  	_ =	swait.ge [sflag:s5], $0x3E80  }
0x7e: {  	[sflag:s5] =	ssyncset.done $0x0  }
0x7f: {  	s7 =	simm.s32 $0xE00;
	[sflag:s5] =	ssyncadd.s32 $0xFFFFC180  }
0x80: {  	[spmem:s3] =	stream.indirect.scatter.add.f32 [tilespmem:s26], [sflag:$0x5], $0x80, s7, s30, $0xb8;
	[tilespmem:$0x1E880] =	vst v63  }
0x81: {  	_ =	swait.ge [sflag:s28], $0x3E80  }
0x82: {  	[sflag:s28] =	ssyncset.done $0x0  }
0x83: {  	s6 =	simm.s32 $0x300;
	[sflag:s28] =	ssyncadd.s32 $0xFFFFC180  }
0x84: {  	[tilespmem:s26], [sflag:$0x1] =	stream.indirect.gather [hbm4b:s1+s30], $0x80, s6, s30, $0xb8;
	[tilespmem:$0x1E880] =	vst v63  }
0x85: {  	_ =	swait.ge [sflag:s8], $0x3E80  }
0x86: {  	[sflag:s8] =	ssyncset.done $0x0  }
0x87: {  	s20 =	simm.s32 $0xE80;
	[sflag:s8] =	ssyncadd.s32 $0xFFFFC180  }
0x88: {  	[spmem:s3] =	stream.indirect.scatter.add.f32 [tilespmem:s0], [sflag:$0x5], $0x80, s20, s30, $0xb8;
	[tilespmem:$0x1E880] =	vst v63  }
0x89: {  	_ =	swait.ge [sflag:s28], $0x3E80  }
0x8a: {  	[sflag:s28] =	ssyncset.done $0x0  }
0x8b: {  	s6 =	simm.s32 $0x380;
	[sflag:s28] =	ssyncadd.s32 $0xFFFFC180  }
0x8c: {  	[tilespmem:s0], [sflag:$0x2] =	stream.indirect.gather [hbm4b:s1+s30], $0x80, s6, s30, $0xb8;
	[tilespmem:$0x1E880] =	vst v63  }
0x8d: {  	_ =	swait.ge [sflag:s5], $0x3E80  }
0x8e: {  	[sflag:s5] =	ssyncset.done $0x0  }
0x8f: {  	s20 =	simm.s32 $0xF00;
	[sflag:s5] =	ssyncadd.s32 $0xFFFFC180  }
0x90: {  	[spmem:s3] =	stream.indirect.scatter.add.f32 [tilespmem:s26], [sflag:$0x5], $0x80, s20, s30, $0xb8;
	[tilespmem:$0x1E880] =	vst v63  }
0x91: {  	_ =	swait.ge [sflag:s28], $0x3E80  }
0x92: {  	[sflag:s28] =	ssyncset.done $0x0  }
0x93: {  	s6 =	simm.s32 $0x400;
	[sflag:s28] =	ssyncadd.s32 $0xFFFFC180  }
0x94: {  	[tilespmem:s26], [sflag:$0x1] =	stream.indirect.gather [hbm4b:s1+s30], $0x80, s6, s30, $0xb8;
	[tilespmem:$0x1E880] =	vst v63  }
0x95: {  	_ =	swait.ge [sflag:s8], $0x3E80  }
0x96: {  	[sflag:s8] =	ssyncset.done $0x0  }
0x97: {  	s20 =	simm.s32 $0xF80;
	[sflag:s8] =	ssyncadd.s32 $0xFFFFC180  }
0x98: {  	[spmem:s3] =	stream.indirect.scatter.add.f32 [tilespmem:s0], [sflag:$0x5], $0x80, s20, s30, $0xb8;
	[tilespmem:$0x1E880] =	vst v63  }
0x99: {  	_ =	swait.ge [sflag:s28], $0x3E80  }
0x9a: {  	[sflag:s28] =	ssyncset.done $0x0  }
0x9b: {  	s6 =	simm.s32 $0x480;
	[sflag:s28] =	ssyncadd.s32 $0xFFFFC180  }
0x9c: {  	[tilespmem:s0], [sflag:$0x2] =	stream.indirect.gather [hbm4b:s1+s30], $0x80, s6, s30, $0xb8;
	[tilespmem:$0x1E880] =	vst v63  }
0x9d: {  	_ =	swait.ge [sflag:s5], $0x3E80  }
0x9e: {  	[sflag:s5] =	ssyncset.done $0x0  }
0x9f: {  	s20 =	simm.s32 $0x1000;
	[sflag:s5] =	ssyncadd.s32 $0xFFFFC180  }
0xa0: {  	[spmem:s3] =	stream.indirect.scatter.add.f32 [tilespmem:s26], [sflag:$0x5], $0x80, s20, s30, $0xb8;
	[tilespmem:$0x1E880] =	vst v63  }
0xa1: {  	_ =	swait.ge [sflag:s28], $0x3E80  }
0xa2: {  	[sflag:s28] =	ssyncset.done $0x0  }
0xa3: {  	s6 =	simm.s32 $0x500;
	[sflag:s28] =	ssyncadd.s32 $0xFFFFC180  }
0xa4: {  	[tilespmem:s26], [sflag:$0x1] =	stream.indirect.gather [hbm4b:s1+s30], $0x80, s6, s30, $0xb8;
	[tilespmem:$0x1E880] =	vst v63  }
0xa5: {  	_ =	swait.ge [sflag:s8], $0x3E80  }
0xa6: {  	[sflag:s8] =	ssyncset.done $0x0  }
0xa7: {  	s20 =	simm.s32 $0x1080;
	[sflag:s8] =	ssyncadd.s32 $0xFFFFC180  }
0xa8: {  	[spmem:s3] =	stream.indirect.scatter.add.f32 [tilespmem:s0], [sflag:$0x5], $0x80, s20, s30, $0xb8;
	[tilespmem:$0x1E880] =	vst v63  }
0xa9: {  	_ =	swait.ge [sflag:s28], $0x3E80  }
0xaa: {  	[sflag:s28] =	ssyncset.done $0x0  }
0xab: {  	s6 =	simm.s32 $0x580;
	[sflag:s28] =	ssyncadd.s32 $0xFFFFC180  }
0xac: {  	[tilespmem:s0], [sflag:$0x2] =	stream.indirect.gather [hbm4b:s1+s30], $0x80, s6, s30, $0xb8;
	[tilespmem:$0x1E880] =	vst v63  }
0xad: {  	_ =	swait.ge [sflag:s5], $0x3E80  }
0xae: {  	[sflag:s5] =	ssyncset.done $0x0  }
0xaf: {  	s20 =	simm.s32 $0x1100;
	[sflag:s5] =	ssyncadd.s32 $0xFFFFC180  }
0xb0: {  	[spmem:s3] =	stream.indirect.scatter.add.f32 [tilespmem:s26], [sflag:$0x5], $0x80, s20, s30, $0xb8;
	[tilespmem:$0x1E880] =	vst v63  }
0xb1: {  	_ =	swait.ge [sflag:s28], $0x3E80  }
0xb2: {  	[sflag:s28] =	ssyncset.done $0x0  }
0xb3: {  	s6 =	simm.s32 $0x600;
	[sflag:s28] =	ssyncadd.s32 $0xFFFFC180  }
0xb4: {  	[tilespmem:s26], [sflag:$0x1] =	stream.indirect.gather [hbm4b:s1+s30], $0x80, s6, s30, $0xb8;
	[tilespmem:$0x1E880] =	vst v63  }
0xb5: {  	_ =	swait.ge [sflag:s8], $0x3E80  }
0xb6: {  	[sflag:s8] =	ssyncset.done $0x0  }
0xb7: {  	s20 =	simm.s32 $0x1180;
	[sflag:s8] =	ssyncadd.s32 $0xFFFFC180  }
0xb8: {  	[spmem:s3] =	stream.indirect.scatter.add.f32 [tilespmem:s0], [sflag:$0x5], $0x80, s20, s30, $0xb8;
	[tilespmem:$0x1E880] =	vst v63  }
0xb9: {  	_ =	swait.ge [sflag:s28], $0x3E80  }
0xba: {  	[sflag:s28] =	ssyncset.done $0x0  }
0xbb: {  	s6 =	simm.s32 $0x680;
	[sflag:s28] =	ssyncadd.s32 $0xFFFFC180  }
0xbc: {  	[tilespmem:s0], [sflag:$0x2] =	stream.indirect.gather [hbm4b:s1+s30], $0x80, s6, s30, $0xb8;
	[tilespmem:$0x1E880] =	vst v63  }
0xbd: {  	_ =	swait.ge [sflag:s5], $0x3E80  }
0xbe: {  	[sflag:s5] =	ssyncset.done $0x0  }
0xbf: {  	s20 =	simm.s32 $0x1200;
	[sflag:s5] =	ssyncadd.s32 $0xFFFFC180  }
0xc0: {  	[spmem:s3] =	stream.indirect.scatter.add.f32 [tilespmem:s26], [sflag:$0x5], $0x80, s20, s30, $0xb8;
	[tilespmem:$0x1E880] =	vst v63  }
0xc1: {  	_ =	swait.ge [sflag:s28], $0x3E80  }
0xc2: {  	[sflag:s28] =	ssyncset.done $0x0  }
0xc3: {  	s6 =	simm.s32 $0x700;
	[sflag:s28] =	ssyncadd.s32 $0xFFFFC180  }
0xc4: {  	[tilespmem:s26], [sflag:$0x1] =	stream.indirect.gather [hbm4b:s1+s30], $0x80, s6, s30, $0xb8;
	[tilespmem:$0x1E880] =	vst v63  }
0xc5: {  	_ =	swait.ge [sflag:s8], $0x3E80  }
0xc6: {  	[sflag:s8] =	ssyncset.done $0x0  }
0xc7: {  	s20 =	simm.s32 $0x1280;
	[sflag:s8] =	ssyncadd.s32 $0xFFFFC180  }
0xc8: {  	[spmem:s3] =	stream.indirect.scatter.add.f32 [tilespmem:s0], [sflag:$0x5], $0x80, s20, s30, $0xb8;
	[tilespmem:$0x1E880] =	vst v63  }
0xc9: {  	_ =	swait.ge [sflag:s28], $0x3E80  }
0xca: {  	[sflag:s28] =	ssyncset.done $0x0  }
0xcb: {  	s6 =	simm.s32 $0x780;
	[sflag:s28] =	ssyncadd.s32 $0xFFFFC180  }
0xcc: {  	[tilespmem:s0], [sflag:$0x2] =	stream.indirect.gather [hbm4b:s1+s30], $0x80, s6, s30, $0xb8;
	[tilespmem:$0x1E880] =	vst v63  }
0xcd: {  	_ =	swait.ge [sflag:s5], $0x3E80  }
0xce: {  	[sflag:s5] =	ssyncset.done $0x0  }
0xcf: {  	s20 =	simm.s32 $0x1300;
	[sflag:s5] =	ssyncadd.s32 $0xFFFFC180  }
0xd0: {  	[spmem:s3] =	stream.indirect.scatter.add.f32 [tilespmem:s26], [sflag:$0x5], $0x80, s20, s30, $0xb8;
	[tilespmem:$0x1E880] =	vst v63  }
0xd1: {  	_ =	swait.ge [sflag:s28], $0x3E80  }
0xd2: {  	[sflag:s28] =	ssyncset.done $0x0  }
0xd3: {  	s6 =	simm.s32 $0x800;
	[sflag:s28] =	ssyncadd.s32 $0xFFFFC180  }
0xd4: {  	[tilespmem:s26], [sflag:$0x1] =	stream.indirect.gather [hbm4b:s1+s30], $0x80, s6, s30, $0xb8;
	[tilespmem:$0x1E880] =	vst v63  }
0xd5: {  	_ =	swait.ge [sflag:s8], $0x3E80  }
0xd6: {  	[sflag:s8] =	ssyncset.done $0x0  }
0xd7: {  	s20 =	simm.s32 $0x1380;
	[sflag:s8] =	ssyncadd.s32 $0xFFFFC180  }
0xd8: {  	[spmem:s3] =	stream.indirect.scatter.add.f32 [tilespmem:s0], [sflag:$0x5], $0x80, s20, s30, $0xb8;
	[tilespmem:$0x1E880] =	vst v63  }
0xd9: {  	_ =	swait.ge [sflag:s28], $0x3E80  }
0xda: {  	[sflag:s28] =	ssyncset.done $0x0  }
0xdb: {  	s6 =	simm.s32 $0x880;
	[sflag:s28] =	ssyncadd.s32 $0xFFFFC180  }
0xdc: {  	[tilespmem:s0], [sflag:$0x2] =	stream.indirect.gather [hbm4b:s1+s30], $0x80, s6, s30, $0xb8;
	[tilespmem:$0x1E880] =	vst v63  }
0xdd: {  	_ =	swait.ge [sflag:s5], $0x3E80  }
0xde: {  	[sflag:s5] =	ssyncset.done $0x0  }
0xdf: {  	s20 =	simm.s32 $0x1400;
	[sflag:s5] =	ssyncadd.s32 $0xFFFFC180  }
0xe0: {  	[spmem:s3] =	stream.indirect.scatter.add.f32 [tilespmem:s26], [sflag:$0x5], $0x80, s20, s30, $0xb8;
	[tilespmem:$0x1E880] =	vst v63  }
0xe1: {  	_ =	swait.ge [sflag:s28], $0x3E80  }
0xe2: {  	[sflag:s28] =	ssyncset.done $0x0  }
0xe3: {  	s6 =	simm.s32 $0x900;
	[sflag:s28] =	ssyncadd.s32 $0xFFFFC180  }
0xe4: {  	[tilespmem:s26], [sflag:$0x1] =	stream.indirect.gather [hbm4b:s1+s30], $0x80, s6, s30, $0xb8;
	[tilespmem:$0x1E880] =	vst v63  }
0xe5: {  	_ =	swait.ge [sflag:s8], $0x3E80  }
0xe6: {  	[sflag:s8] =	ssyncset.done $0x0  }
0xe7: {  	s20 =	simm.s32 $0x1480;
	[sflag:s8] =	ssyncadd.s32 $0xFFFFC180  }
0xe8: {  	[spmem:s3] =	stream.indirect.scatter.add.f32 [tilespmem:s0], [sflag:$0x5], $0x80, s20, s30, $0xb8;
	[tilespmem:$0x1E880] =	vst v63  }
0xe9: {  	_ =	swait.ge [sflag:s28], $0x3E80  }
0xea: {  	[sflag:s28] =	ssyncset.done $0x0  }
0xeb: {  	s6 =	simm.s32 $0x980;
	[sflag:s28] =	ssyncadd.s32 $0xFFFFC180  }
0xec: {  	[tilespmem:s0], [sflag:$0x2] =	stream.indirect.gather [hbm4b:s1+s30], $0x80, s6, s30, $0xb8;
	[tilespmem:$0x1E880] =	vst v63  }
0xed: {  	_ =	swait.ge [sflag:s5], $0x3E80  }
0xee: {  	[sflag:s5] =	ssyncset.done $0x0  }
0xef: {  	s20 =	simm.s32 $0x1500;
	[sflag:s5] =	ssyncadd.s32 $0xFFFFC180  }
0xf0: {  	[spmem:s3] =	stream.indirect.scatter.add.f32 [tilespmem:s26], [sflag:$0x5], $0x80, s20, s30, $0xb8;
	[tilespmem:$0x1E880] =	vst v63  }
0xf1: {  	_ =	swait.ge [sflag:s28], $0x3E80  }
0xf2: {  	[sflag:s28] =	ssyncset.done $0x0  }
0xf3: {  	[sflag:s28] =	ssyncadd.s32 $0xFFFFC180  }
0xf4: {  	[tilespmem:s26], [sflag:$0x1] =	stream.indirect.gather [hbm4b:s1+s30], $0x80, s23, s30, $0xb8;
	[tilespmem:$0x1E880] =	vst v63  }
0xf5: {  	_ =	swait.ge [sflag:s8], $0x3E80  }
0xf6: {  	[sflag:s8] =	ssyncset.done $0x0  }
0xf7: {  	s6 =	simm.s32 $0x1580;
	[sflag:s8] =	ssyncadd.s32 $0xFFFFC180  }
0xf8: {  	[spmem:s3] =	stream.indirect.scatter.add.f32 [tilespmem:s0], [sflag:$0x5], $0x80, s6, s30, $0xb8;
	[tilespmem:$0x1E880] =	vst v63  }
0xf9: {  	_ =	swait.ge [sflag:s28], $0x3E80  }
0xfa: {  	[sflag:s28] =	ssyncset.done $0x0  }
0xfb: {  	s20 =	rddreg [dreg:$0xc];
	[sflag:s28] =	ssyncadd.s32 $0xFFFFC180  }
0xfc: {  	[tilespmem:s10], [sflag:$0x3] =	stream.linear.gather [hbm4b:s20+s10], $0xA00, $0x38;
	[tilespmem:$0x1E880] =	vst v63  }
0xfd: {  	s6 =	rddreg [dreg:$0xd]  }
0xfe: {  	[tilespmem:s22], [sflag:$0x3] =	stream.linear.gather [hbm4b:s6+s10], $0xA00, $0x38;
	[tilespmem:$0x1E880] =	vst v63  }
0xff: {  	_ =	swait.ge [sflag:s29], $0xA00  }
0x100: {  	[sflag:s29] =	ssyncset.done $0x0  }
0x101: {  	[sflag:s29] =	ssyncadd.s32 $0xFFFFF600  }
0x102: {  	_ =	swait.ge [sflag:s29], $0xA00  }
0x103: {  	[sflag:s29] =	ssyncset.done $0x0  }
0x104: {  	s20 =	simm.s32 $0x1880;
	[sflag:s29] =	ssyncadd.s32 $0xFFFFF600  }
0x105: {  	[tilespmem:s0], [sflag:$0x2] =	stream.indirect.gather [hbm4b:s1+s30], $0x80, s20, s30, $0xb8;
	[tilespmem:$0x1E880] =	vst v63  }
0x106: {  	_ =	swait.ge [sflag:s5], $0x3E80  }
0x107: {  	[sflag:s5] =	ssyncset.done $0x0  }
0x108: {  	[sflag:s5] =	ssyncadd.s32 $0xFFFFC180  }
0x109: {  	[spmem:s3] =	stream.indirect.scatter.add.f32 [tilespmem:s26], [sflag:$0x5], $0x80, s4, s30, $0xb8;
	[tilespmem:$0x1E880] =	vst v63  }
0x10a: {  	_ =	swait.ge [sflag:s28], $0x3E80  }
0x10b: {  	[sflag:s28] =	ssyncset.done $0x0  }
0x10c: {  	[sflag:s28] =	ssyncadd.s32 $0xFFFFC180  }
0x10d: {  	[tilespmem:s26], [sflag:$0x1] =	stream.indirect.gather [hbm4b:s1+s30], $0x80, s12, s30, $0xb8;
	[tilespmem:$0x1E880] =	vst v63  }
0x10e: {  	_ =	swait.ge [sflag:s8], $0x3E80  }
0x10f: {  	[sflag:s8] =	ssyncset.done $0x0  }
0x110: {  	[sflag:s8] =	ssyncadd.s32 $0xFFFFC180  }
0x111: {  	[spmem:s3] =	stream.indirect.scatter.add.f32 [tilespmem:s0], [sflag:$0x5], $0x80, s13, s30, $0xb8;
	[tilespmem:$0x1E880] =	vst v63  }
0x112: {  	_ =	swait.ge [sflag:s28], $0x3E80  }
0x113: {  	[sflag:s28] =	ssyncset.done $0x0  }
0x114: {  	[sflag:s28] =	ssyncadd.s32 $0xFFFFC180  }
0x115: {  	[tilespmem:s0], [sflag:$0x2] =	stream.indirect.gather [hbm4b:s1+s30], $0x80, s14, s30, $0xb8;
	[tilespmem:$0x1E880] =	vst v63  }
0x116: {  	_ =	swait.ge [sflag:s5], $0x3E80  }
0x117: {  	[sflag:s5] =	ssyncset.done $0x0  }
0x118: {  	[sflag:s5] =	ssyncadd.s32 $0xFFFFC180  }
0x119: {  	[spmem:s3] =	stream.indirect.scatter.add.f32 [tilespmem:s26], [sflag:$0x5], $0x80, s15, s30, $0xb8;
	[tilespmem:$0x1E880] =	vst v63  }
0x11a: {  	_ =	swait.ge [sflag:s28], $0x3E80  }
0x11b: {  	[sflag:s28] =	ssyncset.done $0x0  }
0x11c: {  	[sflag:s28] =	ssyncadd.s32 $0xFFFFC180  }
0x11d: {  	[tilespmem:s26], [sflag:$0x1] =	stream.indirect.gather [hbm4b:s1+s30], $0x80, s16, s30, $0xb8;
	[tilespmem:$0x1E880] =	vst v63  }
0x11e: {  	_ =	swait.ge [sflag:s8], $0x3E80  }
0x11f: {  	[sflag:s8] =	ssyncset.done $0x0  }
0x120: {  	[sflag:s8] =	ssyncadd.s32 $0xFFFFC180  }
0x121: {  	[spmem:s3] =	stream.indirect.scatter.add.f32 [tilespmem:s0], [sflag:$0x5], $0x80, s17, s30, $0xb8;
	[tilespmem:$0x1E880] =	vst v63  }
0x122: {  	_ =	swait.ge [sflag:s28], $0x3E80  }
0x123: {  	[sflag:s28] =	ssyncset.done $0x0  }
0x124: {  	[sflag:s28] =	ssyncadd.s32 $0xFFFFC180  }
0x125: {  	[tilespmem:s0], [sflag:$0x2] =	stream.indirect.gather [hbm4b:s1+s30], $0x80, s18, s30, $0xb8;
	[tilespmem:$0x1E880] =	vst v63  }
0x126: {  	_ =	swait.ge [sflag:s5], $0x3E80  }
0x127: {  	[sflag:s5] =	ssyncset.done $0x0  }
0x128: {  	s20 =	simm.s32 $0x2600;
	[sflag:s5] =	ssyncadd.s32 $0xFFFFC180  }
0x129: {  	[spmem:s3] =	stream.indirect.scatter.add.f32 [tilespmem:s26], [sflag:$0x5], $0x80, s20, s30, $0xb8;
	[tilespmem:$0x1E880] =	vst v63  }
0x12a: {  	_ =	swait.ge [sflag:s28], $0x3E80  }
0x12b: {  	[sflag:s28] =	ssyncset.done $0x0  }
0x12c: {  	[sflag:s28] =	ssyncadd.s32 $0xFFFFC180  }
0x12d: {  	[tilespmem:s26], [sflag:$0x1] =	stream.indirect.gather [hbm4b:s1+s30], $0x80, s21, s30, $0xb8;
	[tilespmem:$0x1E880] =	vst v63  }
0x12e: {  	_ =	swait.ge [sflag:s8], $0x3E80  }
0x12f: {  	[sflag:s8] =	ssyncset.done $0x0  }
0x130: {  	[sflag:s8] =	ssyncadd.s32 $0xFFFFC180  }
0x131: {  	[spmem:s3] =	stream.indirect.scatter.add.f32 [tilespmem:s0], [sflag:$0x5], $0x80, s24, s30, $0xb8;
	[tilespmem:$0x1E880] =	vst v63  }
0x132: {  	_ =	swait.ge [sflag:s28], $0x3E80  }
0x133: {  	[sflag:s28] =	ssyncset.done $0x0  }
0x134: {  	[sflag:s28] =	ssyncadd.s32 $0xFFFFC180  }
0x135: {  	[tilespmem:s0], [sflag:$0x2] =	stream.indirect.gather [hbm4b:s1+s30], $0x80, s25, s30, $0xb8;
	[tilespmem:$0x1E880] =	vst v63  }
0x136: {  	_ =	swait.ge [sflag:s5], $0x3E80  }
0x137: {  	[sflag:s5] =	ssyncset.done $0x0  }
0x138: {  	s6 =	simm.s32 $0x2700;
	[sflag:s5] =	ssyncadd.s32 $0xFFFFC180  }
0x139: {  	[spmem:s3] =	stream.indirect.scatter.add.f32 [tilespmem:s26], [sflag:$0x5], $0x80, s6, s30, $0xb8;
	[tilespmem:$0x1E880] =	vst v63  }
0x13a: {  	_ =	swait.ge [sflag:s28], $0x3E80  }
0x13b: {  	[sflag:s28] =	ssyncset.done $0x0  }
0x13c: {  	s6 =	simm.s32 $0x1C00;
	[sflag:s28] =	ssyncadd.s32 $0xFFFFC180  }
0x13d: {  	[tilespmem:s26], [sflag:$0x1] =	stream.indirect.gather [hbm4b:s1+s30], $0x80, s6, s30, $0xb8;
	[tilespmem:$0x1E880] =	vst v63  }
0x13e: {  	_ =	swait.ge [sflag:s8], $0x3E80  }
0x13f: {  	[sflag:s8] =	ssyncset.done $0x0  }
0x140: {  	s6 =	simm.s32 $0x2780;
	[sflag:s8] =	ssyncadd.s32 $0xFFFFC180  }
0x141: {  	[spmem:s3] =	stream.indirect.scatter.add.f32 [tilespmem:s0], [sflag:$0x5], $0x80, s6, s30, $0xb8;
	[tilespmem:$0x1E880] =	vst v63  }
0x142: {  	_ =	swait.ge [sflag:s28], $0x3E80  }
0x143: {  	[sflag:s28] =	ssyncset.done $0x0  }
0x144: {  	s6 =	simm.s32 $0x1C80;
	[sflag:s28] =	ssyncadd.s32 $0xFFFFC180  }
0x145: {  	[tilespmem:s0], [sflag:$0x2] =	stream.indirect.gather [hbm4b:s1+s30], $0x80, s6, s30, $0xb8;
	[tilespmem:$0x1E880] =	vst v63  }
0x146: {  	_ =	swait.ge [sflag:s5], $0x3E80  }
0x147: {  	[sflag:s5] =	ssyncset.done $0x0  }
0x148: {  	s6 =	simm.s32 $0x2800;
	[sflag:s5] =	ssyncadd.s32 $0xFFFFC180  }
0x149: {  	[spmem:s3] =	stream.indirect.scatter.add.f32 [tilespmem:s26], [sflag:$0x5], $0x80, s6, s30, $0xb8;
	[tilespmem:$0x1E880] =	vst v63  }
0x14a: {  	_ =	swait.ge [sflag:s28], $0x3E80  }
0x14b: {  	[sflag:s28] =	ssyncset.done $0x0  }
0x14c: {  	s6 =	simm.s32 $0x1D00;
	[sflag:s28] =	ssyncadd.s32 $0xFFFFC180  }
0x14d: {  	[tilespmem:s26], [sflag:$0x1] =	stream.indirect.gather [hbm4b:s1+s30], $0x80, s6, s30, $0xb8;
	[tilespmem:$0x1E880] =	vst v63  }
0x14e: {  	_ =	swait.ge [sflag:s8], $0x3E80  }
0x14f: {  	[sflag:s8] =	ssyncset.done $0x0  }
0x150: {  	s6 =	simm.s32 $0x2880;
	[sflag:s8] =	ssyncadd.s32 $0xFFFFC180  }
0x151: {  	[spmem:s3] =	stream.indirect.scatter.add.f32 [tilespmem:s0], [sflag:$0x5], $0x80, s6, s30, $0xb8;
	[tilespmem:$0x1E880] =	vst v63  }
0x152: {  	_ =	swait.ge [sflag:s28], $0x3E80  }
0x153: {  	[sflag:s28] =	ssyncset.done $0x0  }
0x154: {  	s6 =	simm.s32 $0x1D80;
	[sflag:s28] =	ssyncadd.s32 $0xFFFFC180  }
0x155: {  	[tilespmem:s0], [sflag:$0x2] =	stream.indirect.gather [hbm4b:s1+s30], $0x80, s6, s30, $0xb8;
	[tilespmem:$0x1E880] =	vst v63  }
0x156: {  	_ =	swait.ge [sflag:s5], $0x3E80  }
0x157: {  	[sflag:s5] =	ssyncset.done $0x0  }
0x158: {  	s6 =	simm.s32 $0x2900;
	[sflag:s5] =	ssyncadd.s32 $0xFFFFC180  }
0x159: {  	[spmem:s3] =	stream.indirect.scatter.add.f32 [tilespmem:s26], [sflag:$0x5], $0x80, s6, s30, $0xb8;
	[tilespmem:$0x1E880] =	vst v63  }
0x15a: {  	_ =	swait.ge [sflag:s28], $0x3E80  }
0x15b: {  	[sflag:s28] =	ssyncset.done $0x0  }
0x15c: {  	s6 =	simm.s32 $0x1E00;
	[sflag:s28] =	ssyncadd.s32 $0xFFFFC180  }
0x15d: {  	[tilespmem:s26], [sflag:$0x1] =	stream.indirect.gather [hbm4b:s1+s30], $0x80, s6, s30, $0xb8;
	[tilespmem:$0x1E880] =	vst v63  }
0x15e: {  	_ =	swait.ge [sflag:s8], $0x3E80  }
0x15f: {  	[sflag:s8] =	ssyncset.done $0x0  }
0x160: {  	s6 =	simm.s32 $0x2980;
	[sflag:s8] =	ssyncadd.s32 $0xFFFFC180  }
0x161: {  	[spmem:s3] =	stream.indirect.scatter.add.f32 [tilespmem:s0], [sflag:$0x5], $0x80, s6, s30, $0xb8;
	[tilespmem:$0x1E880] =	vst v63  }
0x162: {  	_ =	swait.ge [sflag:s28], $0x3E80  }
0x163: {  	[sflag:s28] =	ssyncset.done $0x0  }
0x164: {  	s6 =	simm.s32 $0x1E80;
	[sflag:s28] =	ssyncadd.s32 $0xFFFFC180  }
0x165: {  	[tilespmem:s0], [sflag:$0x2] =	stream.indirect.gather [hbm4b:s1+s30], $0x80, s6, s30, $0xb8;
	[tilespmem:$0x1E880] =	vst v63  }
0x166: {  	_ =	swait.ge [sflag:s5], $0x3E80  }
0x167: {  	[sflag:s5] =	ssyncset.done $0x0  }
0x168: {  	s6 =	simm.s32 $0x2A00;
	[sflag:s5] =	ssyncadd.s32 $0xFFFFC180  }
0x169: {  	[spmem:s3] =	stream.indirect.scatter.add.f32 [tilespmem:s26], [sflag:$0x5], $0x80, s6, s30, $0xb8;
	[tilespmem:$0x1E880] =	vst v63  }
0x16a: {  	_ =	swait.ge [sflag:s28], $0x3E80  }
0x16b: {  	[sflag:s28] =	ssyncset.done $0x0  }
0x16c: {  	s6 =	simm.s32 $0x1F00;
	[sflag:s28] =	ssyncadd.s32 $0xFFFFC180  }
0x16d: {  	[tilespmem:s26], [sflag:$0x1] =	stream.indirect.gather [hbm4b:s1+s30], $0x80, s6, s30, $0xb8;
	[tilespmem:$0x1E880] =	vst v63  }
0x16e: {  	_ =	swait.ge [sflag:s8], $0x3E80  }
0x16f: {  	[sflag:s8] =	ssyncset.done $0x0  }
0x170: {  	s6 =	simm.s32 $0x2A80;
	[sflag:s8] =	ssyncadd.s32 $0xFFFFC180  }
0x171: {  	[spmem:s3] =	stream.indirect.scatter.add.f32 [tilespmem:s0], [sflag:$0x5], $0x80, s6, s30, $0xb8;
	[tilespmem:$0x1E880] =	vst v63  }
0x172: {  	_ =	swait.ge [sflag:s28], $0x3E80  }
0x173: {  	[sflag:s28] =	ssyncset.done $0x0  }
0x174: {  	s6 =	simm.s32 $0x1F80;
	[sflag:s28] =	ssyncadd.s32 $0xFFFFC180  }
0x175: {  	[tilespmem:s0], [sflag:$0x2] =	stream.indirect.gather [hbm4b:s1+s30], $0x80, s6, s30, $0xb8;
	[tilespmem:$0x1E880] =	vst v63  }
0x176: {  	_ =	swait.ge [sflag:s5], $0x3E80  }
0x177: {  	[sflag:s5] =	ssyncset.done $0x0  }
0x178: {  	s6 =	simm.s32 $0x2B00;
	[sflag:s5] =	ssyncadd.s32 $0xFFFFC180  }
0x179: {  	[spmem:s3] =	stream.indirect.scatter.add.f32 [tilespmem:s26], [sflag:$0x5], $0x80, s6, s30, $0xb8;
	[tilespmem:$0x1E880] =	vst v63  }
0x17a: {  	_ =	swait.ge [sflag:s28], $0x3E80  }
0x17b: {  	[sflag:s28] =	ssyncset.done $0x0  }
0x17c: {  	s6 =	simm.s32 $0x2000;
	[sflag:s28] =	ssyncadd.s32 $0xFFFFC180  }
0x17d: {  	[tilespmem:s26], [sflag:$0x1] =	stream.indirect.gather [hbm4b:s1+s30], $0x80, s6, s30, $0xb8;
	[tilespmem:$0x1E880] =	vst v63  }
0x17e: {  	_ =	swait.ge [sflag:s8], $0x3E80  }
0x17f: {  	[sflag:s8] =	ssyncset.done $0x0  }
0x180: {  	s6 =	simm.s32 $0x2B80;
	[sflag:s8] =	ssyncadd.s32 $0xFFFFC180  }
0x181: {  	[spmem:s3] =	stream.indirect.scatter.add.f32 [tilespmem:s0], [sflag:$0x5], $0x80, s6, s30, $0xb8;
	[tilespmem:$0x1E880] =	vst v63  }
0x182: {  	_ =	swait.ge [sflag:s28], $0x3E80  }
0x183: {  	[sflag:s28] =	ssyncset.done $0x0  }
0x184: {  	s6 =	simm.s32 $0x2080;
	[sflag:s28] =	ssyncadd.s32 $0xFFFFC180  }
0x185: {  	[tilespmem:s0], [sflag:$0x2] =	stream.indirect.gather [hbm4b:s1+s30], $0x80, s6, s30, $0xb8;
	[tilespmem:$0x1E880] =	vst v63  }
0x186: {  	_ =	swait.ge [sflag:s5], $0x3E80  }
0x187: {  	[sflag:s5] =	ssyncset.done $0x0  }
0x188: {  	s6 =	simm.s32 $0x2C00;
	[sflag:s5] =	ssyncadd.s32 $0xFFFFC180  }
0x189: {  	[spmem:s3] =	stream.indirect.scatter.add.f32 [tilespmem:s26], [sflag:$0x5], $0x80, s6, s30, $0xb8;
	[tilespmem:$0x1E880] =	vst v63  }
0x18a: {  	_ =	swait.ge [sflag:s28], $0x3E80  }
0x18b: {  	[sflag:s28] =	ssyncset.done $0x0  }
0x18c: {  	s6 =	simm.s32 $0x2100;
	[sflag:s28] =	ssyncadd.s32 $0xFFFFC180  }
0x18d: {  	[tilespmem:s26], [sflag:$0x1] =	stream.indirect.gather [hbm4b:s1+s30], $0x80, s6, s30, $0xb8;
	[tilespmem:$0x1E880] =	vst v63  }
0x18e: {  	_ =	swait.ge [sflag:s8], $0x3E80  }
0x18f: {  	[sflag:s8] =	ssyncset.done $0x0  }
0x190: {  	s6 =	simm.s32 $0x2C80;
	[sflag:s8] =	ssyncadd.s32 $0xFFFFC180  }
0x191: {  	[spmem:s3] =	stream.indirect.scatter.add.f32 [tilespmem:s0], [sflag:$0x5], $0x80, s6, s30, $0xb8;
	[tilespmem:$0x1E880] =	vst v63  }
0x192: {  	_ =	swait.ge [sflag:s28], $0x3E80  }
0x193: {  	[sflag:s28] =	ssyncset.done $0x0  }
0x194: {  	s6 =	simm.s32 $0x2180;
	[sflag:s28] =	ssyncadd.s32 $0xFFFFC180  }
0x195: {  	[tilespmem:s0], [sflag:$0x2] =	stream.indirect.gather [hbm4b:s1+s30], $0x80, s6, s30, $0xb8;
	[tilespmem:$0x1E880] =	vst v63  }
0x196: {  	_ =	swait.ge [sflag:s5], $0x3E80  }
0x197: {  	[sflag:s5] =	ssyncset.done $0x0  }
0x198: {  	s6 =	simm.s32 $0x2D00;
	[sflag:s5] =	ssyncadd.s32 $0xFFFFC180  }
0x199: {  	[spmem:s3] =	stream.indirect.scatter.add.f32 [tilespmem:s26], [sflag:$0x5], $0x80, s6, s30, $0xb8;
	[tilespmem:$0x1E880] =	vst v63  }
0x19a: {  	_ =	swait.ge [sflag:s28], $0x3E80  }
0x19b: {  	[sflag:s28] =	ssyncset.done $0x0  }
0x19c: {  	[sflag:s28] =	ssyncadd.s32 $0xFFFFC180  }
0x19d: {  	[tilespmem:s26], [sflag:$0x1] =	stream.indirect.gather [hbm4b:s1+s30], $0x80, s10, s30, $0xb8;
	[tilespmem:$0x1E880] =	vst v63  }
0x19e: {  	_ =	swait.ge [sflag:s8], $0x3E80  }
0x19f: {  	[sflag:s8] =	ssyncset.done $0x0  }
0x1a0: {  	s6 =	simm.s32 $0x2D80;
	[sflag:s8] =	ssyncadd.s32 $0xFFFFC180  }
0x1a1: {  	[spmem:s3] =	stream.indirect.scatter.add.f32 [tilespmem:s0], [sflag:$0x5], $0x80, s6, s30, $0xb8;
	[tilespmem:$0x1E880] =	vst v63  }
0x1a2: {  	_ =	swait.ge [sflag:s28], $0x3E80  }
0x1a3: {  	[sflag:s28] =	ssyncset.done $0x0  }
0x1a4: {  	s2 =	rddreg [dreg:$0xe];
	[sflag:s28] =	ssyncadd.s32 $0xFFFFC180  }
0x1a5: {  	[tilespmem:s23], [sflag:$0x4] =	stream.linear.gather [hbm4b:s2+s10], $0xA00, $0x38;
	[tilespmem:$0x1E880] =	vst v63  }
0x1a6: {  	s2 =	rddreg [dreg:$0xf]  }
0x1a7: {  	[tilespmem:s4], [sflag:$0x4] =	stream.linear.gather [hbm4b:s2+s10], $0xA00, $0x38;
	[tilespmem:$0x1E880] =	vst v63  }
0x1a8: {  	_ =	swait.ge [sflag:s31], $0xA00  }
0x1a9: {  	[sflag:s31] =	ssyncset.done $0x0  }
0x1aa: {  	[sflag:s31] =	ssyncadd.s32 $0xFFFFF600  }
0x1ab: {  	_ =	swait.ge [sflag:s31], $0xA00  }
0x1ac: {  	[sflag:s31] =	ssyncset.done $0x0  }
0x1ad: {  	s2 =	simm.s32 $0x80;
	[sflag:s31] =	ssyncadd.s32 $0xFFFFF600  }
0x1ae: {  	[tilespmem:s0], [sflag:$0x2] =	stream.indirect.gather [hbm4b:s1+s30], $0x80, s2, s30, $0xb8;
	[tilespmem:$0x1E880] =	vst v63  }
0x1af: {  	_ =	swait.ge [sflag:s5], $0x3E80  }
0x1b0: {  	[sflag:s5] =	ssyncset.done $0x0  }
0x1b1: {  	[sflag:s5] =	ssyncadd.s32 $0xFFFFC180  }
0x1b2: {  	[spmem:s3] =	stream.indirect.scatter.add.f32 [tilespmem:s26], [sflag:$0x5], $0x80, s22, s30, $0xb8;
	[tilespmem:$0x1E880] =	vst v63  }
0x1b3: {  	_ =	swait.ge [sflag:s28], $0x3E80  }
0x1b4: {  	[sflag:s28] =	ssyncset.done $0x0  }
0x1b5: {  	s2 =	simm.s32 $0x100;
	[sflag:s28] =	ssyncadd.s32 $0xFFFFC180  }
0x1b6: {  	[tilespmem:s26], [sflag:$0x1] =	stream.indirect.gather [hbm4b:s1+s30], $0x80, s2, s30, $0xb8;
	[tilespmem:$0x1E880] =	vst v63  }
0x1b7: {  	_ =	swait.ge [sflag:s8], $0x3E80  }
0x1b8: {  	[sflag:s8] =	ssyncset.done $0x0  }
0x1b9: {  	[sflag:s8] =	ssyncadd.s32 $0xFFFFC180  }
0x1ba: {  	[spmem:s3] =	stream.indirect.scatter.add.f32 [tilespmem:s0], [sflag:$0x5], $0x80, s9, s30, $0xb8;
	[tilespmem:$0x1E880] =	vst v63  }
0x1bb: {  	_ =	swait.ge [sflag:s28], $0x3E80  }
0x1bc: {  	[sflag:s28] =	ssyncset.done $0x0  }
0x1bd: {  	s2 =	simm.s32 $0x180;
	[sflag:s28] =	ssyncadd.s32 $0xFFFFC180  }
0x1be: {  	[tilespmem:s0], [sflag:$0x2] =	stream.indirect.gather [hbm4b:s1+s30], $0x80, s2, s30, $0xb8;
	[tilespmem:$0x1E880] =	vst v63  }
0x1bf: {  	_ =	swait.ge [sflag:s5], $0x3E80  }
0x1c0: {  	[sflag:s5] =	ssyncset.done $0x0  }
0x1c1: {  	s2 =	simm.s32 $0xD00;
	[sflag:s5] =	ssyncadd.s32 $0xFFFFC180  }
0x1c2: {  	[spmem:s3] =	stream.indirect.scatter.add.f32 [tilespmem:s26], [sflag:$0x5], $0x80, s2, s30, $0xb8;
	[tilespmem:$0x1E880] =	vst v63  }
0x1c3: {  	_ =	swait.ge [sflag:s28], $0x3E80  }
0x1c4: {  	[sflag:s28] =	ssyncset.done $0x0  }
0x1c5: {  	s2 =	simm.s32 $0x200;
	[sflag:s28] =	ssyncadd.s32 $0xFFFFC180  }
0x1c6: {  	[tilespmem:s26], [sflag:$0x1] =	stream.indirect.gather [hbm4b:s1+s30], $0x80, s2, s30, $0xb8;
	[tilespmem:$0x1E880] =	vst v63  }
0x1c7: {  	_ =	swait.ge [sflag:s8], $0x3E80  }
0x1c8: {  	[sflag:s8] =	ssyncset.done $0x0  }
0x1c9: {  	[sflag:s8] =	ssyncadd.s32 $0xFFFFC180  }
0x1ca: {  	[spmem:s3] =	stream.indirect.scatter.add.f32 [tilespmem:s0], [sflag:$0x5], $0x80, s11, s30, $0xb8;
	[tilespmem:$0x1E880] =	vst v63  }
0x1cb: {  	_ =	swait.ge [sflag:s28], $0x3E80  }
0x1cc: {  	[sflag:s28] =	ssyncset.done $0x0  }
0x1cd: {  	s2 =	simm.s32 $0x280;
	[sflag:s28] =	ssyncadd.s32 $0xFFFFC180  }
0x1ce: {  	[tilespmem:s0], [sflag:$0x2] =	stream.indirect.gather [hbm4b:s1+s30], $0x80, s2, s30, $0xb8;
	[tilespmem:$0x1E880] =	vst v63  }
0x1cf: {  	_ =	swait.ge [sflag:s5], $0x3E80  }
0x1d0: {  	[sflag:s5] =	ssyncset.done $0x0  }
0x1d1: {  	[sflag:s5] =	ssyncadd.s32 $0xFFFFC180  }
0x1d2: {  	[spmem:s3] =	stream.indirect.scatter.add.f32 [tilespmem:s26], [sflag:$0x5], $0x80, s7, s30, $0xb8;
	[tilespmem:$0x1E880] =	vst v63  }
0x1d3: {  	_ =	swait.ge [sflag:s28], $0x3E80  }
0x1d4: {  	[sflag:s28] =	ssyncset.done $0x0  }
0x1d5: {  	s2 =	simm.s32 $0x300;
	[sflag:s28] =	ssyncadd.s32 $0xFFFFC180  }
0x1d6: {  	[tilespmem:s26], [sflag:$0x1] =	stream.indirect.gather [hbm4b:s1+s30], $0x80, s2, s30, $0xb8;
	[tilespmem:$0x1E880] =	vst v63  }
0x1d7: {  	_ =	swait.ge [sflag:s8], $0x3E80  }
0x1d8: {  	[sflag:s8] =	ssyncset.done $0x0  }
0x1d9: {  	s2 =	simm.s32 $0xE80;
	[sflag:s8] =	ssyncadd.s32 $0xFFFFC180  }
0x1da: {  	[spmem:s3] =	stream.indirect.scatter.add.f32 [tilespmem:s0], [sflag:$0x5], $0x80, s2, s30, $0xb8;
	[tilespmem:$0x1E880] =	vst v63  }
0x1db: {  	_ =	swait.ge [sflag:s28], $0x3E80  }
0x1dc: {  	[sflag:s28] =	ssyncset.done $0x0  }
0x1dd: {  	s2 =	simm.s32 $0x380;
	[sflag:s28] =	ssyncadd.s32 $0xFFFFC180  }
0x1de: {  	[tilespmem:s0], [sflag:$0x2] =	stream.indirect.gather [hbm4b:s1+s30], $0x80, s2, s30, $0xb8;
	[tilespmem:$0x1E880] =	vst v63  }
0x1df: {  	_ =	swait.ge [sflag:s5], $0x3E80  }
0x1e0: {  	[sflag:s5] =	ssyncset.done $0x0  }
0x1e1: {  	s2 =	simm.s32 $0xF00;
	[sflag:s5] =	ssyncadd.s32 $0xFFFFC180  }
0x1e2: {  	[spmem:s3] =	stream.indirect.scatter.add.f32 [tilespmem:s26], [sflag:$0x5], $0x80, s2, s30, $0xb8;
	[tilespmem:$0x1E880] =	vst v63  }
0x1e3: {  	_ =	swait.ge [sflag:s28], $0x3E80  }
0x1e4: {  	[sflag:s28] =	ssyncset.done $0x0  }
0x1e5: {  	s2 =	simm.s32 $0x400;
	[sflag:s28] =	ssyncadd.s32 $0xFFFFC180  }
0x1e6: {  	[tilespmem:s26], [sflag:$0x1] =	stream.indirect.gather [hbm4b:s1+s30], $0x80, s2, s30, $0xb8;
	[tilespmem:$0x1E880] =	vst v63  }
0x1e7: {  	_ =	swait.ge [sflag:s8], $0x3E80  }
0x1e8: {  	[sflag:s8] =	ssyncset.done $0x0  }
0x1e9: {  	s2 =	simm.s32 $0xF80;
	[sflag:s8] =	ssyncadd.s32 $0xFFFFC180  }
0x1ea: {  	[spmem:s3] =	stream.indirect.scatter.add.f32 [tilespmem:s0], [sflag:$0x5], $0x80, s2, s30, $0xb8;
	[tilespmem:$0x1E880] =	vst v63  }
0x1eb: {  	_ =	swait.ge [sflag:s28], $0x3E80  }
0x1ec: {  	[sflag:s28] =	ssyncset.done $0x0  }
0x1ed: {  	s2 =	simm.s32 $0x480;
	[sflag:s28] =	ssyncadd.s32 $0xFFFFC180  }
0x1ee: {  	[tilespmem:s0], [sflag:$0x2] =	stream.indirect.gather [hbm4b:s1+s30], $0x80, s2, s30, $0xb8;
	[tilespmem:$0x1E880] =	vst v63  }
0x1ef: {  	_ =	swait.ge [sflag:s5], $0x3E80  }
0x1f0: {  	[sflag:s5] =	ssyncset.done $0x0  }
0x1f1: {  	s2 =	simm.s32 $0x1000;
	[sflag:s5] =	ssyncadd.s32 $0xFFFFC180  }
0x1f2: {  	[spmem:s3] =	stream.indirect.scatter.add.f32 [tilespmem:s26], [sflag:$0x5], $0x80, s2, s30, $0xb8;
	[tilespmem:$0x1E880] =	vst v63  }
0x1f3: {  	_ =	swait.ge [sflag:s28], $0x3E80  }
0x1f4: {  	[sflag:s28] =	ssyncset.done $0x0  }
0x1f5: {  	s2 =	simm.s32 $0x500;
	[sflag:s28] =	ssyncadd.s32 $0xFFFFC180  }
0x1f6: {  	[tilespmem:s26], [sflag:$0x1] =	stream.indirect.gather [hbm4b:s1+s30], $0x80, s2, s30, $0xb8;
	[tilespmem:$0x1E880] =	vst v63  }
0x1f7: {  	_ =	swait.ge [sflag:s8], $0x3E80  }
0x1f8: {  	[sflag:s8] =	ssyncset.done $0x0  }
0x1f9: {  	s2 =	simm.s32 $0x1080;
	[sflag:s8] =	ssyncadd.s32 $0xFFFFC180  }
0x1fa: {  	[spmem:s3] =	stream.indirect.scatter.add.f32 [tilespmem:s0], [sflag:$0x5], $0x80, s2, s30, $0xb8;
	[tilespmem:$0x1E880] =	vst v63  }
0x1fb: {  	_ =	swait.ge [sflag:s28], $0x3E80  }
0x1fc: {  	[sflag:s28] =	ssyncset.done $0x0  }
0x1fd: {  	s2 =	simm.s32 $0x580;
	[sflag:s28] =	ssyncadd.s32 $0xFFFFC180  }
0x1fe: {  	[tilespmem:s0], [sflag:$0x2] =	stream.indirect.gather [hbm4b:s1+s30], $0x80, s2, s30, $0xb8;
	[tilespmem:$0x1E880] =	vst v63  }
0x1ff: {  	_ =	swait.ge [sflag:s5], $0x3E80  }
0x200: {  	[sflag:s5] =	ssyncset.done $0x0  }
0x201: {  	s2 =	simm.s32 $0x1100;
	[sflag:s5] =	ssyncadd.s32 $0xFFFFC180  }
0x202: {  	[spmem:s3] =	stream.indirect.scatter.add.f32 [tilespmem:s26], [sflag:$0x5], $0x80, s2, s30, $0xb8;
	[tilespmem:$0x1E880] =	vst v63  }
0x203: {  	_ =	swait.ge [sflag:s28], $0x3E80  }
0x204: {  	[sflag:s28] =	ssyncset.done $0x0  }
0x205: {  	s2 =	simm.s32 $0x600;
	[sflag:s28] =	ssyncadd.s32 $0xFFFFC180  }
0x206: {  	[tilespmem:s26], [sflag:$0x1] =	stream.indirect.gather [hbm4b:s1+s30], $0x80, s2, s30, $0xb8;
	[tilespmem:$0x1E880] =	vst v63  }
0x207: {  	_ =	swait.ge [sflag:s8], $0x3E80  }
0x208: {  	[sflag:s8] =	ssyncset.done $0x0  }
0x209: {  	s2 =	simm.s32 $0x1180;
	[sflag:s8] =	ssyncadd.s32 $0xFFFFC180  }
0x20a: {  	[spmem:s3] =	stream.indirect.scatter.add.f32 [tilespmem:s0], [sflag:$0x5], $0x80, s2, s30, $0xb8;
	[tilespmem:$0x1E880] =	vst v63  }
0x20b: {  	_ =	swait.ge [sflag:s28], $0x3E80  }
0x20c: {  	[sflag:s28] =	ssyncset.done $0x0  }
0x20d: {  	s2 =	simm.s32 $0x680;
	[sflag:s28] =	ssyncadd.s32 $0xFFFFC180  }
0x20e: {  	[tilespmem:s0], [sflag:$0x2] =	stream.indirect.gather [hbm4b:s1+s30], $0x80, s2, s30, $0xb8;
	[tilespmem:$0x1E880] =	vst v63  }
0x20f: {  	_ =	swait.ge [sflag:s5], $0x3E80  }
0x210: {  	[sflag:s5] =	ssyncset.done $0x0  }
0x211: {  	s2 =	simm.s32 $0x1200;
	[sflag:s5] =	ssyncadd.s32 $0xFFFFC180  }
0x212: {  	[spmem:s3] =	stream.indirect.scatter.add.f32 [tilespmem:s26], [sflag:$0x5], $0x80, s2, s30, $0xb8;
	[tilespmem:$0x1E880] =	vst v63  }
0x213: {  	_ =	swait.ge [sflag:s28], $0x3E80  }
0x214: {  	[sflag:s28] =	ssyncset.done $0x0  }
0x215: {  	s2 =	simm.s32 $0x700;
	[sflag:s28] =	ssyncadd.s32 $0xFFFFC180  }
0x216: {  	[tilespmem:s26], [sflag:$0x1] =	stream.indirect.gather [hbm4b:s1+s30], $0x80, s2, s30, $0xb8;
	[tilespmem:$0x1E880] =	vst v63  }
0x217: {  	_ =	swait.ge [sflag:s8], $0x3E80  }
0x218: {  	[sflag:s8] =	ssyncset.done $0x0  }
0x219: {  	s2 =	simm.s32 $0x1280;
	[sflag:s8] =	ssyncadd.s32 $0xFFFFC180  }
0x21a: {  	[spmem:s3] =	stream.indirect.scatter.add.f32 [tilespmem:s0], [sflag:$0x5], $0x80, s2, s30, $0xb8;
	[tilespmem:$0x1E880] =	vst v63  }
0x21b: {  	_ =	swait.ge [sflag:s28], $0x3E80  }
0x21c: {  	[sflag:s28] =	ssyncset.done $0x0  }
0x21d: {  	s2 =	simm.s32 $0x780;
	[sflag:s28] =	ssyncadd.s32 $0xFFFFC180  }
0x21e: {  	[tilespmem:s0], [sflag:$0x2] =	stream.indirect.gather [hbm4b:s1+s30], $0x80, s2, s30, $0xb8;
	[tilespmem:$0x1E880] =	vst v63  }
0x21f: {  	_ =	swait.ge [sflag:s5], $0x3E80  }
0x220: {  	[sflag:s5] =	ssyncset.done $0x0  }
0x221: {  	s2 =	simm.s32 $0x1300;
	[sflag:s5] =	ssyncadd.s32 $0xFFFFC180  }
0x222: {  	[spmem:s3] =	stream.indirect.scatter.add.f32 [tilespmem:s26], [sflag:$0x5], $0x80, s2, s30, $0xb8;
	[tilespmem:$0x1E880] =	vst v63  }
0x223: {  	_ =	swait.ge [sflag:s28], $0x3E80  }
0x224: {  	[sflag:s28] =	ssyncset.done $0x0  }
0x225: {  	s2 =	simm.s32 $0x800;
	[sflag:s28] =	ssyncadd.s32 $0xFFFFC180  }
0x226: {  	[tilespmem:s26], [sflag:$0x1] =	stream.indirect.gather [hbm4b:s1+s30], $0x80, s2, s30, $0xb8;
	[tilespmem:$0x1E880] =	vst v63  }
0x227: {  	_ =	swait.ge [sflag:s8], $0x3E80  }
0x228: {  	[sflag:s8] =	ssyncset.done $0x0  }
0x229: {  	s2 =	simm.s32 $0x1380;
	[sflag:s8] =	ssyncadd.s32 $0xFFFFC180  }
0x22a: {  	[spmem:s3] =	stream.indirect.scatter.add.f32 [tilespmem:s0], [sflag:$0x5], $0x80, s2, s30, $0xb8;
	[tilespmem:$0x1E880] =	vst v63  }
0x22b: {  	_ =	swait.ge [sflag:s28], $0x3E80  }
0x22c: {  	[sflag:s28] =	ssyncset.done $0x0  }
0x22d: {  	s2 =	simm.s32 $0x880;
	[sflag:s28] =	ssyncadd.s32 $0xFFFFC180  }
0x22e: {  	[tilespmem:s0], [sflag:$0x2] =	stream.indirect.gather [hbm4b:s1+s30], $0x80, s2, s30, $0xb8;
	[tilespmem:$0x1E880] =	vst v63  }
0x22f: {  	_ =	swait.ge [sflag:s5], $0x3E80  }
0x230: {  	[sflag:s5] =	ssyncset.done $0x0  }
0x231: {  	s2 =	simm.s32 $0x1400;
	[sflag:s5] =	ssyncadd.s32 $0xFFFFC180  }
0x232: {  	[spmem:s3] =	stream.indirect.scatter.add.f32 [tilespmem:s26], [sflag:$0x5], $0x80, s2, s30, $0xb8;
	[tilespmem:$0x1E880] =	vst v63  }
0x233: {  	_ =	swait.ge [sflag:s28], $0x3E80  }
0x234: {  	[sflag:s28] =	ssyncset.done $0x0  }
0x235: {  	s2 =	simm.s32 $0x900;
	[sflag:s28] =	ssyncadd.s32 $0xFFFFC180  }
0x236: {  	[tilespmem:s26], [sflag:$0x1] =	stream.indirect.gather [hbm4b:s1+s30], $0x80, s2, s30, $0xb8;
	[tilespmem:$0x1E880] =	vst v63  }
0x237: {  	_ =	swait.ge [sflag:s8], $0x3E80  }
0x238: {  	[sflag:s8] =	ssyncset.done $0x0  }
0x239: {  	s2 =	simm.s32 $0x1480;
	[sflag:s8] =	ssyncadd.s32 $0xFFFFC180  }
0x23a: {  	[spmem:s3] =	stream.indirect.scatter.add.f32 [tilespmem:s0], [sflag:$0x5], $0x80, s2, s30, $0xb8;
	[tilespmem:$0x1E880] =	vst v63  }
0x23b: {  	_ =	swait.ge [sflag:s28], $0x3E80  }
0x23c: {  	[sflag:s28] =	ssyncset.done $0x0  }
0x23d: {  	s2 =	simm.s32 $0x980;
	[sflag:s28] =	ssyncadd.s32 $0xFFFFC180  }
0x23e: {  	[tilespmem:s0], [sflag:$0x2] =	stream.indirect.gather [hbm4b:s1+s30], $0x80, s2, s30, $0xb8;
	[tilespmem:$0x1E880] =	vst v63  }
0x23f: {  	_ =	swait.ge [sflag:s5], $0x3E80  }
0x240: {  	[sflag:s5] =	ssyncset.done $0x0  }
0x241: {  	s2 =	simm.s32 $0x1500;
	[sflag:s5] =	ssyncadd.s32 $0xFFFFC180  }
0x242: {  	[spmem:s3] =	stream.indirect.scatter.add.f32 [tilespmem:s26], [sflag:$0x5], $0x80, s2, s30, $0xb8;
	[tilespmem:$0x1E880] =	vst v63  }
0x243: {  	_ =	swait.ge [sflag:s28], $0x3E80  }
0x244: {  	[sflag:s28] =	ssyncset.done $0x0  }
0x245: {  	s9 =	simm.s32 $0x1800;
	[sflag:s28] =	ssyncadd.s32 $0xFFFFC180  }
0x246: {  	[tilespmem:s26], [sflag:$0x1] =	stream.indirect.gather [hbm4b:s1+s30], $0x80, s9, s30, $0xb8;
	[tilespmem:$0x1E880] =	vst v63  }
0x247: {  	_ =	swait.ge [sflag:s8], $0x3E80  }
0x248: {  	[sflag:s8] =	ssyncset.done $0x0  }
0x249: {  	s2 =	simm.s32 $0x1580;
	[sflag:s8] =	ssyncadd.s32 $0xFFFFC180  }
0x24a: {  	[spmem:s3] =	stream.indirect.scatter.add.f32 [tilespmem:s0], [sflag:$0x5], $0x80, s2, s30, $0xb8;
	[tilespmem:$0x1E880] =	vst v63  }
0x24b: {  	_ =	swait.ge [sflag:s28], $0x3E80  }
0x24c: {  	[sflag:s28] =	ssyncset.done $0x0  }
0x24d: {  	s2 =	simm.s32 $0x1880;
	[sflag:s28] =	ssyncadd.s32 $0xFFFFC180  }
0x24e: {  	[tilespmem:s0], [sflag:$0x2] =	stream.indirect.gather [hbm4b:s1+s30], $0x80, s2, s30, $0xb8;
	[tilespmem:$0x1E880] =	vst v63  }
0x24f: {  	_ =	swait.ge [sflag:s5], $0x3E80  }
0x250: {  	[sflag:s5] =	ssyncset.done $0x0  }
0x251: {  	s11 =	simm.s32 $0x2400;
	[sflag:s5] =	ssyncadd.s32 $0xFFFFC180  }
0x252: {  	[spmem:s3] =	stream.indirect.scatter.add.f32 [tilespmem:s26], [sflag:$0x5], $0x80, s11, s30, $0xb8;
	[tilespmem:$0x1E880] =	vst v63  }
0x253: {  	_ =	swait.ge [sflag:s28], $0x3E80  }
0x254: {  	[sflag:s28] =	ssyncset.done $0x0  }
0x255: {  	[sflag:s28] =	ssyncadd.s32 $0xFFFFC180  }
0x256: {  	[tilespmem:s26], [sflag:$0x1] =	stream.indirect.gather [hbm4b:s1+s30], $0x80, s12, s30, $0xb8;
	[tilespmem:$0x1E880] =	vst v63  }
0x257: {  	_ =	swait.ge [sflag:s8], $0x3E80  }
0x258: {  	[sflag:s8] =	ssyncset.done $0x0  }
0x259: {  	[sflag:s8] =	ssyncadd.s32 $0xFFFFC180  }
0x25a: {  	[spmem:s3] =	stream.indirect.scatter.add.f32 [tilespmem:s0], [sflag:$0x5], $0x80, s13, s30, $0xb8;
	[tilespmem:$0x1E880] =	vst v63  }
0x25b: {  	_ =	swait.ge [sflag:s28], $0x3E80  }
0x25c: {  	[sflag:s28] =	ssyncset.done $0x0  }
0x25d: {  	[sflag:s28] =	ssyncadd.s32 $0xFFFFC180  }
0x25e: {  	[tilespmem:s0], [sflag:$0x2] =	stream.indirect.gather [hbm4b:s1+s30], $0x80, s14, s30, $0xb8;
	[tilespmem:$0x1E880] =	vst v63  }
0x25f: {  	_ =	swait.ge [sflag:s5], $0x3E80  }
0x260: {  	[sflag:s5] =	ssyncset.done $0x0  }
0x261: {  	[sflag:s5] =	ssyncadd.s32 $0xFFFFC180  }
0x262: {  	[spmem:s3] =	stream.indirect.scatter.add.f32 [tilespmem:s26], [sflag:$0x5], $0x80, s15, s30, $0xb8;
	[tilespmem:$0x1E880] =	vst v63  }
0x263: {  	_ =	swait.ge [sflag:s28], $0x3E80  }
0x264: {  	[sflag:s28] =	ssyncset.done $0x0  }
0x265: {  	[sflag:s28] =	ssyncadd.s32 $0xFFFFC180  }
0x266: {  	[tilespmem:s26], [sflag:$0x1] =	stream.indirect.gather [hbm4b:s1+s30], $0x80, s16, s30, $0xb8;
	[tilespmem:$0x1E880] =	vst v63  }
0x267: {  	_ =	swait.ge [sflag:s8], $0x3E80  }
0x268: {  	[sflag:s8] =	ssyncset.done $0x0  }
0x269: {  	[sflag:s8] =	ssyncadd.s32 $0xFFFFC180  }
0x26a: {  	[spmem:s3] =	stream.indirect.scatter.add.f32 [tilespmem:s0], [sflag:$0x5], $0x80, s17, s30, $0xb8;
	[tilespmem:$0x1E880] =	vst v63  }
0x26b: {  	_ =	swait.ge [sflag:s28], $0x3E80  }
0x26c: {  	[sflag:s28] =	ssyncset.done $0x0  }
0x26d: {  	[sflag:s28] =	ssyncadd.s32 $0xFFFFC180  }
0x26e: {  	[tilespmem:s0], [sflag:$0x2] =	stream.indirect.gather [hbm4b:s1+s30], $0x80, s18, s30, $0xb8;
	[tilespmem:$0x1E880] =	vst v63  }
0x26f: {  	_ =	swait.ge [sflag:s5], $0x3E80  }
0x270: {  	[sflag:s5] =	ssyncset.done $0x0  }
0x271: {  	[sflag:s5] =	ssyncadd.s32 $0xFFFFC180  }
0x272: {  	[spmem:s3] =	stream.indirect.scatter.add.f32 [tilespmem:s26], [sflag:$0x5], $0x80, s20, s30, $0xb8;
	[tilespmem:$0x1E880] =	vst v63  }
0x273: {  	_ =	swait.ge [sflag:s28], $0x3E80  }
0x274: {  	[sflag:s28] =	ssyncset.done $0x0  }
0x275: {  	[sflag:s28] =	ssyncadd.s32 $0xFFFFC180  }
0x276: {  	[tilespmem:s26], [sflag:$0x1] =	stream.indirect.gather [hbm4b:s1+s30], $0x80, s21, s30, $0xb8;
	[tilespmem:$0x1E880] =	vst v63  }
0x277: {  	_ =	swait.ge [sflag:s8], $0x3E80  }
0x278: {  	[sflag:s8] =	ssyncset.done $0x0  }
0x279: {  	[sflag:s8] =	ssyncadd.s32 $0xFFFFC180  }
0x27a: {  	[spmem:s3] =	stream.indirect.scatter.add.f32 [tilespmem:s0], [sflag:$0x5], $0x80, s24, s30, $0xb8;
	[tilespmem:$0x1E880] =	vst v63  }
0x27b: {  	_ =	swait.ge [sflag:s28], $0x3E80  }
0x27c: {  	[sflag:s28] =	ssyncset.done $0x0  }
0x27d: {  	[sflag:s28] =	ssyncadd.s32 $0xFFFFC180  }
0x27e: {  	[tilespmem:s0], [sflag:$0x2] =	stream.indirect.gather [hbm4b:s1+s30], $0x80, s25, s30, $0xb8;
	[tilespmem:$0x1E880] =	vst v63  }
0x27f: {  	_ =	swait.ge [sflag:s5], $0x3E80  }
0x280: {  	[sflag:s5] =	ssyncset.done $0x0  }
0x281: {  	s20 =	simm.s32 $0x2700;
	[sflag:s5] =	ssyncadd.s32 $0xFFFFC180  }
0x282: {  	[spmem:s3] =	stream.indirect.scatter.add.f32 [tilespmem:s26], [sflag:$0x5], $0x80, s20, s30, $0xb8;
	[tilespmem:$0x1E880] =	vst v63  }
0x283: {  	_ =	swait.ge [sflag:s28], $0x3E80  }
0x284: {  	[sflag:s28] =	ssyncset.done $0x0  }
0x285: {  	s20 =	simm.s32 $0x1C00;
	[sflag:s28] =	ssyncadd.s32 $0xFFFFC180  }
0x286: {  	[tilespmem:s26], [sflag:$0x1] =	stream.indirect.gather [hbm4b:s1+s30], $0x80, s20, s30, $0xb8;
	[tilespmem:$0x1E880] =	vst v63  }
0x287: {  	_ =	swait.ge [sflag:s8], $0x3E80  }
0x288: {  	[sflag:s8] =	ssyncset.done $0x0  }
0x289: {  	s20 =	simm.s32 $0x2780;
	[sflag:s8] =	ssyncadd.s32 $0xFFFFC180  }
0x28a: {  	[spmem:s3] =	stream.indirect.scatter.add.f32 [tilespmem:s0], [sflag:$0x5], $0x80, s20, s30, $0xb8;
	[tilespmem:$0x1E880] =	vst v63  }
0x28b: {  	_ =	swait.ge [sflag:s28], $0x3E80  }
0x28c: {  	[sflag:s28] =	ssyncset.done $0x0  }
0x28d: {  	s20 =	simm.s32 $0x1C80;
	[sflag:s28] =	ssyncadd.s32 $0xFFFFC180  }
0x28e: {  	[tilespmem:s0], [sflag:$0x2] =	stream.indirect.gather [hbm4b:s1+s30], $0x80, s20, s30, $0xb8;
	[tilespmem:$0x1E880] =	vst v63  }
0x28f: {  	_ =	swait.ge [sflag:s5], $0x3E80  }
0x290: {  	[sflag:s5] =	ssyncset.done $0x0  }
0x291: {  	s20 =	simm.s32 $0x2800;
	[sflag:s5] =	ssyncadd.s32 $0xFFFFC180  }
0x292: {  	[spmem:s3] =	stream.indirect.scatter.add.f32 [tilespmem:s26], [sflag:$0x5], $0x80, s20, s30, $0xb8;
	[tilespmem:$0x1E880] =	vst v63  }
0x293: {  	_ =	swait.ge [sflag:s28], $0x3E80  }
0x294: {  	[sflag:s28] =	ssyncset.done $0x0  }
0x295: {  	s20 =	simm.s32 $0x1D00;
	[sflag:s28] =	ssyncadd.s32 $0xFFFFC180  }
0x296: {  	[tilespmem:s26], [sflag:$0x1] =	stream.indirect.gather [hbm4b:s1+s30], $0x80, s20, s30, $0xb8;
	[tilespmem:$0x1E880] =	vst v63  }
0x297: {  	_ =	swait.ge [sflag:s8], $0x3E80  }
0x298: {  	[sflag:s8] =	ssyncset.done $0x0  }
0x299: {  	s20 =	simm.s32 $0x2880;
	[sflag:s8] =	ssyncadd.s32 $0xFFFFC180  }
0x29a: {  	[spmem:s3] =	stream.indirect.scatter.add.f32 [tilespmem:s0], [sflag:$0x5], $0x80, s20, s30, $0xb8;
	[tilespmem:$0x1E880] =	vst v63  }
0x29b: {  	_ =	swait.ge [sflag:s28], $0x3E80  }
0x29c: {  	[sflag:s28] =	ssyncset.done $0x0  }
0x29d: {  	s20 =	simm.s32 $0x1D80;
	[sflag:s28] =	ssyncadd.s32 $0xFFFFC180  }
0x29e: {  	[tilespmem:s0], [sflag:$0x2] =	stream.indirect.gather [hbm4b:s1+s30], $0x80, s20, s30, $0xb8;
	[tilespmem:$0x1E880] =	vst v63  }
0x29f: {  	_ =	swait.ge [sflag:s5], $0x3E80  }
0x2a0: {  	[sflag:s5] =	ssyncset.done $0x0  }
0x2a1: {  	s20 =	simm.s32 $0x2900;
	[sflag:s5] =	ssyncadd.s32 $0xFFFFC180  }
0x2a2: {  	[spmem:s3] =	stream.indirect.scatter.add.f32 [tilespmem:s26], [sflag:$0x5], $0x80, s20, s30, $0xb8;
	[tilespmem:$0x1E880] =	vst v63  }
0x2a3: {  	_ =	swait.ge [sflag:s28], $0x3E80  }
0x2a4: {  	[sflag:s28] =	ssyncset.done $0x0  }
0x2a5: {  	s20 =	simm.s32 $0x1E00;
	[sflag:s28] =	ssyncadd.s32 $0xFFFFC180  }
0x2a6: {  	[tilespmem:s26], [sflag:$0x1] =	stream.indirect.gather [hbm4b:s1+s30], $0x80, s20, s30, $0xb8;
	[tilespmem:$0x1E880] =	vst v63  }
0x2a7: {  	_ =	swait.ge [sflag:s8], $0x3E80  }
0x2a8: {  	[sflag:s8] =	ssyncset.done $0x0  }
0x2a9: {  	s20 =	simm.s32 $0x2980;
	[sflag:s8] =	ssyncadd.s32 $0xFFFFC180  }
0x2aa: {  	[spmem:s3] =	stream.indirect.scatter.add.f32 [tilespmem:s0], [sflag:$0x5], $0x80, s20, s30, $0xb8;
	[tilespmem:$0x1E880] =	vst v63  }
0x2ab: {  	_ =	swait.ge [sflag:s28], $0x3E80  }
0x2ac: {  	[sflag:s28] =	ssyncset.done $0x0  }
0x2ad: {  	s20 =	simm.s32 $0x1E80;
	[sflag:s28] =	ssyncadd.s32 $0xFFFFC180  }
0x2ae: {  	[tilespmem:s0], [sflag:$0x2] =	stream.indirect.gather [hbm4b:s1+s30], $0x80, s20, s30, $0xb8;
	[tilespmem:$0x1E880] =	vst v63  }
0x2af: {  	_ =	swait.ge [sflag:s5], $0x3E80  }
0x2b0: {  	[sflag:s5] =	ssyncset.done $0x0  }
0x2b1: {  	s20 =	simm.s32 $0x2A00;
	[sflag:s5] =	ssyncadd.s32 $0xFFFFC180  }
0x2b2: {  	[spmem:s3] =	stream.indirect.scatter.add.f32 [tilespmem:s26], [sflag:$0x5], $0x80, s20, s30, $0xb8;
	[tilespmem:$0x1E880] =	vst v63  }
0x2b3: {  	_ =	swait.ge [sflag:s28], $0x3E80  }
0x2b4: {  	[sflag:s28] =	ssyncset.done $0x0  }
0x2b5: {  	s20 =	simm.s32 $0x1F00;
	[sflag:s28] =	ssyncadd.s32 $0xFFFFC180  }
0x2b6: {  	[tilespmem:s26], [sflag:$0x1] =	stream.indirect.gather [hbm4b:s1+s30], $0x80, s20, s30, $0xb8;
	[tilespmem:$0x1E880] =	vst v63  }
0x2b7: {  	_ =	swait.ge [sflag:s8], $0x3E80  }
0x2b8: {  	[sflag:s8] =	ssyncset.done $0x0  }
0x2b9: {  	s20 =	simm.s32 $0x2A80;
	[sflag:s8] =	ssyncadd.s32 $0xFFFFC180  }
0x2ba: {  	[spmem:s3] =	stream.indirect.scatter.add.f32 [tilespmem:s0], [sflag:$0x5], $0x80, s20, s30, $0xb8;
	[tilespmem:$0x1E880] =	vst v63  }
0x2bb: {  	_ =	swait.ge [sflag:s28], $0x3E80  }
0x2bc: {  	[sflag:s28] =	ssyncset.done $0x0  }
0x2bd: {  	s20 =	simm.s32 $0x1F80;
	[sflag:s28] =	ssyncadd.s32 $0xFFFFC180  }
0x2be: {  	[tilespmem:s0], [sflag:$0x2] =	stream.indirect.gather [hbm4b:s1+s30], $0x80, s20, s30, $0xb8;
	[tilespmem:$0x1E880] =	vst v63  }
0x2bf: {  	_ =	swait.ge [sflag:s5], $0x3E80  }
0x2c0: {  	[sflag:s5] =	ssyncset.done $0x0  }
0x2c1: {  	s20 =	simm.s32 $0x2B00;
	[sflag:s5] =	ssyncadd.s32 $0xFFFFC180  }
0x2c2: {  	[spmem:s3] =	stream.indirect.scatter.add.f32 [tilespmem:s26], [sflag:$0x5], $0x80, s20, s30, $0xb8;
	[tilespmem:$0x1E880] =	vst v63  }
0x2c3: {  	_ =	swait.ge [sflag:s28], $0x3E80  }
0x2c4: {  	[sflag:s28] =	ssyncset.done $0x0  }
0x2c5: {  	s20 =	simm.s32 $0x2000;
	[sflag:s28] =	ssyncadd.s32 $0xFFFFC180  }
0x2c6: {  	[tilespmem:s26], [sflag:$0x1] =	stream.indirect.gather [hbm4b:s1+s30], $0x80, s20, s30, $0xb8;
	[tilespmem:$0x1E880] =	vst v63  }
0x2c7: {  	_ =	swait.ge [sflag:s8], $0x3E80  }
0x2c8: {  	[sflag:s8] =	ssyncset.done $0x0  }
0x2c9: {  	s20 =	simm.s32 $0x2B80;
	[sflag:s8] =	ssyncadd.s32 $0xFFFFC180  }
0x2ca: {  	[spmem:s3] =	stream.indirect.scatter.add.f32 [tilespmem:s0], [sflag:$0x5], $0x80, s20, s30, $0xb8;
	[tilespmem:$0x1E880] =	vst v63  }
0x2cb: {  	_ =	swait.ge [sflag:s28], $0x3E80  }
0x2cc: {  	[sflag:s28] =	ssyncset.done $0x0  }
0x2cd: {  	s20 =	simm.s32 $0x2080;
	[sflag:s28] =	ssyncadd.s32 $0xFFFFC180  }
0x2ce: {  	[tilespmem:s0], [sflag:$0x2] =	stream.indirect.gather [hbm4b:s1+s30], $0x80, s20, s30, $0xb8;
	[tilespmem:$0x1E880] =	vst v63  }
0x2cf: {  	_ =	swait.ge [sflag:s5], $0x3E80  }
0x2d0: {  	[sflag:s5] =	ssyncset.done $0x0  }
0x2d1: {  	s20 =	simm.s32 $0x2C00;
	[sflag:s5] =	ssyncadd.s32 $0xFFFFC180  }
0x2d2: {  	[spmem:s3] =	stream.indirect.scatter.add.f32 [tilespmem:s26], [sflag:$0x5], $0x80, s20, s30, $0xb8;
	[tilespmem:$0x1E880] =	vst v63  }
0x2d3: {  	_ =	swait.ge [sflag:s28], $0x3E80  }
0x2d4: {  	[sflag:s28] =	ssyncset.done $0x0  }
0x2d5: {  	s20 =	simm.s32 $0x2100;
	[sflag:s28] =	ssyncadd.s32 $0xFFFFC180  }
0x2d6: {  	[tilespmem:s26], [sflag:$0x1] =	stream.indirect.gather [hbm4b:s1+s30], $0x80, s20, s30, $0xb8;
	[tilespmem:$0x1E880] =	vst v63  }
0x2d7: {  	_ =	swait.ge [sflag:s8], $0x3E80  }
0x2d8: {  	[sflag:s8] =	ssyncset.done $0x0  }
0x2d9: {  	s20 =	simm.s32 $0x2C80;
	[sflag:s8] =	ssyncadd.s32 $0xFFFFC180  }
0x2da: {  	[spmem:s3] =	stream.indirect.scatter.add.f32 [tilespmem:s0], [sflag:$0x5], $0x80, s20, s30, $0xb8;
	[tilespmem:$0x1E880] =	vst v63  }
0x2db: {  	_ =	swait.ge [sflag:s28], $0x3E80  }
0x2dc: {  	[sflag:s28] =	ssyncset.done $0x0  }
0x2dd: {  	s20 =	simm.s32 $0x2180;
	[sflag:s28] =	ssyncadd.s32 $0xFFFFC180  }
0x2de: {  	[tilespmem:s0], [sflag:$0x2] =	stream.indirect.gather [hbm4b:s1+s30], $0x80, s20, s30, $0xb8;
	[tilespmem:$0x1E880] =	vst v63  }
0x2df: {  	_ =	swait.ge [sflag:s5], $0x3E80  }
0x2e0: {  	[sflag:s5] =	ssyncset.done $0x0  }
0x2e1: {  	s20 =	simm.s32 $0x2D00;
	[sflag:s5] =	ssyncadd.s32 $0xFFFFC180  }
0x2e2: {  	[spmem:s3] =	stream.indirect.scatter.add.f32 [tilespmem:s26], [sflag:$0x5], $0x80, s20, s30, $0xb8;
	[tilespmem:$0x1E880] =	vst v63  }
0x2e3: {  	_ =	swait.ge [sflag:s28], $0x3E80  }
0x2e4: {  	[sflag:s28] =	ssyncset.done $0x0  }
0x2e5: {  	[sflag:s28] =	ssyncadd.s32 $0xFFFFC180  }
0x2e6: {  	_ =	swait.ge [sflag:s8], $0x3E80  }
0x2e7: {  	[sflag:s8] =	ssyncset.done $0x0  }
0x2e8: {  	[sflag:s8] =	ssyncadd.s32 $0xFFFFC180  }
0x2e9: {  	[spmem:s3] =	stream.indirect.scatter.add.f32 [tilespmem:s0], [sflag:$0x5], $0x80, s6, s30, $0xb8;
	[tilespmem:$0x1E880] =	vst v63  }
0x2ea: {  	_ =	swait.ge [sflag:s28], $0x3E80  }
0x2eb: {  	[sflag:s28] =	ssyncset.done $0x0  }
0x2ec: {  	[sflag:s28] =	ssyncadd.s32 $0xFFFFC180  }
0x2ed: {  	s20 =	stileid.u32;
	[bflag:$0x0] =	sbarrier.arrive $0xFFFF  }
0x2ee: {  	s2 =	sshll.u32 s20, $0x6;
	s20 =	rddreg [dreg:$0x10]  }
0x2ef: {  	s2 =	sor.u32 $0x1C05, s2;
	s6 =	rddreg [dreg:$0x13]  }
0x2f0: {  	[hbm:s20], [sflag:s2] =	dma.local [spmem:s6], $0x2700  }
0x2f1: {  	_ =	swait.ge [sflag:s28], $0x2700  }
0x2f2: {  	[sflag:s28] =	ssyncset.done $0x0;
	s20 =	rddreg [dreg:$0x11]  }
0x2f3: {  	s6 =	rddreg [dreg:$0x14];
	[sflag:s28] =	ssyncadd.s32 $0xFFFFD900  }
0x2f4: {  	[hbm:s20], [sflag:s2] =	dma.local @!p0 [spmem:s6], $0x100  }
0x2f5: {  	s2 =	simm.s32 @!p0 $0x5  }
0x2f6: {  	_ =	swait.ge @!p0 [sflag:s2], $0x100  }
0x2f7: {  	s19 =	sadd.s32 $0x1, s19;
	s6 =	rddreg [dreg:$0x12]  }
0x2f8: {  	p1 =	sne.s32 s19, s6  }
.Ltmp1:
0x2f9: {  	_ = 	snop;
	(pc) =	sbr.rel @p1 .LBB2_1-.Ltmp1, $3  }
0x2fa: {  	_ =	sdelay $0x1  }
0x2fb: {  	[sflag:s2] =	ssyncset.done @!p0 $0x0  }
0x2fc: {  	s7 =	simm.s32 $0xC00;
	[sflag:s2] =	ssyncadd.s32 @!p0 $0xFFFFFF00  }
0x2fd: {  	_ =	sfence.sel $0x180000  }
0x2fe: {  	[bflag:$0x0] =	sbarrier.arrive $0xFFFF  }
0x2ff: {  	_ =	strace $0x9000004A  }
0x300: {  	s0 =	stileid.u32;
	[bflag:$0x2] =	sbarrier.arrive $0xFFFF  }
0x301: {  	p0 =	sne.s32 s0, $0x0;
	s0 =	rddreg [dreg:$0x3]  }
0x302: {  	s0 =	sadd.s32 @!p0 $0x100000, s0  }
0x303: {  	[sflag:s0] =	ssyncadd.tile.s32 @!p0 $0x1;
	_ =	shalt  }
.Lfunc_end2:
_tile_overlayer_lowered:
.L_overlay_start_2:
0x304: {  	(tag) =	ssettag $0x2  }
0x305: {  	s0 =	rddreg [dreg:$0x0];
	s2 =	stileid.u32  }
0x306: {  	s1 =	rddreg [dreg:$0x1];
	p0 =	sne.s32 s2, $0x0  }
0x307: {  	s3 =	rddreg [dreg:$0x2];
	[bflag:$0x3] =	sbarrier.arrive $0xFFFF;
	s2 =	simm.s32 @!p0 $0x1C05  }
0x308: {  	[timem:s3], [sflag:s2] =	dma.local @!p0 [hbm:s0], s1  }
0x309: {  	s0 =	simm.s32 @!p0 $0x5  }
0x30a: {  	_ =	swait.ge @!p0 [sflag:s0], s1  }
0x30b: {  	s1 =	ssub.s32 @!p0 $0x0, s1;
	[sflag:s0] =	ssyncset.done @!p0 $0x0  }
0x30c: {  	[sflag:s0] =	ssyncadd.s32 @!p0 s1  }
0x30d: {  	[bflag:$0x3] =	sbarrier.arrive $0xFFFF  }
0x30e: {  	_ =	shalt  }

// kernel: kernel.7.cloned.1.call-start
scs
__scs_entry_jumppad:
0x0: {  	(pc) =	sbr.rel $0x88, $3  }
0x1: {  	(tag) =	ssettag $0x0;
	lr =	simm.s32 $0x1  }
0x2: {  	[smem:$0x3F99] =	sst lr;
	_ =	strace $0xD0000000  }
0x3: {  	_ = 	snop  }
0x4: {  	_ = 	snop  }
0x5: {  	_ = 	snop  }
0x6: {  	_ = 	snop  }
0x7: {  	_ = 	snop  }
__scs_overlays_trampoline_lowered:
0x8: {  	[smem:$0x3FA8] =	sst s0  }
0x9: {  	[smem:$0x3FA9] =	sst s1  }
0xa: {  	[smem:$0x3FAA] =	sst s2  }
0xb: {  	[smem:$0x3FAB] =	sst s3  }
0xc: {  	[smem:$0x3FAC] =	sst s4  }
0xd: {  	[smem:$0x3FAD] =	sst s5  }
0xe: {  	[smem:$0x3FAE] =	sst s6  }
0xf: {  	[smem:$0x3FAF] =	sst s7  }
0x10: {  	[smem:$0x3FB0] =	sst s8  }
0x11: {  	[smem:$0x3FB1] =	sst s9;
	s0 =	simm.s32 @!p0 $0x0  }
0x12: {  	s1 =	sld [smem:$0x3F97];
	s0 =	simm.s32 @p0 $0x1  }
0x13: {  	[smem:$0x3FB2] =	sst s0;
	s0 =	simm.s32 @!p1 $0x0  }
0x14: {  	s2 =	sld [smem:$0x3F96];
	s0 =	simm.s32 @p1 $0x1  }
0x15: {  	[smem:$0x3FB3] =	sst s0;
	s0 =	simm.s32 @!p2 $0x0  }
0x16: {  	s3 =	sld [smem:$0x3FDB];
	s0 =	simm.s32 @p2 $0x1  }
0x17: {  	s4 =	simm.s32 $0x1BF5;
	[smem:$0x3FB5] =	sst s0  }
0x18: {  	s0 =	sld [smem:$0x3F98];
	_ =	swait.ge [sflag:s4], $0x0  }
0x19: {  	s7 =	sld [smem:$0x3F99]  }
0x1a: {  	s8 =	sadd.s32 $0xFFFFE003, lr  }
0x1b: {  	s9 =	sadd.s32 $0xFFFFFEF7, lr;
	s5 =	simm.s32 $0xFFFFFFFF;
	p2 =	slt.u32 s8, $0xFFFFF086  }
0x1c: {  	p1 =	slt.u32 s9, $0xF7A;
	s5 =	simm.s32 @!p2 $0x0  }
0x1d: {  	s5 =	simm.s32 @p1 $0x1;
	p0 =	seq.s32 s7, s2  }
0x1e: {  	s7 =	smul.u32 @!p0 $0xF7A, s2;
	p2 =	seq.s32 @!p0 s5, $0x0  }
0x1f: {  	s9 =	smul.u32 $0xF7A, s1;
	s8 =	simm.s32 @!p0 $0x1BF5;
	p2 =	por !p2, p0  }
0x20: {  	[sflag:s8] =	ssyncset.s32 @!p0 $0xFFFFF086;
	s6 =	sadd.s32 @!p0 s3, s7;
	s7 =	simm.s32 @!p0 $0x108  }
0x21: {  	s3 =	sadd.s32 s3, s9;
	s6 =	sadd.s32 @!p0 $0x88, s6;
	s7 =	simm.s32 @p2 $0x1082  }
0x22: {  	[simem:s7], [sflag:s8] =	dma.local @!p0 [hbm:s6], $0xF7A  }
0x23: {  	s9 =	sor.u32 $0xD0000000, s2;
	s6 =	simm.s32 $0x108;
	_ =	swait.ge @!p0 [sflag:s8], $0x0  }
0x24: {  	s3 =	sadd.s32 $0x88, s3;
	s6 =	simm.s32 @!p1 $0x1082;
	[sflag:s4] =	ssyncset.s32 $0xFFFFF086  }
0x25: {  	[simem:s6], [sflag:s4] =	dma.local [hbm:s3], $0xF7A  }
0x26: {  	[smem:$0x3F99] =	sst s1;
	(tag) =	ssettag s2;
	_ =	strace s9  }
0x27: {  	s1 =	sld [smem:$0x3FA9]  }
0x28: {  	s2 =	sld [smem:$0x3FAA]  }
0x29: {  	s4 =	sld [smem:$0x3FAC]  }
0x2a: {  	p0 =	seq.s32 s5, $0x0;
	s5 =	sld [smem:$0x3FAD]  }
0x2b: {  	s6 =	sld [smem:$0x3FAE]  }
0x2c: {  	s7 =	sld [smem:$0x3FAF]  }
0x2d: {  	s3 =	simm.s32 $0x108;
	s8 =	sld [smem:$0x3FB0]  }
0x2e: {  	s3 =	simm.s32 @!p0 $0x1082;
	s9 =	sld [smem:$0x3FB1]  }
0x2f: {  	lr =	sadd.s32 s0, s3;
	s0 =	sld [smem:$0x3FA8]  }
0x30: {  	s3 =	sld [smem:$0x3FAB]  }
0x31: {  	[smem:$0x3FB4] =	sst s10  }
0x32: {  	s10 =	sld [smem:$0x3FB2];
	_ =	sdelay $0x3  }
0x33: {  	p0 =	seq.s32 s10, $0x1;
	s10 =	sld [smem:$0x3FB4];
	_ =	sdelay $0x3  }
0x34: {  	[smem:$0x3FB4] =	sst s10  }
0x35: {  	s10 =	sld [smem:$0x3FB3];
	_ =	sdelay $0x3  }
0x36: {  	p1 =	seq.s32 s10, $0x1;
	s10 =	sld [smem:$0x3FB4];
	_ =	sdelay $0x3  }
0x37: {  	[smem:$0x3FB4] =	sst s10  }
0x38: {  	s10 =	sld [smem:$0x3FB5]  }
0x39: {  	_ = 	snop;
	(pc) =	sbr.ind lr, $3  }
0x3a: {  	_ = 	snop  }
0x3b: {  	_ = 	snop  }
0x3c: {  	p2 =	seq.s32 s10, $0x1;
	s10 =	sld [smem:$0x3FB4]  }
0x3d: {  	_ =	shalt  }
0x3e: {  	_ =	shalt  }
0x3f: {  	_ =	shalt  }
0x40: {  	_ =	shalt  }
0x41: {  	_ =	shalt  }
0x42: {  	_ =	shalt  }
0x43: {  	_ =	shalt  }
0x44: {  	_ =	shalt  }
0x45: {  	_ =	shalt  }
0x46: {  	_ =	shalt  }
0x47: {  	_ =	shalt  }
0x48: {  	_ =	shalt  }
0x49: {  	_ =	shalt  }
0x4a: {  	_ =	shalt  }
0x4b: {  	_ =	shalt  }
0x4c: {  	_ =	shalt  }
0x4d: {  	_ =	shalt  }
0x4e: {  	_ =	shalt  }
0x4f: {  	_ =	shalt  }
0x50: {  	_ =	shalt  }
0x51: {  	_ =	shalt  }
0x52: {  	_ =	shalt  }
0x53: {  	_ =	shalt  }
0x54: {  	_ =	shalt  }
0x55: {  	_ =	shalt  }
0x56: {  	_ =	shalt  }
0x57: {  	_ =	shalt  }
0x58: {  	_ =	shalt  }
0x59: {  	_ =	shalt  }
0x5a: {  	_ =	shalt  }
0x5b: {  	_ =	shalt  }
0x5c: {  	_ =	shalt  }
0x5d: {  	_ =	shalt  }
0x5e: {  	_ =	shalt  }
0x5f: {  	_ =	shalt  }
0x60: {  	_ =	shalt  }
0x61: {  	_ =	shalt  }
0x62: {  	_ =	shalt  }
0x63: {  	_ =	shalt  }
0x64: {  	_ =	shalt  }
0x65: {  	_ =	shalt  }
0x66: {  	_ =	shalt  }
0x67: {  	_ =	shalt  }
0x68: {  	_ =	shalt  }
0x69: {  	_ =	shalt  }
0x6a: {  	_ =	shalt  }
0x6b: {  	_ =	shalt  }
0x6c: {  	_ =	shalt  }
0x6d: {  	_ =	shalt  }
0x6e: {  	_ =	shalt  }
0x6f: {  	_ =	shalt  }
0x70: {  	_ =	shalt  }
0x71: {  	_ =	shalt  }
0x72: {  	_ =	shalt  }
0x73: {  	_ =	shalt  }
0x74: {  	_ =	shalt  }
0x75: {  	_ =	shalt  }
0x76: {  	_ =	shalt  }
0x77: {  	_ =	shalt  }
0x78: {  	_ =	shalt  }
0x79: {  	_ =	shalt  }
0x7a: {  	_ =	shalt  }
0x7b: {  	_ =	shalt  }
0x7c: {  	_ =	shalt  }
0x7d: {  	_ =	shalt  }
0x7e: {  	_ =	shalt  }
0x7f: {  	_ =	shalt  }
0x80: {  	_ =	shalt  }
0x81: {  	_ =	shalt  }
0x82: {  	_ =	shalt  }
0x83: {  	_ =	shalt  }
0x84: {  	_ =	shalt  }
0x85: {  	_ =	shalt  }
0x86: {  	_ =	shalt  }
0x87: {  	_ =	shalt  }
.Lfunc_end0:
.L_simem_size_0:
called_computation_lowered:
.L_overlay_start_0:
0x88: {  	s2 =	sld [smem:$0x3FD9]  }
0x89: {  	s3 =	sld [smem:$0x3FFE];
	_ =	sdelay $0x1  }
0x8a: {  	s1 =	srdreg.scid  }
0x8b: {  	s0 =	sand.u32 $0x1, s1  }
0x8c: {  	s17 =	sshll.u32 s0, $0xA;
	s2 =	sadd.s32 s3, s2  }
0x8d: {  	s2 =	sadd.s32 s2, s17  }
0x8e: {  	[smem:$0x3FC0] =	sst s2  }
0x8f: {  	_ = 	snop  }
0x90: {  	s2 =	sld [smem:$0x3FC9]  }
0x91: {  	s18 =	sld [smem:$0x3FD0];
	(tm) =	ssettm $0x1  }
0x92: {  	s4 =	sld [smem:$0x3FFB];
	_ =	sdelay $0x3  }
0x93: {  	_ =	strace s4  }
0x94: {  	s4 =	sld [smem:$0x3FFC];
	_ =	sdelay $0x3  }
0x95: {  	_ =	strace s4  }
0x96: {  	s4 =	sld [smem:$0x3FFD];
	_ =	sdelay $0x3  }
0x97: {  	_ =	strace s4  }
0x98: {  	_ =	strace $0x8FFFFFFF  }
0x99: {  	s19 =	sld [smem:$0x3FDB];
	_ =	sdelay $0x1  }
0x9a: {  	s5 =	simm.s32 $_scs_section_size  }
0x9b: {  	s6 =	simm.s32 $_size__tile_overlayer_lowered;
	s7 =	simm.s32 $_tile_overlayer_lowered  }
0x9c: {  	s22 =	simm.s32 $0x1BFF;
	s21 =	sshll.u32 s7, $0x1;
	s4 =	sadd.s32 s5, s19  }
0x9d: {  	s8 =	simm.s32 $0x0;
	s20 =	sshll.u32 s6, $0x1;
	s6 =	sadd.s32 s21, s4  }
0x9e: {  	[timem:s8], [sflag:s22] =	dma.local [hbm:s6], s20  }
0x9f: {  	_ =	swait.ge [sflag:s22], s20  }
0xa0: {  	s5 =	ssub.s32 $0x0, s20;
	[sflag:s22] =	ssyncset.done $0x0  }
0xa1: {  	[sflag:s22] =	ssyncadd.s32 s5;
	_ =	sdelay $0x1  }
0xa2: {  	s23 =	simm.s32 $0x1B8B  }
0xa3: {  	_ =	swait.ge [sflag:s23], $0x1  }
0xa4: {  	[sflag:s23] =	ssyncset.done $0x0  }
0xa5: {  	s25 =	simm.s32 $0x1B8E;
	s24 =	sld [smem:$0x3FFE];
	[sflag:s23] =	ssyncadd.s32 $0xFFFFFFFF  }
0xa6: {  	s26 =	simm.s32 $execute0_lowered;
	[smem:$0x3FD2] =	sst s25  }
0xa7: {  	s6 =	sshll.u32 s26, $0x1;
	_ =	strace $0x80000046;
	[dreg:$0x1] =	wrdreg $0xFFFFFFFF  }
0xa8: {  	s28 =	simm.s32 $_size_execute0_lowered;
	s4 =	sadd.s32 s4, s6;
	[dreg:$0x0] =	wrdreg $0x0  }
0xa9: {  	s6 =	sshll.u32 s28, $0x1;
	[dreg:$0x2] =	wrdreg s4  }
0xaa: {  	[dreg:$0x3] =	wrdreg s6  }
0xab: {  	[dreg:$0x4] =	wrdreg $0xC0  }
0xac: {  	_ =	task [dreg:s8], $0x5FFFF  }
0xad: {  	[dreg:$0x1] =	wrdreg $0xFFFFFFFF  }
0xae: {  	[dreg:$0x0] =	wrdreg $0x60  }
0xaf: {  	[dreg:$0x2] =	wrdreg s2  }
0xb0: {  	[dreg:$0x3] =	wrdreg s24  }
0xb1: {  	[dreg:$0x4] =	wrdreg s18  }
0xb2: {  	[dreg:$0x5] =	wrdreg $0xB3000  }
0xb3: {  	[dreg:$0x6] =	wrdreg $0x1EB800  }
0xb4: {  	[dreg:$0x7] =	wrdreg $0x9  }
0xb5: {  	_ =	task.clear_ibuf [dreg:s8], $0x8FFFF;
	_ =	strace $0x90000046  }
0xb6: {  	s29 =	simm.s32 $0x9;
	_ =	strace $0x80000048  }
0xb7: {  	_ =	swait.ge [sflag:s29], $0x1  }
0xb8: {  	[sflag:s29] =	ssyncadd.s32 $0xFFFFFFFF  }
0xb9: {  	_ =	strace $0x90000048  }
0xba: {  	_ =	sfence  }
0xbb: {  	s30 =	sld [smem:$0x0];
	_ =	sdelay $0x2  }
0xbc: {  	s31 =	sshll.u32 s1, $0xD;
	s1 =	sshrl.u32 s1, $0x2  }
0xbd: {  	s3 =	sand.u32 $0x4000, s31;
	s1 =	sadd.s32 s1, s30  }
0xbe: {  	s0 =	sor.u32 s3, s0;
	s1 =	sshll.u32 s1, $0x11  }
0xbf: {  	s0 =	sor.u32 s1, s0  }
0xc0: {  	s0 =	sadd.s32 $0x8F2B, s0  }
0xc1: {  	[sflag:s0] =	ssyncadd.remote.s32 $0x1  }
0xc2: {  	_ =	sfence.sel $0xFFFF  }
0xc3: {  	[dreg:$0x0] =	wrdreg $0xFFFFFFFF;
	(pc) =	sbr.abs _section_cstart, $3  }
0xc4: {  	[dreg:$0x1] =	wrdreg $0xFFFFFFFF  }
0xc5: {  	_ =	task.clear_ibuf [dreg:s8], $0x2FFFF;
	_ =	strace $0x9FFFFFFF  }
0xc6: {  	(tm) =	ssettm $0x7FFFFFFF  }
0xc7: {  	_ =	shalt  }
tec
execute0_lowered:
.L_overlay_start_1:
0x0: {  	(tag) =	ssettag $0x1  }
0x1: {  	s0 =	rddreg [dreg:$0x0]  }
0x2: {  	s1 =	rddreg [dreg:$0x1]  }
0x3: {  	s2 =	rddreg [dreg:$0x2]  }
0x4: {  	s4 =	srdreg.scid;
	s13 =	stileid.u32  }
0x5: {  	s3 =	rddreg [dreg:$0x3];
	s10 =	smul.u32 $0x4E200, s13  }
0x6: {  	s5 =	simm.s32 $0x0;
	s28 =	simm.s32 $0x1800;
	s16 =	smul.u32 $0xA00, s13  }
0x7: {  	s30 =	simm.s32 $0x3000;
	s31 =	simm.s32 $0x5;
	s19 =	smul.u32 $0x13800, s13  }
0x8: {  	s6 =	sand.u32 $0x1, s4;
	s4 =	rddreg [dreg:$0x4];
	s23 =	smul.u32 $0x500, s13  }
0x9: {  	[smem:$0x7FF] =	sst s5;
	s25 =	smul.u32 $0x4E000, s13;
	p0 =	sne.s32 s13, $0xF  }
0xa: {  	s7 =	sshll.u32 s6, $0x4;
	_ =	strace $0x80000047;
	s8 =	ssub.s32 $0x2, s6  }
0xb: {  	s18 =	smul.u32 $0x138800, s6;
	s6 =	sshll.u32 s6, $0x7;
	s7 =	sor.u32 s13, s7  }
0xc: {  	s9 =	sshrl.u32 s8, $0x1;
	s14 =	sshrl.u32 s10, $0x2;
	s10 =	sshrl.u32 s16, $0x2  }
0xd: {  	s6 =	sor.u32 s6, s23;
	s29 =	sshrl.u32 s25, $0x2;
	s13 =	simm.s32 $0x1500  }
0xe: {  	s16 =	simm.s32 $0x2180;
	s7 =	smul.u32 $0x3000, s7;
	s8 =	ssub.s32 s8, s9  }
0xf: {  	s9 =	sadd.s32 s14, s3;
	s22 =	sadd.s32 s19, s18;
	s6 =	sshrl.u32 s6, $0x3  }
0x10: {  	s17 =	sadd.s32 $0x3E80, s9;
	s14 =	sadd.s32 $0xBB80, s9;
	s20 =	sadd.s32 $0xFA00, s9  }
0x11: {  	s2 =	sadd.s32 s2, s6;
	s23 =	smax.u32 s8, $0x1;
	[dreg:$0xa] =	wrdreg s17  }
0x12: {  	s6 =	simm.s32 $0x4;
	s7 =	sshrl.u32 s7, $0x3;
	[dreg:$0xc] =	wrdreg s14  }
0x13: {  	s8 =	simm.s32 $0x1;
	[dreg:$0xd] =	wrdreg s20;
	s7 =	sadd.s32 s7, s1  }
0x14: {  	[dreg:$0x13] =	wrdreg s2;
	s2 =	simm.s32 $0x7D;
	s11 =	sadd.s32 $0x2800, s7  }
0x15: {  	s14 =	simm.s32 $0x1580;
	s12 =	sadd.s32 $0xE800, s7;
	[dreg:$0x6] =	wrdreg s11  }
0x16: {  	s17 =	simm.s32 $0x2D00;
	s15 =	sadd.s32 $0x2980, s7;
	[dreg:$0x7] =	wrdreg s12  }
0x17: {  	s1 =	sadd.s32 $0x1A800, s1;
	s21 =	sadd.s32 $0x2B00, s7;
	[dreg:$0x8] =	wrdreg s15  }
0x18: {  	s24 =	sadd.s32 $0xEB00, s7;
	s26 =	sadd.s32 $0x2C80, s7;
	[dreg:$0xe] =	wrdreg s21  }
0x19: {  	s11 =	sadd.s32 $0xE980, s7;
	s12 =	sadd.s32 $0x7D00, s9;
	[dreg:$0xf] =	wrdreg s24  }
0x1a: {  	s15 =	sadd.s32 s10, s4;
	s10 =	sshrl.u32 s22, $0x3;
	[dreg:$0x11] =	wrdreg s26  }
0x1b: {  	s7 =	sadd.s32 $0xEC80, s7;
	s26 =	simm.s32 $0x0;
	[dreg:$0x9] =	wrdreg s11  }
0x1c: {  	[dreg:$0xb] =	wrdreg s12;
	s11 =	sshrl.u32 s18, $0x3;
	s10 =	sadd.s32 s1, s10  }
0x1d: {  	[dreg:$0x12] =	wrdreg s7;
	s7 =	sadd.s32 s29, s3;
	s12 =	simm.s32 $0x980  }
0x1e: {  	s18 =	simm.s32 $0x2D80;
	[dreg:$0x10] =	wrdreg s10;
	s1 =	sadd.s32 s1, s11  }
0x1f: {  	s24 =	sshrl.u32 s7, $0x3;
	s7 =	simm.s32 $0x7000;
	s1 =	sadd.s32 $0x27000, s1  }
0x20: {  	s10 =	simm.s32 $0xB000;
	[dreg:$0x14] =	wrdreg s1;
	s1 =	sadd.s32 $0x138000, s3  }
0x21: {  	v0 =	vimm.f32 $0.0e+00;
	v1 =	vimm.f32 $1.000000000e+00;
	s11 =	simm.s32 $0x2;
	s25 =	sshrl.u32 @!p0 s1, $0x3;
	s1 =	simm.s32 $0x3  }
.LBB2_1:
0x22: {  	s19 =	rddreg [dreg:$0x6]  }
0x23: {  	s29 =	rddreg [dreg:$0x7]  }
0x24: {  	[tilespmem:s5], [sflag:$0x3] =	stream.linear.gather [hbm4b:s19+s5], $0xA00, $0x38;
	[tilespmem:$0x1EE00] =	vst v63  }
0x25: {  	s20 =	simm.s32 $0xC00;
	s21 =	rddreg [dreg:$0x8]  }
0x26: {  	[tilespmem:s20], [sflag:$0x3] =	stream.linear.gather [hbm4b:s29+s5], $0xA00, $0x38;
	[tilespmem:$0x1EE00] =	vst v63  }
0x27: {  	s22 =	rddreg [dreg:$0x9]  }
0x28: {  	[tilespmem:s28], [sflag:$0x4] =	stream.linear.gather [hbm4b:s21+s5], $0xA00, $0x38;
	[tilespmem:$0x1EE00] =	vst v63  }
0x29: {  	s19 =	simm.s32 $0x70;
	s29 =	simm.s32 $0x2400;
	s20 =	simm.s32 $0x3C0  }
0x2a: {  	[tilespmem:s29], [sflag:$0x4] =	stream.linear.gather [hbm4b:s22+s5], $0xA00, $0x38;
	[tilespmem:$0x1EE00] =	vst v63  }
.LBB2_2:
0x2b: {  	p1 =	sne.s32 s20, $0xF9C0;
	[tilespmem:s19+$0x3000] =	vst v0  }
0x2c: {  	[tilespmem:s19+$0x2F90] =	vst v0  }
0x2d: {  	[tilespmem:s19+$0x2FA0] =	vst v0  }
.Ltmp0:
0x2e: {  	[tilespmem:s19+$0x2FB0] =	vst v0;
	(pc) =	sbr.rel @p1 .LBB2_2-.Ltmp0, $4  }
0x2f: {  	[tilespmem:s19+$0x2FC0] =	vst v0  }
0x30: {  	[tilespmem:s19+$0x2FD0] =	vst v0  }
0x31: {  	[tilespmem:s19+$0x2FE0] =	vst v0  }
0x32: {  	[tilespmem:s19+$0x2FF0] =	vst v0;
	s19 =	sshra.s32 s20, $0x2;
	s20 =	sadd.s32 $0x200, s20  }
0x33: {  	[tilespmem:s19+$0x3000] =	vst v0  }
0x34: {  	[tilespmem:s19+$0x2F90] =	vst v0  }
0x35: {  	[tilespmem:s19+$0x2FA0] =	vst v0  }
0x36: {  	[tilespmem:s19+$0x2FB0] =	vst v0  }
0x37: {  	[tilespmem:s19+$0x2FC0] =	vst v0  }
0x38: {  	[tilespmem:s19+$0x2FD0] =	vst v0  }
0x39: {  	[tilespmem:s19+$0x2FE0] =	vst v0  }
0x3a: {  	[tilespmem:s19+$0x2FF0] =	vst v0  }
0x3b: {  	[spmem:s9] =	stream.linear.scatter [tilespmem:s30], [sflag:$0x5], $0x3E80, $0x38;
	[tilespmem:$0x1EE00] =	vst v63  }
0x3c: {  	_ =	swait.ge [sflag:s31], $0x3E80  }
0x3d: {  	[sflag:s31] =	ssyncset.done $0x0  }
0x3e: {  	s22 =	rddreg [dreg:$0xa];
	[sflag:s31] =	ssyncadd.s32 $0xFFFFC180  }
0x3f: {  	[spmem:s22] =	stream.linear.scatter [tilespmem:s30], [sflag:$0x5], $0x3E80, $0x38;
	[tilespmem:$0x1EE00] =	vst v63  }
0x40: {  	_ =	swait.ge [sflag:s31], $0x3E80  }
0x41: {  	[sflag:s31] =	ssyncset.done $0x0  }
0x42: {  	s29 =	rddreg [dreg:$0xb];
	[sflag:s31] =	ssyncadd.s32 $0xFFFFC180  }
0x43: {  	[spmem:s29] =	stream.linear.scatter [tilespmem:s30], [sflag:$0x5], $0x3E80, $0x38;
	[tilespmem:$0x1EE00] =	vst v63  }
0x44: {  	_ =	swait.ge [sflag:s31], $0x3E80  }
0x45: {  	[sflag:s31] =	ssyncset.done $0x0  }
0x46: {  	s20 =	rddreg [dreg:$0xc];
	[sflag:s31] =	ssyncadd.s32 $0xFFFFC180  }
0x47: {  	[spmem:s20] =	stream.linear.scatter [tilespmem:s30], [sflag:$0x5], $0x3E80, $0x38;
	[tilespmem:$0x1EE00] =	vst v63  }
0x48: {  	_ =	swait.ge [sflag:s31], $0x3E80  }
0x49: {  	[sflag:s31] =	ssyncset.done $0x0  }
0x4a: {  	s21 =	rddreg [dreg:$0xd];
	[sflag:s31] =	ssyncadd.s32 $0xFFFFC180  }
0x4b: {  	[spmem:s21] =	stream.linear.scatter [tilespmem:s30], [sflag:$0x5], $0x3E80, $0x38;
	[tilespmem:$0x1EE00] =	vst v63  }
0x4c: {  	_ =	swait.ge [sflag:s31], $0x3E80  }
0x4d: {  	[sflag:s31] =	ssyncset.done $0x0  }
0x4e: {  	[sflag:s31] =	ssyncadd.s32 $0xFFFFC180  }
0x4f: {  	[tilespmem:$0xB000] =	vst v1  }
0x50: {  	[tilespmem:$0xB010] =	vst v1  }
0x51: {  	[tilespmem:$0xB020] =	vst v1  }
0x52: {  	[tilespmem:$0xB030] =	vst v1  }
0x53: {  	[tilespmem:$0xB040] =	vst v1  }
0x54: {  	[tilespmem:$0xB050] =	vst v1  }
0x55: {  	[tilespmem:$0xB060] =	vst v1  }
0x56: {  	[tilespmem:$0xB070] =	vst v1  }
0x57: {  	[tilespmem:$0xB080] =	vst v0  }
0x58: {  	[tilespmem:$0xB090] =	vst v0  }
0x59: {  	[tilespmem:$0xB0A0] =	vst v0  }
0x5a: {  	[tilespmem:$0xB0B0] =	vst v0  }
0x5b: {  	[tilespmem:$0xB0C0] =	vst v0  }
0x5c: {  	[tilespmem:$0xB0D0] =	vst v0  }
0x5d: {  	[tilespmem:$0xB0E0] =	vst v0  }
0x5e: {  	[tilespmem:$0xB0F0] =	vst v0  }
0x5f: {  	[tilespmem:$0xB100] =	vst v0  }
0x60: {  	[tilespmem:$0xB110] =	vst v0  }
0x61: {  	[tilespmem:$0xB120] =	vst v0  }
0x62: {  	[tilespmem:$0xB130] =	vst v0  }
0x63: {  	[tilespmem:$0xB140] =	vst v0  }
0x64: {  	[tilespmem:$0xB150] =	vst v0  }
0x65: {  	[tilespmem:$0xB160] =	vst v0  }
0x66: {  	[tilespmem:$0xB170] =	vst v0  }
0x67: {  	[tilespmem:$0xB180] =	vst v0  }
0x68: {  	[tilespmem:$0xB190] =	vst v0  }
0x69: {  	[tilespmem:$0xB1A0] =	vst v0  }
0x6a: {  	[tilespmem:$0xB1B0] =	vst v0  }
0x6b: {  	[tilespmem:$0xB1C0] =	vst v0  }
0x6c: {  	[tilespmem:$0xB1D0] =	vst v0  }
0x6d: {  	[tilespmem:$0xB1E0] =	vst v0  }
0x6e: {  	[tilespmem:$0xB1F0] =	vst v0  }
0x6f: {  	[tilespmem:$0xB200] =	vst v0  }
0x70: {  	[tilespmem:$0xB210] =	vst v0  }
0x71: {  	[tilespmem:$0xB220] =	vst v0  }
0x72: {  	[tilespmem:$0xB230] =	vst v0  }
0x73: {  	[tilespmem:$0xB240] =	vst v0  }
0x74: {  	[tilespmem:$0xB250] =	vst v0  }
0x75: {  	[tilespmem:$0xB260] =	vst v0  }
0x76: {  	[tilespmem:$0xB270] =	vst v0  }
0x77: {  	[tilespmem:$0xB280] =	vst v0  }
0x78: {  	[tilespmem:$0xB290] =	vst v0  }
0x79: {  	[tilespmem:$0xB2A0] =	vst v0  }
0x7a: {  	[tilespmem:$0xB2B0] =	vst v0  }
0x7b: {  	[tilespmem:$0xB2C0] =	vst v0  }
0x7c: {  	[tilespmem:$0xB2D0] =	vst v0  }
0x7d: {  	[tilespmem:$0xB2E0] =	vst v0  }
0x7e: {  	s22 =	simm.s32 $0xB080;
	[tilespmem:$0xB2F0] =	vst v0  }
0x7f: {  	[spmem:s15] =	stream.linear.scatter [tilespmem:s22], [sflag:$0x5], $0x280, $0x38;
	[tilespmem:$0x1EE00] =	vst v63  }
0x80: {  	_ =	swait.ge [sflag:s31], $0x280  }
0x81: {  	[sflag:s31] =	ssyncset.done $0x0  }
0x82: {  	[sflag:s31] =	ssyncadd.s32 $0xFFFFFD80  }
0x83: {  	[bflag:$0x0] =	sbarrier.arrive $0xFFFF  }
0x84: {  	_ =	swait.ge [sflag:s1], $0xA00  }
0x85: {  	[sflag:s1] =	ssyncset.done $0x0  }
0x86: {  	[sflag:s1] =	ssyncadd.s32 $0xFFFFF600  }
0x87: {  	_ =	swait.ge [sflag:s1], $0xA00  }
0x88: {  	[sflag:s1] =	ssyncset.done $0x0  }
0x89: {  	s29 =	simm.s32 $0x0;
	[sflag:s1] =	ssyncadd.s32 $0xFFFFF600  }
0x8a: {  	[tilespmem:s30], [sflag:$0x1] =	stream.indirect.gather [hbm4b:s0+s2], $0x80, s29, s2, $0xb8;
	[tilespmem:$0x1EE00] =	vst v63  }
0x8b: {  	_ =	swait.ge [sflag:s6], $0xA00  }
0x8c: {  	[sflag:s6] =	ssyncset.done $0x0  }
0x8d: {  	[sflag:s6] =	ssyncadd.s32 $0xFFFFF600  }
0x8e: {  	_ =	swait.ge [sflag:s6], $0xA00  }
0x8f: {  	[sflag:s6] =	ssyncset.done $0x0  }
0x90: {  	s20 =	simm.s32 $0x80;
	[sflag:s6] =	ssyncadd.s32 $0xFFFFF600  }
0x91: {  	[tilespmem:s7], [sflag:$0x2] =	stream.indirect.gather [hbm4b:s0+s2], $0x80, s20, s2, $0xb8;
	[tilespmem:$0x1EE00] =	vst v63  }
0x92: {  	_ =	swait.ge [sflag:s8], $0x3E80  }
0x93: {  	[sflag:s8] =	ssyncset.done $0x0  }
0x94: {  	s21 =	simm.s32 $0xC00;
	[sflag:s8] =	ssyncadd.s32 $0xFFFFC180  }
0x95: {  	[spmem:s3] =	stream.indirect.scatter.add.f32 [tilespmem:s30], [sflag:$0x5], $0x80, s21, s2, $0xb8;
	[tilespmem:$0x1EE00] =	vst v63  }
0x96: {  	_ =	swait.ge [sflag:s31], $0x3E80  }
0x97: {  	[sflag:s31] =	ssyncset.done $0x0  }
0x98: {  	[sflag:s31] =	ssyncadd.s32 $0xFFFFC180  }
0x99: {  	[spmem:s4] =	stream.indirect.scatter.add.f32 [tilespmem:s10], [sflag:$0x5], $0x1, s21, s2, $0xb8;
	[tilespmem:$0x1EE00] =	vst v63  }
0x9a: {  	_ =	swait.ge [sflag:s31], $0x7D  }
0x9b: {  	[sflag:s31] =	ssyncset.done $0x0  }
0x9c: {  	s22 =	simm.s32 $0x100;
	[sflag:s31] =	ssyncadd.s32 $0xFFFFFF83  }
0x9d: {  	[tilespmem:s30], [sflag:$0x1] =	stream.indirect.gather [hbm4b:s0+s2], $0x80, s22, s2, $0xb8;
	[tilespmem:$0x1EE00] =	vst v63  }
0x9e: {  	_ =	swait.ge [sflag:s11], $0x3E80  }
0x9f: {  	[sflag:s11] =	ssyncset.done $0x0  }
0xa0: {  	s29 =	simm.s32 $0xC80;
	[sflag:s11] =	ssyncadd.s32 $0xFFFFC180  }
0xa1: {  	[spmem:s3] =	stream.indirect.scatter.add.f32 [tilespmem:s7], [sflag:$0x5], $0x80, s29, s2, $0xb8;
	[tilespmem:$0x1EE00] =	vst v63  }
0xa2: {  	_ =	swait.ge [sflag:s31], $0x3E80  }
0xa3: {  	[sflag:s31] =	ssyncset.done $0x0  }
0xa4: {  	[sflag:s31] =	ssyncadd.s32 $0xFFFFC180  }
0xa5: {  	[spmem:s4] =	stream.indirect.scatter.add.f32 [tilespmem:s10], [sflag:$0x5], $0x1, s29, s2, $0xb8;
	[tilespmem:$0x1EE00] =	vst v63  }
0xa6: {  	_ =	swait.ge [sflag:s31], $0x7D  }
0xa7: {  	s19 =	simm.s32 $0x100;
	s20 =	simm.s32 $0x800;
	[sflag:s31] =	ssyncset.done $0x0  }
.LBB2_4:
0xa8: {  	s29 =	sadd.s32 $0x80, s19  }
0xa9: {  	[sflag:s31] =	ssyncadd.s32 $0xFFFFFF83;
	s21 =	smov.u32 s20;
	s22 =	sadd.s32 $0x400, s20  }
0xaa: {  	[tilespmem:s7], [sflag:$0x2] =	stream.indirect.gather [hbm4b:s0+s2], $0x80, s29, s2, $0xb8;
	[tilespmem:$0x1EE00] =	vst v63  }
0xab: {  	p1 =	sne.s32 s20, $0x2000;
	_ =	swait.ge [sflag:s8], $0x3E80  }
0xac: {  	[sflag:s8] =	ssyncset.done $0x0  }
0xad: {  	s20 =	sadd.s32 $0xC00, s19;
	[sflag:s8] =	ssyncadd.s32 $0xFFFFC180  }
0xae: {  	[spmem:s3] =	stream.indirect.scatter.add.f32 [tilespmem:s30], [sflag:$0x5], $0x80, s20, s2, $0xb8;
	[tilespmem:$0x1EE00] =	vst v63  }
0xaf: {  	_ =	swait.ge [sflag:s31], $0x3E80  }
0xb0: {  	[sflag:s31] =	ssyncset.done $0x0  }
0xb1: {  	[sflag:s31] =	ssyncadd.s32 $0xFFFFC180  }
0xb2: {  	[spmem:s4] =	stream.indirect.scatter.add.f32 [tilespmem:s10], [sflag:$0x5], $0x1, s20, s2, $0xb8;
	[tilespmem:$0x1EE00] =	vst v63  }
0xb3: {  	_ =	swait.ge [sflag:s31], $0x7D  }
0xb4: {  	[sflag:s31] =	ssyncset.done $0x0  }
0xb5: {  	s20 =	sadd.s32 $0x100, s19;
	[sflag:s31] =	ssyncadd.s32 $0xFFFFFF83  }
0xb6: {  	[tilespmem:s30], [sflag:$0x1] =	stream.indirect.gather [hbm4b:s0+s2], $0x80, s20, s2, $0xb8;
	[tilespmem:$0x1EE00] =	vst v63  }
0xb7: {  	_ =	swait.ge [sflag:s11], $0x3E80  }
0xb8: {  	[sflag:s11] =	ssyncset.done $0x0  }
0xb9: {  	s19 =	sadd.s32 $0xC80, s19;
	[sflag:s11] =	ssyncadd.s32 $0xFFFFC180  }
0xba: {  	[spmem:s3] =	stream.indirect.scatter.add.f32 [tilespmem:s7], [sflag:$0x5], $0x80, s19, s2, $0xb8;
	[tilespmem:$0x1EE00] =	vst v63  }
0xbb: {  	_ =	swait.ge [sflag:s31], $0x3E80  }
.Ltmp1:
0xbc: {  	[sflag:s31] =	ssyncset.done $0x0;
	(pc) =	sbr.rel @p1 .LBB2_4-.Ltmp1, $4  }
0xbd: {  	[sflag:s31] =	ssyncadd.s32 $0xFFFFC180  }
0xbe: {  	[spmem:s4] =	stream.indirect.scatter.add.f32 [tilespmem:s10], [sflag:$0x5], $0x1, s19, s2, $0xb8;
	[tilespmem:$0x1EE00] =	vst v63  }
0xbf: {  	_ =	swait.ge [sflag:s31], $0x7D  }
0xc0: {  	s20 =	smov.u32 s22;
	s19 =	sshra.s32 s21, $0x2;
	[sflag:s31] =	ssyncset.done $0x0  }
0xc1: {  	s20 =	sadd.s32 $0x80, s19;
	[sflag:s31] =	ssyncadd.s32 $0xFFFFFF83  }
0xc2: {  	[tilespmem:s7], [sflag:$0x2] =	stream.indirect.gather [hbm4b:s0+s2], $0x80, s20, s2, $0xb8;
	[tilespmem:$0x1EE00] =	vst v63  }
0xc3: {  	_ =	swait.ge [sflag:s8], $0x3E80  }
0xc4: {  	[sflag:s8] =	ssyncset.done $0x0  }
0xc5: {  	s22 =	sadd.s32 $0xC00, s19;
	[sflag:s8] =	ssyncadd.s32 $0xFFFFC180  }
0xc6: {  	[spmem:s3] =	stream.indirect.scatter.add.f32 [tilespmem:s30], [sflag:$0x5], $0x80, s22, s2, $0xb8;
	[tilespmem:$0x1EE00] =	vst v63  }
0xc7: {  	_ =	swait.ge [sflag:s31], $0x3E80  }
0xc8: {  	[sflag:s31] =	ssyncset.done $0x0  }
0xc9: {  	[sflag:s31] =	ssyncadd.s32 $0xFFFFC180  }
0xca: {  	[spmem:s4] =	stream.indirect.scatter.add.f32 [tilespmem:s10], [sflag:$0x5], $0x1, s22, s2, $0xb8;
	[tilespmem:$0x1EE00] =	vst v63  }
0xcb: {  	_ =	swait.ge [sflag:s31], $0x7D  }
0xcc: {  	[sflag:s31] =	ssyncset.done $0x0  }
0xcd: {  	s29 =	sadd.s32 $0x100, s19;
	[sflag:s31] =	ssyncadd.s32 $0xFFFFFF83  }
0xce: {  	[tilespmem:s30], [sflag:$0x1] =	stream.indirect.gather [hbm4b:s0+s2], $0x80, s29, s2, $0xb8;
	[tilespmem:$0x1EE00] =	vst v63  }
0xcf: {  	_ =	swait.ge [sflag:s11], $0x3E80  }
0xd0: {  	[sflag:s11] =	ssyncset.done $0x0  }
0xd1: {  	s21 =	sadd.s32 $0xC80, s19;
	[sflag:s11] =	ssyncadd.s32 $0xFFFFC180  }
0xd2: {  	[spmem:s3] =	stream.indirect.scatter.add.f32 [tilespmem:s7], [sflag:$0x5], $0x80, s21, s2, $0xb8;
	[tilespmem:$0x1EE00] =	vst v63  }
0xd3: {  	_ =	swait.ge [sflag:s31], $0x3E80  }
0xd4: {  	[sflag:s31] =	ssyncset.done $0x0  }
0xd5: {  	[sflag:s31] =	ssyncadd.s32 $0xFFFFC180  }
0xd6: {  	[spmem:s4] =	stream.indirect.scatter.add.f32 [tilespmem:s10], [sflag:$0x5], $0x1, s21, s2, $0xb8;
	[tilespmem:$0x1EE00] =	vst v63  }
0xd7: {  	_ =	swait.ge [sflag:s31], $0x7D  }
0xd8: {  	[sflag:s31] =	ssyncset.done $0x0  }
0xd9: {  	[sflag:s31] =	ssyncadd.s32 $0xFFFFFF83  }
0xda: {  	[tilespmem:s7], [sflag:$0x2] =	stream.indirect.gather [hbm4b:s0+s2], $0x80, s12, s2, $0xb8;
	[tilespmem:$0x1EE00] =	vst v63  }
0xdb: {  	_ =	swait.ge [sflag:s8], $0x3E80  }
0xdc: {  	[sflag:s8] =	ssyncset.done $0x0  }
0xdd: {  	[sflag:s8] =	ssyncadd.s32 $0xFFFFC180  }
0xde: {  	[spmem:s3] =	stream.indirect.scatter.add.f32 [tilespmem:s30], [sflag:$0x5], $0x80, s13, s2, $0xb8;
	[tilespmem:$0x1EE00] =	vst v63  }
0xdf: {  	_ =	swait.ge [sflag:s31], $0x3E80  }
0xe0: {  	[sflag:s31] =	ssyncset.done $0x0  }
0xe1: {  	[sflag:s31] =	ssyncadd.s32 $0xFFFFC180  }
0xe2: {  	[spmem:s4] =	stream.indirect.scatter.add.f32 [tilespmem:s10], [sflag:$0x5], $0x1, s13, s2, $0xb8;
	[tilespmem:$0x1EE00] =	vst v63  }
0xe3: {  	_ =	swait.ge [sflag:s31], $0x7D  }
0xe4: {  	[sflag:s31] =	ssyncset.done $0x0  }
0xe5: {  	[sflag:s31] =	ssyncadd.s32 $0xFFFFFF83  }
0xe6: {  	[tilespmem:s30], [sflag:$0x1] =	stream.indirect.gather [hbm4b:s0+s2], $0x80, s28, s2, $0xb8;
	[tilespmem:$0x1EE00] =	vst v63  }
0xe7: {  	_ =	swait.ge [sflag:s11], $0x3E80  }
0xe8: {  	[sflag:s11] =	ssyncset.done $0x0  }
0xe9: {  	[sflag:s11] =	ssyncadd.s32 $0xFFFFC180  }
0xea: {  	[spmem:s3] =	stream.indirect.scatter.add.f32 [tilespmem:s7], [sflag:$0x5], $0x80, s14, s2, $0xb8;
	[tilespmem:$0x1EE00] =	vst v63  }
0xeb: {  	_ =	swait.ge [sflag:s31], $0x3E80  }
0xec: {  	[sflag:s31] =	ssyncset.done $0x0  }
0xed: {  	[sflag:s31] =	ssyncadd.s32 $0xFFFFC180  }
0xee: {  	[spmem:s4] =	stream.indirect.scatter.add.f32 [tilespmem:s10], [sflag:$0x5], $0x1, s14, s2, $0xb8;
	[tilespmem:$0x1EE00] =	vst v63  }
0xef: {  	_ =	swait.ge [sflag:s31], $0x7D  }
0xf0: {  	[sflag:s31] =	ssyncset.done $0x0  }
0xf1: {  	s19 =	simm.s32 $0x0;
	s22 =	rddreg [dreg:$0xe];
	[sflag:s31] =	ssyncadd.s32 $0xFFFFFF83  }
0xf2: {  	[tilespmem:s19], [sflag:$0x3] =	stream.linear.gather [hbm4b:s22+s19], $0xA00, $0x38;
	[tilespmem:$0x1EE00] =	vst v63  }
0xf3: {  	s21 =	simm.s32 $0xC00;
	s29 =	rddreg [dreg:$0xf]  }
0xf4: {  	[tilespmem:s21], [sflag:$0x3] =	stream.linear.gather [hbm4b:s29+s19], $0xA00, $0x38;
	[tilespmem:$0x1EE00] =	vst v63  }
0xf5: {  	_ =	swait.ge [sflag:s1], $0xA00  }
0xf6: {  	[sflag:s1] =	ssyncset.done $0x0  }
0xf7: {  	[sflag:s1] =	ssyncadd.s32 $0xFFFFF600  }
0xf8: {  	_ =	swait.ge [sflag:s1], $0xA00  }
0xf9: {  	[sflag:s1] =	ssyncset.done $0x0  }
0xfa: {  	s20 =	simm.s32 $0x1880;
	[sflag:s1] =	ssyncadd.s32 $0xFFFFF600  }
0xfb: {  	[tilespmem:s7], [sflag:$0x2] =	stream.indirect.gather [hbm4b:s0+s2], $0x80, s20, s2, $0xb8;
	[tilespmem:$0x1EE00] =	vst v63  }
0xfc: {  	_ =	swait.ge [sflag:s8], $0x3E80  }
0xfd: {  	[sflag:s8] =	ssyncset.done $0x0  }
0xfe: {  	s21 =	simm.s32 $0x2400;
	[sflag:s8] =	ssyncadd.s32 $0xFFFFC180  }
0xff: {  	[spmem:s3] =	stream.indirect.scatter.add.f32 [tilespmem:s30], [sflag:$0x5], $0x80, s21, s2, $0xb8;
	[tilespmem:$0x1EE00] =	vst v63  }
0x100: {  	_ =	swait.ge [sflag:s31], $0x3E80  }
0x101: {  	[sflag:s31] =	ssyncset.done $0x0  }
0x102: {  	[sflag:s31] =	ssyncadd.s32 $0xFFFFC180  }
0x103: {  	[spmem:s4] =	stream.indirect.scatter.add.f32 [tilespmem:s10], [sflag:$0x5], $0x1, s21, s2, $0xb8;
	[tilespmem:$0x1EE00] =	vst v63  }
0x104: {  	_ =	swait.ge [sflag:s31], $0x7D  }
0x105: {  	[sflag:s31] =	ssyncset.done $0x0  }
0x106: {  	s22 =	simm.s32 $0x1900;
	[sflag:s31] =	ssyncadd.s32 $0xFFFFFF83  }
0x107: {  	[tilespmem:s30], [sflag:$0x1] =	stream.indirect.gather [hbm4b:s0+s2], $0x80, s22, s2, $0xb8;
	[tilespmem:$0x1EE00] =	vst v63  }
0x108: {  	_ =	swait.ge [sflag:s11], $0x3E80  }
0x109: {  	[sflag:s11] =	ssyncset.done $0x0  }
0x10a: {  	s29 =	simm.s32 $0x2480;
	[sflag:s11] =	ssyncadd.s32 $0xFFFFC180  }
0x10b: {  	[spmem:s3] =	stream.indirect.scatter.add.f32 [tilespmem:s7], [sflag:$0x5], $0x80, s29, s2, $0xb8;
	[tilespmem:$0x1EE00] =	vst v63  }
0x10c: {  	_ =	swait.ge [sflag:s31], $0x3E80  }
0x10d: {  	[sflag:s31] =	ssyncset.done $0x0  }
0x10e: {  	[sflag:s31] =	ssyncadd.s32 $0xFFFFC180  }
0x10f: {  	[spmem:s4] =	stream.indirect.scatter.add.f32 [tilespmem:s10], [sflag:$0x5], $0x1, s29, s2, $0xb8;
	[tilespmem:$0x1EE00] =	vst v63  }
0x110: {  	_ =	swait.ge [sflag:s31], $0x7D  }
0x111: {  	s19 =	simm.s32 $0x100;
	s20 =	simm.s32 $0x800;
	[sflag:s31] =	ssyncset.done $0x0  }
.LBB2_6:
0x112: {  	s21 =	sadd.s32 $0x1880, s19  }
0x113: {  	[sflag:s31] =	ssyncadd.s32 $0xFFFFFF83;
	s22 =	smov.u32 s20;
	s29 =	sadd.s32 $0x400, s20  }
0x114: {  	[tilespmem:s7], [sflag:$0x2] =	stream.indirect.gather [hbm4b:s0+s2], $0x80, s21, s2, $0xb8;
	[tilespmem:$0x1EE00] =	vst v63  }
0x115: {  	p1 =	sne.s32 s20, $0x2000;
	_ =	swait.ge [sflag:s8], $0x3E80  }
0x116: {  	[sflag:s8] =	ssyncset.done $0x0  }
0x117: {  	s20 =	sadd.s32 $0x2400, s19;
	[sflag:s8] =	ssyncadd.s32 $0xFFFFC180  }
0x118: {  	[spmem:s3] =	stream.indirect.scatter.add.f32 [tilespmem:s30], [sflag:$0x5], $0x80, s20, s2, $0xb8;
	[tilespmem:$0x1EE00] =	vst v63  }
0x119: {  	_ =	swait.ge [sflag:s31], $0x3E80  }
0x11a: {  	[sflag:s31] =	ssyncset.done $0x0  }
0x11b: {  	[sflag:s31] =	ssyncadd.s32 $0xFFFFC180  }
0x11c: {  	[spmem:s4] =	stream.indirect.scatter.add.f32 [tilespmem:s10], [sflag:$0x5], $0x1, s20, s2, $0xb8;
	[tilespmem:$0x1EE00] =	vst v63  }
0x11d: {  	_ =	swait.ge [sflag:s31], $0x7D  }
0x11e: {  	[sflag:s31] =	ssyncset.done $0x0  }
0x11f: {  	s20 =	sadd.s32 $0x1900, s19;
	[sflag:s31] =	ssyncadd.s32 $0xFFFFFF83  }
0x120: {  	[tilespmem:s30], [sflag:$0x1] =	stream.indirect.gather [hbm4b:s0+s2], $0x80, s20, s2, $0xb8;
	[tilespmem:$0x1EE00] =	vst v63  }
0x121: {  	_ =	swait.ge [sflag:s11], $0x3E80  }
0x122: {  	[sflag:s11] =	ssyncset.done $0x0  }
0x123: {  	s19 =	sadd.s32 $0x2480, s19;
	[sflag:s11] =	ssyncadd.s32 $0xFFFFC180  }
0x124: {  	[spmem:s3] =	stream.indirect.scatter.add.f32 [tilespmem:s7], [sflag:$0x5], $0x80, s19, s2, $0xb8;
	[tilespmem:$0x1EE00] =	vst v63  }
0x125: {  	_ =	swait.ge [sflag:s31], $0x3E80  }
.Ltmp2:
0x126: {  	[sflag:s31] =	ssyncset.done $0x0;
	(pc) =	sbr.rel @p1 .LBB2_6-.Ltmp2, $4  }
0x127: {  	[sflag:s31] =	ssyncadd.s32 $0xFFFFC180  }
0x128: {  	[spmem:s4] =	stream.indirect.scatter.add.f32 [tilespmem:s10], [sflag:$0x5], $0x1, s19, s2, $0xb8;
	[tilespmem:$0x1EE00] =	vst v63  }
0x129: {  	_ =	swait.ge [sflag:s31], $0x7D  }
0x12a: {  	s20 =	smov.u32 s29;
	s19 =	sshra.s32 s22, $0x2;
	[sflag:s31] =	ssyncset.done $0x0  }
0x12b: {  	s20 =	sadd.s32 $0x1880, s19;
	[sflag:s31] =	ssyncadd.s32 $0xFFFFFF83  }
0x12c: {  	[tilespmem:s7], [sflag:$0x2] =	stream.indirect.gather [hbm4b:s0+s2], $0x80, s20, s2, $0xb8;
	[tilespmem:$0x1EE00] =	vst v63  }
0x12d: {  	_ =	swait.ge [sflag:s8], $0x3E80  }
0x12e: {  	[sflag:s8] =	ssyncset.done $0x0  }
0x12f: {  	s22 =	sadd.s32 $0x2400, s19;
	[sflag:s8] =	ssyncadd.s32 $0xFFFFC180  }
0x130: {  	[spmem:s3] =	stream.indirect.scatter.add.f32 [tilespmem:s30], [sflag:$0x5], $0x80, s22, s2, $0xb8;
	[tilespmem:$0x1EE00] =	vst v63  }
0x131: {  	_ =	swait.ge [sflag:s31], $0x3E80  }
0x132: {  	[sflag:s31] =	ssyncset.done $0x0  }
0x133: {  	[sflag:s31] =	ssyncadd.s32 $0xFFFFC180  }
0x134: {  	[spmem:s4] =	stream.indirect.scatter.add.f32 [tilespmem:s10], [sflag:$0x5], $0x1, s22, s2, $0xb8;
	[tilespmem:$0x1EE00] =	vst v63  }
0x135: {  	_ =	swait.ge [sflag:s31], $0x7D  }
0x136: {  	[sflag:s31] =	ssyncset.done $0x0  }
0x137: {  	s29 =	sadd.s32 $0x1900, s19;
	[sflag:s31] =	ssyncadd.s32 $0xFFFFFF83  }
0x138: {  	[tilespmem:s30], [sflag:$0x1] =	stream.indirect.gather [hbm4b:s0+s2], $0x80, s29, s2, $0xb8;
	[tilespmem:$0x1EE00] =	vst v63  }
0x139: {  	_ =	swait.ge [sflag:s11], $0x3E80  }
0x13a: {  	[sflag:s11] =	ssyncset.done $0x0  }
0x13b: {  	s21 =	sadd.s32 $0x2480, s19;
	[sflag:s11] =	ssyncadd.s32 $0xFFFFC180  }
0x13c: {  	[spmem:s3] =	stream.indirect.scatter.add.f32 [tilespmem:s7], [sflag:$0x5], $0x80, s21, s2, $0xb8;
	[tilespmem:$0x1EE00] =	vst v63  }
0x13d: {  	_ =	swait.ge [sflag:s31], $0x3E80  }
0x13e: {  	[sflag:s31] =	ssyncset.done $0x0  }
0x13f: {  	[sflag:s31] =	ssyncadd.s32 $0xFFFFC180  }
0x140: {  	[spmem:s4] =	stream.indirect.scatter.add.f32 [tilespmem:s10], [sflag:$0x5], $0x1, s21, s2, $0xb8;
	[tilespmem:$0x1EE00] =	vst v63  }
0x141: {  	_ =	swait.ge [sflag:s31], $0x7D  }
0x142: {  	[sflag:s31] =	ssyncset.done $0x0  }
0x143: {  	[sflag:s31] =	ssyncadd.s32 $0xFFFFFF83  }
0x144: {  	[tilespmem:s7], [sflag:$0x2] =	stream.indirect.gather [hbm4b:s0+s2], $0x80, s16, s2, $0xb8;
	[tilespmem:$0x1EE00] =	vst v63  }
0x145: {  	_ =	swait.ge [sflag:s8], $0x3E80  }
0x146: {  	[sflag:s8] =	ssyncset.done $0x0  }
0x147: {  	[sflag:s8] =	ssyncadd.s32 $0xFFFFC180  }
0x148: {  	[spmem:s3] =	stream.indirect.scatter.add.f32 [tilespmem:s30], [sflag:$0x5], $0x80, s17, s2, $0xb8;
	[tilespmem:$0x1EE00] =	vst v63  }
0x149: {  	_ =	swait.ge [sflag:s31], $0x3E80  }
0x14a: {  	[sflag:s31] =	ssyncset.done $0x0  }
0x14b: {  	[sflag:s31] =	ssyncadd.s32 $0xFFFFC180  }
0x14c: {  	[spmem:s4] =	stream.indirect.scatter.add.f32 [tilespmem:s10], [sflag:$0x5], $0x1, s17, s2, $0xb8;
	[tilespmem:$0x1EE00] =	vst v63  }
0x14d: {  	_ =	swait.ge [sflag:s31], $0x7D  }
0x14e: {  	[sflag:s31] =	ssyncset.done $0x0  }
0x14f: {  	s19 =	simm.s32 $0x0;
	[sflag:s31] =	ssyncadd.s32 $0xFFFFFF83  }
0x150: {  	[tilespmem:s30], [sflag:$0x1] =	stream.indirect.gather [hbm4b:s0+s2], $0x80, s19, s2, $0xb8;
	[tilespmem:$0x1EE00] =	vst v63  }
0x151: {  	_ =	swait.ge [sflag:s11], $0x3E80  }
0x152: {  	[sflag:s11] =	ssyncset.done $0x0  }
0x153: {  	[sflag:s11] =	ssyncadd.s32 $0xFFFFC180  }
0x154: {  	[spmem:s3] =	stream.indirect.scatter.add.f32 [tilespmem:s7], [sflag:$0x5], $0x80, s18, s2, $0xb8;
	[tilespmem:$0x1EE00] =	vst v63  }
0x155: {  	_ =	swait.ge [sflag:s31], $0x3E80  }
0x156: {  	[sflag:s31] =	ssyncset.done $0x0  }
0x157: {  	[sflag:s31] =	ssyncadd.s32 $0xFFFFC180  }
0x158: {  	[spmem:s4] =	stream.indirect.scatter.add.f32 [tilespmem:s10], [sflag:$0x5], $0x1, s18, s2, $0xb8;
	[tilespmem:$0x1EE00] =	vst v63  }
0x159: {  	_ =	swait.ge [sflag:s31], $0x7D  }
0x15a: {  	[sflag:s31] =	ssyncset.done $0x0  }
0x15b: {  	s22 =	rddreg [dreg:$0x11];
	[sflag:s31] =	ssyncadd.s32 $0xFFFFFF83  }
0x15c: {  	[tilespmem:s28], [sflag:$0x4] =	stream.linear.gather [hbm4b:s22+s19], $0xA00, $0x38;
	[tilespmem:$0x1EE00] =	vst v63  }
0x15d: {  	s21 =	simm.s32 $0x2400;
	s29 =	rddreg [dreg:$0x12]  }
0x15e: {  	[tilespmem:s21], [sflag:$0x4] =	stream.linear.gather [hbm4b:s29+s19], $0xA00, $0x38;
	[tilespmem:$0x1EE00] =	vst v63  }
0x15f: {  	_ =	swait.ge [sflag:s6], $0xA00  }
0x160: {  	[sflag:s6] =	ssyncset.done $0x0  }
0x161: {  	[sflag:s6] =	ssyncadd.s32 $0xFFFFF600  }
0x162: {  	_ =	swait.ge [sflag:s6], $0xA00  }
0x163: {  	[sflag:s6] =	ssyncset.done $0x0  }
0x164: {  	s20 =	simm.s32 $0x80;
	[sflag:s6] =	ssyncadd.s32 $0xFFFFF600  }
0x165: {  	[tilespmem:s7], [sflag:$0x2] =	stream.indirect.gather [hbm4b:s0+s2], $0x80, s20, s2, $0xb8;
	[tilespmem:$0x1EE00] =	vst v63  }
0x166: {  	_ =	swait.ge [sflag:s8], $0x3E80  }
0x167: {  	[sflag:s8] =	ssyncset.done $0x0  }
0x168: {  	s21 =	simm.s32 $0xC00;
	[sflag:s8] =	ssyncadd.s32 $0xFFFFC180  }
0x169: {  	[spmem:s3] =	stream.indirect.scatter.add.f32 [tilespmem:s30], [sflag:$0x5], $0x80, s21, s2, $0xb8;
	[tilespmem:$0x1EE00] =	vst v63  }
0x16a: {  	_ =	swait.ge [sflag:s31], $0x3E80  }
0x16b: {  	[sflag:s31] =	ssyncset.done $0x0  }
0x16c: {  	[sflag:s31] =	ssyncadd.s32 $0xFFFFC180  }
0x16d: {  	[spmem:s4] =	stream.indirect.scatter.add.f32 [tilespmem:s10], [sflag:$0x5], $0x1, s21, s2, $0xb8;
	[tilespmem:$0x1EE00] =	vst v63  }
0x16e: {  	_ =	swait.ge [sflag:s31], $0x7D  }
0x16f: {  	[sflag:s31] =	ssyncset.done $0x0  }
0x170: {  	s22 =	simm.s32 $0x100;
	[sflag:s31] =	ssyncadd.s32 $0xFFFFFF83  }
0x171: {  	[tilespmem:s30], [sflag:$0x1] =	stream.indirect.gather [hbm4b:s0+s2], $0x80, s22, s2, $0xb8;
	[tilespmem:$0x1EE00] =	vst v63  }
0x172: {  	_ =	swait.ge [sflag:s11], $0x3E80  }
0x173: {  	[sflag:s11] =	ssyncset.done $0x0  }
0x174: {  	s29 =	simm.s32 $0xC80;
	[sflag:s11] =	ssyncadd.s32 $0xFFFFC180  }
0x175: {  	[spmem:s3] =	stream.indirect.scatter.add.f32 [tilespmem:s7], [sflag:$0x5], $0x80, s29, s2, $0xb8;
	[tilespmem:$0x1EE00] =	vst v63  }
0x176: {  	_ =	swait.ge [sflag:s31], $0x3E80  }
0x177: {  	[sflag:s31] =	ssyncset.done $0x0  }
0x178: {  	[sflag:s31] =	ssyncadd.s32 $0xFFFFC180  }
0x179: {  	[spmem:s4] =	stream.indirect.scatter.add.f32 [tilespmem:s10], [sflag:$0x5], $0x1, s29, s2, $0xb8;
	[tilespmem:$0x1EE00] =	vst v63  }
0x17a: {  	_ =	swait.ge [sflag:s31], $0x7D  }
0x17b: {  	s19 =	simm.s32 $0x100;
	s20 =	simm.s32 $0x800;
	[sflag:s31] =	ssyncset.done $0x0  }
.LBB2_8:
0x17c: {  	s21 =	sadd.s32 $0x80, s19  }
0x17d: {  	[sflag:s31] =	ssyncadd.s32 $0xFFFFFF83;
	s22 =	smov.u32 s20;
	s29 =	sadd.s32 $0x400, s20  }
0x17e: {  	[tilespmem:s7], [sflag:$0x2] =	stream.indirect.gather [hbm4b:s0+s2], $0x80, s21, s2, $0xb8;
	[tilespmem:$0x1EE00] =	vst v63  }
0x17f: {  	p1 =	sne.s32 s20, $0x2000;
	_ =	swait.ge [sflag:s8], $0x3E80  }
0x180: {  	[sflag:s8] =	ssyncset.done $0x0  }
0x181: {  	s20 =	sadd.s32 $0xC00, s19;
	[sflag:s8] =	ssyncadd.s32 $0xFFFFC180  }
0x182: {  	[spmem:s3] =	stream.indirect.scatter.add.f32 [tilespmem:s30], [sflag:$0x5], $0x80, s20, s2, $0xb8;
	[tilespmem:$0x1EE00] =	vst v63  }
0x183: {  	_ =	swait.ge [sflag:s31], $0x3E80  }
0x184: {  	[sflag:s31] =	ssyncset.done $0x0  }
0x185: {  	[sflag:s31] =	ssyncadd.s32 $0xFFFFC180  }
0x186: {  	[spmem:s4] =	stream.indirect.scatter.add.f32 [tilespmem:s10], [sflag:$0x5], $0x1, s20, s2, $0xb8;
	[tilespmem:$0x1EE00] =	vst v63  }
0x187: {  	_ =	swait.ge [sflag:s31], $0x7D  }
0x188: {  	[sflag:s31] =	ssyncset.done $0x0  }
0x189: {  	s20 =	sadd.s32 $0x100, s19;
	[sflag:s31] =	ssyncadd.s32 $0xFFFFFF83  }
0x18a: {  	[tilespmem:s30], [sflag:$0x1] =	stream.indirect.gather [hbm4b:s0+s2], $0x80, s20, s2, $0xb8;
	[tilespmem:$0x1EE00] =	vst v63  }
0x18b: {  	_ =	swait.ge [sflag:s11], $0x3E80  }
0x18c: {  	[sflag:s11] =	ssyncset.done $0x0  }
0x18d: {  	s19 =	sadd.s32 $0xC80, s19;
	[sflag:s11] =	ssyncadd.s32 $0xFFFFC180  }
0x18e: {  	[spmem:s3] =	stream.indirect.scatter.add.f32 [tilespmem:s7], [sflag:$0x5], $0x80, s19, s2, $0xb8;
	[tilespmem:$0x1EE00] =	vst v63  }
0x18f: {  	_ =	swait.ge [sflag:s31], $0x3E80  }
.Ltmp3:
0x190: {  	[sflag:s31] =	ssyncset.done $0x0;
	(pc) =	sbr.rel @p1 .LBB2_8-.Ltmp3, $4  }
0x191: {  	[sflag:s31] =	ssyncadd.s32 $0xFFFFC180  }
0x192: {  	[spmem:s4] =	stream.indirect.scatter.add.f32 [tilespmem:s10], [sflag:$0x5], $0x1, s19, s2, $0xb8;
	[tilespmem:$0x1EE00] =	vst v63  }
0x193: {  	_ =	swait.ge [sflag:s31], $0x7D  }
0x194: {  	s20 =	smov.u32 s29;
	s19 =	sshra.s32 s22, $0x2;
	[sflag:s31] =	ssyncset.done $0x0  }
0x195: {  	s20 =	sadd.s32 $0x80, s19;
	[sflag:s31] =	ssyncadd.s32 $0xFFFFFF83  }
0x196: {  	[tilespmem:s7], [sflag:$0x2] =	stream.indirect.gather [hbm4b:s0+s2], $0x80, s20, s2, $0xb8;
	[tilespmem:$0x1EE00] =	vst v63  }
0x197: {  	_ =	swait.ge [sflag:s8], $0x3E80  }
0x198: {  	[sflag:s8] =	ssyncset.done $0x0  }
0x199: {  	s21 =	sadd.s32 $0xC00, s19;
	[sflag:s8] =	ssyncadd.s32 $0xFFFFC180  }
0x19a: {  	[spmem:s3] =	stream.indirect.scatter.add.f32 [tilespmem:s30], [sflag:$0x5], $0x80, s21, s2, $0xb8;
	[tilespmem:$0x1EE00] =	vst v63  }
0x19b: {  	_ =	swait.ge [sflag:s31], $0x3E80  }
0x19c: {  	[sflag:s31] =	ssyncset.done $0x0  }
0x19d: {  	[sflag:s31] =	ssyncadd.s32 $0xFFFFC180  }
0x19e: {  	[spmem:s4] =	stream.indirect.scatter.add.f32 [tilespmem:s10], [sflag:$0x5], $0x1, s21, s2, $0xb8;
	[tilespmem:$0x1EE00] =	vst v63  }
0x19f: {  	_ =	swait.ge [sflag:s31], $0x7D  }
0x1a0: {  	[sflag:s31] =	ssyncset.done $0x0  }
0x1a1: {  	s22 =	sadd.s32 $0x100, s19;
	[sflag:s31] =	ssyncadd.s32 $0xFFFFFF83  }
0x1a2: {  	[tilespmem:s30], [sflag:$0x1] =	stream.indirect.gather [hbm4b:s0+s2], $0x80, s22, s2, $0xb8;
	[tilespmem:$0x1EE00] =	vst v63  }
0x1a3: {  	_ =	swait.ge [sflag:s11], $0x3E80  }
0x1a4: {  	[sflag:s11] =	ssyncset.done $0x0  }
0x1a5: {  	s29 =	sadd.s32 $0xC80, s19;
	[sflag:s11] =	ssyncadd.s32 $0xFFFFC180  }
0x1a6: {  	[spmem:s3] =	stream.indirect.scatter.add.f32 [tilespmem:s7], [sflag:$0x5], $0x80, s29, s2, $0xb8;
	[tilespmem:$0x1EE00] =	vst v63  }
0x1a7: {  	_ =	swait.ge [sflag:s31], $0x3E80  }
0x1a8: {  	[sflag:s31] =	ssyncset.done $0x0  }
0x1a9: {  	[sflag:s31] =	ssyncadd.s32 $0xFFFFC180  }
0x1aa: {  	[spmem:s4] =	stream.indirect.scatter.add.f32 [tilespmem:s10], [sflag:$0x5], $0x1, s29, s2, $0xb8;
	[tilespmem:$0x1EE00] =	vst v63  }
0x1ab: {  	_ =	swait.ge [sflag:s31], $0x7D  }
0x1ac: {  	[sflag:s31] =	ssyncset.done $0x0  }
0x1ad: {  	[sflag:s31] =	ssyncadd.s32 $0xFFFFFF83  }
0x1ae: {  	[tilespmem:s7], [sflag:$0x2] =	stream.indirect.gather [hbm4b:s0+s2], $0x80, s12, s2, $0xb8;
	[tilespmem:$0x1EE00] =	vst v63  }
0x1af: {  	_ =	swait.ge [sflag:s8], $0x3E80  }
0x1b0: {  	[sflag:s8] =	ssyncset.done $0x0  }
0x1b1: {  	[sflag:s8] =	ssyncadd.s32 $0xFFFFC180  }
0x1b2: {  	[spmem:s3] =	stream.indirect.scatter.add.f32 [tilespmem:s30], [sflag:$0x5], $0x80, s13, s2, $0xb8;
	[tilespmem:$0x1EE00] =	vst v63  }
0x1b3: {  	_ =	swait.ge [sflag:s31], $0x3E80  }
0x1b4: {  	[sflag:s31] =	ssyncset.done $0x0  }
0x1b5: {  	[sflag:s31] =	ssyncadd.s32 $0xFFFFC180  }
0x1b6: {  	[spmem:s4] =	stream.indirect.scatter.add.f32 [tilespmem:s10], [sflag:$0x5], $0x1, s13, s2, $0xb8;
	[tilespmem:$0x1EE00] =	vst v63  }
0x1b7: {  	_ =	swait.ge [sflag:s31], $0x7D  }
0x1b8: {  	[sflag:s31] =	ssyncset.done $0x0  }
0x1b9: {  	[sflag:s31] =	ssyncadd.s32 $0xFFFFFF83  }
0x1ba: {  	[tilespmem:s30], [sflag:$0x1] =	stream.indirect.gather [hbm4b:s0+s2], $0x80, s28, s2, $0xb8;
	[tilespmem:$0x1EE00] =	vst v63  }
0x1bb: {  	_ =	swait.ge [sflag:s11], $0x3E80  }
0x1bc: {  	[sflag:s11] =	ssyncset.done $0x0  }
0x1bd: {  	[sflag:s11] =	ssyncadd.s32 $0xFFFFC180  }
0x1be: {  	[spmem:s3] =	stream.indirect.scatter.add.f32 [tilespmem:s7], [sflag:$0x5], $0x80, s14, s2, $0xb8;
	[tilespmem:$0x1EE00] =	vst v63  }
0x1bf: {  	_ =	swait.ge [sflag:s31], $0x3E80  }
0x1c0: {  	[sflag:s31] =	ssyncset.done $0x0  }
0x1c1: {  	[sflag:s31] =	ssyncadd.s32 $0xFFFFC180  }
0x1c2: {  	[spmem:s4] =	stream.indirect.scatter.add.f32 [tilespmem:s10], [sflag:$0x5], $0x1, s14, s2, $0xb8;
	[tilespmem:$0x1EE00] =	vst v63  }
0x1c3: {  	_ =	swait.ge [sflag:s31], $0x7D  }
0x1c4: {  	[sflag:s31] =	ssyncset.done $0x0  }
0x1c5: {  	s20 =	simm.s32 $0x1880;
	[sflag:s31] =	ssyncadd.s32 $0xFFFFFF83  }
0x1c6: {  	[tilespmem:s7], [sflag:$0x2] =	stream.indirect.gather [hbm4b:s0+s2], $0x80, s20, s2, $0xb8;
	[tilespmem:$0x1EE00] =	vst v63  }
0x1c7: {  	_ =	swait.ge [sflag:s8], $0x3E80  }
0x1c8: {  	[sflag:s8] =	ssyncset.done $0x0  }
0x1c9: {  	s21 =	simm.s32 $0x2400;
	[sflag:s8] =	ssyncadd.s32 $0xFFFFC180  }
0x1ca: {  	[spmem:s3] =	stream.indirect.scatter.add.f32 [tilespmem:s30], [sflag:$0x5], $0x80, s21, s2, $0xb8;
	[tilespmem:$0x1EE00] =	vst v63  }
0x1cb: {  	_ =	swait.ge [sflag:s31], $0x3E80  }
0x1cc: {  	[sflag:s31] =	ssyncset.done $0x0  }
0x1cd: {  	[sflag:s31] =	ssyncadd.s32 $0xFFFFC180  }
0x1ce: {  	[spmem:s4] =	stream.indirect.scatter.add.f32 [tilespmem:s10], [sflag:$0x5], $0x1, s21, s2, $0xb8;
	[tilespmem:$0x1EE00] =	vst v63  }
0x1cf: {  	_ =	swait.ge [sflag:s31], $0x7D  }
0x1d0: {  	[sflag:s31] =	ssyncset.done $0x0  }
0x1d1: {  	s22 =	simm.s32 $0x1900;
	[sflag:s31] =	ssyncadd.s32 $0xFFFFFF83  }
0x1d2: {  	[tilespmem:s30], [sflag:$0x1] =	stream.indirect.gather [hbm4b:s0+s2], $0x80, s22, s2, $0xb8;
	[tilespmem:$0x1EE00] =	vst v63  }
0x1d3: {  	_ =	swait.ge [sflag:s11], $0x3E80  }
0x1d4: {  	[sflag:s11] =	ssyncset.done $0x0  }
0x1d5: {  	s29 =	simm.s32 $0x2480;
	[sflag:s11] =	ssyncadd.s32 $0xFFFFC180  }
0x1d6: {  	[spmem:s3] =	stream.indirect.scatter.add.f32 [tilespmem:s7], [sflag:$0x5], $0x80, s29, s2, $0xb8;
	[tilespmem:$0x1EE00] =	vst v63  }
0x1d7: {  	_ =	swait.ge [sflag:s31], $0x3E80  }
0x1d8: {  	[sflag:s31] =	ssyncset.done $0x0  }
0x1d9: {  	[sflag:s31] =	ssyncadd.s32 $0xFFFFC180  }
0x1da: {  	[spmem:s4] =	stream.indirect.scatter.add.f32 [tilespmem:s10], [sflag:$0x5], $0x1, s29, s2, $0xb8;
	[tilespmem:$0x1EE00] =	vst v63  }
0x1db: {  	_ =	swait.ge [sflag:s31], $0x7D  }
0x1dc: {  	s19 =	simm.s32 $0x100;
	s20 =	simm.s32 $0x800;
	[sflag:s31] =	ssyncset.done $0x0  }
.LBB2_10:
0x1dd: {  	s21 =	sadd.s32 $0x1880, s19  }
0x1de: {  	[sflag:s31] =	ssyncadd.s32 $0xFFFFFF83;
	s22 =	smov.u32 s20;
	s29 =	sadd.s32 $0x400, s20  }
0x1df: {  	[tilespmem:s7], [sflag:$0x2] =	stream.indirect.gather [hbm4b:s0+s2], $0x80, s21, s2, $0xb8;
	[tilespmem:$0x1EE00] =	vst v63  }
0x1e0: {  	p1 =	sne.s32 s20, $0x2000;
	_ =	swait.ge [sflag:s8], $0x3E80  }
0x1e1: {  	[sflag:s8] =	ssyncset.done $0x0  }
0x1e2: {  	s20 =	sadd.s32 $0x2400, s19;
	[sflag:s8] =	ssyncadd.s32 $0xFFFFC180  }
0x1e3: {  	[spmem:s3] =	stream.indirect.scatter.add.f32 [tilespmem:s30], [sflag:$0x5], $0x80, s20, s2, $0xb8;
	[tilespmem:$0x1EE00] =	vst v63  }
0x1e4: {  	_ =	swait.ge [sflag:s31], $0x3E80  }
0x1e5: {  	[sflag:s31] =	ssyncset.done $0x0  }
0x1e6: {  	[sflag:s31] =	ssyncadd.s32 $0xFFFFC180  }
0x1e7: {  	[spmem:s4] =	stream.indirect.scatter.add.f32 [tilespmem:s10], [sflag:$0x5], $0x1, s20, s2, $0xb8;
	[tilespmem:$0x1EE00] =	vst v63  }
0x1e8: {  	_ =	swait.ge [sflag:s31], $0x7D  }
0x1e9: {  	[sflag:s31] =	ssyncset.done $0x0  }
0x1ea: {  	s20 =	sadd.s32 $0x1900, s19;
	[sflag:s31] =	ssyncadd.s32 $0xFFFFFF83  }
0x1eb: {  	[tilespmem:s30], [sflag:$0x1] =	stream.indirect.gather [hbm4b:s0+s2], $0x80, s20, s2, $0xb8;
	[tilespmem:$0x1EE00] =	vst v63  }
0x1ec: {  	_ =	swait.ge [sflag:s11], $0x3E80  }
0x1ed: {  	[sflag:s11] =	ssyncset.done $0x0  }
0x1ee: {  	s19 =	sadd.s32 $0x2480, s19;
	[sflag:s11] =	ssyncadd.s32 $0xFFFFC180  }
0x1ef: {  	[spmem:s3] =	stream.indirect.scatter.add.f32 [tilespmem:s7], [sflag:$0x5], $0x80, s19, s2, $0xb8;
	[tilespmem:$0x1EE00] =	vst v63  }
0x1f0: {  	_ =	swait.ge [sflag:s31], $0x3E80  }
.Ltmp4:
0x1f1: {  	[sflag:s31] =	ssyncset.done $0x0;
	(pc) =	sbr.rel @p1 .LBB2_10-.Ltmp4, $4  }
0x1f2: {  	[sflag:s31] =	ssyncadd.s32 $0xFFFFC180  }
0x1f3: {  	[spmem:s4] =	stream.indirect.scatter.add.f32 [tilespmem:s10], [sflag:$0x5], $0x1, s19, s2, $0xb8;
	[tilespmem:$0x1EE00] =	vst v63  }
0x1f4: {  	_ =	swait.ge [sflag:s31], $0x7D  }
0x1f5: {  	s20 =	smov.u32 s29;
	s19 =	sshra.s32 s22, $0x2;
	[sflag:s31] =	ssyncset.done $0x0  }
0x1f6: {  	s20 =	sadd.s32 $0x1880, s19;
	[sflag:s31] =	ssyncadd.s32 $0xFFFFFF83  }
0x1f7: {  	[tilespmem:s7], [sflag:$0x2] =	stream.indirect.gather [hbm4b:s0+s2], $0x80, s20, s2, $0xb8;
	[tilespmem:$0x1EE00] =	vst v63  }
0x1f8: {  	_ =	swait.ge [sflag:s8], $0x3E80  }
0x1f9: {  	[sflag:s8] =	ssyncset.done $0x0  }
0x1fa: {  	s22 =	sadd.s32 $0x2400, s19;
	[sflag:s8] =	ssyncadd.s32 $0xFFFFC180  }
0x1fb: {  	[spmem:s3] =	stream.indirect.scatter.add.f32 [tilespmem:s30], [sflag:$0x5], $0x80, s22, s2, $0xb8;
	[tilespmem:$0x1EE00] =	vst v63  }
0x1fc: {  	_ =	swait.ge [sflag:s31], $0x3E80  }
0x1fd: {  	[sflag:s31] =	ssyncset.done $0x0  }
0x1fe: {  	[sflag:s31] =	ssyncadd.s32 $0xFFFFC180  }
0x1ff: {  	[spmem:s4] =	stream.indirect.scatter.add.f32 [tilespmem:s10], [sflag:$0x5], $0x1, s22, s2, $0xb8;
	[tilespmem:$0x1EE00] =	vst v63  }
0x200: {  	_ =	swait.ge [sflag:s31], $0x7D  }
0x201: {  	[sflag:s31] =	ssyncset.done $0x0  }
0x202: {  	s29 =	sadd.s32 $0x1900, s19;
	[sflag:s31] =	ssyncadd.s32 $0xFFFFFF83  }
0x203: {  	[tilespmem:s30], [sflag:$0x1] =	stream.indirect.gather [hbm4b:s0+s2], $0x80, s29, s2, $0xb8;
	[tilespmem:$0x1EE00] =	vst v63  }
0x204: {  	_ =	swait.ge [sflag:s11], $0x3E80  }
0x205: {  	[sflag:s11] =	ssyncset.done $0x0  }
0x206: {  	s21 =	sadd.s32 $0x2480, s19;
	[sflag:s11] =	ssyncadd.s32 $0xFFFFC180  }
0x207: {  	[spmem:s3] =	stream.indirect.scatter.add.f32 [tilespmem:s7], [sflag:$0x5], $0x80, s21, s2, $0xb8;
	[tilespmem:$0x1EE00] =	vst v63  }
0x208: {  	_ =	swait.ge [sflag:s31], $0x3E80  }
0x209: {  	[sflag:s31] =	ssyncset.done $0x0  }
0x20a: {  	[sflag:s31] =	ssyncadd.s32 $0xFFFFC180  }
0x20b: {  	[spmem:s4] =	stream.indirect.scatter.add.f32 [tilespmem:s10], [sflag:$0x5], $0x1, s21, s2, $0xb8;
	[tilespmem:$0x1EE00] =	vst v63  }
0x20c: {  	_ =	swait.ge [sflag:s31], $0x7D  }
0x20d: {  	[sflag:s31] =	ssyncset.done $0x0  }
0x20e: {  	[sflag:s31] =	ssyncadd.s32 $0xFFFFFF83  }
0x20f: {  	[tilespmem:s7], [sflag:$0x2] =	stream.indirect.gather [hbm4b:s0+s2], $0x80, s16, s2, $0xb8;
	[tilespmem:$0x1EE00] =	vst v63  }
0x210: {  	_ =	swait.ge [sflag:s8], $0x3E80  }
0x211: {  	[sflag:s8] =	ssyncset.done $0x0  }
0x212: {  	[sflag:s8] =	ssyncadd.s32 $0xFFFFC180  }
0x213: {  	[spmem:s3] =	stream.indirect.scatter.add.f32 [tilespmem:s30], [sflag:$0x5], $0x80, s17, s2, $0xb8;
	[tilespmem:$0x1EE00] =	vst v63  }
0x214: {  	_ =	swait.ge [sflag:s31], $0x3E80  }
0x215: {  	[sflag:s31] =	ssyncset.done $0x0  }
0x216: {  	[sflag:s31] =	ssyncadd.s32 $0xFFFFC180  }
0x217: {  	[spmem:s4] =	stream.indirect.scatter.add.f32 [tilespmem:s10], [sflag:$0x5], $0x1, s17, s2, $0xb8;
	[tilespmem:$0x1EE00] =	vst v63  }
0x218: {  	_ =	swait.ge [sflag:s31], $0x7D  }
0x219: {  	[sflag:s31] =	ssyncset.done $0x0  }
0x21a: {  	[sflag:s31] =	ssyncadd.s32 $0xFFFFFF83  }
0x21b: {  	_ =	swait.ge [sflag:s11], $0x3E80  }
0x21c: {  	[sflag:s11] =	ssyncset.done $0x0  }
0x21d: {  	[sflag:s11] =	ssyncadd.s32 $0xFFFFC180  }
0x21e: {  	[spmem:s3] =	stream.indirect.scatter.add.f32 [tilespmem:s7], [sflag:$0x5], $0x80, s18, s2, $0xb8;
	[tilespmem:$0x1EE00] =	vst v63  }
0x21f: {  	_ =	swait.ge [sflag:s31], $0x3E80  }
0x220: {  	[sflag:s31] =	ssyncset.done $0x0  }
0x221: {  	[sflag:s31] =	ssyncadd.s32 $0xFFFFC180  }
0x222: {  	[spmem:s4] =	stream.indirect.scatter.add.f32 [tilespmem:s10], [sflag:$0x5], $0x1, s18, s2, $0xb8;
	[tilespmem:$0x1EE00] =	vst v63  }
0x223: {  	_ =	swait.ge [sflag:s31], $0x7D  }
0x224: {  	[sflag:s31] =	ssyncset.done $0x0  }
0x225: {  	s22 =	stileid.u32;
	[sflag:s31] =	ssyncadd.s32 $0xFFFFFF83  }
0x226: {  	s19 =	sshll.u32 s22, $0x6;
	[bflag:$0x0] =	sbarrier.arrive $0xFFFF  }
0x227: {  	s19 =	sor.u32 $0x1C05, s19;
	s29 =	rddreg [dreg:$0x10]  }
0x228: {  	[hbm:s29], [sflag:s19] =	dma.local [spmem:s24], $0x2700  }
0x229: {  	_ =	swait.ge [sflag:s31], $0x2700  }
0x22a: {  	s20 =	sshrl.u32 s15, $0x3;
	s22 =	simm.s32 $0x20;
	[sflag:s31] =	ssyncset.done $0x0  }
0x22b: {  	s29 =	simm.s32 $0x10;
	s21 =	rddreg [dreg:$0x13];
	[sflag:s31] =	ssyncadd.s32 $0xFFFFD900  }
0x22c: {  	[hbm:s21@s22], [sflag:s19] =	dma.strided [spmem:s20@s29], $0x50, s8, $0x10   }
0x22d: {  	_ =	swait.ge [sflag:s31], $0x50  }
0x22e: {  	s26 =	sadd.s32 $0x1, s26;
	[sflag:s31] =	ssyncset.done $0x0  }
0x22f: {  	p1 =	sne.s32 s26, s23;
	s20 =	rddreg [dreg:$0x14];
	[sflag:s31] =	ssyncadd.s32 $0xFFFFFFB0  }
0x230: {  	[hbm:s20], [sflag:s19] =	dma.local @!p0 [spmem:s25], $0x100  }
.Ltmp5:
0x231: {  	_ = 	snop;
	(pc) =	sbr.rel @p1 .LBB2_1-.Ltmp5, $4  }
0x232: {  	s19 =	simm.s32 @!p0 $0x5  }
0x233: {  	_ =	swait.ge @!p0 [sflag:s19], $0x100  }
0x234: {  	[sflag:s19] =	ssyncset.done @!p0 $0x0  }
0x235: {  	[sflag:s19] =	ssyncadd.s32 @!p0 $0xFFFFFF00  }
0x236: {  	_ =	sfence.sel $0x180000  }
0x237: {  	[bflag:$0x0] =	sbarrier.arrive $0xFFFF  }
0x238: {  	_ =	strace $0x90000047  }
0x239: {  	s0 =	stileid.u32;
	[bflag:$0x2] =	sbarrier.arrive $0xFFFF  }
0x23a: {  	p0 =	sne.s32 s0, $0x0;
	s0 =	rddreg [dreg:$0x5]  }
0x23b: {  	s0 =	sadd.s32 @!p0 $0x100000, s0  }
0x23c: {  	[sflag:s0] =	ssyncadd.tile.s32 @!p0 $0x1;
	_ =	shalt  }
.Lfunc_end2:
_tile_overlayer_lowered:
.L_overlay_start_2:
0x23d: {  	(tag) =	ssettag $0x2  }
0x23e: {  	s0 =	rddreg [dreg:$0x0];
	s2 =	stileid.u32  }
0x23f: {  	s1 =	rddreg [dreg:$0x1];
	p0 =	sne.s32 s2, $0x0  }
0x240: {  	s3 =	rddreg [dreg:$0x2];
	[bflag:$0x3] =	sbarrier.arrive $0xFFFF;
	s2 =	simm.s32 @!p0 $0x1C05  }
0x241: {  	[timem:s3], [sflag:s2] =	dma.local @!p0 [hbm:s0], s1  }
0x242: {  	s0 =	simm.s32 @!p0 $0x5  }
0x243: {  	_ =	swait.ge @!p0 [sflag:s0], s1  }
0x244: {  	s1 =	ssub.s32 @!p0 $0x0, s1;
	[sflag:s0] =	ssyncset.done @!p0 $0x0  }
0x245: {  	[sflag:s0] =	ssyncadd.s32 @!p0 s1  }
0x246: {  	[bflag:$0x3] =	sbarrier.arrive $0xFFFF  }
0x247: {  	_ =	shalt  }

</sc_bundles>
